<compile_context>
chip_gen: v7x
topology: tpu7x:2x2x1
jax: 0.10.2.dev20260603
libtpu: 0.0.44.dev20260713+nightly
codegen_flags: <defaults>
</compile_context>

<pallas_src>
import functools

import jax
import jax.numpy as jnp
from jax import lax
from jax.experimental import pallas as pl
from jax.experimental.pallas import tpu as pltpu
from jax.experimental.pallas import tpu_sc as plsc

B, H, W = 4, 32, 64
CHUNK = 4
NQ = W // CHUNK
NPAD = 48
MAX_VALUE = 50.0
NR = NQ * H * B
NWORK = 32
RPW = NR // NWORK

_DN = (((1,), (1,)), ((), ()))
_DNK = (((1,), (0,)), ((), ()))


@functools.partial(
    pl.kernel,
    out_type=jax.ShapeDtypeStruct((16, NR), jnp.float32),
    mesh=plsc.VectorSubcoreMesh(core_axis_name="c", subcore_axis_name="s"),
    scratch_types=[pltpu.VMEM((2 * CHUNK, 128), jnp.float32),
                   pltpu.VMEM((16, 128), jnp.float32)],
)
def _pattern_sc(cols_hbm, out_hbm, cols_v, outb_v):
    sid = lax.axis_index("s")

    @pl.when(lax.axis_index("c") == 0)
    def _():
        pltpu.sync_copy(cols_hbm.at[:, pl.ds(sid * 128, 128)], cols_v)
        for j in range(128 // 16):
            col0 = j * 16
            patt = jnp.zeros((16,), jnp.int32)
            for k in range(CHUNK):
                g = cols_v[k, pl.ds(col0, 16)]
                m = cols_v[k + CHUNK, pl.ds(col0, 16)]
                bit = jnp.logical_and(g > 0, m > 0)
                patt = patt + jnp.where(bit, 1 << k, 0)
            for p in range(16):
                outb_v[p, pl.ds(col0, 16)] = jnp.where(patt == p, 1.0, 0.0)
        pltpu.sync_copy(outb_v, out_hbm.at[:, pl.ds(sid * 128, 128)])


def _lv_kernel(e0_ref, e0b_ref, e1_ref, e1b_ref, c0_ref, c0b_ref,
               c1_ref, c1b_ref, v_ref, a0b_ref, u_ref, a1_ref, a1b_ref,
               a2r_ref, a2b_ref, lv_ref, rstar_ref):
    f32 = jnp.float32
    ri = jax.lax.broadcasted_iota(jnp.int32, (16 * CHUNK, 1), 0)
    bitcol = (jax.lax.shift_right_logical(ri // CHUNK, ri % CHUNK) & 1
              ).astype(f32)
    poscol = (ri % CHUNK).astype(f32) / CHUNK
    x = jnp.concatenate([bitcol, poscol], axis=1)
    h1 = jax.nn.relu(jax.lax.dot_general(x, e0_ref[...], _DN,
                                         preferred_element_type=f32)
                     + e0b_ref[...])
    h2 = jax.nn.relu(jax.lax.dot_general(h1, e1_ref[...], _DN,
                                         preferred_element_type=f32)
                     + e1b_ref[...])
    pi = jax.lax.broadcasted_iota(jnp.int32, (16, 16 * CHUNK), 0)
    rj = jax.lax.broadcasted_iota(jnp.int32, (16, 16 * CHUNK), 1)
    mmat = jnp.where((rj // CHUNK) == pi, 0.25, 0.0).astype(f32)
    pooled = jax.lax.dot_general(mmat, h2, _DNK,
                                 preferred_element_type=f32)
    cc = jax.nn.relu(jax.lax.dot_general(pooled, c0_ref[...], _DN,
                                         preferred_element_type=f32)
                     + c0b_ref[...])
    c2 = jax.nn.relu(jnp.sum(cc * c1_ref[...], axis=1, keepdims=True)
                     + c1b_ref[0, 0])
    lut = jnp.round(c2)
    lv = jax.lax.dot_general(lut, v_ref[...], _DNK,
                             preferred_element_type=f32) + a0b_ref[...]
    lv_ref[...] = lv

    u = u_ref[...]
    a1 = a1_ref[...]
    a1b = a1b_ref[...]
    a2r = a2r_ref[...]
    a2b = a2b_ref[0, 0]
    cv0 = lv[0:1, :]

    def mlp(R, cv):
        h1 = jax.nn.relu(R * u + cv)
        a = jax.nn.relu(jax.lax.dot_general(h1, a1, _DNK,
                                            preferred_element_type=f32) + a1b)
        Ob = jax.lax.dot_general(a, a2r, _DNK, preferred_element_type=f32)
        return jnp.round((Ob + a2b) * MAX_VALUE)

    def cond(c):
        return jnp.logical_and(c[0] < NPAD, c[2])

    def body(c):
        i, rr, _ = c
        r2 = mlp(rr, cv0)
        return i + 1, r2, jnp.any(r2 != rr)

    rstar_ref[...] = jax.lax.while_loop(
        cond, body, (jnp.int32(0), jnp.zeros((1, 128), f32), True))[1]


def _scan_kernel(onehot_ref, lv_ref, rstar_in_ref, u_ref, a1_ref,
                 a1b_ref, a2r_ref, a2b_ref, out_ref, cv_ref, e_ref):
    f32 = jnp.float32
    u = u_ref[...]
    a1 = a1_ref[...]
    a1b = a1b_ref[...]
    a2r = a2r_ref[...]
    a2b = a2b_ref[0, 0]

    cv_ref[...] = jax.lax.dot_general(onehot_ref[...], lv_ref[...],
                                      (((0,), (0,)), ((), ())),
                                      preferred_element_type=f32)
    cv0 = lv_ref[0:1, :]

    def mlp(R, cv):
        h1 = jax.nn.relu(R * u + cv)
        a = jax.nn.relu(jax.lax.dot_general(h1, a1, _DNK,
                                            preferred_element_type=f32) + a1b)
        Ob = jax.lax.dot_general(a, a2r, _DNK, preferred_element_type=f32)
        return jnp.round((Ob + a2b) * MAX_VALUE)

    def padded_run(R):
        def cond(c):
            return jnp.logical_and(c[0] < NPAD, c[2])

        def body(c):
            i, rr, _ = c
            r2 = mlp(rr, cv0)
            return i + 1, r2, jnp.any(r2 != rr)

        return jax.lax.while_loop(cond, body, (jnp.int32(0), R, True))[1]

    rstar = rstar_in_ref[...]

    sub = jax.lax.broadcasted_iota(jnp.int32, (H * B, 128), 0)
    R = jnp.where(sub < B, 0.0, rstar)
    for q in range(NQ):
        R = mlp(R, cv_ref[pl.ds(q * H * B, H * B), :])
    e_ref[...] = padded_run(R)

    def seq_row(h, st):
        for q in range(NQ):
            st = mlp(st, cv_ref[pl.ds(q * H * B + h * B, B), :])
        return padded_run(st)

    def stitch(h, st):
        eh = e_ref[pl.ds(h * B, B), :]
        return jax.lax.cond(jnp.all(st == rstar),
                            lambda s: eh, lambda s: seq_row(h, s), st)

    state = jax.lax.fori_loop(1, H, stitch, e_ref[0:B, :])
    out_ref[...] = state[:, 0:1]


def kernel(grid, mask, sub_enc_w0, sub_enc_b0, sub_enc_w1, sub_enc_b1,
           sub_cls_w0, sub_cls_b0, sub_cls_w1, sub_cls_b1,
           add_w0, add_b0, add_w1, add_b1, add_w2, add_b2):
    f32 = jnp.float32
    gc = jnp.transpose(grid.reshape(B, H, NQ, CHUNK), (3, 2, 1, 0)
                       ).reshape(CHUNK, NR)
    mc = jnp.transpose(mask.reshape(B, H, NQ, CHUNK), (3, 2, 1, 0)
                       ).reshape(CHUNK, NR)
    onehot = _pattern_sc(jnp.concatenate([gc, mc], axis=0))
    u = (add_w0[:, 0] / MAX_VALUE).reshape(1, 128)
    a1t = add_w1.T
    a1b = add_b1.reshape(1, 128)
    a2r = jnp.broadcast_to(add_w2.reshape(128, 1), (128, 128))
    a2b = add_b2.reshape(1, 1)
    lv, rstar = pl.pallas_call(
        _lv_kernel,
        out_shape=[jax.ShapeDtypeStruct((16, 128), f32),
                   jax.ShapeDtypeStruct((1, 128), f32)],
    )(sub_enc_w0, sub_enc_b0.reshape(1, 64),
      sub_enc_w1, sub_enc_b1.reshape(1, 64),
      sub_cls_w0, sub_cls_b0.reshape(1, 32),
      sub_cls_w1, sub_cls_b1.reshape(1, 1),
      (add_w0[:, 1] / MAX_VALUE).reshape(1, 128),
      add_b0.reshape(1, 128), u, a1t, a1b, a2r, a2b)
    total = pl.pallas_call(
        _scan_kernel,
        out_shape=jax.ShapeDtypeStruct((B, 1), f32),
        scratch_shapes=[pltpu.VMEM((NR, 128), f32),
                        pltpu.VMEM((H * B, 128), f32)],
    )(onehot, lv, rstar, u, a1t, a1b, a2r, a2b)
    return total.reshape(B)

# --- scband reference (transcript-rebuilt; emitter-appended) ---
"""Pipeline reference for scband-staged-counter-670014898339 (READ-ONLY COPY).

The authoritative reference and input builder live on the scoring server;
editing this copy changes nothing except your own understanding.
"""

import jax, jax.numpy as jnp
import numpy as np

B, H, W = 4, 32, 64
CHUNK_SIZE = 4
MAX_VALUE = 50.0

def _linear_params(key, out_d, in_d):
    k1, k2 = jax.random.split(key)
    bound = 1.0 / np.sqrt(in_d)
    w = jax.random.uniform(k1, (out_d, in_d), minval=-bound, maxval=bound, dtype=jnp.float32)
    b = jax.random.uniform(k2, (out_d,), minval=-bound, maxval=bound, dtype=jnp.float32)
    return w, b

def setup_inputs(seed: int = 0):
    key = jax.random.key(seed)
    ks = jax.random.split(key, 10)
    inp = {}
    inp['grid'] = jax.random.normal(ks[0], (B, H, W), dtype=jnp.float32)
    inp['mask'] = jnp.ones((B, H, W), dtype=jnp.float32)
    inp['sub_enc_w0'], inp['sub_enc_b0'] = _linear_params(ks[1], 64, 2)
    inp['sub_enc_w1'], inp['sub_enc_b1'] = _linear_params(ks[2], 64, 64)
    inp['sub_cls_w0'], inp['sub_cls_b0'] = _linear_params(ks[3], 32, 64)
    inp['sub_cls_w1'], _b = _linear_params(ks[4], 1, 32)
    inp['sub_cls_b1'] = jnp.full((1,), 2.0, dtype=jnp.float32)
    inp['add_w0'], inp['add_b0'] = _linear_params(ks[5], 128, 2)
    inp['add_w1'], inp['add_b1'] = _linear_params(ks[6], 128, 128)
    inp['add_w2'], _b2 = _linear_params(ks[7], 1, 128)
    inp['add_b2'] = jnp.full((1,), 5.0, dtype=jnp.float32)
    return inp

def reference(grid, mask, sub_enc_w0, sub_enc_b0, sub_enc_w1, sub_enc_b1, sub_cls_w0, sub_cls_b0, sub_cls_w1, sub_cls_b1, add_w0, add_b0, add_w1, add_b1, add_w2, add_b2):
    Bt, Ht, Wt = grid.shape
    # mask is all-ones -> torch boolean compaction row[b][mask>0] equals the full row;
    # the two `continue` guards never trigger (mask.sum()>0 and randn rows never sum to exactly 0).
    extracted = jnp.where(mask > 0, grid, 0.0)
    num_objects = Bt * Wt  # original code sums row_mask over the entire batch
    num_chunks = (num_objects + CHUNK_SIZE - 1) // CHUNK_SIZE
    pad_len = num_chunks * CHUNK_SIZE - Wt  # chunks starting beyond W are zero-padded, matching F.pad of empty slices
    padded = jnp.pad(extracted, ((0, 0), (0, 0), (0, pad_len)))
    chunks = padded.reshape(Bt, Ht, num_chunks, CHUNK_SIZE)
    chunks = jnp.transpose(chunks, (1, 2, 0, 3)).reshape(Ht * num_chunks, Bt, CHUNK_SIZE)
    # SubitizingModule, vectorized over all (row, chunk) pairs
    is_nonzero = (chunks > 0).astype(jnp.float32)
    pos = jnp.broadcast_to(jnp.arange(CHUNK_SIZE, dtype=jnp.float32) / CHUNK_SIZE, chunks.shape)
    feats = jnp.stack([is_nonzero, pos], axis=-1)  # [HC, B, chunk, 2]
    h = jax.nn.relu(feats @ sub_enc_w0.T + sub_enc_b0)
    h = jax.nn.relu(h @ sub_enc_w1.T + sub_enc_b1)
    pooled = h.mean(axis=2)  # mean over chunk positions -> [HC, B, d]
    c = jax.nn.relu(pooled @ sub_cls_w0.T + sub_cls_b0)
    c = jax.nn.relu(c @ sub_cls_w1.T + sub_cls_b1)
    counts = jnp.round(c.squeeze(-1))  # [HC, B]
    # PureArithmeticAdder applied sequentially (carry = running_total)
    def adder_step(running, cnt):
        x = jnp.stack([running / MAX_VALUE, cnt / MAX_VALUE], axis=-1)
        a = jax.nn.relu(x @ add_w0.T + add_b0)
        a = jax.nn.relu(a @ add_w1.T + add_b1)
        o = (a @ add_w2.T + add_b2).squeeze(-1) * MAX_VALUE
        return jnp.round(o), None
    total, _ = jax.lax.scan(adder_step, jnp.zeros((Bt,), dtype=jnp.float32), counts)
    return total

if __name__ == "__main__":
    import jax
    _d = setup_inputs()
    print(jax.jit(kernel)(*tuple(_d.values())))

</pallas_src>

<mosaic_0001>
#map = affine_map<(d0, d1) -> (0, 0)>
module attributes {stable_mosaic.version = 14 : i64} {
  func.func @_pattern_sc(%arg0: i32, %arg1: i32, %arg2: memref<8x2048xf32, #tpu.memory_space<hbm>>, %arg3: memref<16x2048xf32, #tpu.memory_space<hbm>>, %arg4: memref<8x128xf32, #tpu.memory_space<vmem>>, %arg5: memref<16x128xf32, #tpu.memory_space<vmem>>) attributes {dimension_semantics = [#tpu.dimension_semantics<core_parallel>, #tpu.dimension_semantics<subcore_parallel>], iteration_bounds = array<i64: 2, 16>, scalar_prefetch = 0 : i64, scratch_operands = 2 : i64, tpu.core_type = #tpu.core_type<sc_vector_subcore>, window_params = [{transform_indices = #map}, {transform_indices = #map}]} {
    %eq3A = arith.constant 0 : i32
    %eq3A_0 = arith.cmpi eq, %arg0, %eq3A : i32
    %convert_element_type3A = arith.extui %eq3A_0 : i1 to i32
    %cond3A = arith.constant 0 : i32
    %cond3A_1 = arith.cmpi ne, %convert_element_type3A, %cond3A : i32
    scf.if %cond3A_1 {
      %mul3A = arith.constant 128 : i32
      %mul3A_2 = arith.muli %arg1, %mul3A : i32
      "tpu.region"() ({
        %run_scoped3A = tpu.sem_alloc : memref<!tpu.dma_semaphore, #tpu.memory_space<semaphore_mem>>
        %dma_start3A = arith.constant 0 : i32
        %dma_start3A_2541 = tpu.memref_slice %arg2[%dma_start3A, %mul3A_2] : memref<8x2048xf32, #tpu.memory_space<hbm>> -> memref<8x128xf32, #tpu.memory_space<hbm>>
        %dma_start3A_2542 = arith.constant 0 : i32
        %dma_start3A_2543 = tpu.memref_slice %arg2[%dma_start3A_2542, %mul3A_2] : memref<8x2048xf32, #tpu.memory_space<hbm>> -> memref<8x128xf32, #tpu.memory_space<hbm>>
        tpu.enqueue_dma source(%dma_start3A_2543 : memref<8x128xf32, #tpu.memory_space<hbm>>) target(%arg4 : memref<8x128xf32, #tpu.memory_space<vmem>>) target_semaphore(%run_scoped3A : memref<!tpu.dma_semaphore, #tpu.memory_space<semaphore_mem>>)
        %dma_wait3A = arith.constant 0 : i32
        %dma_wait3A_2544 = tpu.memref_slice %arg2[%dma_wait3A, %mul3A_2] : memref<8x2048xf32, #tpu.memory_space<hbm>> -> memref<8x128xf32, #tpu.memory_space<hbm>>
        %dma_wait3A_2545 = arith.constant 0 : i32
        %dma_wait3A_2546 = tpu.memref_slice %arg2[%dma_wait3A_2545, %mul3A_2] : memref<8x2048xf32, #tpu.memory_space<hbm>> -> memref<8x128xf32, #tpu.memory_space<hbm>>
        tpu.wait_dma2 semaphore(%run_scoped3A : memref<!tpu.dma_semaphore, #tpu.memory_space<semaphore_mem>>) src(%dma_wait3A_2546 : memref<8x128xf32, #tpu.memory_space<hbm>>) dst(%arg4 : memref<8x128xf32, #tpu.memory_space<vmem>>)
        tpu.yield
      }) : () -> ()
      %broadcast_in_dim3A = arith.constant 0 : i32
      %broadcast_in_dim3A_3 = vector.broadcast %broadcast_in_dim3A : i32 to vector<16xi32>
      %get3A = arith.constant 0 : i32
      %get3A_4 = arith.index_cast %get3A : i32 to index
      %get3A_5 = arith.constant 0 : index
      %get3A_6 = tpu.vector_load %arg4[%get3A_4, %get3A_5] {strides = array<i32>} : memref<8x128xf32, #tpu.memory_space<vmem>>, vector<1x16xf32>,
      %get3A_7 = vector.shape_cast %get3A_6 : vector<1x16xf32> to vector<16xf32>
      %get3A_8 = arith.constant 4 : i32
      %get3A_9 = arith.index_cast %get3A_8 : i32 to index
      %get3A_10 = arith.constant 0 : index
      %get3A_11 = tpu.vector_load %arg4[%get3A_9, %get3A_10] {strides = array<i32>} : memref<8x128xf32, #tpu.memory_space<vmem>>, vector<1x16xf32>,
      %get3A_12 = vector.shape_cast %get3A_11 : vector<1x16xf32> to vector<16xf32>
      %gt3A = arith.constant 0.000000e+00 : f32
      %gt3A_13 = vector.broadcast %gt3A : f32 to vector<16xf32>
      %gt3A_14 = arith.cmpf ogt, %get3A_7, %gt3A_13 : vector<16xf32>
      %gt3A_15 = arith.constant 0.000000e+00 : f32
      %gt3A_16 = vector.broadcast %gt3A_15 : f32 to vector<16xf32>
      %gt3A_17 = arith.cmpf ogt, %get3A_12, %gt3A_16 : vector<16xf32>
      %and3A = arith.andi %gt3A_14, %gt3A_17 : vector<16xi1>
      %jit3A = arith.constant 1 : i32
      %jit3A_18 = arith.constant 0 : i32
      %broadcast_in_dim3A_19 = vector.broadcast %jit3A : i32 to vector<16xi32>
      %broadcast_in_dim3A_20 = vector.broadcast %jit3A_18 : i32 to vector<16xi32>
      %select_n3A = arith.select %and3A, %broadcast_in_dim3A_19, %broadcast_in_dim3A_20 : vector<16xi1>, vector<16xi32>
      %add3A = arith.addi %broadcast_in_dim3A_3, %select_n3A : vector<16xi32>
      %get3A_21 = arith.constant 1 : i32
      %get3A_22 = arith.index_cast %get3A_21 : i32 to index
      %get3A_23 = arith.constant 0 : index
      %get3A_24 = tpu.vector_load %arg4[%get3A_22, %get3A_23] {strides = array<i32>} : memref<8x128xf32, #tpu.memory_space<vmem>>, vector<1x16xf32>,
      %get3A_25 = vector.shape_cast %get3A_24 : vector<1x16xf32> to vector<16xf32>
      %get3A_26 = arith.constant 5 : i32
      %get3A_27 = arith.index_cast %get3A_26 : i32 to index
      %get3A_28 = arith.constant 0 : index
      %get3A_29 = tpu.vector_load %arg4[%get3A_27, %get3A_28] {strides = array<i32>} : memref<8x128xf32, #tpu.memory_space<vmem>>, vector<1x16xf32>,
      %get3A_30 = vector.shape_cast %get3A_29 : vector<1x16xf32> to vector<16xf32>
      %gt3A_31 = arith.constant 0.000000e+00 : f32
      %gt3A_32 = vector.broadcast %gt3A_31 : f32 to vector<16xf32>
      %gt3A_33 = arith.cmpf ogt, %get3A_25, %gt3A_32 : vector<16xf32>
      %gt3A_34 = arith.constant 0.000000e+00 : f32
      %gt3A_35 = vector.broadcast %gt3A_34 : f32 to vector<16xf32>
      %gt3A_36 = arith.cmpf ogt, %get3A_30, %gt3A_35 : vector<16xf32>
      %and3A_37 = arith.andi %gt3A_33, %gt3A_36 : vector<16xi1>
      %jit3A_38 = arith.constant 2 : i32
      %jit3A_39 = arith.constant 0 : i32
      %broadcast_in_dim3A_40 = vector.broadcast %jit3A_38 : i32 to vector<16xi32>
      %broadcast_in_dim3A_41 = vector.broadcast %jit3A_39 : i32 to vector<16xi32>
      %select_n3A_42 = arith.select %and3A_37, %broadcast_in_dim3A_40, %broadcast_in_dim3A_41 : vector<16xi1>, vector<16xi32>
      %add3A_43 = arith.addi %add3A, %select_n3A_42 : vector<16xi32>
      %get3A_44 = arith.constant 2 : i32
      %get3A_45 = arith.index_cast %get3A_44 : i32 to index
      %get3A_46 = arith.constant 0 : index
      %get3A_47 = tpu.vector_load %arg4[%get3A_45, %get3A_46] {strides = array<i32>} : memref<8x128xf32, #tpu.memory_space<vmem>>, vector<1x16xf32>,
      %get3A_48 = vector.shape_cast %get3A_47 : vector<1x16xf32> to vector<16xf32>
      %get3A_49 = arith.constant 6 : i32
      %get3A_50 = arith.index_cast %get3A_49 : i32 to index
      %get3A_51 = arith.constant 0 : index
      %get3A_52 = tpu.vector_load %arg4[%get3A_50, %get3A_51] {strides = array<i32>} : memref<8x128xf32, #tpu.memory_space<vmem>>, vector<1x16xf32>,
      %get3A_53 = vector.shape_cast %get3A_52 : vector<1x16xf32> to vector<16xf32>
      %gt3A_54 = arith.constant 0.000000e+00 : f32
      %gt3A_55 = vector.broadcast %gt3A_54 : f32 to vector<16xf32>
      %gt3A_56 = arith.cmpf ogt, %get3A_48, %gt3A_55 : vector<16xf32>
      %gt3A_57 = arith.constant 0.000000e+00 : f32
      %gt3A_58 = vector.broadcast %gt3A_57 : f32 to vector<16xf32>
      %gt3A_59 = arith.cmpf ogt, %get3A_53, %gt3A_58 : vector<16xf32>
      %and3A_60 = arith.andi %gt3A_56, %gt3A_59 : vector<16xi1>
      %jit3A_61 = arith.constant 4 : i32
      %jit3A_62 = arith.constant 0 : i32
      %broadcast_in_dim3A_63 = vector.broadcast %jit3A_61 : i32 to vector<16xi32>
      %broadcast_in_dim3A_64 = vector.broadcast %jit3A_62 : i32 to vector<16xi32>
      %select_n3A_65 = arith.select %and3A_60, %broadcast_in_dim3A_63, %broadcast_in_dim3A_64 : vector<16xi1>, vector<16xi32>
      %add3A_66 = arith.addi %add3A_43, %select_n3A_65 : vector<16xi32>
      %get3A_67 = arith.constant 3 : i32
      %get3A_68 = arith.index_cast %get3A_67 : i32 to index
      %get3A_69 = arith.constant 0 : index
      %get3A_70 = tpu.vector_load %arg4[%get3A_68, %get3A_69] {strides = array<i32>} : memref<8x128xf32, #tpu.memory_space<vmem>>, vector<1x16xf32>,
      %get3A_71 = vector.shape_cast %get3A_70 : vector<1x16xf32> to vector<16xf32>
      %get3A_72 = arith.constant 7 : i32
      %get3A_73 = arith.index_cast %get3A_72 : i32 to index
      %get3A_74 = arith.constant 0 : index
      %get3A_75 = tpu.vector_load %arg4[%get3A_73, %get3A_74] {strides = array<i32>} : memref<8x128xf32, #tpu.memory_space<vmem>>, vector<1x16xf32>,
      %get3A_76 = vector.shape_cast %get3A_75 : vector<1x16xf32> to vector<16xf32>
      %gt3A_77 = arith.constant 0.000000e+00 : f32
      %gt3A_78 = vector.broadcast %gt3A_77 : f32 to vector<16xf32>
      %gt3A_79 = arith.cmpf ogt, %get3A_71, %gt3A_78 : vector<16xf32>
      %gt3A_80 = arith.constant 0.000000e+00 : f32
      %gt3A_81 = vector.broadcast %gt3A_80 : f32 to vector<16xf32>
      %gt3A_82 = arith.cmpf ogt, %get3A_76, %gt3A_81 : vector<16xf32>
      %and3A_83 = arith.andi %gt3A_79, %gt3A_82 : vector<16xi1>
      %jit3A_84 = arith.constant 8 : i32
      %jit3A_85 = arith.constant 0 : i32
      %broadcast_in_dim3A_86 = vector.broadcast %jit3A_84 : i32 to vector<16xi32>
      %broadcast_in_dim3A_87 = vector.broadcast %jit3A_85 : i32 to vector<16xi32>
      %select_n3A_88 = arith.select %and3A_83, %broadcast_in_dim3A_86, %broadcast_in_dim3A_87 : vector<16xi1>, vector<16xi32>
      %add3A_89 = arith.addi %add3A_66, %select_n3A_88 : vector<16xi32>
      %eq3A_90 = arith.constant 0 : i32
      %eq3A_91 = vector.broadcast %eq3A_90 : i32 to vector<16xi32>
      %eq3A_92 = arith.cmpi eq, %add3A_89, %eq3A_91 : vector<16xi32>
      %jit3A_93 = arith.constant 1.000000e+00 : f32
      %jit3A_94 = arith.constant 0.000000e+00 : f32
      %broadcast_in_dim3A_95 = vector.broadcast %jit3A_93 : f32 to vector<16xf32>
      %broadcast_in_dim3A_96 = vector.broadcast %jit3A_94 : f32 to vector<16xf32>
      %select_n3A_97 = arith.select %eq3A_92, %broadcast_in_dim3A_95, %broadcast_in_dim3A_96 : vector<16xi1>, vector<16xf32>
      %swap3A = arith.constant 0 : i32
      %swap3A_98 = arith.index_cast %swap3A : i32 to index
      %swap3A_99 = arith.constant 0 : index
      %swap3A_100 = tpu.vector_load %arg5[%swap3A_98, %swap3A_99] {strides = array<i32>} : memref<16x128xf32, #tpu.memory_space<vmem>>, vector<1x16xf32>,
      %swap3A_101 = vector.shape_cast %swap3A_100 : vector<1x16xf32> to vector<16xf32>
      %swap3A_102 = vector.shape_cast %select_n3A_97 : vector<16xf32> to vector<1x16xf32>
      tpu.vector_store %arg5[%swap3A_98, %swap3A_99], %swap3A_102 {strides = array<i32>} : memref<16x128xf32, #tpu.memory_space<vmem>>, vector<1x16xf32>,
      %eq3A_103 = arith.constant 1 : i32
      %eq3A_104 = vector.broadcast %eq3A_103 : i32 to vector<16xi32>
      %eq3A_105 = arith.cmpi eq, %add3A_89, %eq3A_104 : vector<16xi32>
      %jit3A_106 = arith.constant 1.000000e+00 : f32
      %jit3A_107 = arith.constant 0.000000e+00 : f32
      %broadcast_in_dim3A_108 = vector.broadcast %jit3A_106 : f32 to vector<16xf32>
      %broadcast_in_dim3A_109 = vector.broadcast %jit3A_107 : f32 to vector<16xf32>
      %select_n3A_110 = arith.select %eq3A_105, %broadcast_in_dim3A_108, %broadcast_in_dim3A_109 : vector<16xi1>, vector<16xf32>
      %swap3A_111 = arith.constant 1 : i32
      %swap3A_112 = arith.index_cast %swap3A_111 : i32 to index
      %swap3A_113 = arith.constant 0 : index
      %swap3A_114 = tpu.vector_load %arg5[%swap3A_112, %swap3A_113] {strides = array<i32>} : memref<16x128xf32, #tpu.memory_space<vmem>>, vector<1x16xf32>,
      %swap3A_115 = vector.shape_cast %swap3A_114 : vector<1x16xf32> to vector<16xf32>
      %swap3A_116 = vector.shape_cast %select_n3A_110 : vector<16xf32> to vector<1x16xf32>
      tpu.vector_store %arg5[%swap3A_112, %swap3A_113], %swap3A_116 {strides = array<i32>} : memref<16x128xf32, #tpu.memory_space<vmem>>, vector<1x16xf32>,
      %eq3A_117 = arith.constant 2 : i32
      %eq3A_118 = vector.broadcast %eq3A_117 : i32 to vector<16xi32>
      %eq3A_119 = arith.cmpi eq, %add3A_89, %eq3A_118 : vector<16xi32>
      %jit3A_120 = arith.constant 1.000000e+00 : f32
      %jit3A_121 = arith.constant 0.000000e+00 : f32
      %broadcast_in_dim3A_122 = vector.broadcast %jit3A_120 : f32 to vector<16xf32>
      %broadcast_in_dim3A_123 = vector.broadcast %jit3A_121 : f32 to vector<16xf32>
      %select_n3A_124 = arith.select %eq3A_119, %broadcast_in_dim3A_122, %broadcast_in_dim3A_123 : vector<16xi1>, vector<16xf32>
      %swap3A_125 = arith.constant 2 : i32
      %swap3A_126 = arith.index_cast %swap3A_125 : i32 to index
      %swap3A_127 = arith.constant 0 : index
      %swap3A_128 = tpu.vector_load %arg5[%swap3A_126, %swap3A_127] {strides = array<i32>} : memref<16x128xf32, #tpu.memory_space<vmem>>, vector<1x16xf32>,
      %swap3A_129 = vector.shape_cast %swap3A_128 : vector<1x16xf32> to vector<16xf32>
      %swap3A_130 = vector.shape_cast %select_n3A_124 : vector<16xf32> to vector<1x16xf32>
      tpu.vector_store %arg5[%swap3A_126, %swap3A_127], %swap3A_130 {strides = array<i32>} : memref<16x128xf32, #tpu.memory_space<vmem>>, vector<1x16xf32>,
      %eq3A_131 = arith.constant 3 : i32
      %eq3A_132 = vector.broadcast %eq3A_131 : i32 to vector<16xi32>
      %eq3A_133 = arith.cmpi eq, %add3A_89, %eq3A_132 : vector<16xi32>
      %jit3A_134 = arith.constant 1.000000e+00 : f32
      %jit3A_135 = arith.constant 0.000000e+00 : f32
      %broadcast_in_dim3A_136 = vector.broadcast %jit3A_134 : f32 to vector<16xf32>
      %broadcast_in_dim3A_137 = vector.broadcast %jit3A_135 : f32 to vector<16xf32>
      %select_n3A_138 = arith.select %eq3A_133, %broadcast_in_dim3A_136, %broadcast_in_dim3A_137 : vector<16xi1>, vector<16xf32>
      %swap3A_139 = arith.constant 3 : i32
      %swap3A_140 = arith.index_cast %swap3A_139 : i32 to index
      %swap3A_141 = arith.constant 0 : index
      %swap3A_142 = tpu.vector_load %arg5[%swap3A_140, %swap3A_141] {strides = array<i32>} : memref<16x128xf32, #tpu.memory_space<vmem>>, vector<1x16xf32>,
      %swap3A_143 = vector.shape_cast %swap3A_142 : vector<1x16xf32> to vector<16xf32>
      %swap3A_144 = vector.shape_cast %select_n3A_138 : vector<16xf32> to vector<1x16xf32>
      tpu.vector_store %arg5[%swap3A_140, %swap3A_141], %swap3A_144 {strides = array<i32>} : memref<16x128xf32, #tpu.memory_space<vmem>>, vector<1x16xf32>,
      %eq3A_145 = arith.constant 4 : i32
      %eq3A_146 = vector.broadcast %eq3A_145 : i32 to vector<16xi32>
      %eq3A_147 = arith.cmpi eq, %add3A_89, %eq3A_146 : vector<16xi32>
      %jit3A_148 = arith.constant 1.000000e+00 : f32
      %jit3A_149 = arith.constant 0.000000e+00 : f32
      %broadcast_in_dim3A_150 = vector.broadcast %jit3A_148 : f32 to vector<16xf32>
      %broadcast_in_dim3A_151 = vector.broadcast %jit3A_149 : f32 to vector<16xf32>
      %select_n3A_152 = arith.select %eq3A_147, %broadcast_in_dim3A_150, %broadcast_in_dim3A_151 : vector<16xi1>, vector<16xf32>
      %swap3A_153 = arith.constant 4 : i32
      %swap3A_154 = arith.index_cast %swap3A_153 : i32 to index
      %swap3A_155 = arith.constant 0 : index
      %swap3A_156 = tpu.vector_load %arg5[%swap3A_154, %swap3A_155] {strides = array<i32>} : memref<16x128xf32, #tpu.memory_space<vmem>>, vector<1x16xf32>,
      %swap3A_157 = vector.shape_cast %swap3A_156 : vector<1x16xf32> to vector<16xf32>
      %swap3A_158 = vector.shape_cast %select_n3A_152 : vector<16xf32> to vector<1x16xf32>
      tpu.vector_store %arg5[%swap3A_154, %swap3A_155], %swap3A_158 {strides = array<i32>} : memref<16x128xf32, #tpu.memory_space<vmem>>, vector<1x16xf32>,
      %eq3A_159 = arith.constant 5 : i32
      %eq3A_160 = vector.broadcast %eq3A_159 : i32 to vector<16xi32>
      %eq3A_161 = arith.cmpi eq, %add3A_89, %eq3A_160 : vector<16xi32>
      %jit3A_162 = arith.constant 1.000000e+00 : f32
      %jit3A_163 = arith.constant 0.000000e+00 : f32
      %broadcast_in_dim3A_164 = vector.broadcast %jit3A_162 : f32 to vector<16xf32>
      %broadcast_in_dim3A_165 = vector.broadcast %jit3A_163 : f32 to vector<16xf32>
      %select_n3A_166 = arith.select %eq3A_161, %broadcast_in_dim3A_164, %broadcast_in_dim3A_165 : vector<16xi1>, vector<16xf32>
      %swap3A_167 = arith.constant 5 : i32
      %swap3A_168 = arith.index_cast %swap3A_167 : i32 to index
      %swap3A_169 = arith.constant 0 : index
      %swap3A_170 = tpu.vector_load %arg5[%swap3A_168, %swap3A_169] {strides = array<i32>} : memref<16x128xf32, #tpu.memory_space<vmem>>, vector<1x16xf32>,
      %swap3A_171 = vector.shape_cast %swap3A_170 : vector<1x16xf32> to vector<16xf32>
      %swap3A_172 = vector.shape_cast %select_n3A_166 : vector<16xf32> to vector<1x16xf32>
      tpu.vector_store %arg5[%swap3A_168, %swap3A_169], %swap3A_172 {strides = array<i32>} : memref<16x128xf32, #tpu.memory_space<vmem>>, vector<1x16xf32>,
      %eq3A_173 = arith.constant 6 : i32
      %eq3A_174 = vector.broadcast %eq3A_173 : i32 to vector<16xi32>
      %eq3A_175 = arith.cmpi eq, %add3A_89, %eq3A_174 : vector<16xi32>
      %jit3A_176 = arith.constant 1.000000e+00 : f32
      %jit3A_177 = arith.constant 0.000000e+00 : f32
      %broadcast_in_dim3A_178 = vector.broadcast %jit3A_176 : f32 to vector<16xf32>
      %broadcast_in_dim3A_179 = vector.broadcast %jit3A_177 : f32 to vector<16xf32>
      %select_n3A_180 = arith.select %eq3A_175, %broadcast_in_dim3A_178, %broadcast_in_dim3A_179 : vector<16xi1>, vector<16xf32>
      %swap3A_181 = arith.constant 6 : i32
      %swap3A_182 = arith.index_cast %swap3A_181 : i32 to index
      %swap3A_183 = arith.constant 0 : index
      %swap3A_184 = tpu.vector_load %arg5[%swap3A_182, %swap3A_183] {strides = array<i32>} : memref<16x128xf32, #tpu.memory_space<vmem>>, vector<1x16xf32>,
      %swap3A_185 = vector.shape_cast %swap3A_184 : vector<1x16xf32> to vector<16xf32>
      %swap3A_186 = vector.shape_cast %select_n3A_180 : vector<16xf32> to vector<1x16xf32>
      tpu.vector_store %arg5[%swap3A_182, %swap3A_183], %swap3A_186 {strides = array<i32>} : memref<16x128xf32, #tpu.memory_space<vmem>>, vector<1x16xf32>,
      %eq3A_187 = arith.constant 7 : i32
      %eq3A_188 = vector.broadcast %eq3A_187 : i32 to vector<16xi32>
      %eq3A_189 = arith.cmpi eq, %add3A_89, %eq3A_188 : vector<16xi32>
      %jit3A_190 = arith.constant 1.000000e+00 : f32
      %jit3A_191 = arith.constant 0.000000e+00 : f32
      %broadcast_in_dim3A_192 = vector.broadcast %jit3A_190 : f32 to vector<16xf32>
      %broadcast_in_dim3A_193 = vector.broadcast %jit3A_191 : f32 to vector<16xf32>
      %select_n3A_194 = arith.select %eq3A_189, %broadcast_in_dim3A_192, %broadcast_in_dim3A_193 : vector<16xi1>, vector<16xf32>
      %swap3A_195 = arith.constant 7 : i32
      %swap3A_196 = arith.index_cast %swap3A_195 : i32 to index
      %swap3A_197 = arith.constant 0 : index
      %swap3A_198 = tpu.vector_load %arg5[%swap3A_196, %swap3A_197] {strides = array<i32>} : memref<16x128xf32, #tpu.memory_space<vmem>>, vector<1x16xf32>,
      %swap3A_199 = vector.shape_cast %swap3A_198 : vector<1x16xf32> to vector<16xf32>
      %swap3A_200 = vector.shape_cast %select_n3A_194 : vector<16xf32> to vector<1x16xf32>
      tpu.vector_store %arg5[%swap3A_196, %swap3A_197], %swap3A_200 {strides = array<i32>} : memref<16x128xf32, #tpu.memory_space<vmem>>, vector<1x16xf32>,
      %eq3A_201 = arith.constant 8 : i32
      %eq3A_202 = vector.broadcast %eq3A_201 : i32 to vector<16xi32>
      %eq3A_203 = arith.cmpi eq, %add3A_89, %eq3A_202 : vector<16xi32>
      %jit3A_204 = arith.constant 1.000000e+00 : f32
      %jit3A_205 = arith.constant 0.000000e+00 : f32
      %broadcast_in_dim3A_206 = vector.broadcast %jit3A_204 : f32 to vector<16xf32>
      %broadcast_in_dim3A_207 = vector.broadcast %jit3A_205 : f32 to vector<16xf32>
      %select_n3A_208 = arith.select %eq3A_203, %broadcast_in_dim3A_206, %broadcast_in_dim3A_207 : vector<16xi1>, vector<16xf32>
      %swap3A_209 = arith.constant 8 : i32
      %swap3A_210 = arith.index_cast %swap3A_209 : i32 to index
      %swap3A_211 = arith.constant 0 : index
      %swap3A_212 = tpu.vector_load %arg5[%swap3A_210, %swap3A_211] {strides = array<i32>} : memref<16x128xf32, #tpu.memory_space<vmem>>, vector<1x16xf32>,
      %swap3A_213 = vector.shape_cast %swap3A_212 : vector<1x16xf32> to vector<16xf32>
      %swap3A_214 = vector.shape_cast %select_n3A_208 : vector<16xf32> to vector<1x16xf32>
      tpu.vector_store %arg5[%swap3A_210, %swap3A_211], %swap3A_214 {strides = array<i32>} : memref<16x128xf32, #tpu.memory_space<vmem>>, vector<1x16xf32>,
      %eq3A_215 = arith.constant 9 : i32
      %eq3A_216 = vector.broadcast %eq3A_215 : i32 to vector<16xi32>
      %eq3A_217 = arith.cmpi eq, %add3A_89, %eq3A_216 : vector<16xi32>
      %jit3A_218 = arith.constant 1.000000e+00 : f32
      %jit3A_219 = arith.constant 0.000000e+00 : f32
      %broadcast_in_dim3A_220 = vector.broadcast %jit3A_218 : f32 to vector<16xf32>
      %broadcast_in_dim3A_221 = vector.broadcast %jit3A_219 : f32 to vector<16xf32>
      %select_n3A_222 = arith.select %eq3A_217, %broadcast_in_dim3A_220, %broadcast_in_dim3A_221 : vector<16xi1>, vector<16xf32>
      %swap3A_223 = arith.constant 9 : i32
      %swap3A_224 = arith.index_cast %swap3A_223 : i32 to index
      %swap3A_225 = arith.constant 0 : index
      %swap3A_226 = tpu.vector_load %arg5[%swap3A_224, %swap3A_225] {strides = array<i32>} : memref<16x128xf32, #tpu.memory_space<vmem>>, vector<1x16xf32>,
      %swap3A_227 = vector.shape_cast %swap3A_226 : vector<1x16xf32> to vector<16xf32>
      %swap3A_228 = vector.shape_cast %select_n3A_222 : vector<16xf32> to vector<1x16xf32>
      tpu.vector_store %arg5[%swap3A_224, %swap3A_225], %swap3A_228 {strides = array<i32>} : memref<16x128xf32, #tpu.memory_space<vmem>>, vector<1x16xf32>,
      %eq3A_229 = arith.constant 10 : i32
      %eq3A_230 = vector.broadcast %eq3A_229 : i32 to vector<16xi32>
      %eq3A_231 = arith.cmpi eq, %add3A_89, %eq3A_230 : vector<16xi32>
      %jit3A_232 = arith.constant 1.000000e+00 : f32
      %jit3A_233 = arith.constant 0.000000e+00 : f32
      %broadcast_in_dim3A_234 = vector.broadcast %jit3A_232 : f32 to vector<16xf32>
      %broadcast_in_dim3A_235 = vector.broadcast %jit3A_233 : f32 to vector<16xf32>
      %select_n3A_236 = arith.select %eq3A_231, %broadcast_in_dim3A_234, %broadcast_in_dim3A_235 : vector<16xi1>, vector<16xf32>
      %swap3A_237 = arith.constant 10 : i32
      %swap3A_238 = arith.index_cast %swap3A_237 : i32 to index
      %swap3A_239 = arith.constant 0 : index
      %swap3A_240 = tpu.vector_load %arg5[%swap3A_238, %swap3A_239] {strides = array<i32>} : memref<16x128xf32, #tpu.memory_space<vmem>>, vector<1x16xf32>,
      %swap3A_241 = vector.shape_cast %swap3A_240 : vector<1x16xf32> to vector<16xf32>
      %swap3A_242 = vector.shape_cast %select_n3A_236 : vector<16xf32> to vector<1x16xf32>
      tpu.vector_store %arg5[%swap3A_238, %swap3A_239], %swap3A_242 {strides = array<i32>} : memref<16x128xf32, #tpu.memory_space<vmem>>, vector<1x16xf32>,
      %eq3A_243 = arith.constant 11 : i32
      %eq3A_244 = vector.broadcast %eq3A_243 : i32 to vector<16xi32>
      %eq3A_245 = arith.cmpi eq, %add3A_89, %eq3A_244 : vector<16xi32>
      %jit3A_246 = arith.constant 1.000000e+00 : f32
      %jit3A_247 = arith.constant 0.000000e+00 : f32
      %broadcast_in_dim3A_248 = vector.broadcast %jit3A_246 : f32 to vector<16xf32>
      %broadcast_in_dim3A_249 = vector.broadcast %jit3A_247 : f32 to vector<16xf32>
      %select_n3A_250 = arith.select %eq3A_245, %broadcast_in_dim3A_248, %broadcast_in_dim3A_249 : vector<16xi1>, vector<16xf32>
      %swap3A_251 = arith.constant 11 : i32
      %swap3A_252 = arith.index_cast %swap3A_251 : i32 to index
      %swap3A_253 = arith.constant 0 : index
      %swap3A_254 = tpu.vector_load %arg5[%swap3A_252, %swap3A_253] {strides = array<i32>} : memref<16x128xf32, #tpu.memory_space<vmem>>, vector<1x16xf32>,
      %swap3A_255 = vector.shape_cast %swap3A_254 : vector<1x16xf32> to vector<16xf32>
      %swap3A_256 = vector.shape_cast %select_n3A_250 : vector<16xf32> to vector<1x16xf32>
      tpu.vector_store %arg5[%swap3A_252, %swap3A_253], %swap3A_256 {strides = array<i32>} : memref<16x128xf32, #tpu.memory_space<vmem>>, vector<1x16xf32>,
      %eq3A_257 = arith.constant 12 : i32
      %eq3A_258 = vector.broadcast %eq3A_257 : i32 to vector<16xi32>
      %eq3A_259 = arith.cmpi eq, %add3A_89, %eq3A_258 : vector<16xi32>
      %jit3A_260 = arith.constant 1.000000e+00 : f32
      %jit3A_261 = arith.constant 0.000000e+00 : f32
      %broadcast_in_dim3A_262 = vector.broadcast %jit3A_260 : f32 to vector<16xf32>
      %broadcast_in_dim3A_263 = vector.broadcast %jit3A_261 : f32 to vector<16xf32>
      %select_n3A_264 = arith.select %eq3A_259, %broadcast_in_dim3A_262, %broadcast_in_dim3A_263 : vector<16xi1>, vector<16xf32>
      %swap3A_265 = arith.constant 12 : i32
      %swap3A_266 = arith.index_cast %swap3A_265 : i32 to index
      %swap3A_267 = arith.constant 0 : index
      %swap3A_268 = tpu.vector_load %arg5[%swap3A_266, %swap3A_267] {strides = array<i32>} : memref<16x128xf32, #tpu.memory_space<vmem>>, vector<1x16xf32>,
      %swap3A_269 = vector.shape_cast %swap3A_268 : vector<1x16xf32> to vector<16xf32>
      %swap3A_270 = vector.shape_cast %select_n3A_264 : vector<16xf32> to vector<1x16xf32>
      tpu.vector_store %arg5[%swap3A_266, %swap3A_267], %swap3A_270 {strides = array<i32>} : memref<16x128xf32, #tpu.memory_space<vmem>>, vector<1x16xf32>,
      %eq3A_271 = arith.constant 13 : i32
      %eq3A_272 = vector.broadcast %eq3A_271 : i32 to vector<16xi32>
      %eq3A_273 = arith.cmpi eq, %add3A_89, %eq3A_272 : vector<16xi32>
      %jit3A_274 = arith.constant 1.000000e+00 : f32
      %jit3A_275 = arith.constant 0.000000e+00 : f32
      %broadcast_in_dim3A_276 = vector.broadcast %jit3A_274 : f32 to vector<16xf32>
      %broadcast_in_dim3A_277 = vector.broadcast %jit3A_275 : f32 to vector<16xf32>
      %select_n3A_278 = arith.select %eq3A_273, %broadcast_in_dim3A_276, %broadcast_in_dim3A_277 : vector<16xi1>, vector<16xf32>
      %swap3A_279 = arith.constant 13 : i32
      %swap3A_280 = arith.index_cast %swap3A_279 : i32 to index
      %swap3A_281 = arith.constant 0 : index
      %swap3A_282 = tpu.vector_load %arg5[%swap3A_280, %swap3A_281] {strides = array<i32>} : memref<16x128xf32, #tpu.memory_space<vmem>>, vector<1x16xf32>,
      %swap3A_283 = vector.shape_cast %swap3A_282 : vector<1x16xf32> to vector<16xf32>
      %swap3A_284 = vector.shape_cast %select_n3A_278 : vector<16xf32> to vector<1x16xf32>
      tpu.vector_store %arg5[%swap3A_280, %swap3A_281], %swap3A_284 {strides = array<i32>} : memref<16x128xf32, #tpu.memory_space<vmem>>, vector<1x16xf32>,
      %eq3A_285 = arith.constant 14 : i32
      %eq3A_286 = vector.broadcast %eq3A_285 : i32 to vector<16xi32>
      %eq3A_287 = arith.cmpi eq, %add3A_89, %eq3A_286 : vector<16xi32>
      %jit3A_288 = arith.constant 1.000000e+00 : f32
      %jit3A_289 = arith.constant 0.000000e+00 : f32
      %broadcast_in_dim3A_290 = vector.broadcast %jit3A_288 : f32 to vector<16xf32>
      %broadcast_in_dim3A_291 = vector.broadcast %jit3A_289 : f32 to vector<16xf32>
      %select_n3A_292 = arith.select %eq3A_287, %broadcast_in_dim3A_290, %broadcast_in_dim3A_291 : vector<16xi1>, vector<16xf32>
      %swap3A_293 = arith.constant 14 : i32
      %swap3A_294 = arith.index_cast %swap3A_293 : i32 to index
      %swap3A_295 = arith.constant 0 : index
      %swap3A_296 = tpu.vector_load %arg5[%swap3A_294, %swap3A_295] {strides = array<i32>} : memref<16x128xf32, #tpu.memory_space<vmem>>, vector<1x16xf32>,
      %swap3A_297 = vector.shape_cast %swap3A_296 : vector<1x16xf32> to vector<16xf32>
      %swap3A_298 = vector.shape_cast %select_n3A_292 : vector<16xf32> to vector<1x16xf32>
      tpu.vector_store %arg5[%swap3A_294, %swap3A_295], %swap3A_298 {strides = array<i32>} : memref<16x128xf32, #tpu.memory_space<vmem>>, vector<1x16xf32>,
      %eq3A_299 = arith.constant 15 : i32
      %eq3A_300 = vector.broadcast %eq3A_299 : i32 to vector<16xi32>
      %eq3A_301 = arith.cmpi eq, %add3A_89, %eq3A_300 : vector<16xi32>
      %jit3A_302 = arith.constant 1.000000e+00 : f32
      %jit3A_303 = arith.constant 0.000000e+00 : f32
      %broadcast_in_dim3A_304 = vector.broadcast %jit3A_302 : f32 to vector<16xf32>
      %broadcast_in_dim3A_305 = vector.broadcast %jit3A_303 : f32 to vector<16xf32>
      %select_n3A_306 = arith.select %eq3A_301, %broadcast_in_dim3A_304, %broadcast_in_dim3A_305 : vector<16xi1>, vector<16xf32>
      %swap3A_307 = arith.constant 15 : i32
      %swap3A_308 = arith.index_cast %swap3A_307 : i32 to index
      %swap3A_309 = arith.constant 0 : index
      %swap3A_310 = tpu.vector_load %arg5[%swap3A_308, %swap3A_309] {strides = array<i32>} : memref<16x128xf32, #tpu.memory_space<vmem>>, vector<1x16xf32>,
      %swap3A_311 = vector.shape_cast %swap3A_310 : vector<1x16xf32> to vector<16xf32>
      %swap3A_312 = vector.shape_cast %select_n3A_306 : vector<16xf32> to vector<1x16xf32>
      tpu.vector_store %arg5[%swap3A_308, %swap3A_309], %swap3A_312 {strides = array<i32>} : memref<16x128xf32, #tpu.memory_space<vmem>>, vector<1x16xf32>,
      %broadcast_in_dim3A_313 = arith.constant 0 : i32
      %broadcast_in_dim3A_314 = vector.broadcast %broadcast_in_dim3A_313 : i32 to vector<16xi32>
      %get3A_315 = arith.constant 0 : i32
      %get3A_316 = arith.index_cast %get3A_315 : i32 to index
      %get3A_317 = arith.constant 16 : index
      %get3A_318 = tpu.vector_load %arg4[%get3A_316, %get3A_317] {strides = array<i32>} : memref<8x128xf32, #tpu.memory_space<vmem>>, vector<1x16xf32>,
      %get3A_319 = vector.shape_cast %get3A_318 : vector<1x16xf32> to vector<16xf32>
      %get3A_320 = arith.constant 4 : i32
      %get3A_321 = arith.index_cast %get3A_320 : i32 to index
      %get3A_322 = arith.constant 16 : index
      %get3A_323 = tpu.vector_load %arg4[%get3A_321, %get3A_322] {strides = array<i32>} : memref<8x128xf32, #tpu.memory_space<vmem>>, vector<1x16xf32>,
      %get3A_324 = vector.shape_cast %get3A_323 : vector<1x16xf32> to vector<16xf32>
      %gt3A_325 = arith.constant 0.000000e+00 : f32
      %gt3A_326 = vector.broadcast %gt3A_325 : f32 to vector<16xf32>
      %gt3A_327 = arith.cmpf ogt, %get3A_319, %gt3A_326 : vector<16xf32>
      %gt3A_328 = arith.constant 0.000000e+00 : f32
      %gt3A_329 = vector.broadcast %gt3A_328 : f32 to vector<16xf32>
      %gt3A_330 = arith.cmpf ogt, %get3A_324, %gt3A_329 : vector<16xf32>
      %and3A_331 = arith.andi %gt3A_327, %gt3A_330 : vector<16xi1>
      %jit3A_332 = arith.constant 1 : i32
      %jit3A_333 = arith.constant 0 : i32
      %broadcast_in_dim3A_334 = vector.broadcast %jit3A_332 : i32 to vector<16xi32>
      %broadcast_in_dim3A_335 = vector.broadcast %jit3A_333 : i32 to vector<16xi32>
      %select_n3A_336 = arith.select %and3A_331, %broadcast_in_dim3A_334, %broadcast_in_dim3A_335 : vector<16xi1>, vector<16xi32>
      %add3A_337 = arith.addi %broadcast_in_dim3A_314, %select_n3A_336 : vector<16xi32>
      %get3A_338 = arith.constant 1 : i32
      %get3A_339 = arith.index_cast %get3A_338 : i32 to index
      %get3A_340 = arith.constant 16 : index
      %get3A_341 = tpu.vector_load %arg4[%get3A_339, %get3A_340] {strides = array<i32>} : memref<8x128xf32, #tpu.memory_space<vmem>>, vector<1x16xf32>,
      %get3A_342 = vector.shape_cast %get3A_341 : vector<1x16xf32> to vector<16xf32>
      %get3A_343 = arith.constant 5 : i32
      %get3A_344 = arith.index_cast %get3A_343 : i32 to index
      %get3A_345 = arith.constant 16 : index
      %get3A_346 = tpu.vector_load %arg4[%get3A_344, %get3A_345] {strides = array<i32>} : memref<8x128xf32, #tpu.memory_space<vmem>>, vector<1x16xf32>,
      %get3A_347 = vector.shape_cast %get3A_346 : vector<1x16xf32> to vector<16xf32>
      %gt3A_348 = arith.constant 0.000000e+00 : f32
      %gt3A_349 = vector.broadcast %gt3A_348 : f32 to vector<16xf32>
      %gt3A_350 = arith.cmpf ogt, %get3A_342, %gt3A_349 : vector<16xf32>
      %gt3A_351 = arith.constant 0.000000e+00 : f32
      %gt3A_352 = vector.broadcast %gt3A_351 : f32 to vector<16xf32>
      %gt3A_353 = arith.cmpf ogt, %get3A_347, %gt3A_352 : vector<16xf32>
      %and3A_354 = arith.andi %gt3A_350, %gt3A_353 : vector<16xi1>
      %jit3A_355 = arith.constant 2 : i32
      %jit3A_356 = arith.constant 0 : i32
      %broadcast_in_dim3A_357 = vector.broadcast %jit3A_355 : i32 to vector<16xi32>
      %broadcast_in_dim3A_358 = vector.broadcast %jit3A_356 : i32 to vector<16xi32>
      %select_n3A_359 = arith.select %and3A_354, %broadcast_in_dim3A_357, %broadcast_in_dim3A_358 : vector<16xi1>, vector<16xi32>
      %add3A_360 = arith.addi %add3A_337, %select_n3A_359 : vector<16xi32>
      %get3A_361 = arith.constant 2 : i32
      %get3A_362 = arith.index_cast %get3A_361 : i32 to index
      %get3A_363 = arith.constant 16 : index
      %get3A_364 = tpu.vector_load %arg4[%get3A_362, %get3A_363] {strides = array<i32>} : memref<8x128xf32, #tpu.memory_space<vmem>>, vector<1x16xf32>,
      %get3A_365 = vector.shape_cast %get3A_364 : vector<1x16xf32> to vector<16xf32>
      %get3A_366 = arith.constant 6 : i32
      %get3A_367 = arith.index_cast %get3A_366 : i32 to index
      %get3A_368 = arith.constant 16 : index
      %get3A_369 = tpu.vector_load %arg4[%get3A_367, %get3A_368] {strides = array<i32>} : memref<8x128xf32, #tpu.memory_space<vmem>>, vector<1x16xf32>,
      %get3A_370 = vector.shape_cast %get3A_369 : vector<1x16xf32> to vector<16xf32>
      %gt3A_371 = arith.constant 0.000000e+00 : f32
      %gt3A_372 = vector.broadcast %gt3A_371 : f32 to vector<16xf32>
      %gt3A_373 = arith.cmpf ogt, %get3A_365, %gt3A_372 : vector<16xf32>
      %gt3A_374 = arith.constant 0.000000e+00 : f32
      %gt3A_375 = vector.broadcast %gt3A_374 : f32 to vector<16xf32>
      %gt3A_376 = arith.cmpf ogt, %get3A_370, %gt3A_375 : vector<16xf32>
      %and3A_377 = arith.andi %gt3A_373, %gt3A_376 : vector<16xi1>
      %jit3A_378 = arith.constant 4 : i32
      %jit3A_379 = arith.constant 0 : i32
      %broadcast_in_dim3A_380 = vector.broadcast %jit3A_378 : i32 to vector<16xi32>
      %broadcast_in_dim3A_381 = vector.broadcast %jit3A_379 : i32 to vector<16xi32>
      %select_n3A_382 = arith.select %and3A_377, %broadcast_in_dim3A_380, %broadcast_in_dim3A_381 : vector<16xi1>, vector<16xi32>
      %add3A_383 = arith.addi %add3A_360, %select_n3A_382 : vector<16xi32>
      %get3A_384 = arith.constant 3 : i32
      %get3A_385 = arith.index_cast %get3A_384 : i32 to index
      %get3A_386 = arith.constant 16 : index
      %get3A_387 = tpu.vector_load %arg4[%get3A_385, %get3A_386] {strides = array<i32>} : memref<8x128xf32, #tpu.memory_space<vmem>>, vector<1x16xf32>,
      %get3A_388 = vector.shape_cast %get3A_387 : vector<1x16xf32> to vector<16xf32>
      %get3A_389 = arith.constant 7 : i32
      %get3A_390 = arith.index_cast %get3A_389 : i32 to index
      %get3A_391 = arith.constant 16 : index
      %get3A_392 = tpu.vector_load %arg4[%get3A_390, %get3A_391] {strides = array<i32>} : memref<8x128xf32, #tpu.memory_space<vmem>>, vector<1x16xf32>,
      %get3A_393 = vector.shape_cast %get3A_392 : vector<1x16xf32> to vector<16xf32>
      %gt3A_394 = arith.constant 0.000000e+00 : f32
      %gt3A_395 = vector.broadcast %gt3A_394 : f32 to vector<16xf32>
      %gt3A_396 = arith.cmpf ogt, %get3A_388, %gt3A_395 : vector<16xf32>
      %gt3A_397 = arith.constant 0.000000e+00 : f32
      %gt3A_398 = vector.broadcast %gt3A_397 : f32 to vector<16xf32>
      %gt3A_399 = arith.cmpf ogt, %get3A_393, %gt3A_398 : vector<16xf32>
      %and3A_400 = arith.andi %gt3A_396, %gt3A_399 : vector<16xi1>
      %jit3A_401 = arith.constant 8 : i32
      %jit3A_402 = arith.constant 0 : i32
      %broadcast_in_dim3A_403 = vector.broadcast %jit3A_401 : i32 to vector<16xi32>
      %broadcast_in_dim3A_404 = vector.broadcast %jit3A_402 : i32 to vector<16xi32>
      %select_n3A_405 = arith.select %and3A_400, %broadcast_in_dim3A_403, %broadcast_in_dim3A_404 : vector<16xi1>, vector<16xi32>
      %add3A_406 = arith.addi %add3A_383, %select_n3A_405 : vector<16xi32>
      %eq3A_407 = arith.constant 0 : i32
      %eq3A_408 = vector.broadcast %eq3A_407 : i32 to vector<16xi32>
      %eq3A_409 = arith.cmpi eq, %add3A_406, %eq3A_408 : vector<16xi32>
      %jit3A_410 = arith.constant 1.000000e+00 : f32
      %jit3A_411 = arith.constant 0.000000e+00 : f32
      %broadcast_in_dim3A_412 = vector.broadcast %jit3A_410 : f32 to vector<16xf32>
      %broadcast_in_dim3A_413 = vector.broadcast %jit3A_411 : f32 to vector<16xf32>
      %select_n3A_414 = arith.select %eq3A_409, %broadcast_in_dim3A_412, %broadcast_in_dim3A_413 : vector<16xi1>, vector<16xf32>
      %swap3A_415 = arith.constant 0 : i32
      %swap3A_416 = arith.index_cast %swap3A_415 : i32 to index
      %swap3A_417 = arith.constant 16 : index
      %swap3A_418 = tpu.vector_load %arg5[%swap3A_416, %swap3A_417] {strides = array<i32>} : memref<16x128xf32, #tpu.memory_space<vmem>>, vector<1x16xf32>,
      %swap3A_419 = vector.shape_cast %swap3A_418 : vector<1x16xf32> to vector<16xf32>
      %swap3A_420 = vector.shape_cast %select_n3A_414 : vector<16xf32> to vector<1x16xf32>
      tpu.vector_store %arg5[%swap3A_416, %swap3A_417], %swap3A_420 {strides = array<i32>} : memref<16x128xf32, #tpu.memory_space<vmem>>, vector<1x16xf32>,
      %eq3A_421 = arith.constant 1 : i32
      %eq3A_422 = vector.broadcast %eq3A_421 : i32 to vector<16xi32>
      %eq3A_423 = arith.cmpi eq, %add3A_406, %eq3A_422 : vector<16xi32>
      %jit3A_424 = arith.constant 1.000000e+00 : f32
      %jit3A_425 = arith.constant 0.000000e+00 : f32
      %broadcast_in_dim3A_426 = vector.broadcast %jit3A_424 : f32 to vector<16xf32>
      %broadcast_in_dim3A_427 = vector.broadcast %jit3A_425 : f32 to vector<16xf32>
      %select_n3A_428 = arith.select %eq3A_423, %broadcast_in_dim3A_426, %broadcast_in_dim3A_427 : vector<16xi1>, vector<16xf32>
      %swap3A_429 = arith.constant 1 : i32
      %swap3A_430 = arith.index_cast %swap3A_429 : i32 to index
      %swap3A_431 = arith.constant 16 : index
      %swap3A_432 = tpu.vector_load %arg5[%swap3A_430, %swap3A_431] {strides = array<i32>} : memref<16x128xf32, #tpu.memory_space<vmem>>, vector<1x16xf32>,
      %swap3A_433 = vector.shape_cast %swap3A_432 : vector<1x16xf32> to vector<16xf32>
      %swap3A_434 = vector.shape_cast %select_n3A_428 : vector<16xf32> to vector<1x16xf32>
      tpu.vector_store %arg5[%swap3A_430, %swap3A_431], %swap3A_434 {strides = array<i32>} : memref<16x128xf32, #tpu.memory_space<vmem>>, vector<1x16xf32>,
      %eq3A_435 = arith.constant 2 : i32
      %eq3A_436 = vector.broadcast %eq3A_435 : i32 to vector<16xi32>
      %eq3A_437 = arith.cmpi eq, %add3A_406, %eq3A_436 : vector<16xi32>
      %jit3A_438 = arith.constant 1.000000e+00 : f32
      %jit3A_439 = arith.constant 0.000000e+00 : f32
      %broadcast_in_dim3A_440 = vector.broadcast %jit3A_438 : f32 to vector<16xf32>
      %broadcast_in_dim3A_441 = vector.broadcast %jit3A_439 : f32 to vector<16xf32>
      %select_n3A_442 = arith.select %eq3A_437, %broadcast_in_dim3A_440, %broadcast_in_dim3A_441 : vector<16xi1>, vector<16xf32>
      %swap3A_443 = arith.constant 2 : i32
      %swap3A_444 = arith.index_cast %swap3A_443 : i32 to index
      %swap3A_445 = arith.constant 16 : index
      %swap3A_446 = tpu.vector_load %arg5[%swap3A_444, %swap3A_445] {strides = array<i32>} : memref<16x128xf32, #tpu.memory_space<vmem>>, vector<1x16xf32>,
      %swap3A_447 = vector.shape_cast %swap3A_446 : vector<1x16xf32> to vector<16xf32>
      %swap3A_448 = vector.shape_cast %select_n3A_442 : vector<16xf32> to vector<1x16xf32>
      tpu.vector_store %arg5[%swap3A_444, %swap3A_445], %swap3A_448 {strides = array<i32>} : memref<16x128xf32, #tpu.memory_space<vmem>>, vector<1x16xf32>,
      %eq3A_449 = arith.constant 3 : i32
      %eq3A_450 = vector.broadcast %eq3A_449 : i32 to vector<16xi32>
      %eq3A_451 = arith.cmpi eq, %add3A_406, %eq3A_450 : vector<16xi32>
      %jit3A_452 = arith.constant 1.000000e+00 : f32
      %jit3A_453 = arith.constant 0.000000e+00 : f32
      %broadcast_in_dim3A_454 = vector.broadcast %jit3A_452 : f32 to vector<16xf32>
      %broadcast_in_dim3A_455 = vector.broadcast %jit3A_453 : f32 to vector<16xf32>
      %select_n3A_456 = arith.select %eq3A_451, %broadcast_in_dim3A_454, %broadcast_in_dim3A_455 : vector<16xi1>, vector<16xf32>
      %swap3A_457 = arith.constant 3 : i32
      %swap3A_458 = arith.index_cast %swap3A_457 : i32 to index
      %swap3A_459 = arith.constant 16 : index
      %swap3A_460 = tpu.vector_load %arg5[%swap3A_458, %swap3A_459] {strides = array<i32>} : memref<16x128xf32, #tpu.memory_space<vmem>>, vector<1x16xf32>,
      %swap3A_461 = vector.shape_cast %swap3A_460 : vector<1x16xf32> to vector<16xf32>
      %swap3A_462 = vector.shape_cast %select_n3A_456 : vector<16xf32> to vector<1x16xf32>
      tpu.vector_store %arg5[%swap3A_458, %swap3A_459], %swap3A_462 {strides = array<i32>} : memref<16x128xf32, #tpu.memory_space<vmem>>, vector<1x16xf32>,
      %eq3A_463 = arith.constant 4 : i32
      %eq3A_464 = vector.broadcast %eq3A_463 : i32 to vector<16xi32>
      %eq3A_465 = arith.cmpi eq, %add3A_406, %eq3A_464 : vector<16xi32>
      %jit3A_466 = arith.constant 1.000000e+00 : f32
      %jit3A_467 = arith.constant 0.000000e+00 : f32
      %broadcast_in_dim3A_468 = vector.broadcast %jit3A_466 : f32 to vector<16xf32>
      %broadcast_in_dim3A_469 = vector.broadcast %jit3A_467 : f32 to vector<16xf32>
      %select_n3A_470 = arith.select %eq3A_465, %broadcast_in_dim3A_468, %broadcast_in_dim3A_469 : vector<16xi1>, vector<16xf32>
      %swap3A_471 = arith.constant 4 : i32
      %swap3A_472 = arith.index_cast %swap3A_471 : i32 to index
      %swap3A_473 = arith.constant 16 : index
      %swap3A_474 = tpu.vector_load %arg5[%swap3A_472, %swap3A_473] {strides = array<i32>} : memref<16x128xf32, #tpu.memory_space<vmem>>, vector<1x16xf32>,
      %swap3A_475 = vector.shape_cast %swap3A_474 : vector<1x16xf32> to vector<16xf32>
      %swap3A_476 = vector.shape_cast %select_n3A_470 : vector<16xf32> to vector<1x16xf32>
      tpu.vector_store %arg5[%swap3A_472, %swap3A_473], %swap3A_476 {strides = array<i32>} : memref<16x128xf32, #tpu.memory_space<vmem>>, vector<1x16xf32>,
      %eq3A_477 = arith.constant 5 : i32
      %eq3A_478 = vector.broadcast %eq3A_477 : i32 to vector<16xi32>
      %eq3A_479 = arith.cmpi eq, %add3A_406, %eq3A_478 : vector<16xi32>
      %jit3A_480 = arith.constant 1.000000e+00 : f32
      %jit3A_481 = arith.constant 0.000000e+00 : f32
      %broadcast_in_dim3A_482 = vector.broadcast %jit3A_480 : f32 to vector<16xf32>
      %broadcast_in_dim3A_483 = vector.broadcast %jit3A_481 : f32 to vector<16xf32>
      %select_n3A_484 = arith.select %eq3A_479, %broadcast_in_dim3A_482, %broadcast_in_dim3A_483 : vector<16xi1>, vector<16xf32>
      %swap3A_485 = arith.constant 5 : i32
      %swap3A_486 = arith.index_cast %swap3A_485 : i32 to index
      %swap3A_487 = arith.constant 16 : index
      %swap3A_488 = tpu.vector_load %arg5[%swap3A_486, %swap3A_487] {strides = array<i32>} : memref<16x128xf32, #tpu.memory_space<vmem>>, vector<1x16xf32>,
      %swap3A_489 = vector.shape_cast %swap3A_488 : vector<1x16xf32> to vector<16xf32>
      %swap3A_490 = vector.shape_cast %select_n3A_484 : vector<16xf32> to vector<1x16xf32>
      tpu.vector_store %arg5[%swap3A_486, %swap3A_487], %swap3A_490 {strides = array<i32>} : memref<16x128xf32, #tpu.memory_space<vmem>>, vector<1x16xf32>,
      %eq3A_491 = arith.constant 6 : i32
      %eq3A_492 = vector.broadcast %eq3A_491 : i32 to vector<16xi32>
      %eq3A_493 = arith.cmpi eq, %add3A_406, %eq3A_492 : vector<16xi32>
      %jit3A_494 = arith.constant 1.000000e+00 : f32
      %jit3A_495 = arith.constant 0.000000e+00 : f32
      %broadcast_in_dim3A_496 = vector.broadcast %jit3A_494 : f32 to vector<16xf32>
      %broadcast_in_dim3A_497 = vector.broadcast %jit3A_495 : f32 to vector<16xf32>
      %select_n3A_498 = arith.select %eq3A_493, %broadcast_in_dim3A_496, %broadcast_in_dim3A_497 : vector<16xi1>, vector<16xf32>
      %swap3A_499 = arith.constant 6 : i32
      %swap3A_500 = arith.index_cast %swap3A_499 : i32 to index
      %swap3A_501 = arith.constant 16 : index
      %swap3A_502 = tpu.vector_load %arg5[%swap3A_500, %swap3A_501] {strides = array<i32>} : memref<16x128xf32, #tpu.memory_space<vmem>>, vector<1x16xf32>,
      %swap3A_503 = vector.shape_cast %swap3A_502 : vector<1x16xf32> to vector<16xf32>
      %swap3A_504 = vector.shape_cast %select_n3A_498 : vector<16xf32> to vector<1x16xf32>
      tpu.vector_store %arg5[%swap3A_500, %swap3A_501], %swap3A_504 {strides = array<i32>} : memref<16x128xf32, #tpu.memory_space<vmem>>, vector<1x16xf32>,
      %eq3A_505 = arith.constant 7 : i32
      %eq3A_506 = vector.broadcast %eq3A_505 : i32 to vector<16xi32>
      %eq3A_507 = arith.cmpi eq, %add3A_406, %eq3A_506 : vector<16xi32>
      %jit3A_508 = arith.constant 1.000000e+00 : f32
      %jit3A_509 = arith.constant 0.000000e+00 : f32
      %broadcast_in_dim3A_510 = vector.broadcast %jit3A_508 : f32 to vector<16xf32>
      %broadcast_in_dim3A_511 = vector.broadcast %jit3A_509 : f32 to vector<16xf32>
      %select_n3A_512 = arith.select %eq3A_507, %broadcast_in_dim3A_510, %broadcast_in_dim3A_511 : vector<16xi1>, vector<16xf32>
      %swap3A_513 = arith.constant 7 : i32
      %swap3A_514 = arith.index_cast %swap3A_513 : i32 to index
      %swap3A_515 = arith.constant 16 : index
      %swap3A_516 = tpu.vector_load %arg5[%swap3A_514, %swap3A_515] {strides = array<i32>} : memref<16x128xf32, #tpu.memory_space<vmem>>, vector<1x16xf32>,
      %swap3A_517 = vector.shape_cast %swap3A_516 : vector<1x16xf32> to vector<16xf32>
      %swap3A_518 = vector.shape_cast %select_n3A_512 : vector<16xf32> to vector<1x16xf32>
      tpu.vector_store %arg5[%swap3A_514, %swap3A_515], %swap3A_518 {strides = array<i32>} : memref<16x128xf32, #tpu.memory_space<vmem>>, vector<1x16xf32>,
      %eq3A_519 = arith.constant 8 : i32
      %eq3A_520 = vector.broadcast %eq3A_519 : i32 to vector<16xi32>
      %eq3A_521 = arith.cmpi eq, %add3A_406, %eq3A_520 : vector<16xi32>
      %jit3A_522 = arith.constant 1.000000e+00 : f32
      %jit3A_523 = arith.constant 0.000000e+00 : f32
      %broadcast_in_dim3A_524 = vector.broadcast %jit3A_522 : f32 to vector<16xf32>
      %broadcast_in_dim3A_525 = vector.broadcast %jit3A_523 : f32 to vector<16xf32>
      %select_n3A_526 = arith.select %eq3A_521, %broadcast_in_dim3A_524, %broadcast_in_dim3A_525 : vector<16xi1>, vector<16xf32>
      %swap3A_527 = arith.constant 8 : i32
      %swap3A_528 = arith.index_cast %swap3A_527 : i32 to index
      %swap3A_529 = arith.constant 16 : index
      %swap3A_530 = tpu.vector_load %arg5[%swap3A_528, %swap3A_529] {strides = array<i32>} : memref<16x128xf32, #tpu.memory_space<vmem>>, vector<1x16xf32>,
      %swap3A_531 = vector.shape_cast %swap3A_530 : vector<1x16xf32> to vector<16xf32>
      %swap3A_532 = vector.shape_cast %select_n3A_526 : vector<16xf32> to vector<1x16xf32>
      tpu.vector_store %arg5[%swap3A_528, %swap3A_529], %swap3A_532 {strides = array<i32>} : memref<16x128xf32, #tpu.memory_space<vmem>>, vector<1x16xf32>,
      %eq3A_533 = arith.constant 9 : i32
      %eq3A_534 = vector.broadcast %eq3A_533 : i32 to vector<16xi32>
      %eq3A_535 = arith.cmpi eq, %add3A_406, %eq3A_534 : vector<16xi32>
      %jit3A_536 = arith.constant 1.000000e+00 : f32
      %jit3A_537 = arith.constant 0.000000e+00 : f32
      %broadcast_in_dim3A_538 = vector.broadcast %jit3A_536 : f32 to vector<16xf32>
      %broadcast_in_dim3A_539 = vector.broadcast %jit3A_537 : f32 to vector<16xf32>
      %select_n3A_540 = arith.select %eq3A_535, %broadcast_in_dim3A_538, %broadcast_in_dim3A_539 : vector<16xi1>, vector<16xf32>
      %swap3A_541 = arith.constant 9 : i32
      %swap3A_542 = arith.index_cast %swap3A_541 : i32 to index
      %swap3A_543 = arith.constant 16 : index
      %swap3A_544 = tpu.vector_load %arg5[%swap3A_542, %swap3A_543] {strides = array<i32>} : memref<16x128xf32, #tpu.memory_space<vmem>>, vector<1x16xf32>,
      %swap3A_545 = vector.shape_cast %swap3A_544 : vector<1x16xf32> to vector<16xf32>
      %swap3A_546 = vector.shape_cast %select_n3A_540 : vector<16xf32> to vector<1x16xf32>
      tpu.vector_store %arg5[%swap3A_542, %swap3A_543], %swap3A_546 {strides = array<i32>} : memref<16x128xf32, #tpu.memory_space<vmem>>, vector<1x16xf32>,
      %eq3A_547 = arith.constant 10 : i32
      %eq3A_548 = vector.broadcast %eq3A_547 : i32 to vector<16xi32>
      %eq3A_549 = arith.cmpi eq, %add3A_406, %eq3A_548 : vector<16xi32>
      %jit3A_550 = arith.constant 1.000000e+00 : f32
      %jit3A_551 = arith.constant 0.000000e+00 : f32
      %broadcast_in_dim3A_552 = vector.broadcast %jit3A_550 : f32 to vector<16xf32>
      %broadcast_in_dim3A_553 = vector.broadcast %jit3A_551 : f32 to vector<16xf32>
      %select_n3A_554 = arith.select %eq3A_549, %broadcast_in_dim3A_552, %broadcast_in_dim3A_553 : vector<16xi1>, vector<16xf32>
      %swap3A_555 = arith.constant 10 : i32
      %swap3A_556 = arith.index_cast %swap3A_555 : i32 to index
      %swap3A_557 = arith.constant 16 : index
      %swap3A_558 = tpu.vector_load %arg5[%swap3A_556, %swap3A_557] {strides = array<i32>} : memref<16x128xf32, #tpu.memory_space<vmem>>, vector<1x16xf32>,
      %swap3A_559 = vector.shape_cast %swap3A_558 : vector<1x16xf32> to vector<16xf32>
      %swap3A_560 = vector.shape_cast %select_n3A_554 : vector<16xf32> to vector<1x16xf32>
      tpu.vector_store %arg5[%swap3A_556, %swap3A_557], %swap3A_560 {strides = array<i32>} : memref<16x128xf32, #tpu.memory_space<vmem>>, vector<1x16xf32>,
      %eq3A_561 = arith.constant 11 : i32
      %eq3A_562 = vector.broadcast %eq3A_561 : i32 to vector<16xi32>
      %eq3A_563 = arith.cmpi eq, %add3A_406, %eq3A_562 : vector<16xi32>
      %jit3A_564 = arith.constant 1.000000e+00 : f32
      %jit3A_565 = arith.constant 0.000000e+00 : f32
      %broadcast_in_dim3A_566 = vector.broadcast %jit3A_564 : f32 to vector<16xf32>
      %broadcast_in_dim3A_567 = vector.broadcast %jit3A_565 : f32 to vector<16xf32>
      %select_n3A_568 = arith.select %eq3A_563, %broadcast_in_dim3A_566, %broadcast_in_dim3A_567 : vector<16xi1>, vector<16xf32>
      %swap3A_569 = arith.constant 11 : i32
      %swap3A_570 = arith.index_cast %swap3A_569 : i32 to index
      %swap3A_571 = arith.constant 16 : index
      %swap3A_572 = tpu.vector_load %arg5[%swap3A_570, %swap3A_571] {strides = array<i32>} : memref<16x128xf32, #tpu.memory_space<vmem>>, vector<1x16xf32>,
      %swap3A_573 = vector.shape_cast %swap3A_572 : vector<1x16xf32> to vector<16xf32>
      %swap3A_574 = vector.shape_cast %select_n3A_568 : vector<16xf32> to vector<1x16xf32>
      tpu.vector_store %arg5[%swap3A_570, %swap3A_571], %swap3A_574 {strides = array<i32>} : memref<16x128xf32, #tpu.memory_space<vmem>>, vector<1x16xf32>,
      %eq3A_575 = arith.constant 12 : i32
      %eq3A_576 = vector.broadcast %eq3A_575 : i32 to vector<16xi32>
      %eq3A_577 = arith.cmpi eq, %add3A_406, %eq3A_576 : vector<16xi32>
      %jit3A_578 = arith.constant 1.000000e+00 : f32
      %jit3A_579 = arith.constant 0.000000e+00 : f32
      %broadcast_in_dim3A_580 = vector.broadcast %jit3A_578 : f32 to vector<16xf32>
      %broadcast_in_dim3A_581 = vector.broadcast %jit3A_579 : f32 to vector<16xf32>
      %select_n3A_582 = arith.select %eq3A_577, %broadcast_in_dim3A_580, %broadcast_in_dim3A_581 : vector<16xi1>, vector<16xf32>
      %swap3A_583 = arith.constant 12 : i32
      %swap3A_584 = arith.index_cast %swap3A_583 : i32 to index
      %swap3A_585 = arith.constant 16 : index
      %swap3A_586 = tpu.vector_load %arg5[%swap3A_584, %swap3A_585] {strides = array<i32>} : memref<16x128xf32, #tpu.memory_space<vmem>>, vector<1x16xf32>,
      %swap3A_587 = vector.shape_cast %swap3A_586 : vector<1x16xf32> to vector<16xf32>
      %swap3A_588 = vector.shape_cast %select_n3A_582 : vector<16xf32> to vector<1x16xf32>
      tpu.vector_store %arg5[%swap3A_584, %swap3A_585], %swap3A_588 {strides = array<i32>} : memref<16x128xf32, #tpu.memory_space<vmem>>, vector<1x16xf32>,
      %eq3A_589 = arith.constant 13 : i32
      %eq3A_590 = vector.broadcast %eq3A_589 : i32 to vector<16xi32>
      %eq3A_591 = arith.cmpi eq, %add3A_406, %eq3A_590 : vector<16xi32>
      %jit3A_592 = arith.constant 1.000000e+00 : f32
      %jit3A_593 = arith.constant 0.000000e+00 : f32
      %broadcast_in_dim3A_594 = vector.broadcast %jit3A_592 : f32 to vector<16xf32>
      %broadcast_in_dim3A_595 = vector.broadcast %jit3A_593 : f32 to vector<16xf32>
      %select_n3A_596 = arith.select %eq3A_591, %broadcast_in_dim3A_594, %broadcast_in_dim3A_595 : vector<16xi1>, vector<16xf32>
      %swap3A_597 = arith.constant 13 : i32
      %swap3A_598 = arith.index_cast %swap3A_597 : i32 to index
      %swap3A_599 = arith.constant 16 : index
      %swap3A_600 = tpu.vector_load %arg5[%swap3A_598, %swap3A_599] {strides = array<i32>} : memref<16x128xf32, #tpu.memory_space<vmem>>, vector<1x16xf32>,
      %swap3A_601 = vector.shape_cast %swap3A_600 : vector<1x16xf32> to vector<16xf32>
      %swap3A_602 = vector.shape_cast %select_n3A_596 : vector<16xf32> to vector<1x16xf32>
      tpu.vector_store %arg5[%swap3A_598, %swap3A_599], %swap3A_602 {strides = array<i32>} : memref<16x128xf32, #tpu.memory_space<vmem>>, vector<1x16xf32>,
      %eq3A_603 = arith.constant 14 : i32
      %eq3A_604 = vector.broadcast %eq3A_603 : i32 to vector<16xi32>
      %eq3A_605 = arith.cmpi eq, %add3A_406, %eq3A_604 : vector<16xi32>
      %jit3A_606 = arith.constant 1.000000e+00 : f32
      %jit3A_607 = arith.constant 0.000000e+00 : f32
      %broadcast_in_dim3A_608 = vector.broadcast %jit3A_606 : f32 to vector<16xf32>
      %broadcast_in_dim3A_609 = vector.broadcast %jit3A_607 : f32 to vector<16xf32>
      %select_n3A_610 = arith.select %eq3A_605, %broadcast_in_dim3A_608, %broadcast_in_dim3A_609 : vector<16xi1>, vector<16xf32>
      %swap3A_611 = arith.constant 14 : i32
      %swap3A_612 = arith.index_cast %swap3A_611 : i32 to index
      %swap3A_613 = arith.constant 16 : index
      %swap3A_614 = tpu.vector_load %arg5[%swap3A_612, %swap3A_613] {strides = array<i32>} : memref<16x128xf32, #tpu.memory_space<vmem>>, vector<1x16xf32>,
      %swap3A_615 = vector.shape_cast %swap3A_614 : vector<1x16xf32> to vector<16xf32>
      %swap3A_616 = vector.shape_cast %select_n3A_610 : vector<16xf32> to vector<1x16xf32>
      tpu.vector_store %arg5[%swap3A_612, %swap3A_613], %swap3A_616 {strides = array<i32>} : memref<16x128xf32, #tpu.memory_space<vmem>>, vector<1x16xf32>,
      %eq3A_617 = arith.constant 15 : i32
      %eq3A_618 = vector.broadcast %eq3A_617 : i32 to vector<16xi32>
      %eq3A_619 = arith.cmpi eq, %add3A_406, %eq3A_618 : vector<16xi32>
      %jit3A_620 = arith.constant 1.000000e+00 : f32
      %jit3A_621 = arith.constant 0.000000e+00 : f32
      %broadcast_in_dim3A_622 = vector.broadcast %jit3A_620 : f32 to vector<16xf32>
      %broadcast_in_dim3A_623 = vector.broadcast %jit3A_621 : f32 to vector<16xf32>
      %select_n3A_624 = arith.select %eq3A_619, %broadcast_in_dim3A_622, %broadcast_in_dim3A_623 : vector<16xi1>, vector<16xf32>
      %swap3A_625 = arith.constant 15 : i32
      %swap3A_626 = arith.index_cast %swap3A_625 : i32 to index
      %swap3A_627 = arith.constant 16 : index
      %swap3A_628 = tpu.vector_load %arg5[%swap3A_626, %swap3A_627] {strides = array<i32>} : memref<16x128xf32, #tpu.memory_space<vmem>>, vector<1x16xf32>,
      %swap3A_629 = vector.shape_cast %swap3A_628 : vector<1x16xf32> to vector<16xf32>
      %swap3A_630 = vector.shape_cast %select_n3A_624 : vector<16xf32> to vector<1x16xf32>
      tpu.vector_store %arg5[%swap3A_626, %swap3A_627], %swap3A_630 {strides = array<i32>} : memref<16x128xf32, #tpu.memory_space<vmem>>, vector<1x16xf32>,
      %broadcast_in_dim3A_631 = arith.constant 0 : i32
      %broadcast_in_dim3A_632 = vector.broadcast %broadcast_in_dim3A_631 : i32 to vector<16xi32>
      %get3A_633 = arith.constant 0 : i32
      %get3A_634 = arith.index_cast %get3A_633 : i32 to index
      %get3A_635 = arith.constant 32 : index
      %get3A_636 = tpu.vector_load %arg4[%get3A_634, %get3A_635] {strides = array<i32>} : memref<8x128xf32, #tpu.memory_space<vmem>>, vector<1x16xf32>,
      %get3A_637 = vector.shape_cast %get3A_636 : vector<1x16xf32> to vector<16xf32>
      %get3A_638 = arith.constant 4 : i32
      %get3A_639 = arith.index_cast %get3A_638 : i32 to index
      %get3A_640 = arith.constant 32 : index
      %get3A_641 = tpu.vector_load %arg4[%get3A_639, %get3A_640] {strides = array<i32>} : memref<8x128xf32, #tpu.memory_space<vmem>>, vector<1x16xf32>,
      %get3A_642 = vector.shape_cast %get3A_641 : vector<1x16xf32> to vector<16xf32>
      %gt3A_643 = arith.constant 0.000000e+00 : f32
      %gt3A_644 = vector.broadcast %gt3A_643 : f32 to vector<16xf32>
      %gt3A_645 = arith.cmpf ogt, %get3A_637, %gt3A_644 : vector<16xf32>
      %gt3A_646 = arith.constant 0.000000e+00 : f32
      %gt3A_647 = vector.broadcast %gt3A_646 : f32 to vector<16xf32>
      %gt3A_648 = arith.cmpf ogt, %get3A_642, %gt3A_647 : vector<16xf32>
      %and3A_649 = arith.andi %gt3A_645, %gt3A_648 : vector<16xi1>
      %jit3A_650 = arith.constant 1 : i32
      %jit3A_651 = arith.constant 0 : i32
      %broadcast_in_dim3A_652 = vector.broadcast %jit3A_650 : i32 to vector<16xi32>
      %broadcast_in_dim3A_653 = vector.broadcast %jit3A_651 : i32 to vector<16xi32>
      %select_n3A_654 = arith.select %and3A_649, %broadcast_in_dim3A_652, %broadcast_in_dim3A_653 : vector<16xi1>, vector<16xi32>
      %add3A_655 = arith.addi %broadcast_in_dim3A_632, %select_n3A_654 : vector<16xi32>
      %get3A_656 = arith.constant 1 : i32
      %get3A_657 = arith.index_cast %get3A_656 : i32 to index
      %get3A_658 = arith.constant 32 : index
      %get3A_659 = tpu.vector_load %arg4[%get3A_657, %get3A_658] {strides = array<i32>} : memref<8x128xf32, #tpu.memory_space<vmem>>, vector<1x16xf32>,
      %get3A_660 = vector.shape_cast %get3A_659 : vector<1x16xf32> to vector<16xf32>
      %get3A_661 = arith.constant 5 : i32
      %get3A_662 = arith.index_cast %get3A_661 : i32 to index
      %get3A_663 = arith.constant 32 : index
      %get3A_664 = tpu.vector_load %arg4[%get3A_662, %get3A_663] {strides = array<i32>} : memref<8x128xf32, #tpu.memory_space<vmem>>, vector<1x16xf32>,
      %get3A_665 = vector.shape_cast %get3A_664 : vector<1x16xf32> to vector<16xf32>
      %gt3A_666 = arith.constant 0.000000e+00 : f32
      %gt3A_667 = vector.broadcast %gt3A_666 : f32 to vector<16xf32>
      %gt3A_668 = arith.cmpf ogt, %get3A_660, %gt3A_667 : vector<16xf32>
      %gt3A_669 = arith.constant 0.000000e+00 : f32
      %gt3A_670 = vector.broadcast %gt3A_669 : f32 to vector<16xf32>
      %gt3A_671 = arith.cmpf ogt, %get3A_665, %gt3A_670 : vector<16xf32>
      %and3A_672 = arith.andi %gt3A_668, %gt3A_671 : vector<16xi1>
      %jit3A_673 = arith.constant 2 : i32
      %jit3A_674 = arith.constant 0 : i32
      %broadcast_in_dim3A_675 = vector.broadcast %jit3A_673 : i32 to vector<16xi32>
      %broadcast_in_dim3A_676 = vector.broadcast %jit3A_674 : i32 to vector<16xi32>
      %select_n3A_677 = arith.select %and3A_672, %broadcast_in_dim3A_675, %broadcast_in_dim3A_676 : vector<16xi1>, vector<16xi32>
      %add3A_678 = arith.addi %add3A_655, %select_n3A_677 : vector<16xi32>
      %get3A_679 = arith.constant 2 : i32
      %get3A_680 = arith.index_cast %get3A_679 : i32 to index
      %get3A_681 = arith.constant 32 : index
      %get3A_682 = tpu.vector_load %arg4[%get3A_680, %get3A_681] {strides = array<i32>} : memref<8x128xf32, #tpu.memory_space<vmem>>, vector<1x16xf32>,
      %get3A_683 = vector.shape_cast %get3A_682 : vector<1x16xf32> to vector<16xf32>
      %get3A_684 = arith.constant 6 : i32
      %get3A_685 = arith.index_cast %get3A_684 : i32 to index
      %get3A_686 = arith.constant 32 : index
      %get3A_687 = tpu.vector_load %arg4[%get3A_685, %get3A_686] {strides = array<i32>} : memref<8x128xf32, #tpu.memory_space<vmem>>, vector<1x16xf32>,
      %get3A_688 = vector.shape_cast %get3A_687 : vector<1x16xf32> to vector<16xf32>
      %gt3A_689 = arith.constant 0.000000e+00 : f32
      %gt3A_690 = vector.broadcast %gt3A_689 : f32 to vector<16xf32>
      %gt3A_691 = arith.cmpf ogt, %get3A_683, %gt3A_690 : vector<16xf32>
      %gt3A_692 = arith.constant 0.000000e+00 : f32
      %gt3A_693 = vector.broadcast %gt3A_692 : f32 to vector<16xf32>
      %gt3A_694 = arith.cmpf ogt, %get3A_688, %gt3A_693 : vector<16xf32>
      %and3A_695 = arith.andi %gt3A_691, %gt3A_694 : vector<16xi1>
      %jit3A_696 = arith.constant 4 : i32
      %jit3A_697 = arith.constant 0 : i32
      %broadcast_in_dim3A_698 = vector.broadcast %jit3A_696 : i32 to vector<16xi32>
      %broadcast_in_dim3A_699 = vector.broadcast %jit3A_697 : i32 to vector<16xi32>
      %select_n3A_700 = arith.select %and3A_695, %broadcast_in_dim3A_698, %broadcast_in_dim3A_699 : vector<16xi1>, vector<16xi32>
      %add3A_701 = arith.addi %add3A_678, %select_n3A_700 : vector<16xi32>
      %get3A_702 = arith.constant 3 : i32
      %get3A_703 = arith.index_cast %get3A_702 : i32 to index
      %get3A_704 = arith.constant 32 : index
      %get3A_705 = tpu.vector_load %arg4[%get3A_703, %get3A_704] {strides = array<i32>} : memref<8x128xf32, #tpu.memory_space<vmem>>, vector<1x16xf32>,
      %get3A_706 = vector.shape_cast %get3A_705 : vector<1x16xf32> to vector<16xf32>
      %get3A_707 = arith.constant 7 : i32
      %get3A_708 = arith.index_cast %get3A_707 : i32 to index
      %get3A_709 = arith.constant 32 : index
      %get3A_710 = tpu.vector_load %arg4[%get3A_708, %get3A_709] {strides = array<i32>} : memref<8x128xf32, #tpu.memory_space<vmem>>, vector<1x16xf32>,
      %get3A_711 = vector.shape_cast %get3A_710 : vector<1x16xf32> to vector<16xf32>
      %gt3A_712 = arith.constant 0.000000e+00 : f32
      %gt3A_713 = vector.broadcast %gt3A_712 : f32 to vector<16xf32>
      %gt3A_714 = arith.cmpf ogt, %get3A_706, %gt3A_713 : vector<16xf32>
      %gt3A_715 = arith.constant 0.000000e+00 : f32
      %gt3A_716 = vector.broadcast %gt3A_715 : f32 to vector<16xf32>
      %gt3A_717 = arith.cmpf ogt, %get3A_711, %gt3A_716 : vector<16xf32>
      %and3A_718 = arith.andi %gt3A_714, %gt3A_717 : vector<16xi1>
      %jit3A_719 = arith.constant 8 : i32
      %jit3A_720 = arith.constant 0 : i32
      %broadcast_in_dim3A_721 = vector.broadcast %jit3A_719 : i32 to vector<16xi32>
      %broadcast_in_dim3A_722 = vector.broadcast %jit3A_720 : i32 to vector<16xi32>
      %select_n3A_723 = arith.select %and3A_718, %broadcast_in_dim3A_721, %broadcast_in_dim3A_722 : vector<16xi1>, vector<16xi32>
      %add3A_724 = arith.addi %add3A_701, %select_n3A_723 : vector<16xi32>
      %eq3A_725 = arith.constant 0 : i32
      %eq3A_726 = vector.broadcast %eq3A_725 : i32 to vector<16xi32>
      %eq3A_727 = arith.cmpi eq, %add3A_724, %eq3A_726 : vector<16xi32>
      %jit3A_728 = arith.constant 1.000000e+00 : f32
      %jit3A_729 = arith.constant 0.000000e+00 : f32
      %broadcast_in_dim3A_730 = vector.broadcast %jit3A_728 : f32 to vector<16xf32>
      %broadcast_in_dim3A_731 = vector.broadcast %jit3A_729 : f32 to vector<16xf32>
      %select_n3A_732 = arith.select %eq3A_727, %broadcast_in_dim3A_730, %broadcast_in_dim3A_731 : vector<16xi1>, vector<16xf32>
      %swap3A_733 = arith.constant 0 : i32
      %swap3A_734 = arith.index_cast %swap3A_733 : i32 to index
      %swap3A_735 = arith.constant 32 : index
      %swap3A_736 = tpu.vector_load %arg5[%swap3A_734, %swap3A_735] {strides = array<i32>} : memref<16x128xf32, #tpu.memory_space<vmem>>, vector<1x16xf32>,
      %swap3A_737 = vector.shape_cast %swap3A_736 : vector<1x16xf32> to vector<16xf32>
      %swap3A_738 = vector.shape_cast %select_n3A_732 : vector<16xf32> to vector<1x16xf32>
      tpu.vector_store %arg5[%swap3A_734, %swap3A_735], %swap3A_738 {strides = array<i32>} : memref<16x128xf32, #tpu.memory_space<vmem>>, vector<1x16xf32>,
      %eq3A_739 = arith.constant 1 : i32
      %eq3A_740 = vector.broadcast %eq3A_739 : i32 to vector<16xi32>
      %eq3A_741 = arith.cmpi eq, %add3A_724, %eq3A_740 : vector<16xi32>
      %jit3A_742 = arith.constant 1.000000e+00 : f32
      %jit3A_743 = arith.constant 0.000000e+00 : f32
      %broadcast_in_dim3A_744 = vector.broadcast %jit3A_742 : f32 to vector<16xf32>
      %broadcast_in_dim3A_745 = vector.broadcast %jit3A_743 : f32 to vector<16xf32>
      %select_n3A_746 = arith.select %eq3A_741, %broadcast_in_dim3A_744, %broadcast_in_dim3A_745 : vector<16xi1>, vector<16xf32>
      %swap3A_747 = arith.constant 1 : i32
      %swap3A_748 = arith.index_cast %swap3A_747 : i32 to index
      %swap3A_749 = arith.constant 32 : index
      %swap3A_750 = tpu.vector_load %arg5[%swap3A_748, %swap3A_749] {strides = array<i32>} : memref<16x128xf32, #tpu.memory_space<vmem>>, vector<1x16xf32>,
      %swap3A_751 = vector.shape_cast %swap3A_750 : vector<1x16xf32> to vector<16xf32>
      %swap3A_752 = vector.shape_cast %select_n3A_746 : vector<16xf32> to vector<1x16xf32>
      tpu.vector_store %arg5[%swap3A_748, %swap3A_749], %swap3A_752 {strides = array<i32>} : memref<16x128xf32, #tpu.memory_space<vmem>>, vector<1x16xf32>,
      %eq3A_753 = arith.constant 2 : i32
      %eq3A_754 = vector.broadcast %eq3A_753 : i32 to vector<16xi32>
      %eq3A_755 = arith.cmpi eq, %add3A_724, %eq3A_754 : vector<16xi32>
      %jit3A_756 = arith.constant 1.000000e+00 : f32
      %jit3A_757 = arith.constant 0.000000e+00 : f32
      %broadcast_in_dim3A_758 = vector.broadcast %jit3A_756 : f32 to vector<16xf32>
      %broadcast_in_dim3A_759 = vector.broadcast %jit3A_757 : f32 to vector<16xf32>
      %select_n3A_760 = arith.select %eq3A_755, %broadcast_in_dim3A_758, %broadcast_in_dim3A_759 : vector<16xi1>, vector<16xf32>
      %swap3A_761 = arith.constant 2 : i32
      %swap3A_762 = arith.index_cast %swap3A_761 : i32 to index
      %swap3A_763 = arith.constant 32 : index
      %swap3A_764 = tpu.vector_load %arg5[%swap3A_762, %swap3A_763] {strides = array<i32>} : memref<16x128xf32, #tpu.memory_space<vmem>>, vector<1x16xf32>,
      %swap3A_765 = vector.shape_cast %swap3A_764 : vector<1x16xf32> to vector<16xf32>
      %swap3A_766 = vector.shape_cast %select_n3A_760 : vector<16xf32> to vector<1x16xf32>
      tpu.vector_store %arg5[%swap3A_762, %swap3A_763], %swap3A_766 {strides = array<i32>} : memref<16x128xf32, #tpu.memory_space<vmem>>, vector<1x16xf32>,
      %eq3A_767 = arith.constant 3 : i32
      %eq3A_768 = vector.broadcast %eq3A_767 : i32 to vector<16xi32>
      %eq3A_769 = arith.cmpi eq, %add3A_724, %eq3A_768 : vector<16xi32>
      %jit3A_770 = arith.constant 1.000000e+00 : f32
      %jit3A_771 = arith.constant 0.000000e+00 : f32
      %broadcast_in_dim3A_772 = vector.broadcast %jit3A_770 : f32 to vector<16xf32>
      %broadcast_in_dim3A_773 = vector.broadcast %jit3A_771 : f32 to vector<16xf32>
      %select_n3A_774 = arith.select %eq3A_769, %broadcast_in_dim3A_772, %broadcast_in_dim3A_773 : vector<16xi1>, vector<16xf32>
      %swap3A_775 = arith.constant 3 : i32
      %swap3A_776 = arith.index_cast %swap3A_775 : i32 to index
      %swap3A_777 = arith.constant 32 : index
      %swap3A_778 = tpu.vector_load %arg5[%swap3A_776, %swap3A_777] {strides = array<i32>} : memref<16x128xf32, #tpu.memory_space<vmem>>, vector<1x16xf32>,
      %swap3A_779 = vector.shape_cast %swap3A_778 : vector<1x16xf32> to vector<16xf32>
      %swap3A_780 = vector.shape_cast %select_n3A_774 : vector<16xf32> to vector<1x16xf32>
      tpu.vector_store %arg5[%swap3A_776, %swap3A_777], %swap3A_780 {strides = array<i32>} : memref<16x128xf32, #tpu.memory_space<vmem>>, vector<1x16xf32>,
      %eq3A_781 = arith.constant 4 : i32
      %eq3A_782 = vector.broadcast %eq3A_781 : i32 to vector<16xi32>
      %eq3A_783 = arith.cmpi eq, %add3A_724, %eq3A_782 : vector<16xi32>
      %jit3A_784 = arith.constant 1.000000e+00 : f32
      %jit3A_785 = arith.constant 0.000000e+00 : f32
      %broadcast_in_dim3A_786 = vector.broadcast %jit3A_784 : f32 to vector<16xf32>
      %broadcast_in_dim3A_787 = vector.broadcast %jit3A_785 : f32 to vector<16xf32>
      %select_n3A_788 = arith.select %eq3A_783, %broadcast_in_dim3A_786, %broadcast_in_dim3A_787 : vector<16xi1>, vector<16xf32>
      %swap3A_789 = arith.constant 4 : i32
      %swap3A_790 = arith.index_cast %swap3A_789 : i32 to index
      %swap3A_791 = arith.constant 32 : index
      %swap3A_792 = tpu.vector_load %arg5[%swap3A_790, %swap3A_791] {strides = array<i32>} : memref<16x128xf32, #tpu.memory_space<vmem>>, vector<1x16xf32>,
      %swap3A_793 = vector.shape_cast %swap3A_792 : vector<1x16xf32> to vector<16xf32>
      %swap3A_794 = vector.shape_cast %select_n3A_788 : vector<16xf32> to vector<1x16xf32>
      tpu.vector_store %arg5[%swap3A_790, %swap3A_791], %swap3A_794 {strides = array<i32>} : memref<16x128xf32, #tpu.memory_space<vmem>>, vector<1x16xf32>,
      %eq3A_795 = arith.constant 5 : i32
      %eq3A_796 = vector.broadcast %eq3A_795 : i32 to vector<16xi32>
      %eq3A_797 = arith.cmpi eq, %add3A_724, %eq3A_796 : vector<16xi32>
      %jit3A_798 = arith.constant 1.000000e+00 : f32
      %jit3A_799 = arith.constant 0.000000e+00 : f32
      %broadcast_in_dim3A_800 = vector.broadcast %jit3A_798 : f32 to vector<16xf32>
      %broadcast_in_dim3A_801 = vector.broadcast %jit3A_799 : f32 to vector<16xf32>
      %select_n3A_802 = arith.select %eq3A_797, %broadcast_in_dim3A_800, %broadcast_in_dim3A_801 : vector<16xi1>, vector<16xf32>
      %swap3A_803 = arith.constant 5 : i32
      %swap3A_804 = arith.index_cast %swap3A_803 : i32 to index
      %swap3A_805 = arith.constant 32 : index
      %swap3A_806 = tpu.vector_load %arg5[%swap3A_804, %swap3A_805] {strides = array<i32>} : memref<16x128xf32, #tpu.memory_space<vmem>>, vector<1x16xf32>,
      %swap3A_807 = vector.shape_cast %swap3A_806 : vector<1x16xf32> to vector<16xf32>
      %swap3A_808 = vector.shape_cast %select_n3A_802 : vector<16xf32> to vector<1x16xf32>
      tpu.vector_store %arg5[%swap3A_804, %swap3A_805], %swap3A_808 {strides = array<i32>} : memref<16x128xf32, #tpu.memory_space<vmem>>, vector<1x16xf32>,
      %eq3A_809 = arith.constant 6 : i32
      %eq3A_810 = vector.broadcast %eq3A_809 : i32 to vector<16xi32>
      %eq3A_811 = arith.cmpi eq, %add3A_724, %eq3A_810 : vector<16xi32>
      %jit3A_812 = arith.constant 1.000000e+00 : f32
      %jit3A_813 = arith.constant 0.000000e+00 : f32
      %broadcast_in_dim3A_814 = vector.broadcast %jit3A_812 : f32 to vector<16xf32>
      %broadcast_in_dim3A_815 = vector.broadcast %jit3A_813 : f32 to vector<16xf32>
      %select_n3A_816 = arith.select %eq3A_811, %broadcast_in_dim3A_814, %broadcast_in_dim3A_815 : vector<16xi1>, vector<16xf32>
      %swap3A_817 = arith.constant 6 : i32
      %swap3A_818 = arith.index_cast %swap3A_817 : i32 to index
      %swap3A_819 = arith.constant 32 : index
      %swap3A_820 = tpu.vector_load %arg5[%swap3A_818, %swap3A_819] {strides = array<i32>} : memref<16x128xf32, #tpu.memory_space<vmem>>, vector<1x16xf32>,
      %swap3A_821 = vector.shape_cast %swap3A_820 : vector<1x16xf32> to vector<16xf32>
      %swap3A_822 = vector.shape_cast %select_n3A_816 : vector<16xf32> to vector<1x16xf32>
      tpu.vector_store %arg5[%swap3A_818, %swap3A_819], %swap3A_822 {strides = array<i32>} : memref<16x128xf32, #tpu.memory_space<vmem>>, vector<1x16xf32>,
      %eq3A_823 = arith.constant 7 : i32
      %eq3A_824 = vector.broadcast %eq3A_823 : i32 to vector<16xi32>
      %eq3A_825 = arith.cmpi eq, %add3A_724, %eq3A_824 : vector<16xi32>
      %jit3A_826 = arith.constant 1.000000e+00 : f32
      %jit3A_827 = arith.constant 0.000000e+00 : f32
      %broadcast_in_dim3A_828 = vector.broadcast %jit3A_826 : f32 to vector<16xf32>
      %broadcast_in_dim3A_829 = vector.broadcast %jit3A_827 : f32 to vector<16xf32>
      %select_n3A_830 = arith.select %eq3A_825, %broadcast_in_dim3A_828, %broadcast_in_dim3A_829 : vector<16xi1>, vector<16xf32>
      %swap3A_831 = arith.constant 7 : i32
      %swap3A_832 = arith.index_cast %swap3A_831 : i32 to index
      %swap3A_833 = arith.constant 32 : index
      %swap3A_834 = tpu.vector_load %arg5[%swap3A_832, %swap3A_833] {strides = array<i32>} : memref<16x128xf32, #tpu.memory_space<vmem>>, vector<1x16xf32>,
      %swap3A_835 = vector.shape_cast %swap3A_834 : vector<1x16xf32> to vector<16xf32>
      %swap3A_836 = vector.shape_cast %select_n3A_830 : vector<16xf32> to vector<1x16xf32>
      tpu.vector_store %arg5[%swap3A_832, %swap3A_833], %swap3A_836 {strides = array<i32>} : memref<16x128xf32, #tpu.memory_space<vmem>>, vector<1x16xf32>,
      %eq3A_837 = arith.constant 8 : i32
      %eq3A_838 = vector.broadcast %eq3A_837 : i32 to vector<16xi32>
      %eq3A_839 = arith.cmpi eq, %add3A_724, %eq3A_838 : vector<16xi32>
      %jit3A_840 = arith.constant 1.000000e+00 : f32
      %jit3A_841 = arith.constant 0.000000e+00 : f32
      %broadcast_in_dim3A_842 = vector.broadcast %jit3A_840 : f32 to vector<16xf32>
      %broadcast_in_dim3A_843 = vector.broadcast %jit3A_841 : f32 to vector<16xf32>
      %select_n3A_844 = arith.select %eq3A_839, %broadcast_in_dim3A_842, %broadcast_in_dim3A_843 : vector<16xi1>, vector<16xf32>
      %swap3A_845 = arith.constant 8 : i32
      %swap3A_846 = arith.index_cast %swap3A_845 : i32 to index
      %swap3A_847 = arith.constant 32 : index
      %swap3A_848 = tpu.vector_load %arg5[%swap3A_846, %swap3A_847] {strides = array<i32>} : memref<16x128xf32, #tpu.memory_space<vmem>>, vector<1x16xf32>,
      %swap3A_849 = vector.shape_cast %swap3A_848 : vector<1x16xf32> to vector<16xf32>
      %swap3A_850 = vector.shape_cast %select_n3A_844 : vector<16xf32> to vector<1x16xf32>
      tpu.vector_store %arg5[%swap3A_846, %swap3A_847], %swap3A_850 {strides = array<i32>} : memref<16x128xf32, #tpu.memory_space<vmem>>, vector<1x16xf32>,
      %eq3A_851 = arith.constant 9 : i32
      %eq3A_852 = vector.broadcast %eq3A_851 : i32 to vector<16xi32>
      %eq3A_853 = arith.cmpi eq, %add3A_724, %eq3A_852 : vector<16xi32>
      %jit3A_854 = arith.constant 1.000000e+00 : f32
      %jit3A_855 = arith.constant 0.000000e+00 : f32
      %broadcast_in_dim3A_856 = vector.broadcast %jit3A_854 : f32 to vector<16xf32>
      %broadcast_in_dim3A_857 = vector.broadcast %jit3A_855 : f32 to vector<16xf32>
      %select_n3A_858 = arith.select %eq3A_853, %broadcast_in_dim3A_856, %broadcast_in_dim3A_857 : vector<16xi1>, vector<16xf32>
      %swap3A_859 = arith.constant 9 : i32
      %swap3A_860 = arith.index_cast %swap3A_859 : i32 to index
      %swap3A_861 = arith.constant 32 : index
      %swap3A_862 = tpu.vector_load %arg5[%swap3A_860, %swap3A_861] {strides = array<i32>} : memref<16x128xf32, #tpu.memory_space<vmem>>, vector<1x16xf32>,
      %swap3A_863 = vector.shape_cast %swap3A_862 : vector<1x16xf32> to vector<16xf32>
      %swap3A_864 = vector.shape_cast %select_n3A_858 : vector<16xf32> to vector<1x16xf32>
      tpu.vector_store %arg5[%swap3A_860, %swap3A_861], %swap3A_864 {strides = array<i32>} : memref<16x128xf32, #tpu.memory_space<vmem>>, vector<1x16xf32>,
      %eq3A_865 = arith.constant 10 : i32
      %eq3A_866 = vector.broadcast %eq3A_865 : i32 to vector<16xi32>
      %eq3A_867 = arith.cmpi eq, %add3A_724, %eq3A_866 : vector<16xi32>
      %jit3A_868 = arith.constant 1.000000e+00 : f32
      %jit3A_869 = arith.constant 0.000000e+00 : f32
      %broadcast_in_dim3A_870 = vector.broadcast %jit3A_868 : f32 to vector<16xf32>
      %broadcast_in_dim3A_871 = vector.broadcast %jit3A_869 : f32 to vector<16xf32>
      %select_n3A_872 = arith.select %eq3A_867, %broadcast_in_dim3A_870, %broadcast_in_dim3A_871 : vector<16xi1>, vector<16xf32>
      %swap3A_873 = arith.constant 10 : i32
      %swap3A_874 = arith.index_cast %swap3A_873 : i32 to index
      %swap3A_875 = arith.constant 32 : index
      %swap3A_876 = tpu.vector_load %arg5[%swap3A_874, %swap3A_875] {strides = array<i32>} : memref<16x128xf32, #tpu.memory_space<vmem>>, vector<1x16xf32>,
      %swap3A_877 = vector.shape_cast %swap3A_876 : vector<1x16xf32> to vector<16xf32>
      %swap3A_878 = vector.shape_cast %select_n3A_872 : vector<16xf32> to vector<1x16xf32>
      tpu.vector_store %arg5[%swap3A_874, %swap3A_875], %swap3A_878 {strides = array<i32>} : memref<16x128xf32, #tpu.memory_space<vmem>>, vector<1x16xf32>,
      %eq3A_879 = arith.constant 11 : i32
      %eq3A_880 = vector.broadcast %eq3A_879 : i32 to vector<16xi32>
      %eq3A_881 = arith.cmpi eq, %add3A_724, %eq3A_880 : vector<16xi32>
      %jit3A_882 = arith.constant 1.000000e+00 : f32
      %jit3A_883 = arith.constant 0.000000e+00 : f32
      %broadcast_in_dim3A_884 = vector.broadcast %jit3A_882 : f32 to vector<16xf32>
      %broadcast_in_dim3A_885 = vector.broadcast %jit3A_883 : f32 to vector<16xf32>
      %select_n3A_886 = arith.select %eq3A_881, %broadcast_in_dim3A_884, %broadcast_in_dim3A_885 : vector<16xi1>, vector<16xf32>
      %swap3A_887 = arith.constant 11 : i32
      %swap3A_888 = arith.index_cast %swap3A_887 : i32 to index
      %swap3A_889 = arith.constant 32 : index
      %swap3A_890 = tpu.vector_load %arg5[%swap3A_888, %swap3A_889] {strides = array<i32>} : memref<16x128xf32, #tpu.memory_space<vmem>>, vector<1x16xf32>,
      %swap3A_891 = vector.shape_cast %swap3A_890 : vector<1x16xf32> to vector<16xf32>
      %swap3A_892 = vector.shape_cast %select_n3A_886 : vector<16xf32> to vector<1x16xf32>
      tpu.vector_store %arg5[%swap3A_888, %swap3A_889], %swap3A_892 {strides = array<i32>} : memref<16x128xf32, #tpu.memory_space<vmem>>, vector<1x16xf32>,
      %eq3A_893 = arith.constant 12 : i32
      %eq3A_894 = vector.broadcast %eq3A_893 : i32 to vector<16xi32>
      %eq3A_895 = arith.cmpi eq, %add3A_724, %eq3A_894 : vector<16xi32>
      %jit3A_896 = arith.constant 1.000000e+00 : f32
      %jit3A_897 = arith.constant 0.000000e+00 : f32
      %broadcast_in_dim3A_898 = vector.broadcast %jit3A_896 : f32 to vector<16xf32>
      %broadcast_in_dim3A_899 = vector.broadcast %jit3A_897 : f32 to vector<16xf32>
      %select_n3A_900 = arith.select %eq3A_895, %broadcast_in_dim3A_898, %broadcast_in_dim3A_899 : vector<16xi1>, vector<16xf32>
      %swap3A_901 = arith.constant 12 : i32
      %swap3A_902 = arith.index_cast %swap3A_901 : i32 to index
      %swap3A_903 = arith.constant 32 : index
      %swap3A_904 = tpu.vector_load %arg5[%swap3A_902, %swap3A_903] {strides = array<i32>} : memref<16x128xf32, #tpu.memory_space<vmem>>, vector<1x16xf32>,
      %swap3A_905 = vector.shape_cast %swap3A_904 : vector<1x16xf32> to vector<16xf32>
      %swap3A_906 = vector.shape_cast %select_n3A_900 : vector<16xf32> to vector<1x16xf32>
      tpu.vector_store %arg5[%swap3A_902, %swap3A_903], %swap3A_906 {strides = array<i32>} : memref<16x128xf32, #tpu.memory_space<vmem>>, vector<1x16xf32>,
      %eq3A_907 = arith.constant 13 : i32
      %eq3A_908 = vector.broadcast %eq3A_907 : i32 to vector<16xi32>
      %eq3A_909 = arith.cmpi eq, %add3A_724, %eq3A_908 : vector<16xi32>
      %jit3A_910 = arith.constant 1.000000e+00 : f32
      %jit3A_911 = arith.constant 0.000000e+00 : f32
      %broadcast_in_dim3A_912 = vector.broadcast %jit3A_910 : f32 to vector<16xf32>
      %broadcast_in_dim3A_913 = vector.broadcast %jit3A_911 : f32 to vector<16xf32>
      %select_n3A_914 = arith.select %eq3A_909, %broadcast_in_dim3A_912, %broadcast_in_dim3A_913 : vector<16xi1>, vector<16xf32>
      %swap3A_915 = arith.constant 13 : i32
      %swap3A_916 = arith.index_cast %swap3A_915 : i32 to index
      %swap3A_917 = arith.constant 32 : index
      %swap3A_918 = tpu.vector_load %arg5[%swap3A_916, %swap3A_917] {strides = array<i32>} : memref<16x128xf32, #tpu.memory_space<vmem>>, vector<1x16xf32>,
      %swap3A_919 = vector.shape_cast %swap3A_918 : vector<1x16xf32> to vector<16xf32>
      %swap3A_920 = vector.shape_cast %select_n3A_914 : vector<16xf32> to vector<1x16xf32>
      tpu.vector_store %arg5[%swap3A_916, %swap3A_917], %swap3A_920 {strides = array<i32>} : memref<16x128xf32, #tpu.memory_space<vmem>>, vector<1x16xf32>,
      %eq3A_921 = arith.constant 14 : i32
      %eq3A_922 = vector.broadcast %eq3A_921 : i32 to vector<16xi32>
      %eq3A_923 = arith.cmpi eq, %add3A_724, %eq3A_922 : vector<16xi32>
      %jit3A_924 = arith.constant 1.000000e+00 : f32
      %jit3A_925 = arith.constant 0.000000e+00 : f32
      %broadcast_in_dim3A_926 = vector.broadcast %jit3A_924 : f32 to vector<16xf32>
      %broadcast_in_dim3A_927 = vector.broadcast %jit3A_925 : f32 to vector<16xf32>
      %select_n3A_928 = arith.select %eq3A_923, %broadcast_in_dim3A_926, %broadcast_in_dim3A_927 : vector<16xi1>, vector<16xf32>
      %swap3A_929 = arith.constant 14 : i32
      %swap3A_930 = arith.index_cast %swap3A_929 : i32 to index
      %swap3A_931 = arith.constant 32 : index
      %swap3A_932 = tpu.vector_load %arg5[%swap3A_930, %swap3A_931] {strides = array<i32>} : memref<16x128xf32, #tpu.memory_space<vmem>>, vector<1x16xf32>,
      %swap3A_933 = vector.shape_cast %swap3A_932 : vector<1x16xf32> to vector<16xf32>
      %swap3A_934 = vector.shape_cast %select_n3A_928 : vector<16xf32> to vector<1x16xf32>
      tpu.vector_store %arg5[%swap3A_930, %swap3A_931], %swap3A_934 {strides = array<i32>} : memref<16x128xf32, #tpu.memory_space<vmem>>, vector<1x16xf32>,
      %eq3A_935 = arith.constant 15 : i32
      %eq3A_936 = vector.broadcast %eq3A_935 : i32 to vector<16xi32>
      %eq3A_937 = arith.cmpi eq, %add3A_724, %eq3A_936 : vector<16xi32>
      %jit3A_938 = arith.constant 1.000000e+00 : f32
      %jit3A_939 = arith.constant 0.000000e+00 : f32
      %broadcast_in_dim3A_940 = vector.broadcast %jit3A_938 : f32 to vector<16xf32>
      %broadcast_in_dim3A_941 = vector.broadcast %jit3A_939 : f32 to vector<16xf32>
      %select_n3A_942 = arith.select %eq3A_937, %broadcast_in_dim3A_940, %broadcast_in_dim3A_941 : vector<16xi1>, vector<16xf32>
      %swap3A_943 = arith.constant 15 : i32
      %swap3A_944 = arith.index_cast %swap3A_943 : i32 to index
      %swap3A_945 = arith.constant 32 : index
      %swap3A_946 = tpu.vector_load %arg5[%swap3A_944, %swap3A_945] {strides = array<i32>} : memref<16x128xf32, #tpu.memory_space<vmem>>, vector<1x16xf32>,
      %swap3A_947 = vector.shape_cast %swap3A_946 : vector<1x16xf32> to vector<16xf32>
      %swap3A_948 = vector.shape_cast %select_n3A_942 : vector<16xf32> to vector<1x16xf32>
      tpu.vector_store %arg5[%swap3A_944, %swap3A_945], %swap3A_948 {strides = array<i32>} : memref<16x128xf32, #tpu.memory_space<vmem>>, vector<1x16xf32>,
      %broadcast_in_dim3A_949 = arith.constant 0 : i32
      %broadcast_in_dim3A_950 = vector.broadcast %broadcast_in_dim3A_949 : i32 to vector<16xi32>
      %get3A_951 = arith.constant 0 : i32
      %get3A_952 = arith.index_cast %get3A_951 : i32 to index
      %get3A_953 = arith.constant 48 : index
      %get3A_954 = tpu.vector_load %arg4[%get3A_952, %get3A_953] {strides = array<i32>} : memref<8x128xf32, #tpu.memory_space<vmem>>, vector<1x16xf32>,
      %get3A_955 = vector.shape_cast %get3A_954 : vector<1x16xf32> to vector<16xf32>
      %get3A_956 = arith.constant 4 : i32
      %get3A_957 = arith.index_cast %get3A_956 : i32 to index
      %get3A_958 = arith.constant 48 : index
      %get3A_959 = tpu.vector_load %arg4[%get3A_957, %get3A_958] {strides = array<i32>} : memref<8x128xf32, #tpu.memory_space<vmem>>, vector<1x16xf32>,
      %get3A_960 = vector.shape_cast %get3A_959 : vector<1x16xf32> to vector<16xf32>
      %gt3A_961 = arith.constant 0.000000e+00 : f32
      %gt3A_962 = vector.broadcast %gt3A_961 : f32 to vector<16xf32>
      %gt3A_963 = arith.cmpf ogt, %get3A_955, %gt3A_962 : vector<16xf32>
      %gt3A_964 = arith.constant 0.000000e+00 : f32
      %gt3A_965 = vector.broadcast %gt3A_964 : f32 to vector<16xf32>
      %gt3A_966 = arith.cmpf ogt, %get3A_960, %gt3A_965 : vector<16xf32>
      %and3A_967 = arith.andi %gt3A_963, %gt3A_966 : vector<16xi1>
      %jit3A_968 = arith.constant 1 : i32
      %jit3A_969 = arith.constant 0 : i32
      %broadcast_in_dim3A_970 = vector.broadcast %jit3A_968 : i32 to vector<16xi32>
      %broadcast_in_dim3A_971 = vector.broadcast %jit3A_969 : i32 to vector<16xi32>
      %select_n3A_972 = arith.select %and3A_967, %broadcast_in_dim3A_970, %broadcast_in_dim3A_971 : vector<16xi1>, vector<16xi32>
      %add3A_973 = arith.addi %broadcast_in_dim3A_950, %select_n3A_972 : vector<16xi32>
      %get3A_974 = arith.constant 1 : i32
      %get3A_975 = arith.index_cast %get3A_974 : i32 to index
      %get3A_976 = arith.constant 48 : index
      %get3A_977 = tpu.vector_load %arg4[%get3A_975, %get3A_976] {strides = array<i32>} : memref<8x128xf32, #tpu.memory_space<vmem>>, vector<1x16xf32>,
      %get3A_978 = vector.shape_cast %get3A_977 : vector<1x16xf32> to vector<16xf32>
      %get3A_979 = arith.constant 5 : i32
      %get3A_980 = arith.index_cast %get3A_979 : i32 to index
      %get3A_981 = arith.constant 48 : index
      %get3A_982 = tpu.vector_load %arg4[%get3A_980, %get3A_981] {strides = array<i32>} : memref<8x128xf32, #tpu.memory_space<vmem>>, vector<1x16xf32>,
      %get3A_983 = vector.shape_cast %get3A_982 : vector<1x16xf32> to vector<16xf32>
      %gt3A_984 = arith.constant 0.000000e+00 : f32
      %gt3A_985 = vector.broadcast %gt3A_984 : f32 to vector<16xf32>
      %gt3A_986 = arith.cmpf ogt, %get3A_978, %gt3A_985 : vector<16xf32>
      %gt3A_987 = arith.constant 0.000000e+00 : f32
      %gt3A_988 = vector.broadcast %gt3A_987 : f32 to vector<16xf32>
      %gt3A_989 = arith.cmpf ogt, %get3A_983, %gt3A_988 : vector<16xf32>
      %and3A_990 = arith.andi %gt3A_986, %gt3A_989 : vector<16xi1>
      %jit3A_991 = arith.constant 2 : i32
      %jit3A_992 = arith.constant 0 : i32
      %broadcast_in_dim3A_993 = vector.broadcast %jit3A_991 : i32 to vector<16xi32>
      %broadcast_in_dim3A_994 = vector.broadcast %jit3A_992 : i32 to vector<16xi32>
      %select_n3A_995 = arith.select %and3A_990, %broadcast_in_dim3A_993, %broadcast_in_dim3A_994 : vector<16xi1>, vector<16xi32>
      %add3A_996 = arith.addi %add3A_973, %select_n3A_995 : vector<16xi32>
      %get3A_997 = arith.constant 2 : i32
      %get3A_998 = arith.index_cast %get3A_997 : i32 to index
      %get3A_999 = arith.constant 48 : index
      %get3A_1000 = tpu.vector_load %arg4[%get3A_998, %get3A_999] {strides = array<i32>} : memref<8x128xf32, #tpu.memory_space<vmem>>, vector<1x16xf32>,
      %get3A_1001 = vector.shape_cast %get3A_1000 : vector<1x16xf32> to vector<16xf32>
      %get3A_1002 = arith.constant 6 : i32
      %get3A_1003 = arith.index_cast %get3A_1002 : i32 to index
      %get3A_1004 = arith.constant 48 : index
      %get3A_1005 = tpu.vector_load %arg4[%get3A_1003, %get3A_1004] {strides = array<i32>} : memref<8x128xf32, #tpu.memory_space<vmem>>, vector<1x16xf32>,
      %get3A_1006 = vector.shape_cast %get3A_1005 : vector<1x16xf32> to vector<16xf32>
      %gt3A_1007 = arith.constant 0.000000e+00 : f32
      %gt3A_1008 = vector.broadcast %gt3A_1007 : f32 to vector<16xf32>
      %gt3A_1009 = arith.cmpf ogt, %get3A_1001, %gt3A_1008 : vector<16xf32>
      %gt3A_1010 = arith.constant 0.000000e+00 : f32
      %gt3A_1011 = vector.broadcast %gt3A_1010 : f32 to vector<16xf32>
      %gt3A_1012 = arith.cmpf ogt, %get3A_1006, %gt3A_1011 : vector<16xf32>
      %and3A_1013 = arith.andi %gt3A_1009, %gt3A_1012 : vector<16xi1>
      %jit3A_1014 = arith.constant 4 : i32
      %jit3A_1015 = arith.constant 0 : i32
      %broadcast_in_dim3A_1016 = vector.broadcast %jit3A_1014 : i32 to vector<16xi32>
      %broadcast_in_dim3A_1017 = vector.broadcast %jit3A_1015 : i32 to vector<16xi32>
      %select_n3A_1018 = arith.select %and3A_1013, %broadcast_in_dim3A_1016, %broadcast_in_dim3A_1017 : vector<16xi1>, vector<16xi32>
      %add3A_1019 = arith.addi %add3A_996, %select_n3A_1018 : vector<16xi32>
      %get3A_1020 = arith.constant 3 : i32
      %get3A_1021 = arith.index_cast %get3A_1020 : i32 to index
      %get3A_1022 = arith.constant 48 : index
      %get3A_1023 = tpu.vector_load %arg4[%get3A_1021, %get3A_1022] {strides = array<i32>} : memref<8x128xf32, #tpu.memory_space<vmem>>, vector<1x16xf32>,
      %get3A_1024 = vector.shape_cast %get3A_1023 : vector<1x16xf32> to vector<16xf32>
      %get3A_1025 = arith.constant 7 : i32
      %get3A_1026 = arith.index_cast %get3A_1025 : i32 to index
      %get3A_1027 = arith.constant 48 : index
      %get3A_1028 = tpu.vector_load %arg4[%get3A_1026, %get3A_1027] {strides = array<i32>} : memref<8x128xf32, #tpu.memory_space<vmem>>, vector<1x16xf32>,
      %get3A_1029 = vector.shape_cast %get3A_1028 : vector<1x16xf32> to vector<16xf32>
      %gt3A_1030 = arith.constant 0.000000e+00 : f32
      %gt3A_1031 = vector.broadcast %gt3A_1030 : f32 to vector<16xf32>
      %gt3A_1032 = arith.cmpf ogt, %get3A_1024, %gt3A_1031 : vector<16xf32>
      %gt3A_1033 = arith.constant 0.000000e+00 : f32
      %gt3A_1034 = vector.broadcast %gt3A_1033 : f32 to vector<16xf32>
      %gt3A_1035 = arith.cmpf ogt, %get3A_1029, %gt3A_1034 : vector<16xf32>
      %and3A_1036 = arith.andi %gt3A_1032, %gt3A_1035 : vector<16xi1>
      %jit3A_1037 = arith.constant 8 : i32
      %jit3A_1038 = arith.constant 0 : i32
      %broadcast_in_dim3A_1039 = vector.broadcast %jit3A_1037 : i32 to vector<16xi32>
      %broadcast_in_dim3A_1040 = vector.broadcast %jit3A_1038 : i32 to vector<16xi32>
      %select_n3A_1041 = arith.select %and3A_1036, %broadcast_in_dim3A_1039, %broadcast_in_dim3A_1040 : vector<16xi1>, vector<16xi32>
      %add3A_1042 = arith.addi %add3A_1019, %select_n3A_1041 : vector<16xi32>
      %eq3A_1043 = arith.constant 0 : i32
      %eq3A_1044 = vector.broadcast %eq3A_1043 : i32 to vector<16xi32>
      %eq3A_1045 = arith.cmpi eq, %add3A_1042, %eq3A_1044 : vector<16xi32>
      %jit3A_1046 = arith.constant 1.000000e+00 : f32
      %jit3A_1047 = arith.constant 0.000000e+00 : f32
      %broadcast_in_dim3A_1048 = vector.broadcast %jit3A_1046 : f32 to vector<16xf32>
      %broadcast_in_dim3A_1049 = vector.broadcast %jit3A_1047 : f32 to vector<16xf32>
      %select_n3A_1050 = arith.select %eq3A_1045, %broadcast_in_dim3A_1048, %broadcast_in_dim3A_1049 : vector<16xi1>, vector<16xf32>
      %swap3A_1051 = arith.constant 0 : i32
      %swap3A_1052 = arith.index_cast %swap3A_1051 : i32 to index
      %swap3A_1053 = arith.constant 48 : index
      %swap3A_1054 = tpu.vector_load %arg5[%swap3A_1052, %swap3A_1053] {strides = array<i32>} : memref<16x128xf32, #tpu.memory_space<vmem>>, vector<1x16xf32>,
      %swap3A_1055 = vector.shape_cast %swap3A_1054 : vector<1x16xf32> to vector<16xf32>
      %swap3A_1056 = vector.shape_cast %select_n3A_1050 : vector<16xf32> to vector<1x16xf32>
      tpu.vector_store %arg5[%swap3A_1052, %swap3A_1053], %swap3A_1056 {strides = array<i32>} : memref<16x128xf32, #tpu.memory_space<vmem>>, vector<1x16xf32>,
      %eq3A_1057 = arith.constant 1 : i32
      %eq3A_1058 = vector.broadcast %eq3A_1057 : i32 to vector<16xi32>
      %eq3A_1059 = arith.cmpi eq, %add3A_1042, %eq3A_1058 : vector<16xi32>
      %jit3A_1060 = arith.constant 1.000000e+00 : f32
      %jit3A_1061 = arith.constant 0.000000e+00 : f32
      %broadcast_in_dim3A_1062 = vector.broadcast %jit3A_1060 : f32 to vector<16xf32>
      %broadcast_in_dim3A_1063 = vector.broadcast %jit3A_1061 : f32 to vector<16xf32>
      %select_n3A_1064 = arith.select %eq3A_1059, %broadcast_in_dim3A_1062, %broadcast_in_dim3A_1063 : vector<16xi1>, vector<16xf32>
      %swap3A_1065 = arith.constant 1 : i32
      %swap3A_1066 = arith.index_cast %swap3A_1065 : i32 to index
      %swap3A_1067 = arith.constant 48 : index
      %swap3A_1068 = tpu.vector_load %arg5[%swap3A_1066, %swap3A_1067] {strides = array<i32>} : memref<16x128xf32, #tpu.memory_space<vmem>>, vector<1x16xf32>,
      %swap3A_1069 = vector.shape_cast %swap3A_1068 : vector<1x16xf32> to vector<16xf32>
      %swap3A_1070 = vector.shape_cast %select_n3A_1064 : vector<16xf32> to vector<1x16xf32>
      tpu.vector_store %arg5[%swap3A_1066, %swap3A_1067], %swap3A_1070 {strides = array<i32>} : memref<16x128xf32, #tpu.memory_space<vmem>>, vector<1x16xf32>,
      %eq3A_1071 = arith.constant 2 : i32
      %eq3A_1072 = vector.broadcast %eq3A_1071 : i32 to vector<16xi32>
      %eq3A_1073 = arith.cmpi eq, %add3A_1042, %eq3A_1072 : vector<16xi32>
      %jit3A_1074 = arith.constant 1.000000e+00 : f32
      %jit3A_1075 = arith.constant 0.000000e+00 : f32
      %broadcast_in_dim3A_1076 = vector.broadcast %jit3A_1074 : f32 to vector<16xf32>
      %broadcast_in_dim3A_1077 = vector.broadcast %jit3A_1075 : f32 to vector<16xf32>
      %select_n3A_1078 = arith.select %eq3A_1073, %broadcast_in_dim3A_1076, %broadcast_in_dim3A_1077 : vector<16xi1>, vector<16xf32>
      %swap3A_1079 = arith.constant 2 : i32
      %swap3A_1080 = arith.index_cast %swap3A_1079 : i32 to index
      %swap3A_1081 = arith.constant 48 : index
      %swap3A_1082 = tpu.vector_load %arg5[%swap3A_1080, %swap3A_1081] {strides = array<i32>} : memref<16x128xf32, #tpu.memory_space<vmem>>, vector<1x16xf32>,
      %swap3A_1083 = vector.shape_cast %swap3A_1082 : vector<1x16xf32> to vector<16xf32>
      %swap3A_1084 = vector.shape_cast %select_n3A_1078 : vector<16xf32> to vector<1x16xf32>
      tpu.vector_store %arg5[%swap3A_1080, %swap3A_1081], %swap3A_1084 {strides = array<i32>} : memref<16x128xf32, #tpu.memory_space<vmem>>, vector<1x16xf32>,
      %eq3A_1085 = arith.constant 3 : i32
      %eq3A_1086 = vector.broadcast %eq3A_1085 : i32 to vector<16xi32>
      %eq3A_1087 = arith.cmpi eq, %add3A_1042, %eq3A_1086 : vector<16xi32>
      %jit3A_1088 = arith.constant 1.000000e+00 : f32
      %jit3A_1089 = arith.constant 0.000000e+00 : f32
      %broadcast_in_dim3A_1090 = vector.broadcast %jit3A_1088 : f32 to vector<16xf32>
      %broadcast_in_dim3A_1091 = vector.broadcast %jit3A_1089 : f32 to vector<16xf32>
      %select_n3A_1092 = arith.select %eq3A_1087, %broadcast_in_dim3A_1090, %broadcast_in_dim3A_1091 : vector<16xi1>, vector<16xf32>
      %swap3A_1093 = arith.constant 3 : i32
      %swap3A_1094 = arith.index_cast %swap3A_1093 : i32 to index
      %swap3A_1095 = arith.constant 48 : index
      %swap3A_1096 = tpu.vector_load %arg5[%swap3A_1094, %swap3A_1095] {strides = array<i32>} : memref<16x128xf32, #tpu.memory_space<vmem>>, vector<1x16xf32>,
      %swap3A_1097 = vector.shape_cast %swap3A_1096 : vector<1x16xf32> to vector<16xf32>
      %swap3A_1098 = vector.shape_cast %select_n3A_1092 : vector<16xf32> to vector<1x16xf32>
      tpu.vector_store %arg5[%swap3A_1094, %swap3A_1095], %swap3A_1098 {strides = array<i32>} : memref<16x128xf32, #tpu.memory_space<vmem>>, vector<1x16xf32>,
      %eq3A_1099 = arith.constant 4 : i32
      %eq3A_1100 = vector.broadcast %eq3A_1099 : i32 to vector<16xi32>
      %eq3A_1101 = arith.cmpi eq, %add3A_1042, %eq3A_1100 : vector<16xi32>
      %jit3A_1102 = arith.constant 1.000000e+00 : f32
      %jit3A_1103 = arith.constant 0.000000e+00 : f32
      %broadcast_in_dim3A_1104 = vector.broadcast %jit3A_1102 : f32 to vector<16xf32>
      %broadcast_in_dim3A_1105 = vector.broadcast %jit3A_1103 : f32 to vector<16xf32>
      %select_n3A_1106 = arith.select %eq3A_1101, %broadcast_in_dim3A_1104, %broadcast_in_dim3A_1105 : vector<16xi1>, vector<16xf32>
      %swap3A_1107 = arith.constant 4 : i32
      %swap3A_1108 = arith.index_cast %swap3A_1107 : i32 to index
      %swap3A_1109 = arith.constant 48 : index
      %swap3A_1110 = tpu.vector_load %arg5[%swap3A_1108, %swap3A_1109] {strides = array<i32>} : memref<16x128xf32, #tpu.memory_space<vmem>>, vector<1x16xf32>,
      %swap3A_1111 = vector.shape_cast %swap3A_1110 : vector<1x16xf32> to vector<16xf32>
      %swap3A_1112 = vector.shape_cast %select_n3A_1106 : vector<16xf32> to vector<1x16xf32>
      tpu.vector_store %arg5[%swap3A_1108, %swap3A_1109], %swap3A_1112 {strides = array<i32>} : memref<16x128xf32, #tpu.memory_space<vmem>>, vector<1x16xf32>,
      %eq3A_1113 = arith.constant 5 : i32
      %eq3A_1114 = vector.broadcast %eq3A_1113 : i32 to vector<16xi32>
      %eq3A_1115 = arith.cmpi eq, %add3A_1042, %eq3A_1114 : vector<16xi32>
      %jit3A_1116 = arith.constant 1.000000e+00 : f32
      %jit3A_1117 = arith.constant 0.000000e+00 : f32
      %broadcast_in_dim3A_1118 = vector.broadcast %jit3A_1116 : f32 to vector<16xf32>
      %broadcast_in_dim3A_1119 = vector.broadcast %jit3A_1117 : f32 to vector<16xf32>
      %select_n3A_1120 = arith.select %eq3A_1115, %broadcast_in_dim3A_1118, %broadcast_in_dim3A_1119 : vector<16xi1>, vector<16xf32>
      %swap3A_1121 = arith.constant 5 : i32
      %swap3A_1122 = arith.index_cast %swap3A_1121 : i32 to index
      %swap3A_1123 = arith.constant 48 : index
      %swap3A_1124 = tpu.vector_load %arg5[%swap3A_1122, %swap3A_1123] {strides = array<i32>} : memref<16x128xf32, #tpu.memory_space<vmem>>, vector<1x16xf32>,
      %swap3A_1125 = vector.shape_cast %swap3A_1124 : vector<1x16xf32> to vector<16xf32>
      %swap3A_1126 = vector.shape_cast %select_n3A_1120 : vector<16xf32> to vector<1x16xf32>
      tpu.vector_store %arg5[%swap3A_1122, %swap3A_1123], %swap3A_1126 {strides = array<i32>} : memref<16x128xf32, #tpu.memory_space<vmem>>, vector<1x16xf32>,
      %eq3A_1127 = arith.constant 6 : i32
      %eq3A_1128 = vector.broadcast %eq3A_1127 : i32 to vector<16xi32>
      %eq3A_1129 = arith.cmpi eq, %add3A_1042, %eq3A_1128 : vector<16xi32>
      %jit3A_1130 = arith.constant 1.000000e+00 : f32
      %jit3A_1131 = arith.constant 0.000000e+00 : f32
      %broadcast_in_dim3A_1132 = vector.broadcast %jit3A_1130 : f32 to vector<16xf32>
      %broadcast_in_dim3A_1133 = vector.broadcast %jit3A_1131 : f32 to vector<16xf32>
      %select_n3A_1134 = arith.select %eq3A_1129, %broadcast_in_dim3A_1132, %broadcast_in_dim3A_1133 : vector<16xi1>, vector<16xf32>
      %swap3A_1135 = arith.constant 6 : i32
      %swap3A_1136 = arith.index_cast %swap3A_1135 : i32 to index
      %swap3A_1137 = arith.constant 48 : index
      %swap3A_1138 = tpu.vector_load %arg5[%swap3A_1136, %swap3A_1137] {strides = array<i32>} : memref<16x128xf32, #tpu.memory_space<vmem>>, vector<1x16xf32>,
      %swap3A_1139 = vector.shape_cast %swap3A_1138 : vector<1x16xf32> to vector<16xf32>
      %swap3A_1140 = vector.shape_cast %select_n3A_1134 : vector<16xf32> to vector<1x16xf32>
      tpu.vector_store %arg5[%swap3A_1136, %swap3A_1137], %swap3A_1140 {strides = array<i32>} : memref<16x128xf32, #tpu.memory_space<vmem>>, vector<1x16xf32>,
      %eq3A_1141 = arith.constant 7 : i32
      %eq3A_1142 = vector.broadcast %eq3A_1141 : i32 to vector<16xi32>
      %eq3A_1143 = arith.cmpi eq, %add3A_1042, %eq3A_1142 : vector<16xi32>
      %jit3A_1144 = arith.constant 1.000000e+00 : f32
      %jit3A_1145 = arith.constant 0.000000e+00 : f32
      %broadcast_in_dim3A_1146 = vector.broadcast %jit3A_1144 : f32 to vector<16xf32>
      %broadcast_in_dim3A_1147 = vector.broadcast %jit3A_1145 : f32 to vector<16xf32>
      %select_n3A_1148 = arith.select %eq3A_1143, %broadcast_in_dim3A_1146, %broadcast_in_dim3A_1147 : vector<16xi1>, vector<16xf32>
      %swap3A_1149 = arith.constant 7 : i32
      %swap3A_1150 = arith.index_cast %swap3A_1149 : i32 to index
      %swap3A_1151 = arith.constant 48 : index
      %swap3A_1152 = tpu.vector_load %arg5[%swap3A_1150, %swap3A_1151] {strides = array<i32>} : memref<16x128xf32, #tpu.memory_space<vmem>>, vector<1x16xf32>,
      %swap3A_1153 = vector.shape_cast %swap3A_1152 : vector<1x16xf32> to vector<16xf32>
      %swap3A_1154 = vector.shape_cast %select_n3A_1148 : vector<16xf32> to vector<1x16xf32>
      tpu.vector_store %arg5[%swap3A_1150, %swap3A_1151], %swap3A_1154 {strides = array<i32>} : memref<16x128xf32, #tpu.memory_space<vmem>>, vector<1x16xf32>,
      %eq3A_1155 = arith.constant 8 : i32
      %eq3A_1156 = vector.broadcast %eq3A_1155 : i32 to vector<16xi32>
      %eq3A_1157 = arith.cmpi eq, %add3A_1042, %eq3A_1156 : vector<16xi32>
      %jit3A_1158 = arith.constant 1.000000e+00 : f32
      %jit3A_1159 = arith.constant 0.000000e+00 : f32
      %broadcast_in_dim3A_1160 = vector.broadcast %jit3A_1158 : f32 to vector<16xf32>
      %broadcast_in_dim3A_1161 = vector.broadcast %jit3A_1159 : f32 to vector<16xf32>
      %select_n3A_1162 = arith.select %eq3A_1157, %broadcast_in_dim3A_1160, %broadcast_in_dim3A_1161 : vector<16xi1>, vector<16xf32>
      %swap3A_1163 = arith.constant 8 : i32
      %swap3A_1164 = arith.index_cast %swap3A_1163 : i32 to index
      %swap3A_1165 = arith.constant 48 : index
      %swap3A_1166 = tpu.vector_load %arg5[%swap3A_1164, %swap3A_1165] {strides = array<i32>} : memref<16x128xf32, #tpu.memory_space<vmem>>, vector<1x16xf32>,
      %swap3A_1167 = vector.shape_cast %swap3A_1166 : vector<1x16xf32> to vector<16xf32>
      %swap3A_1168 = vector.shape_cast %select_n3A_1162 : vector<16xf32> to vector<1x16xf32>
      tpu.vector_store %arg5[%swap3A_1164, %swap3A_1165], %swap3A_1168 {strides = array<i32>} : memref<16x128xf32, #tpu.memory_space<vmem>>, vector<1x16xf32>,
      %eq3A_1169 = arith.constant 9 : i32
      %eq3A_1170 = vector.broadcast %eq3A_1169 : i32 to vector<16xi32>
      %eq3A_1171 = arith.cmpi eq, %add3A_1042, %eq3A_1170 : vector<16xi32>
      %jit3A_1172 = arith.constant 1.000000e+00 : f32
      %jit3A_1173 = arith.constant 0.000000e+00 : f32
      %broadcast_in_dim3A_1174 = vector.broadcast %jit3A_1172 : f32 to vector<16xf32>
      %broadcast_in_dim3A_1175 = vector.broadcast %jit3A_1173 : f32 to vector<16xf32>
      %select_n3A_1176 = arith.select %eq3A_1171, %broadcast_in_dim3A_1174, %broadcast_in_dim3A_1175 : vector<16xi1>, vector<16xf32>
      %swap3A_1177 = arith.constant 9 : i32
      %swap3A_1178 = arith.index_cast %swap3A_1177 : i32 to index
      %swap3A_1179 = arith.constant 48 : index
      %swap3A_1180 = tpu.vector_load %arg5[%swap3A_1178, %swap3A_1179] {strides = array<i32>} : memref<16x128xf32, #tpu.memory_space<vmem>>, vector<1x16xf32>,
      %swap3A_1181 = vector.shape_cast %swap3A_1180 : vector<1x16xf32> to vector<16xf32>
      %swap3A_1182 = vector.shape_cast %select_n3A_1176 : vector<16xf32> to vector<1x16xf32>
      tpu.vector_store %arg5[%swap3A_1178, %swap3A_1179], %swap3A_1182 {strides = array<i32>} : memref<16x128xf32, #tpu.memory_space<vmem>>, vector<1x16xf32>,
      %eq3A_1183 = arith.constant 10 : i32
      %eq3A_1184 = vector.broadcast %eq3A_1183 : i32 to vector<16xi32>
      %eq3A_1185 = arith.cmpi eq, %add3A_1042, %eq3A_1184 : vector<16xi32>
      %jit3A_1186 = arith.constant 1.000000e+00 : f32
      %jit3A_1187 = arith.constant 0.000000e+00 : f32
      %broadcast_in_dim3A_1188 = vector.broadcast %jit3A_1186 : f32 to vector<16xf32>
      %broadcast_in_dim3A_1189 = vector.broadcast %jit3A_1187 : f32 to vector<16xf32>
      %select_n3A_1190 = arith.select %eq3A_1185, %broadcast_in_dim3A_1188, %broadcast_in_dim3A_1189 : vector<16xi1>, vector<16xf32>
      %swap3A_1191 = arith.constant 10 : i32
      %swap3A_1192 = arith.index_cast %swap3A_1191 : i32 to index
      %swap3A_1193 = arith.constant 48 : index
      %swap3A_1194 = tpu.vector_load %arg5[%swap3A_1192, %swap3A_1193] {strides = array<i32>} : memref<16x128xf32, #tpu.memory_space<vmem>>, vector<1x16xf32>,
      %swap3A_1195 = vector.shape_cast %swap3A_1194 : vector<1x16xf32> to vector<16xf32>
      %swap3A_1196 = vector.shape_cast %select_n3A_1190 : vector<16xf32> to vector<1x16xf32>
      tpu.vector_store %arg5[%swap3A_1192, %swap3A_1193], %swap3A_1196 {strides = array<i32>} : memref<16x128xf32, #tpu.memory_space<vmem>>, vector<1x16xf32>,
      %eq3A_1197 = arith.constant 11 : i32
      %eq3A_1198 = vector.broadcast %eq3A_1197 : i32 to vector<16xi32>
      %eq3A_1199 = arith.cmpi eq, %add3A_1042, %eq3A_1198 : vector<16xi32>
      %jit3A_1200 = arith.constant 1.000000e+00 : f32
      %jit3A_1201 = arith.constant 0.000000e+00 : f32
      %broadcast_in_dim3A_1202 = vector.broadcast %jit3A_1200 : f32 to vector<16xf32>
      %broadcast_in_dim3A_1203 = vector.broadcast %jit3A_1201 : f32 to vector<16xf32>
      %select_n3A_1204 = arith.select %eq3A_1199, %broadcast_in_dim3A_1202, %broadcast_in_dim3A_1203 : vector<16xi1>, vector<16xf32>
      %swap3A_1205 = arith.constant 11 : i32
      %swap3A_1206 = arith.index_cast %swap3A_1205 : i32 to index
      %swap3A_1207 = arith.constant 48 : index
      %swap3A_1208 = tpu.vector_load %arg5[%swap3A_1206, %swap3A_1207] {strides = array<i32>} : memref<16x128xf32, #tpu.memory_space<vmem>>, vector<1x16xf32>,
      %swap3A_1209 = vector.shape_cast %swap3A_1208 : vector<1x16xf32> to vector<16xf32>
      %swap3A_1210 = vector.shape_cast %select_n3A_1204 : vector<16xf32> to vector<1x16xf32>
      tpu.vector_store %arg5[%swap3A_1206, %swap3A_1207], %swap3A_1210 {strides = array<i32>} : memref<16x128xf32, #tpu.memory_space<vmem>>, vector<1x16xf32>,
      %eq3A_1211 = arith.constant 12 : i32
      %eq3A_1212 = vector.broadcast %eq3A_1211 : i32 to vector<16xi32>
      %eq3A_1213 = arith.cmpi eq, %add3A_1042, %eq3A_1212 : vector<16xi32>
      %jit3A_1214 = arith.constant 1.000000e+00 : f32
      %jit3A_1215 = arith.constant 0.000000e+00 : f32
      %broadcast_in_dim3A_1216 = vector.broadcast %jit3A_1214 : f32 to vector<16xf32>
      %broadcast_in_dim3A_1217 = vector.broadcast %jit3A_1215 : f32 to vector<16xf32>
      %select_n3A_1218 = arith.select %eq3A_1213, %broadcast_in_dim3A_1216, %broadcast_in_dim3A_1217 : vector<16xi1>, vector<16xf32>
      %swap3A_1219 = arith.constant 12 : i32
      %swap3A_1220 = arith.index_cast %swap3A_1219 : i32 to index
      %swap3A_1221 = arith.constant 48 : index
      %swap3A_1222 = tpu.vector_load %arg5[%swap3A_1220, %swap3A_1221] {strides = array<i32>} : memref<16x128xf32, #tpu.memory_space<vmem>>, vector<1x16xf32>,
      %swap3A_1223 = vector.shape_cast %swap3A_1222 : vector<1x16xf32> to vector<16xf32>
      %swap3A_1224 = vector.shape_cast %select_n3A_1218 : vector<16xf32> to vector<1x16xf32>
      tpu.vector_store %arg5[%swap3A_1220, %swap3A_1221], %swap3A_1224 {strides = array<i32>} : memref<16x128xf32, #tpu.memory_space<vmem>>, vector<1x16xf32>,
      %eq3A_1225 = arith.constant 13 : i32
      %eq3A_1226 = vector.broadcast %eq3A_1225 : i32 to vector<16xi32>
      %eq3A_1227 = arith.cmpi eq, %add3A_1042, %eq3A_1226 : vector<16xi32>
      %jit3A_1228 = arith.constant 1.000000e+00 : f32
      %jit3A_1229 = arith.constant 0.000000e+00 : f32
      %broadcast_in_dim3A_1230 = vector.broadcast %jit3A_1228 : f32 to vector<16xf32>
      %broadcast_in_dim3A_1231 = vector.broadcast %jit3A_1229 : f32 to vector<16xf32>
      %select_n3A_1232 = arith.select %eq3A_1227, %broadcast_in_dim3A_1230, %broadcast_in_dim3A_1231 : vector<16xi1>, vector<16xf32>
      %swap3A_1233 = arith.constant 13 : i32
      %swap3A_1234 = arith.index_cast %swap3A_1233 : i32 to index
      %swap3A_1235 = arith.constant 48 : index
      %swap3A_1236 = tpu.vector_load %arg5[%swap3A_1234, %swap3A_1235] {strides = array<i32>} : memref<16x128xf32, #tpu.memory_space<vmem>>, vector<1x16xf32>,
      %swap3A_1237 = vector.shape_cast %swap3A_1236 : vector<1x16xf32> to vector<16xf32>
      %swap3A_1238 = vector.shape_cast %select_n3A_1232 : vector<16xf32> to vector<1x16xf32>
      tpu.vector_store %arg5[%swap3A_1234, %swap3A_1235], %swap3A_1238 {strides = array<i32>} : memref<16x128xf32, #tpu.memory_space<vmem>>, vector<1x16xf32>,
      %eq3A_1239 = arith.constant 14 : i32
      %eq3A_1240 = vector.broadcast %eq3A_1239 : i32 to vector<16xi32>
      %eq3A_1241 = arith.cmpi eq, %add3A_1042, %eq3A_1240 : vector<16xi32>
      %jit3A_1242 = arith.constant 1.000000e+00 : f32
      %jit3A_1243 = arith.constant 0.000000e+00 : f32
      %broadcast_in_dim3A_1244 = vector.broadcast %jit3A_1242 : f32 to vector<16xf32>
      %broadcast_in_dim3A_1245 = vector.broadcast %jit3A_1243 : f32 to vector<16xf32>
      %select_n3A_1246 = arith.select %eq3A_1241, %broadcast_in_dim3A_1244, %broadcast_in_dim3A_1245 : vector<16xi1>, vector<16xf32>
      %swap3A_1247 = arith.constant 14 : i32
      %swap3A_1248 = arith.index_cast %swap3A_1247 : i32 to index
      %swap3A_1249 = arith.constant 48 : index
      %swap3A_1250 = tpu.vector_load %arg5[%swap3A_1248, %swap3A_1249] {strides = array<i32>} : memref<16x128xf32, #tpu.memory_space<vmem>>, vector<1x16xf32>,
      %swap3A_1251 = vector.shape_cast %swap3A_1250 : vector<1x16xf32> to vector<16xf32>
      %swap3A_1252 = vector.shape_cast %select_n3A_1246 : vector<16xf32> to vector<1x16xf32>
      tpu.vector_store %arg5[%swap3A_1248, %swap3A_1249], %swap3A_1252 {strides = array<i32>} : memref<16x128xf32, #tpu.memory_space<vmem>>, vector<1x16xf32>,
      %eq3A_1253 = arith.constant 15 : i32
      %eq3A_1254 = vector.broadcast %eq3A_1253 : i32 to vector<16xi32>
      %eq3A_1255 = arith.cmpi eq, %add3A_1042, %eq3A_1254 : vector<16xi32>
      %jit3A_1256 = arith.constant 1.000000e+00 : f32
      %jit3A_1257 = arith.constant 0.000000e+00 : f32
      %broadcast_in_dim3A_1258 = vector.broadcast %jit3A_1256 : f32 to vector<16xf32>
      %broadcast_in_dim3A_1259 = vector.broadcast %jit3A_1257 : f32 to vector<16xf32>
      %select_n3A_1260 = arith.select %eq3A_1255, %broadcast_in_dim3A_1258, %broadcast_in_dim3A_1259 : vector<16xi1>, vector<16xf32>
      %swap3A_1261 = arith.constant 15 : i32
      %swap3A_1262 = arith.index_cast %swap3A_1261 : i32 to index
      %swap3A_1263 = arith.constant 48 : index
      %swap3A_1264 = tpu.vector_load %arg5[%swap3A_1262, %swap3A_1263] {strides = array<i32>} : memref<16x128xf32, #tpu.memory_space<vmem>>, vector<1x16xf32>,
      %swap3A_1265 = vector.shape_cast %swap3A_1264 : vector<1x16xf32> to vector<16xf32>
      %swap3A_1266 = vector.shape_cast %select_n3A_1260 : vector<16xf32> to vector<1x16xf32>
      tpu.vector_store %arg5[%swap3A_1262, %swap3A_1263], %swap3A_1266 {strides = array<i32>} : memref<16x128xf32, #tpu.memory_space<vmem>>, vector<1x16xf32>,
      %broadcast_in_dim3A_1267 = arith.constant 0 : i32
      %broadcast_in_dim3A_1268 = vector.broadcast %broadcast_in_dim3A_1267 : i32 to vector<16xi32>
      %get3A_1269 = arith.constant 0 : i32
      %get3A_1270 = arith.index_cast %get3A_1269 : i32 to index
      %get3A_1271 = arith.constant 64 : index
      %get3A_1272 = tpu.vector_load %arg4[%get3A_1270, %get3A_1271] {strides = array<i32>} : memref<8x128xf32, #tpu.memory_space<vmem>>, vector<1x16xf32>,
      %get3A_1273 = vector.shape_cast %get3A_1272 : vector<1x16xf32> to vector<16xf32>
      %get3A_1274 = arith.constant 4 : i32
      %get3A_1275 = arith.index_cast %get3A_1274 : i32 to index
      %get3A_1276 = arith.constant 64 : index
      %get3A_1277 = tpu.vector_load %arg4[%get3A_1275, %get3A_1276] {strides = array<i32>} : memref<8x128xf32, #tpu.memory_space<vmem>>, vector<1x16xf32>,
      %get3A_1278 = vector.shape_cast %get3A_1277 : vector<1x16xf32> to vector<16xf32>
      %gt3A_1279 = arith.constant 0.000000e+00 : f32
      %gt3A_1280 = vector.broadcast %gt3A_1279 : f32 to vector<16xf32>
      %gt3A_1281 = arith.cmpf ogt, %get3A_1273, %gt3A_1280 : vector<16xf32>
      %gt3A_1282 = arith.constant 0.000000e+00 : f32
      %gt3A_1283 = vector.broadcast %gt3A_1282 : f32 to vector<16xf32>
      %gt3A_1284 = arith.cmpf ogt, %get3A_1278, %gt3A_1283 : vector<16xf32>
      %and3A_1285 = arith.andi %gt3A_1281, %gt3A_1284 : vector<16xi1>
      %jit3A_1286 = arith.constant 1 : i32
      %jit3A_1287 = arith.constant 0 : i32
      %broadcast_in_dim3A_1288 = vector.broadcast %jit3A_1286 : i32 to vector<16xi32>
      %broadcast_in_dim3A_1289 = vector.broadcast %jit3A_1287 : i32 to vector<16xi32>
      %select_n3A_1290 = arith.select %and3A_1285, %broadcast_in_dim3A_1288, %broadcast_in_dim3A_1289 : vector<16xi1>, vector<16xi32>
      %add3A_1291 = arith.addi %broadcast_in_dim3A_1268, %select_n3A_1290 : vector<16xi32>
      %get3A_1292 = arith.constant 1 : i32
      %get3A_1293 = arith.index_cast %get3A_1292 : i32 to index
      %get3A_1294 = arith.constant 64 : index
      %get3A_1295 = tpu.vector_load %arg4[%get3A_1293, %get3A_1294] {strides = array<i32>} : memref<8x128xf32, #tpu.memory_space<vmem>>, vector<1x16xf32>,
      %get3A_1296 = vector.shape_cast %get3A_1295 : vector<1x16xf32> to vector<16xf32>
      %get3A_1297 = arith.constant 5 : i32
      %get3A_1298 = arith.index_cast %get3A_1297 : i32 to index
      %get3A_1299 = arith.constant 64 : index
      %get3A_1300 = tpu.vector_load %arg4[%get3A_1298, %get3A_1299] {strides = array<i32>} : memref<8x128xf32, #tpu.memory_space<vmem>>, vector<1x16xf32>,
      %get3A_1301 = vector.shape_cast %get3A_1300 : vector<1x16xf32> to vector<16xf32>
      %gt3A_1302 = arith.constant 0.000000e+00 : f32
      %gt3A_1303 = vector.broadcast %gt3A_1302 : f32 to vector<16xf32>
      %gt3A_1304 = arith.cmpf ogt, %get3A_1296, %gt3A_1303 : vector<16xf32>
      %gt3A_1305 = arith.constant 0.000000e+00 : f32
      %gt3A_1306 = vector.broadcast %gt3A_1305 : f32 to vector<16xf32>
      %gt3A_1307 = arith.cmpf ogt, %get3A_1301, %gt3A_1306 : vector<16xf32>
      %and3A_1308 = arith.andi %gt3A_1304, %gt3A_1307 : vector<16xi1>
      %jit3A_1309 = arith.constant 2 : i32
      %jit3A_1310 = arith.constant 0 : i32
      %broadcast_in_dim3A_1311 = vector.broadcast %jit3A_1309 : i32 to vector<16xi32>
      %broadcast_in_dim3A_1312 = vector.broadcast %jit3A_1310 : i32 to vector<16xi32>
      %select_n3A_1313 = arith.select %and3A_1308, %broadcast_in_dim3A_1311, %broadcast_in_dim3A_1312 : vector<16xi1>, vector<16xi32>
      %add3A_1314 = arith.addi %add3A_1291, %select_n3A_1313 : vector<16xi32>
      %get3A_1315 = arith.constant 2 : i32
      %get3A_1316 = arith.index_cast %get3A_1315 : i32 to index
      %get3A_1317 = arith.constant 64 : index
      %get3A_1318 = tpu.vector_load %arg4[%get3A_1316, %get3A_1317] {strides = array<i32>} : memref<8x128xf32, #tpu.memory_space<vmem>>, vector<1x16xf32>,
      %get3A_1319 = vector.shape_cast %get3A_1318 : vector<1x16xf32> to vector<16xf32>
      %get3A_1320 = arith.constant 6 : i32
      %get3A_1321 = arith.index_cast %get3A_1320 : i32 to index
      %get3A_1322 = arith.constant 64 : index
      %get3A_1323 = tpu.vector_load %arg4[%get3A_1321, %get3A_1322] {strides = array<i32>} : memref<8x128xf32, #tpu.memory_space<vmem>>, vector<1x16xf32>,
      %get3A_1324 = vector.shape_cast %get3A_1323 : vector<1x16xf32> to vector<16xf32>
      %gt3A_1325 = arith.constant 0.000000e+00 : f32
      %gt3A_1326 = vector.broadcast %gt3A_1325 : f32 to vector<16xf32>
      %gt3A_1327 = arith.cmpf ogt, %get3A_1319, %gt3A_1326 : vector<16xf32>
      %gt3A_1328 = arith.constant 0.000000e+00 : f32
      %gt3A_1329 = vector.broadcast %gt3A_1328 : f32 to vector<16xf32>
      %gt3A_1330 = arith.cmpf ogt, %get3A_1324, %gt3A_1329 : vector<16xf32>
      %and3A_1331 = arith.andi %gt3A_1327, %gt3A_1330 : vector<16xi1>
      %jit3A_1332 = arith.constant 4 : i32
      %jit3A_1333 = arith.constant 0 : i32
      %broadcast_in_dim3A_1334 = vector.broadcast %jit3A_1332 : i32 to vector<16xi32>
      %broadcast_in_dim3A_1335 = vector.broadcast %jit3A_1333 : i32 to vector<16xi32>
      %select_n3A_1336 = arith.select %and3A_1331, %broadcast_in_dim3A_1334, %broadcast_in_dim3A_1335 : vector<16xi1>, vector<16xi32>
      %add3A_1337 = arith.addi %add3A_1314, %select_n3A_1336 : vector<16xi32>
      %get3A_1338 = arith.constant 3 : i32
      %get3A_1339 = arith.index_cast %get3A_1338 : i32 to index
      %get3A_1340 = arith.constant 64 : index
      %get3A_1341 = tpu.vector_load %arg4[%get3A_1339, %get3A_1340] {strides = array<i32>} : memref<8x128xf32, #tpu.memory_space<vmem>>, vector<1x16xf32>,
      %get3A_1342 = vector.shape_cast %get3A_1341 : vector<1x16xf32> to vector<16xf32>
      %get3A_1343 = arith.constant 7 : i32
      %get3A_1344 = arith.index_cast %get3A_1343 : i32 to index
      %get3A_1345 = arith.constant 64 : index
      %get3A_1346 = tpu.vector_load %arg4[%get3A_1344, %get3A_1345] {strides = array<i32>} : memref<8x128xf32, #tpu.memory_space<vmem>>, vector<1x16xf32>,
      %get3A_1347 = vector.shape_cast %get3A_1346 : vector<1x16xf32> to vector<16xf32>
      %gt3A_1348 = arith.constant 0.000000e+00 : f32
      %gt3A_1349 = vector.broadcast %gt3A_1348 : f32 to vector<16xf32>
      %gt3A_1350 = arith.cmpf ogt, %get3A_1342, %gt3A_1349 : vector<16xf32>
      %gt3A_1351 = arith.constant 0.000000e+00 : f32
      %gt3A_1352 = vector.broadcast %gt3A_1351 : f32 to vector<16xf32>
      %gt3A_1353 = arith.cmpf ogt, %get3A_1347, %gt3A_1352 : vector<16xf32>
      %and3A_1354 = arith.andi %gt3A_1350, %gt3A_1353 : vector<16xi1>
      %jit3A_1355 = arith.constant 8 : i32
      %jit3A_1356 = arith.constant 0 : i32
      %broadcast_in_dim3A_1357 = vector.broadcast %jit3A_1355 : i32 to vector<16xi32>
      %broadcast_in_dim3A_1358 = vector.broadcast %jit3A_1356 : i32 to vector<16xi32>
      %select_n3A_1359 = arith.select %and3A_1354, %broadcast_in_dim3A_1357, %broadcast_in_dim3A_1358 : vector<16xi1>, vector<16xi32>
      %add3A_1360 = arith.addi %add3A_1337, %select_n3A_1359 : vector<16xi32>
      %eq3A_1361 = arith.constant 0 : i32
      %eq3A_1362 = vector.broadcast %eq3A_1361 : i32 to vector<16xi32>
      %eq3A_1363 = arith.cmpi eq, %add3A_1360, %eq3A_1362 : vector<16xi32>
      %jit3A_1364 = arith.constant 1.000000e+00 : f32
      %jit3A_1365 = arith.constant 0.000000e+00 : f32
      %broadcast_in_dim3A_1366 = vector.broadcast %jit3A_1364 : f32 to vector<16xf32>
      %broadcast_in_dim3A_1367 = vector.broadcast %jit3A_1365 : f32 to vector<16xf32>
      %select_n3A_1368 = arith.select %eq3A_1363, %broadcast_in_dim3A_1366, %broadcast_in_dim3A_1367 : vector<16xi1>, vector<16xf32>
      %swap3A_1369 = arith.constant 0 : i32
      %swap3A_1370 = arith.index_cast %swap3A_1369 : i32 to index
      %swap3A_1371 = arith.constant 64 : index
      %swap3A_1372 = tpu.vector_load %arg5[%swap3A_1370, %swap3A_1371] {strides = array<i32>} : memref<16x128xf32, #tpu.memory_space<vmem>>, vector<1x16xf32>,
      %swap3A_1373 = vector.shape_cast %swap3A_1372 : vector<1x16xf32> to vector<16xf32>
      %swap3A_1374 = vector.shape_cast %select_n3A_1368 : vector<16xf32> to vector<1x16xf32>
      tpu.vector_store %arg5[%swap3A_1370, %swap3A_1371], %swap3A_1374 {strides = array<i32>} : memref<16x128xf32, #tpu.memory_space<vmem>>, vector<1x16xf32>,
      %eq3A_1375 = arith.constant 1 : i32
      %eq3A_1376 = vector.broadcast %eq3A_1375 : i32 to vector<16xi32>
      %eq3A_1377 = arith.cmpi eq, %add3A_1360, %eq3A_1376 : vector<16xi32>
      %jit3A_1378 = arith.constant 1.000000e+00 : f32
      %jit3A_1379 = arith.constant 0.000000e+00 : f32
      %broadcast_in_dim3A_1380 = vector.broadcast %jit3A_1378 : f32 to vector<16xf32>
      %broadcast_in_dim3A_1381 = vector.broadcast %jit3A_1379 : f32 to vector<16xf32>
      %select_n3A_1382 = arith.select %eq3A_1377, %broadcast_in_dim3A_1380, %broadcast_in_dim3A_1381 : vector<16xi1>, vector<16xf32>
      %swap3A_1383 = arith.constant 1 : i32
      %swap3A_1384 = arith.index_cast %swap3A_1383 : i32 to index
      %swap3A_1385 = arith.constant 64 : index
      %swap3A_1386 = tpu.vector_load %arg5[%swap3A_1384, %swap3A_1385] {strides = array<i32>} : memref<16x128xf32, #tpu.memory_space<vmem>>, vector<1x16xf32>,
      %swap3A_1387 = vector.shape_cast %swap3A_1386 : vector<1x16xf32> to vector<16xf32>
      %swap3A_1388 = vector.shape_cast %select_n3A_1382 : vector<16xf32> to vector<1x16xf32>
      tpu.vector_store %arg5[%swap3A_1384, %swap3A_1385], %swap3A_1388 {strides = array<i32>} : memref<16x128xf32, #tpu.memory_space<vmem>>, vector<1x16xf32>,
      %eq3A_1389 = arith.constant 2 : i32
      %eq3A_1390 = vector.broadcast %eq3A_1389 : i32 to vector<16xi32>
      %eq3A_1391 = arith.cmpi eq, %add3A_1360, %eq3A_1390 : vector<16xi32>
      %jit3A_1392 = arith.constant 1.000000e+00 : f32
      %jit3A_1393 = arith.constant 0.000000e+00 : f32
      %broadcast_in_dim3A_1394 = vector.broadcast %jit3A_1392 : f32 to vector<16xf32>
      %broadcast_in_dim3A_1395 = vector.broadcast %jit3A_1393 : f32 to vector<16xf32>
      %select_n3A_1396 = arith.select %eq3A_1391, %broadcast_in_dim3A_1394, %broadcast_in_dim3A_1395 : vector<16xi1>, vector<16xf32>
      %swap3A_1397 = arith.constant 2 : i32
      %swap3A_1398 = arith.index_cast %swap3A_1397 : i32 to index
      %swap3A_1399 = arith.constant 64 : index
      %swap3A_1400 = tpu.vector_load %arg5[%swap3A_1398, %swap3A_1399] {strides = array<i32>} : memref<16x128xf32, #tpu.memory_space<vmem>>, vector<1x16xf32>,
      %swap3A_1401 = vector.shape_cast %swap3A_1400 : vector<1x16xf32> to vector<16xf32>
      %swap3A_1402 = vector.shape_cast %select_n3A_1396 : vector<16xf32> to vector<1x16xf32>
      tpu.vector_store %arg5[%swap3A_1398, %swap3A_1399], %swap3A_1402 {strides = array<i32>} : memref<16x128xf32, #tpu.memory_space<vmem>>, vector<1x16xf32>,
      %eq3A_1403 = arith.constant 3 : i32
      %eq3A_1404 = vector.broadcast %eq3A_1403 : i32 to vector<16xi32>
      %eq3A_1405 = arith.cmpi eq, %add3A_1360, %eq3A_1404 : vector<16xi32>
      %jit3A_1406 = arith.constant 1.000000e+00 : f32
      %jit3A_1407 = arith.constant 0.000000e+00 : f32
      %broadcast_in_dim3A_1408 = vector.broadcast %jit3A_1406 : f32 to vector<16xf32>
      %broadcast_in_dim3A_1409 = vector.broadcast %jit3A_1407 : f32 to vector<16xf32>
      %select_n3A_1410 = arith.select %eq3A_1405, %broadcast_in_dim3A_1408, %broadcast_in_dim3A_1409 : vector<16xi1>, vector<16xf32>
      %swap3A_1411 = arith.constant 3 : i32
      %swap3A_1412 = arith.index_cast %swap3A_1411 : i32 to index
      %swap3A_1413 = arith.constant 64 : index
      %swap3A_1414 = tpu.vector_load %arg5[%swap3A_1412, %swap3A_1413] {strides = array<i32>} : memref<16x128xf32, #tpu.memory_space<vmem>>, vector<1x16xf32>,
      %swap3A_1415 = vector.shape_cast %swap3A_1414 : vector<1x16xf32> to vector<16xf32>
      %swap3A_1416 = vector.shape_cast %select_n3A_1410 : vector<16xf32> to vector<1x16xf32>
      tpu.vector_store %arg5[%swap3A_1412, %swap3A_1413], %swap3A_1416 {strides = array<i32>} : memref<16x128xf32, #tpu.memory_space<vmem>>, vector<1x16xf32>,
      %eq3A_1417 = arith.constant 4 : i32
      %eq3A_1418 = vector.broadcast %eq3A_1417 : i32 to vector<16xi32>
      %eq3A_1419 = arith.cmpi eq, %add3A_1360, %eq3A_1418 : vector<16xi32>
      %jit3A_1420 = arith.constant 1.000000e+00 : f32
      %jit3A_1421 = arith.constant 0.000000e+00 : f32
      %broadcast_in_dim3A_1422 = vector.broadcast %jit3A_1420 : f32 to vector<16xf32>
      %broadcast_in_dim3A_1423 = vector.broadcast %jit3A_1421 : f32 to vector<16xf32>
      %select_n3A_1424 = arith.select %eq3A_1419, %broadcast_in_dim3A_1422, %broadcast_in_dim3A_1423 : vector<16xi1>, vector<16xf32>
      %swap3A_1425 = arith.constant 4 : i32
      %swap3A_1426 = arith.index_cast %swap3A_1425 : i32 to index
      %swap3A_1427 = arith.constant 64 : index
      %swap3A_1428 = tpu.vector_load %arg5[%swap3A_1426, %swap3A_1427] {strides = array<i32>} : memref<16x128xf32, #tpu.memory_space<vmem>>, vector<1x16xf32>,
      %swap3A_1429 = vector.shape_cast %swap3A_1428 : vector<1x16xf32> to vector<16xf32>
      %swap3A_1430 = vector.shape_cast %select_n3A_1424 : vector<16xf32> to vector<1x16xf32>
      tpu.vector_store %arg5[%swap3A_1426, %swap3A_1427], %swap3A_1430 {strides = array<i32>} : memref<16x128xf32, #tpu.memory_space<vmem>>, vector<1x16xf32>,
      %eq3A_1431 = arith.constant 5 : i32
      %eq3A_1432 = vector.broadcast %eq3A_1431 : i32 to vector<16xi32>
      %eq3A_1433 = arith.cmpi eq, %add3A_1360, %eq3A_1432 : vector<16xi32>
      %jit3A_1434 = arith.constant 1.000000e+00 : f32
      %jit3A_1435 = arith.constant 0.000000e+00 : f32
      %broadcast_in_dim3A_1436 = vector.broadcast %jit3A_1434 : f32 to vector<16xf32>
      %broadcast_in_dim3A_1437 = vector.broadcast %jit3A_1435 : f32 to vector<16xf32>
      %select_n3A_1438 = arith.select %eq3A_1433, %broadcast_in_dim3A_1436, %broadcast_in_dim3A_1437 : vector<16xi1>, vector<16xf32>
      %swap3A_1439 = arith.constant 5 : i32
      %swap3A_1440 = arith.index_cast %swap3A_1439 : i32 to index
      %swap3A_1441 = arith.constant 64 : index
      %swap3A_1442 = tpu.vector_load %arg5[%swap3A_1440, %swap3A_1441] {strides = array<i32>} : memref<16x128xf32, #tpu.memory_space<vmem>>, vector<1x16xf32>,
      %swap3A_1443 = vector.shape_cast %swap3A_1442 : vector<1x16xf32> to vector<16xf32>
      %swap3A_1444 = vector.shape_cast %select_n3A_1438 : vector<16xf32> to vector<1x16xf32>
      tpu.vector_store %arg5[%swap3A_1440, %swap3A_1441], %swap3A_1444 {strides = array<i32>} : memref<16x128xf32, #tpu.memory_space<vmem>>, vector<1x16xf32>,
      %eq3A_1445 = arith.constant 6 : i32
      %eq3A_1446 = vector.broadcast %eq3A_1445 : i32 to vector<16xi32>
      %eq3A_1447 = arith.cmpi eq, %add3A_1360, %eq3A_1446 : vector<16xi32>
      %jit3A_1448 = arith.constant 1.000000e+00 : f32
      %jit3A_1449 = arith.constant 0.000000e+00 : f32
      %broadcast_in_dim3A_1450 = vector.broadcast %jit3A_1448 : f32 to vector<16xf32>
      %broadcast_in_dim3A_1451 = vector.broadcast %jit3A_1449 : f32 to vector<16xf32>
      %select_n3A_1452 = arith.select %eq3A_1447, %broadcast_in_dim3A_1450, %broadcast_in_dim3A_1451 : vector<16xi1>, vector<16xf32>
      %swap3A_1453 = arith.constant 6 : i32
      %swap3A_1454 = arith.index_cast %swap3A_1453 : i32 to index
      %swap3A_1455 = arith.constant 64 : index
      %swap3A_1456 = tpu.vector_load %arg5[%swap3A_1454, %swap3A_1455] {strides = array<i32>} : memref<16x128xf32, #tpu.memory_space<vmem>>, vector<1x16xf32>,
      %swap3A_1457 = vector.shape_cast %swap3A_1456 : vector<1x16xf32> to vector<16xf32>
      %swap3A_1458 = vector.shape_cast %select_n3A_1452 : vector<16xf32> to vector<1x16xf32>
      tpu.vector_store %arg5[%swap3A_1454, %swap3A_1455], %swap3A_1458 {strides = array<i32>} : memref<16x128xf32, #tpu.memory_space<vmem>>, vector<1x16xf32>,
      %eq3A_1459 = arith.constant 7 : i32
      %eq3A_1460 = vector.broadcast %eq3A_1459 : i32 to vector<16xi32>
      %eq3A_1461 = arith.cmpi eq, %add3A_1360, %eq3A_1460 : vector<16xi32>
      %jit3A_1462 = arith.constant 1.000000e+00 : f32
      %jit3A_1463 = arith.constant 0.000000e+00 : f32
      %broadcast_in_dim3A_1464 = vector.broadcast %jit3A_1462 : f32 to vector<16xf32>
      %broadcast_in_dim3A_1465 = vector.broadcast %jit3A_1463 : f32 to vector<16xf32>
      %select_n3A_1466 = arith.select %eq3A_1461, %broadcast_in_dim3A_1464, %broadcast_in_dim3A_1465 : vector<16xi1>, vector<16xf32>
      %swap3A_1467 = arith.constant 7 : i32
      %swap3A_1468 = arith.index_cast %swap3A_1467 : i32 to index
      %swap3A_1469 = arith.constant 64 : index
      %swap3A_1470 = tpu.vector_load %arg5[%swap3A_1468, %swap3A_1469] {strides = array<i32>} : memref<16x128xf32, #tpu.memory_space<vmem>>, vector<1x16xf32>,
      %swap3A_1471 = vector.shape_cast %swap3A_1470 : vector<1x16xf32> to vector<16xf32>
      %swap3A_1472 = vector.shape_cast %select_n3A_1466 : vector<16xf32> to vector<1x16xf32>
      tpu.vector_store %arg5[%swap3A_1468, %swap3A_1469], %swap3A_1472 {strides = array<i32>} : memref<16x128xf32, #tpu.memory_space<vmem>>, vector<1x16xf32>,
      %eq3A_1473 = arith.constant 8 : i32
      %eq3A_1474 = vector.broadcast %eq3A_1473 : i32 to vector<16xi32>
      %eq3A_1475 = arith.cmpi eq, %add3A_1360, %eq3A_1474 : vector<16xi32>
      %jit3A_1476 = arith.constant 1.000000e+00 : f32
      %jit3A_1477 = arith.constant 0.000000e+00 : f32
      %broadcast_in_dim3A_1478 = vector.broadcast %jit3A_1476 : f32 to vector<16xf32>
      %broadcast_in_dim3A_1479 = vector.broadcast %jit3A_1477 : f32 to vector<16xf32>
      %select_n3A_1480 = arith.select %eq3A_1475, %broadcast_in_dim3A_1478, %broadcast_in_dim3A_1479 : vector<16xi1>, vector<16xf32>
      %swap3A_1481 = arith.constant 8 : i32
      %swap3A_1482 = arith.index_cast %swap3A_1481 : i32 to index
      %swap3A_1483 = arith.constant 64 : index
      %swap3A_1484 = tpu.vector_load %arg5[%swap3A_1482, %swap3A_1483] {strides = array<i32>} : memref<16x128xf32, #tpu.memory_space<vmem>>, vector<1x16xf32>,
      %swap3A_1485 = vector.shape_cast %swap3A_1484 : vector<1x16xf32> to vector<16xf32>
      %swap3A_1486 = vector.shape_cast %select_n3A_1480 : vector<16xf32> to vector<1x16xf32>
      tpu.vector_store %arg5[%swap3A_1482, %swap3A_1483], %swap3A_1486 {strides = array<i32>} : memref<16x128xf32, #tpu.memory_space<vmem>>, vector<1x16xf32>,
      %eq3A_1487 = arith.constant 9 : i32
      %eq3A_1488 = vector.broadcast %eq3A_1487 : i32 to vector<16xi32>
      %eq3A_1489 = arith.cmpi eq, %add3A_1360, %eq3A_1488 : vector<16xi32>
      %jit3A_1490 = arith.constant 1.000000e+00 : f32
      %jit3A_1491 = arith.constant 0.000000e+00 : f32
      %broadcast_in_dim3A_1492 = vector.broadcast %jit3A_1490 : f32 to vector<16xf32>
      %broadcast_in_dim3A_1493 = vector.broadcast %jit3A_1491 : f32 to vector<16xf32>
      %select_n3A_1494 = arith.select %eq3A_1489, %broadcast_in_dim3A_1492, %broadcast_in_dim3A_1493 : vector<16xi1>, vector<16xf32>
      %swap3A_1495 = arith.constant 9 : i32
      %swap3A_1496 = arith.index_cast %swap3A_1495 : i32 to index
      %swap3A_1497 = arith.constant 64 : index
      %swap3A_1498 = tpu.vector_load %arg5[%swap3A_1496, %swap3A_1497] {strides = array<i32>} : memref<16x128xf32, #tpu.memory_space<vmem>>, vector<1x16xf32>,
      %swap3A_1499 = vector.shape_cast %swap3A_1498 : vector<1x16xf32> to vector<16xf32>
      %swap3A_1500 = vector.shape_cast %select_n3A_1494 : vector<16xf32> to vector<1x16xf32>
      tpu.vector_store %arg5[%swap3A_1496, %swap3A_1497], %swap3A_1500 {strides = array<i32>} : memref<16x128xf32, #tpu.memory_space<vmem>>, vector<1x16xf32>,
      %eq3A_1501 = arith.constant 10 : i32
      %eq3A_1502 = vector.broadcast %eq3A_1501 : i32 to vector<16xi32>
      %eq3A_1503 = arith.cmpi eq, %add3A_1360, %eq3A_1502 : vector<16xi32>
      %jit3A_1504 = arith.constant 1.000000e+00 : f32
      %jit3A_1505 = arith.constant 0.000000e+00 : f32
      %broadcast_in_dim3A_1506 = vector.broadcast %jit3A_1504 : f32 to vector<16xf32>
      %broadcast_in_dim3A_1507 = vector.broadcast %jit3A_1505 : f32 to vector<16xf32>
      %select_n3A_1508 = arith.select %eq3A_1503, %broadcast_in_dim3A_1506, %broadcast_in_dim3A_1507 : vector<16xi1>, vector<16xf32>
      %swap3A_1509 = arith.constant 10 : i32
      %swap3A_1510 = arith.index_cast %swap3A_1509 : i32 to index
      %swap3A_1511 = arith.constant 64 : index
      %swap3A_1512 = tpu.vector_load %arg5[%swap3A_1510, %swap3A_1511] {strides = array<i32>} : memref<16x128xf32, #tpu.memory_space<vmem>>, vector<1x16xf32>,
      %swap3A_1513 = vector.shape_cast %swap3A_1512 : vector<1x16xf32> to vector<16xf32>
      %swap3A_1514 = vector.shape_cast %select_n3A_1508 : vector<16xf32> to vector<1x16xf32>
      tpu.vector_store %arg5[%swap3A_1510, %swap3A_1511], %swap3A_1514 {strides = array<i32>} : memref<16x128xf32, #tpu.memory_space<vmem>>, vector<1x16xf32>,
      %eq3A_1515 = arith.constant 11 : i32
      %eq3A_1516 = vector.broadcast %eq3A_1515 : i32 to vector<16xi32>
      %eq3A_1517 = arith.cmpi eq, %add3A_1360, %eq3A_1516 : vector<16xi32>
      %jit3A_1518 = arith.constant 1.000000e+00 : f32
      %jit3A_1519 = arith.constant 0.000000e+00 : f32
      %broadcast_in_dim3A_1520 = vector.broadcast %jit3A_1518 : f32 to vector<16xf32>
      %broadcast_in_dim3A_1521 = vector.broadcast %jit3A_1519 : f32 to vector<16xf32>
      %select_n3A_1522 = arith.select %eq3A_1517, %broadcast_in_dim3A_1520, %broadcast_in_dim3A_1521 : vector<16xi1>, vector<16xf32>
      %swap3A_1523 = arith.constant 11 : i32
      %swap3A_1524 = arith.index_cast %swap3A_1523 : i32 to index
      %swap3A_1525 = arith.constant 64 : index
      %swap3A_1526 = tpu.vector_load %arg5[%swap3A_1524, %swap3A_1525] {strides = array<i32>} : memref<16x128xf32, #tpu.memory_space<vmem>>, vector<1x16xf32>,
      %swap3A_1527 = vector.shape_cast %swap3A_1526 : vector<1x16xf32> to vector<16xf32>
      %swap3A_1528 = vector.shape_cast %select_n3A_1522 : vector<16xf32> to vector<1x16xf32>
      tpu.vector_store %arg5[%swap3A_1524, %swap3A_1525], %swap3A_1528 {strides = array<i32>} : memref<16x128xf32, #tpu.memory_space<vmem>>, vector<1x16xf32>,
      %eq3A_1529 = arith.constant 12 : i32
      %eq3A_1530 = vector.broadcast %eq3A_1529 : i32 to vector<16xi32>
      %eq3A_1531 = arith.cmpi eq, %add3A_1360, %eq3A_1530 : vector<16xi32>
      %jit3A_1532 = arith.constant 1.000000e+00 : f32
      %jit3A_1533 = arith.constant 0.000000e+00 : f32
      %broadcast_in_dim3A_1534 = vector.broadcast %jit3A_1532 : f32 to vector<16xf32>
      %broadcast_in_dim3A_1535 = vector.broadcast %jit3A_1533 : f32 to vector<16xf32>
      %select_n3A_1536 = arith.select %eq3A_1531, %broadcast_in_dim3A_1534, %broadcast_in_dim3A_1535 : vector<16xi1>, vector<16xf32>
      %swap3A_1537 = arith.constant 12 : i32
      %swap3A_1538 = arith.index_cast %swap3A_1537 : i32 to index
      %swap3A_1539 = arith.constant 64 : index
      %swap3A_1540 = tpu.vector_load %arg5[%swap3A_1538, %swap3A_1539] {strides = array<i32>} : memref<16x128xf32, #tpu.memory_space<vmem>>, vector<1x16xf32>,
      %swap3A_1541 = vector.shape_cast %swap3A_1540 : vector<1x16xf32> to vector<16xf32>
      %swap3A_1542 = vector.shape_cast %select_n3A_1536 : vector<16xf32> to vector<1x16xf32>
      tpu.vector_store %arg5[%swap3A_1538, %swap3A_1539], %swap3A_1542 {strides = array<i32>} : memref<16x128xf32, #tpu.memory_space<vmem>>, vector<1x16xf32>,
      %eq3A_1543 = arith.constant 13 : i32
      %eq3A_1544 = vector.broadcast %eq3A_1543 : i32 to vector<16xi32>
      %eq3A_1545 = arith.cmpi eq, %add3A_1360, %eq3A_1544 : vector<16xi32>
      %jit3A_1546 = arith.constant 1.000000e+00 : f32
      %jit3A_1547 = arith.constant 0.000000e+00 : f32
      %broadcast_in_dim3A_1548 = vector.broadcast %jit3A_1546 : f32 to vector<16xf32>
      %broadcast_in_dim3A_1549 = vector.broadcast %jit3A_1547 : f32 to vector<16xf32>
      %select_n3A_1550 = arith.select %eq3A_1545, %broadcast_in_dim3A_1548, %broadcast_in_dim3A_1549 : vector<16xi1>, vector<16xf32>
      %swap3A_1551 = arith.constant 13 : i32
      %swap3A_1552 = arith.index_cast %swap3A_1551 : i32 to index
      %swap3A_1553 = arith.constant 64 : index
      %swap3A_1554 = tpu.vector_load %arg5[%swap3A_1552, %swap3A_1553] {strides = array<i32>} : memref<16x128xf32, #tpu.memory_space<vmem>>, vector<1x16xf32>,
      %swap3A_1555 = vector.shape_cast %swap3A_1554 : vector<1x16xf32> to vector<16xf32>
      %swap3A_1556 = vector.shape_cast %select_n3A_1550 : vector<16xf32> to vector<1x16xf32>
      tpu.vector_store %arg5[%swap3A_1552, %swap3A_1553], %swap3A_1556 {strides = array<i32>} : memref<16x128xf32, #tpu.memory_space<vmem>>, vector<1x16xf32>,
      %eq3A_1557 = arith.constant 14 : i32
      %eq3A_1558 = vector.broadcast %eq3A_1557 : i32 to vector<16xi32>
      %eq3A_1559 = arith.cmpi eq, %add3A_1360, %eq3A_1558 : vector<16xi32>
      %jit3A_1560 = arith.constant 1.000000e+00 : f32
      %jit3A_1561 = arith.constant 0.000000e+00 : f32
      %broadcast_in_dim3A_1562 = vector.broadcast %jit3A_1560 : f32 to vector<16xf32>
      %broadcast_in_dim3A_1563 = vector.broadcast %jit3A_1561 : f32 to vector<16xf32>
      %select_n3A_1564 = arith.select %eq3A_1559, %broadcast_in_dim3A_1562, %broadcast_in_dim3A_1563 : vector<16xi1>, vector<16xf32>
      %swap3A_1565 = arith.constant 14 : i32
      %swap3A_1566 = arith.index_cast %swap3A_1565 : i32 to index
      %swap3A_1567 = arith.constant 64 : index
      %swap3A_1568 = tpu.vector_load %arg5[%swap3A_1566, %swap3A_1567] {strides = array<i32>} : memref<16x128xf32, #tpu.memory_space<vmem>>, vector<1x16xf32>,
      %swap3A_1569 = vector.shape_cast %swap3A_1568 : vector<1x16xf32> to vector<16xf32>
      %swap3A_1570 = vector.shape_cast %select_n3A_1564 : vector<16xf32> to vector<1x16xf32>
      tpu.vector_store %arg5[%swap3A_1566, %swap3A_1567], %swap3A_1570 {strides = array<i32>} : memref<16x128xf32, #tpu.memory_space<vmem>>, vector<1x16xf32>,
      %eq3A_1571 = arith.constant 15 : i32
      %eq3A_1572 = vector.broadcast %eq3A_1571 : i32 to vector<16xi32>
      %eq3A_1573 = arith.cmpi eq, %add3A_1360, %eq3A_1572 : vector<16xi32>
      %jit3A_1574 = arith.constant 1.000000e+00 : f32
      %jit3A_1575 = arith.constant 0.000000e+00 : f32
      %broadcast_in_dim3A_1576 = vector.broadcast %jit3A_1574 : f32 to vector<16xf32>
      %broadcast_in_dim3A_1577 = vector.broadcast %jit3A_1575 : f32 to vector<16xf32>
      %select_n3A_1578 = arith.select %eq3A_1573, %broadcast_in_dim3A_1576, %broadcast_in_dim3A_1577 : vector<16xi1>, vector<16xf32>
      %swap3A_1579 = arith.constant 15 : i32
      %swap3A_1580 = arith.index_cast %swap3A_1579 : i32 to index
      %swap3A_1581 = arith.constant 64 : index
      %swap3A_1582 = tpu.vector_load %arg5[%swap3A_1580, %swap3A_1581] {strides = array<i32>} : memref<16x128xf32, #tpu.memory_space<vmem>>, vector<1x16xf32>,
      %swap3A_1583 = vector.shape_cast %swap3A_1582 : vector<1x16xf32> to vector<16xf32>
      %swap3A_1584 = vector.shape_cast %select_n3A_1578 : vector<16xf32> to vector<1x16xf32>
      tpu.vector_store %arg5[%swap3A_1580, %swap3A_1581], %swap3A_1584 {strides = array<i32>} : memref<16x128xf32, #tpu.memory_space<vmem>>, vector<1x16xf32>,
      %broadcast_in_dim3A_1585 = arith.constant 0 : i32
      %broadcast_in_dim3A_1586 = vector.broadcast %broadcast_in_dim3A_1585 : i32 to vector<16xi32>
      %get3A_1587 = arith.constant 0 : i32
      %get3A_1588 = arith.index_cast %get3A_1587 : i32 to index
      %get3A_1589 = arith.constant 80 : index
      %get3A_1590 = tpu.vector_load %arg4[%get3A_1588, %get3A_1589] {strides = array<i32>} : memref<8x128xf32, #tpu.memory_space<vmem>>, vector<1x16xf32>,
      %get3A_1591 = vector.shape_cast %get3A_1590 : vector<1x16xf32> to vector<16xf32>
      %get3A_1592 = arith.constant 4 : i32
      %get3A_1593 = arith.index_cast %get3A_1592 : i32 to index
      %get3A_1594 = arith.constant 80 : index
      %get3A_1595 = tpu.vector_load %arg4[%get3A_1593, %get3A_1594] {strides = array<i32>} : memref<8x128xf32, #tpu.memory_space<vmem>>, vector<1x16xf32>,
      %get3A_1596 = vector.shape_cast %get3A_1595 : vector<1x16xf32> to vector<16xf32>
      %gt3A_1597 = arith.constant 0.000000e+00 : f32
      %gt3A_1598 = vector.broadcast %gt3A_1597 : f32 to vector<16xf32>
      %gt3A_1599 = arith.cmpf ogt, %get3A_1591, %gt3A_1598 : vector<16xf32>
      %gt3A_1600 = arith.constant 0.000000e+00 : f32
      %gt3A_1601 = vector.broadcast %gt3A_1600 : f32 to vector<16xf32>
      %gt3A_1602 = arith.cmpf ogt, %get3A_1596, %gt3A_1601 : vector<16xf32>
      %and3A_1603 = arith.andi %gt3A_1599, %gt3A_1602 : vector<16xi1>
      %jit3A_1604 = arith.constant 1 : i32
      %jit3A_1605 = arith.constant 0 : i32
      %broadcast_in_dim3A_1606 = vector.broadcast %jit3A_1604 : i32 to vector<16xi32>
      %broadcast_in_dim3A_1607 = vector.broadcast %jit3A_1605 : i32 to vector<16xi32>
      %select_n3A_1608 = arith.select %and3A_1603, %broadcast_in_dim3A_1606, %broadcast_in_dim3A_1607 : vector<16xi1>, vector<16xi32>
      %add3A_1609 = arith.addi %broadcast_in_dim3A_1586, %select_n3A_1608 : vector<16xi32>
      %get3A_1610 = arith.constant 1 : i32
      %get3A_1611 = arith.index_cast %get3A_1610 : i32 to index
      %get3A_1612 = arith.constant 80 : index
      %get3A_1613 = tpu.vector_load %arg4[%get3A_1611, %get3A_1612] {strides = array<i32>} : memref<8x128xf32, #tpu.memory_space<vmem>>, vector<1x16xf32>,
      %get3A_1614 = vector.shape_cast %get3A_1613 : vector<1x16xf32> to vector<16xf32>
      %get3A_1615 = arith.constant 5 : i32
      %get3A_1616 = arith.index_cast %get3A_1615 : i32 to index
      %get3A_1617 = arith.constant 80 : index
      %get3A_1618 = tpu.vector_load %arg4[%get3A_1616, %get3A_1617] {strides = array<i32>} : memref<8x128xf32, #tpu.memory_space<vmem>>, vector<1x16xf32>,
      %get3A_1619 = vector.shape_cast %get3A_1618 : vector<1x16xf32> to vector<16xf32>
      %gt3A_1620 = arith.constant 0.000000e+00 : f32
      %gt3A_1621 = vector.broadcast %gt3A_1620 : f32 to vector<16xf32>
      %gt3A_1622 = arith.cmpf ogt, %get3A_1614, %gt3A_1621 : vector<16xf32>
      %gt3A_1623 = arith.constant 0.000000e+00 : f32
      %gt3A_1624 = vector.broadcast %gt3A_1623 : f32 to vector<16xf32>
      %gt3A_1625 = arith.cmpf ogt, %get3A_1619, %gt3A_1624 : vector<16xf32>
      %and3A_1626 = arith.andi %gt3A_1622, %gt3A_1625 : vector<16xi1>
      %jit3A_1627 = arith.constant 2 : i32
      %jit3A_1628 = arith.constant 0 : i32
      %broadcast_in_dim3A_1629 = vector.broadcast %jit3A_1627 : i32 to vector<16xi32>
      %broadcast_in_dim3A_1630 = vector.broadcast %jit3A_1628 : i32 to vector<16xi32>
      %select_n3A_1631 = arith.select %and3A_1626, %broadcast_in_dim3A_1629, %broadcast_in_dim3A_1630 : vector<16xi1>, vector<16xi32>
      %add3A_1632 = arith.addi %add3A_1609, %select_n3A_1631 : vector<16xi32>
      %get3A_1633 = arith.constant 2 : i32
      %get3A_1634 = arith.index_cast %get3A_1633 : i32 to index
      %get3A_1635 = arith.constant 80 : index
      %get3A_1636 = tpu.vector_load %arg4[%get3A_1634, %get3A_1635] {strides = array<i32>} : memref<8x128xf32, #tpu.memory_space<vmem>>, vector<1x16xf32>,
      %get3A_1637 = vector.shape_cast %get3A_1636 : vector<1x16xf32> to vector<16xf32>
      %get3A_1638 = arith.constant 6 : i32
      %get3A_1639 = arith.index_cast %get3A_1638 : i32 to index
      %get3A_1640 = arith.constant 80 : index
      %get3A_1641 = tpu.vector_load %arg4[%get3A_1639, %get3A_1640] {strides = array<i32>} : memref<8x128xf32, #tpu.memory_space<vmem>>, vector<1x16xf32>,
      %get3A_1642 = vector.shape_cast %get3A_1641 : vector<1x16xf32> to vector<16xf32>
      %gt3A_1643 = arith.constant 0.000000e+00 : f32
      %gt3A_1644 = vector.broadcast %gt3A_1643 : f32 to vector<16xf32>
      %gt3A_1645 = arith.cmpf ogt, %get3A_1637, %gt3A_1644 : vector<16xf32>
      %gt3A_1646 = arith.constant 0.000000e+00 : f32
      %gt3A_1647 = vector.broadcast %gt3A_1646 : f32 to vector<16xf32>
      %gt3A_1648 = arith.cmpf ogt, %get3A_1642, %gt3A_1647 : vector<16xf32>
      %and3A_1649 = arith.andi %gt3A_1645, %gt3A_1648 : vector<16xi1>
      %jit3A_1650 = arith.constant 4 : i32
      %jit3A_1651 = arith.constant 0 : i32
      %broadcast_in_dim3A_1652 = vector.broadcast %jit3A_1650 : i32 to vector<16xi32>
      %broadcast_in_dim3A_1653 = vector.broadcast %jit3A_1651 : i32 to vector<16xi32>
      %select_n3A_1654 = arith.select %and3A_1649, %broadcast_in_dim3A_1652, %broadcast_in_dim3A_1653 : vector<16xi1>, vector<16xi32>
      %add3A_1655 = arith.addi %add3A_1632, %select_n3A_1654 : vector<16xi32>
      %get3A_1656 = arith.constant 3 : i32
      %get3A_1657 = arith.index_cast %get3A_1656 : i32 to index
      %get3A_1658 = arith.constant 80 : index
      %get3A_1659 = tpu.vector_load %arg4[%get3A_1657, %get3A_1658] {strides = array<i32>} : memref<8x128xf32, #tpu.memory_space<vmem>>, vector<1x16xf32>,
      %get3A_1660 = vector.shape_cast %get3A_1659 : vector<1x16xf32> to vector<16xf32>
      %get3A_1661 = arith.constant 7 : i32
      %get3A_1662 = arith.index_cast %get3A_1661 : i32 to index
      %get3A_1663 = arith.constant 80 : index
      %get3A_1664 = tpu.vector_load %arg4[%get3A_1662, %get3A_1663] {strides = array<i32>} : memref<8x128xf32, #tpu.memory_space<vmem>>, vector<1x16xf32>,
      %get3A_1665 = vector.shape_cast %get3A_1664 : vector<1x16xf32> to vector<16xf32>
      %gt3A_1666 = arith.constant 0.000000e+00 : f32
      %gt3A_1667 = vector.broadcast %gt3A_1666 : f32 to vector<16xf32>
      %gt3A_1668 = arith.cmpf ogt, %get3A_1660, %gt3A_1667 : vector<16xf32>
      %gt3A_1669 = arith.constant 0.000000e+00 : f32
      %gt3A_1670 = vector.broadcast %gt3A_1669 : f32 to vector<16xf32>
      %gt3A_1671 = arith.cmpf ogt, %get3A_1665, %gt3A_1670 : vector<16xf32>
      %and3A_1672 = arith.andi %gt3A_1668, %gt3A_1671 : vector<16xi1>
      %jit3A_1673 = arith.constant 8 : i32
      %jit3A_1674 = arith.constant 0 : i32
      %broadcast_in_dim3A_1675 = vector.broadcast %jit3A_1673 : i32 to vector<16xi32>
      %broadcast_in_dim3A_1676 = vector.broadcast %jit3A_1674 : i32 to vector<16xi32>
      %select_n3A_1677 = arith.select %and3A_1672, %broadcast_in_dim3A_1675, %broadcast_in_dim3A_1676 : vector<16xi1>, vector<16xi32>
      %add3A_1678 = arith.addi %add3A_1655, %select_n3A_1677 : vector<16xi32>
      %eq3A_1679 = arith.constant 0 : i32
      %eq3A_1680 = vector.broadcast %eq3A_1679 : i32 to vector<16xi32>
      %eq3A_1681 = arith.cmpi eq, %add3A_1678, %eq3A_1680 : vector<16xi32>
      %jit3A_1682 = arith.constant 1.000000e+00 : f32
      %jit3A_1683 = arith.constant 0.000000e+00 : f32
      %broadcast_in_dim3A_1684 = vector.broadcast %jit3A_1682 : f32 to vector<16xf32>
      %broadcast_in_dim3A_1685 = vector.broadcast %jit3A_1683 : f32 to vector<16xf32>
      %select_n3A_1686 = arith.select %eq3A_1681, %broadcast_in_dim3A_1684, %broadcast_in_dim3A_1685 : vector<16xi1>, vector<16xf32>
      %swap3A_1687 = arith.constant 0 : i32
      %swap3A_1688 = arith.index_cast %swap3A_1687 : i32 to index
      %swap3A_1689 = arith.constant 80 : index
      %swap3A_1690 = tpu.vector_load %arg5[%swap3A_1688, %swap3A_1689] {strides = array<i32>} : memref<16x128xf32, #tpu.memory_space<vmem>>, vector<1x16xf32>,
      %swap3A_1691 = vector.shape_cast %swap3A_1690 : vector<1x16xf32> to vector<16xf32>
      %swap3A_1692 = vector.shape_cast %select_n3A_1686 : vector<16xf32> to vector<1x16xf32>
      tpu.vector_store %arg5[%swap3A_1688, %swap3A_1689], %swap3A_1692 {strides = array<i32>} : memref<16x128xf32, #tpu.memory_space<vmem>>, vector<1x16xf32>,
      %eq3A_1693 = arith.constant 1 : i32
      %eq3A_1694 = vector.broadcast %eq3A_1693 : i32 to vector<16xi32>
      %eq3A_1695 = arith.cmpi eq, %add3A_1678, %eq3A_1694 : vector<16xi32>
      %jit3A_1696 = arith.constant 1.000000e+00 : f32
      %jit3A_1697 = arith.constant 0.000000e+00 : f32
      %broadcast_in_dim3A_1698 = vector.broadcast %jit3A_1696 : f32 to vector<16xf32>
      %broadcast_in_dim3A_1699 = vector.broadcast %jit3A_1697 : f32 to vector<16xf32>
      %select_n3A_1700 = arith.select %eq3A_1695, %broadcast_in_dim3A_1698, %broadcast_in_dim3A_1699 : vector<16xi1>, vector<16xf32>
      %swap3A_1701 = arith.constant 1 : i32
      %swap3A_1702 = arith.index_cast %swap3A_1701 : i32 to index
      %swap3A_1703 = arith.constant 80 : index
      %swap3A_1704 = tpu.vector_load %arg5[%swap3A_1702, %swap3A_1703] {strides = array<i32>} : memref<16x128xf32, #tpu.memory_space<vmem>>, vector<1x16xf32>,
      %swap3A_1705 = vector.shape_cast %swap3A_1704 : vector<1x16xf32> to vector<16xf32>
      %swap3A_1706 = vector.shape_cast %select_n3A_1700 : vector<16xf32> to vector<1x16xf32>
      tpu.vector_store %arg5[%swap3A_1702, %swap3A_1703], %swap3A_1706 {strides = array<i32>} : memref<16x128xf32, #tpu.memory_space<vmem>>, vector<1x16xf32>,
      %eq3A_1707 = arith.constant 2 : i32
      %eq3A_1708 = vector.broadcast %eq3A_1707 : i32 to vector<16xi32>
      %eq3A_1709 = arith.cmpi eq, %add3A_1678, %eq3A_1708 : vector<16xi32>
      %jit3A_1710 = arith.constant 1.000000e+00 : f32
      %jit3A_1711 = arith.constant 0.000000e+00 : f32
      %broadcast_in_dim3A_1712 = vector.broadcast %jit3A_1710 : f32 to vector<16xf32>
      %broadcast_in_dim3A_1713 = vector.broadcast %jit3A_1711 : f32 to vector<16xf32>
      %select_n3A_1714 = arith.select %eq3A_1709, %broadcast_in_dim3A_1712, %broadcast_in_dim3A_1713 : vector<16xi1>, vector<16xf32>
      %swap3A_1715 = arith.constant 2 : i32
      %swap3A_1716 = arith.index_cast %swap3A_1715 : i32 to index
      %swap3A_1717 = arith.constant 80 : index
      %swap3A_1718 = tpu.vector_load %arg5[%swap3A_1716, %swap3A_1717] {strides = array<i32>} : memref<16x128xf32, #tpu.memory_space<vmem>>, vector<1x16xf32>,
      %swap3A_1719 = vector.shape_cast %swap3A_1718 : vector<1x16xf32> to vector<16xf32>
      %swap3A_1720 = vector.shape_cast %select_n3A_1714 : vector<16xf32> to vector<1x16xf32>
      tpu.vector_store %arg5[%swap3A_1716, %swap3A_1717], %swap3A_1720 {strides = array<i32>} : memref<16x128xf32, #tpu.memory_space<vmem>>, vector<1x16xf32>,
      %eq3A_1721 = arith.constant 3 : i32
      %eq3A_1722 = vector.broadcast %eq3A_1721 : i32 to vector<16xi32>
      %eq3A_1723 = arith.cmpi eq, %add3A_1678, %eq3A_1722 : vector<16xi32>
      %jit3A_1724 = arith.constant 1.000000e+00 : f32
      %jit3A_1725 = arith.constant 0.000000e+00 : f32
      %broadcast_in_dim3A_1726 = vector.broadcast %jit3A_1724 : f32 to vector<16xf32>
      %broadcast_in_dim3A_1727 = vector.broadcast %jit3A_1725 : f32 to vector<16xf32>
      %select_n3A_1728 = arith.select %eq3A_1723, %broadcast_in_dim3A_1726, %broadcast_in_dim3A_1727 : vector<16xi1>, vector<16xf32>
      %swap3A_1729 = arith.constant 3 : i32
      %swap3A_1730 = arith.index_cast %swap3A_1729 : i32 to index
      %swap3A_1731 = arith.constant 80 : index
      %swap3A_1732 = tpu.vector_load %arg5[%swap3A_1730, %swap3A_1731] {strides = array<i32>} : memref<16x128xf32, #tpu.memory_space<vmem>>, vector<1x16xf32>,
      %swap3A_1733 = vector.shape_cast %swap3A_1732 : vector<1x16xf32> to vector<16xf32>
      %swap3A_1734 = vector.shape_cast %select_n3A_1728 : vector<16xf32> to vector<1x16xf32>
      tpu.vector_store %arg5[%swap3A_1730, %swap3A_1731], %swap3A_1734 {strides = array<i32>} : memref<16x128xf32, #tpu.memory_space<vmem>>, vector<1x16xf32>,
      %eq3A_1735 = arith.constant 4 : i32
      %eq3A_1736 = vector.broadcast %eq3A_1735 : i32 to vector<16xi32>
      %eq3A_1737 = arith.cmpi eq, %add3A_1678, %eq3A_1736 : vector<16xi32>
      %jit3A_1738 = arith.constant 1.000000e+00 : f32
      %jit3A_1739 = arith.constant 0.000000e+00 : f32
      %broadcast_in_dim3A_1740 = vector.broadcast %jit3A_1738 : f32 to vector<16xf32>
      %broadcast_in_dim3A_1741 = vector.broadcast %jit3A_1739 : f32 to vector<16xf32>
      %select_n3A_1742 = arith.select %eq3A_1737, %broadcast_in_dim3A_1740, %broadcast_in_dim3A_1741 : vector<16xi1>, vector<16xf32>
      %swap3A_1743 = arith.constant 4 : i32
      %swap3A_1744 = arith.index_cast %swap3A_1743 : i32 to index
      %swap3A_1745 = arith.constant 80 : index
      %swap3A_1746 = tpu.vector_load %arg5[%swap3A_1744, %swap3A_1745] {strides = array<i32>} : memref<16x128xf32, #tpu.memory_space<vmem>>, vector<1x16xf32>,
      %swap3A_1747 = vector.shape_cast %swap3A_1746 : vector<1x16xf32> to vector<16xf32>
      %swap3A_1748 = vector.shape_cast %select_n3A_1742 : vector<16xf32> to vector<1x16xf32>
      tpu.vector_store %arg5[%swap3A_1744, %swap3A_1745], %swap3A_1748 {strides = array<i32>} : memref<16x128xf32, #tpu.memory_space<vmem>>, vector<1x16xf32>,
      %eq3A_1749 = arith.constant 5 : i32
      %eq3A_1750 = vector.broadcast %eq3A_1749 : i32 to vector<16xi32>
      %eq3A_1751 = arith.cmpi eq, %add3A_1678, %eq3A_1750 : vector<16xi32>
      %jit3A_1752 = arith.constant 1.000000e+00 : f32
      %jit3A_1753 = arith.constant 0.000000e+00 : f32
      %broadcast_in_dim3A_1754 = vector.broadcast %jit3A_1752 : f32 to vector<16xf32>
      %broadcast_in_dim3A_1755 = vector.broadcast %jit3A_1753 : f32 to vector<16xf32>
      %select_n3A_1756 = arith.select %eq3A_1751, %broadcast_in_dim3A_1754, %broadcast_in_dim3A_1755 : vector<16xi1>, vector<16xf32>
      %swap3A_1757 = arith.constant 5 : i32
      %swap3A_1758 = arith.index_cast %swap3A_1757 : i32 to index
      %swap3A_1759 = arith.constant 80 : index
      %swap3A_1760 = tpu.vector_load %arg5[%swap3A_1758, %swap3A_1759] {strides = array<i32>} : memref<16x128xf32, #tpu.memory_space<vmem>>, vector<1x16xf32>,
      %swap3A_1761 = vector.shape_cast %swap3A_1760 : vector<1x16xf32> to vector<16xf32>
      %swap3A_1762 = vector.shape_cast %select_n3A_1756 : vector<16xf32> to vector<1x16xf32>
      tpu.vector_store %arg5[%swap3A_1758, %swap3A_1759], %swap3A_1762 {strides = array<i32>} : memref<16x128xf32, #tpu.memory_space<vmem>>, vector<1x16xf32>,
      %eq3A_1763 = arith.constant 6 : i32
      %eq3A_1764 = vector.broadcast %eq3A_1763 : i32 to vector<16xi32>
      %eq3A_1765 = arith.cmpi eq, %add3A_1678, %eq3A_1764 : vector<16xi32>
      %jit3A_1766 = arith.constant 1.000000e+00 : f32
      %jit3A_1767 = arith.constant 0.000000e+00 : f32
      %broadcast_in_dim3A_1768 = vector.broadcast %jit3A_1766 : f32 to vector<16xf32>
      %broadcast_in_dim3A_1769 = vector.broadcast %jit3A_1767 : f32 to vector<16xf32>
      %select_n3A_1770 = arith.select %eq3A_1765, %broadcast_in_dim3A_1768, %broadcast_in_dim3A_1769 : vector<16xi1>, vector<16xf32>
      %swap3A_1771 = arith.constant 6 : i32
      %swap3A_1772 = arith.index_cast %swap3A_1771 : i32 to index
      %swap3A_1773 = arith.constant 80 : index
      %swap3A_1774 = tpu.vector_load %arg5[%swap3A_1772, %swap3A_1773] {strides = array<i32>} : memref<16x128xf32, #tpu.memory_space<vmem>>, vector<1x16xf32>,
      %swap3A_1775 = vector.shape_cast %swap3A_1774 : vector<1x16xf32> to vector<16xf32>
      %swap3A_1776 = vector.shape_cast %select_n3A_1770 : vector<16xf32> to vector<1x16xf32>
      tpu.vector_store %arg5[%swap3A_1772, %swap3A_1773], %swap3A_1776 {strides = array<i32>} : memref<16x128xf32, #tpu.memory_space<vmem>>, vector<1x16xf32>,
      %eq3A_1777 = arith.constant 7 : i32
      %eq3A_1778 = vector.broadcast %eq3A_1777 : i32 to vector<16xi32>
      %eq3A_1779 = arith.cmpi eq, %add3A_1678, %eq3A_1778 : vector<16xi32>
      %jit3A_1780 = arith.constant 1.000000e+00 : f32
      %jit3A_1781 = arith.constant 0.000000e+00 : f32
      %broadcast_in_dim3A_1782 = vector.broadcast %jit3A_1780 : f32 to vector<16xf32>
      %broadcast_in_dim3A_1783 = vector.broadcast %jit3A_1781 : f32 to vector<16xf32>
      %select_n3A_1784 = arith.select %eq3A_1779, %broadcast_in_dim3A_1782, %broadcast_in_dim3A_1783 : vector<16xi1>, vector<16xf32>
      %swap3A_1785 = arith.constant 7 : i32
      %swap3A_1786 = arith.index_cast %swap3A_1785 : i32 to index
      %swap3A_1787 = arith.constant 80 : index
      %swap3A_1788 = tpu.vector_load %arg5[%swap3A_1786, %swap3A_1787] {strides = array<i32>} : memref<16x128xf32, #tpu.memory_space<vmem>>, vector<1x16xf32>,
      %swap3A_1789 = vector.shape_cast %swap3A_1788 : vector<1x16xf32> to vector<16xf32>
      %swap3A_1790 = vector.shape_cast %select_n3A_1784 : vector<16xf32> to vector<1x16xf32>
      tpu.vector_store %arg5[%swap3A_1786, %swap3A_1787], %swap3A_1790 {strides = array<i32>} : memref<16x128xf32, #tpu.memory_space<vmem>>, vector<1x16xf32>,
      %eq3A_1791 = arith.constant 8 : i32
      %eq3A_1792 = vector.broadcast %eq3A_1791 : i32 to vector<16xi32>
      %eq3A_1793 = arith.cmpi eq, %add3A_1678, %eq3A_1792 : vector<16xi32>
      %jit3A_1794 = arith.constant 1.000000e+00 : f32
      %jit3A_1795 = arith.constant 0.000000e+00 : f32
      %broadcast_in_dim3A_1796 = vector.broadcast %jit3A_1794 : f32 to vector<16xf32>
      %broadcast_in_dim3A_1797 = vector.broadcast %jit3A_1795 : f32 to vector<16xf32>
      %select_n3A_1798 = arith.select %eq3A_1793, %broadcast_in_dim3A_1796, %broadcast_in_dim3A_1797 : vector<16xi1>, vector<16xf32>
      %swap3A_1799 = arith.constant 8 : i32
      %swap3A_1800 = arith.index_cast %swap3A_1799 : i32 to index
      %swap3A_1801 = arith.constant 80 : index
      %swap3A_1802 = tpu.vector_load %arg5[%swap3A_1800, %swap3A_1801] {strides = array<i32>} : memref<16x128xf32, #tpu.memory_space<vmem>>, vector<1x16xf32>,
      %swap3A_1803 = vector.shape_cast %swap3A_1802 : vector<1x16xf32> to vector<16xf32>
      %swap3A_1804 = vector.shape_cast %select_n3A_1798 : vector<16xf32> to vector<1x16xf32>
      tpu.vector_store %arg5[%swap3A_1800, %swap3A_1801], %swap3A_1804 {strides = array<i32>} : memref<16x128xf32, #tpu.memory_space<vmem>>, vector<1x16xf32>,
      %eq3A_1805 = arith.constant 9 : i32
      %eq3A_1806 = vector.broadcast %eq3A_1805 : i32 to vector<16xi32>
      %eq3A_1807 = arith.cmpi eq, %add3A_1678, %eq3A_1806 : vector<16xi32>
      %jit3A_1808 = arith.constant 1.000000e+00 : f32
      %jit3A_1809 = arith.constant 0.000000e+00 : f32
      %broadcast_in_dim3A_1810 = vector.broadcast %jit3A_1808 : f32 to vector<16xf32>
      %broadcast_in_dim3A_1811 = vector.broadcast %jit3A_1809 : f32 to vector<16xf32>
      %select_n3A_1812 = arith.select %eq3A_1807, %broadcast_in_dim3A_1810, %broadcast_in_dim3A_1811 : vector<16xi1>, vector<16xf32>
      %swap3A_1813 = arith.constant 9 : i32
      %swap3A_1814 = arith.index_cast %swap3A_1813 : i32 to index
      %swap3A_1815 = arith.constant 80 : index
      %swap3A_1816 = tpu.vector_load %arg5[%swap3A_1814, %swap3A_1815] {strides = array<i32>} : memref<16x128xf32, #tpu.memory_space<vmem>>, vector<1x16xf32>,
      %swap3A_1817 = vector.shape_cast %swap3A_1816 : vector<1x16xf32> to vector<16xf32>
      %swap3A_1818 = vector.shape_cast %select_n3A_1812 : vector<16xf32> to vector<1x16xf32>
      tpu.vector_store %arg5[%swap3A_1814, %swap3A_1815], %swap3A_1818 {strides = array<i32>} : memref<16x128xf32, #tpu.memory_space<vmem>>, vector<1x16xf32>,
      %eq3A_1819 = arith.constant 10 : i32
      %eq3A_1820 = vector.broadcast %eq3A_1819 : i32 to vector<16xi32>
      %eq3A_1821 = arith.cmpi eq, %add3A_1678, %eq3A_1820 : vector<16xi32>
      %jit3A_1822 = arith.constant 1.000000e+00 : f32
      %jit3A_1823 = arith.constant 0.000000e+00 : f32
      %broadcast_in_dim3A_1824 = vector.broadcast %jit3A_1822 : f32 to vector<16xf32>
      %broadcast_in_dim3A_1825 = vector.broadcast %jit3A_1823 : f32 to vector<16xf32>
      %select_n3A_1826 = arith.select %eq3A_1821, %broadcast_in_dim3A_1824, %broadcast_in_dim3A_1825 : vector<16xi1>, vector<16xf32>
      %swap3A_1827 = arith.constant 10 : i32
      %swap3A_1828 = arith.index_cast %swap3A_1827 : i32 to index
      %swap3A_1829 = arith.constant 80 : index
      %swap3A_1830 = tpu.vector_load %arg5[%swap3A_1828, %swap3A_1829] {strides = array<i32>} : memref<16x128xf32, #tpu.memory_space<vmem>>, vector<1x16xf32>,
      %swap3A_1831 = vector.shape_cast %swap3A_1830 : vector<1x16xf32> to vector<16xf32>
      %swap3A_1832 = vector.shape_cast %select_n3A_1826 : vector<16xf32> to vector<1x16xf32>
      tpu.vector_store %arg5[%swap3A_1828, %swap3A_1829], %swap3A_1832 {strides = array<i32>} : memref<16x128xf32, #tpu.memory_space<vmem>>, vector<1x16xf32>,
      %eq3A_1833 = arith.constant 11 : i32
      %eq3A_1834 = vector.broadcast %eq3A_1833 : i32 to vector<16xi32>
      %eq3A_1835 = arith.cmpi eq, %add3A_1678, %eq3A_1834 : vector<16xi32>
      %jit3A_1836 = arith.constant 1.000000e+00 : f32
      %jit3A_1837 = arith.constant 0.000000e+00 : f32
      %broadcast_in_dim3A_1838 = vector.broadcast %jit3A_1836 : f32 to vector<16xf32>
      %broadcast_in_dim3A_1839 = vector.broadcast %jit3A_1837 : f32 to vector<16xf32>
      %select_n3A_1840 = arith.select %eq3A_1835, %broadcast_in_dim3A_1838, %broadcast_in_dim3A_1839 : vector<16xi1>, vector<16xf32>
      %swap3A_1841 = arith.constant 11 : i32
      %swap3A_1842 = arith.index_cast %swap3A_1841 : i32 to index
      %swap3A_1843 = arith.constant 80 : index
      %swap3A_1844 = tpu.vector_load %arg5[%swap3A_1842, %swap3A_1843] {strides = array<i32>} : memref<16x128xf32, #tpu.memory_space<vmem>>, vector<1x16xf32>,
      %swap3A_1845 = vector.shape_cast %swap3A_1844 : vector<1x16xf32> to vector<16xf32>
      %swap3A_1846 = vector.shape_cast %select_n3A_1840 : vector<16xf32> to vector<1x16xf32>
      tpu.vector_store %arg5[%swap3A_1842, %swap3A_1843], %swap3A_1846 {strides = array<i32>} : memref<16x128xf32, #tpu.memory_space<vmem>>, vector<1x16xf32>,
      %eq3A_1847 = arith.constant 12 : i32
      %eq3A_1848 = vector.broadcast %eq3A_1847 : i32 to vector<16xi32>
      %eq3A_1849 = arith.cmpi eq, %add3A_1678, %eq3A_1848 : vector<16xi32>
      %jit3A_1850 = arith.constant 1.000000e+00 : f32
      %jit3A_1851 = arith.constant 0.000000e+00 : f32
      %broadcast_in_dim3A_1852 = vector.broadcast %jit3A_1850 : f32 to vector<16xf32>
      %broadcast_in_dim3A_1853 = vector.broadcast %jit3A_1851 : f32 to vector<16xf32>
      %select_n3A_1854 = arith.select %eq3A_1849, %broadcast_in_dim3A_1852, %broadcast_in_dim3A_1853 : vector<16xi1>, vector<16xf32>
      %swap3A_1855 = arith.constant 12 : i32
      %swap3A_1856 = arith.index_cast %swap3A_1855 : i32 to index
      %swap3A_1857 = arith.constant 80 : index
      %swap3A_1858 = tpu.vector_load %arg5[%swap3A_1856, %swap3A_1857] {strides = array<i32>} : memref<16x128xf32, #tpu.memory_space<vmem>>, vector<1x16xf32>,
      %swap3A_1859 = vector.shape_cast %swap3A_1858 : vector<1x16xf32> to vector<16xf32>
      %swap3A_1860 = vector.shape_cast %select_n3A_1854 : vector<16xf32> to vector<1x16xf32>
      tpu.vector_store %arg5[%swap3A_1856, %swap3A_1857], %swap3A_1860 {strides = array<i32>} : memref<16x128xf32, #tpu.memory_space<vmem>>, vector<1x16xf32>,
      %eq3A_1861 = arith.constant 13 : i32
      %eq3A_1862 = vector.broadcast %eq3A_1861 : i32 to vector<16xi32>
      %eq3A_1863 = arith.cmpi eq, %add3A_1678, %eq3A_1862 : vector<16xi32>
      %jit3A_1864 = arith.constant 1.000000e+00 : f32
      %jit3A_1865 = arith.constant 0.000000e+00 : f32
      %broadcast_in_dim3A_1866 = vector.broadcast %jit3A_1864 : f32 to vector<16xf32>
      %broadcast_in_dim3A_1867 = vector.broadcast %jit3A_1865 : f32 to vector<16xf32>
      %select_n3A_1868 = arith.select %eq3A_1863, %broadcast_in_dim3A_1866, %broadcast_in_dim3A_1867 : vector<16xi1>, vector<16xf32>
      %swap3A_1869 = arith.constant 13 : i32
      %swap3A_1870 = arith.index_cast %swap3A_1869 : i32 to index
      %swap3A_1871 = arith.constant 80 : index
      %swap3A_1872 = tpu.vector_load %arg5[%swap3A_1870, %swap3A_1871] {strides = array<i32>} : memref<16x128xf32, #tpu.memory_space<vmem>>, vector<1x16xf32>,
      %swap3A_1873 = vector.shape_cast %swap3A_1872 : vector<1x16xf32> to vector<16xf32>
      %swap3A_1874 = vector.shape_cast %select_n3A_1868 : vector<16xf32> to vector<1x16xf32>
      tpu.vector_store %arg5[%swap3A_1870, %swap3A_1871], %swap3A_1874 {strides = array<i32>} : memref<16x128xf32, #tpu.memory_space<vmem>>, vector<1x16xf32>,
      %eq3A_1875 = arith.constant 14 : i32
      %eq3A_1876 = vector.broadcast %eq3A_1875 : i32 to vector<16xi32>
      %eq3A_1877 = arith.cmpi eq, %add3A_1678, %eq3A_1876 : vector<16xi32>
      %jit3A_1878 = arith.constant 1.000000e+00 : f32
      %jit3A_1879 = arith.constant 0.000000e+00 : f32
      %broadcast_in_dim3A_1880 = vector.broadcast %jit3A_1878 : f32 to vector<16xf32>
      %broadcast_in_dim3A_1881 = vector.broadcast %jit3A_1879 : f32 to vector<16xf32>
      %select_n3A_1882 = arith.select %eq3A_1877, %broadcast_in_dim3A_1880, %broadcast_in_dim3A_1881 : vector<16xi1>, vector<16xf32>
      %swap3A_1883 = arith.constant 14 : i32
      %swap3A_1884 = arith.index_cast %swap3A_1883 : i32 to index
      %swap3A_1885 = arith.constant 80 : index
      %swap3A_1886 = tpu.vector_load %arg5[%swap3A_1884, %swap3A_1885] {strides = array<i32>} : memref<16x128xf32, #tpu.memory_space<vmem>>, vector<1x16xf32>,
      %swap3A_1887 = vector.shape_cast %swap3A_1886 : vector<1x16xf32> to vector<16xf32>
      %swap3A_1888 = vector.shape_cast %select_n3A_1882 : vector<16xf32> to vector<1x16xf32>
      tpu.vector_store %arg5[%swap3A_1884, %swap3A_1885], %swap3A_1888 {strides = array<i32>} : memref<16x128xf32, #tpu.memory_space<vmem>>, vector<1x16xf32>,
      %eq3A_1889 = arith.constant 15 : i32
      %eq3A_1890 = vector.broadcast %eq3A_1889 : i32 to vector<16xi32>
      %eq3A_1891 = arith.cmpi eq, %add3A_1678, %eq3A_1890 : vector<16xi32>
      %jit3A_1892 = arith.constant 1.000000e+00 : f32
      %jit3A_1893 = arith.constant 0.000000e+00 : f32
      %broadcast_in_dim3A_1894 = vector.broadcast %jit3A_1892 : f32 to vector<16xf32>
      %broadcast_in_dim3A_1895 = vector.broadcast %jit3A_1893 : f32 to vector<16xf32>
      %select_n3A_1896 = arith.select %eq3A_1891, %broadcast_in_dim3A_1894, %broadcast_in_dim3A_1895 : vector<16xi1>, vector<16xf32>
      %swap3A_1897 = arith.constant 15 : i32
      %swap3A_1898 = arith.index_cast %swap3A_1897 : i32 to index
      %swap3A_1899 = arith.constant 80 : index
      %swap3A_1900 = tpu.vector_load %arg5[%swap3A_1898, %swap3A_1899] {strides = array<i32>} : memref<16x128xf32, #tpu.memory_space<vmem>>, vector<1x16xf32>,
      %swap3A_1901 = vector.shape_cast %swap3A_1900 : vector<1x16xf32> to vector<16xf32>
      %swap3A_1902 = vector.shape_cast %select_n3A_1896 : vector<16xf32> to vector<1x16xf32>
      tpu.vector_store %arg5[%swap3A_1898, %swap3A_1899], %swap3A_1902 {strides = array<i32>} : memref<16x128xf32, #tpu.memory_space<vmem>>, vector<1x16xf32>,
      %broadcast_in_dim3A_1903 = arith.constant 0 : i32
      %broadcast_in_dim3A_1904 = vector.broadcast %broadcast_in_dim3A_1903 : i32 to vector<16xi32>
      %get3A_1905 = arith.constant 0 : i32
      %get3A_1906 = arith.index_cast %get3A_1905 : i32 to index
      %get3A_1907 = arith.constant 96 : index
      %get3A_1908 = tpu.vector_load %arg4[%get3A_1906, %get3A_1907] {strides = array<i32>} : memref<8x128xf32, #tpu.memory_space<vmem>>, vector<1x16xf32>,
      %get3A_1909 = vector.shape_cast %get3A_1908 : vector<1x16xf32> to vector<16xf32>
      %get3A_1910 = arith.constant 4 : i32
      %get3A_1911 = arith.index_cast %get3A_1910 : i32 to index
      %get3A_1912 = arith.constant 96 : index
      %get3A_1913 = tpu.vector_load %arg4[%get3A_1911, %get3A_1912] {strides = array<i32>} : memref<8x128xf32, #tpu.memory_space<vmem>>, vector<1x16xf32>,
      %get3A_1914 = vector.shape_cast %get3A_1913 : vector<1x16xf32> to vector<16xf32>
      %gt3A_1915 = arith.constant 0.000000e+00 : f32
      %gt3A_1916 = vector.broadcast %gt3A_1915 : f32 to vector<16xf32>
      %gt3A_1917 = arith.cmpf ogt, %get3A_1909, %gt3A_1916 : vector<16xf32>
      %gt3A_1918 = arith.constant 0.000000e+00 : f32
      %gt3A_1919 = vector.broadcast %gt3A_1918 : f32 to vector<16xf32>
      %gt3A_1920 = arith.cmpf ogt, %get3A_1914, %gt3A_1919 : vector<16xf32>
      %and3A_1921 = arith.andi %gt3A_1917, %gt3A_1920 : vector<16xi1>
      %jit3A_1922 = arith.constant 1 : i32
      %jit3A_1923 = arith.constant 0 : i32
      %broadcast_in_dim3A_1924 = vector.broadcast %jit3A_1922 : i32 to vector<16xi32>
      %broadcast_in_dim3A_1925 = vector.broadcast %jit3A_1923 : i32 to vector<16xi32>
      %select_n3A_1926 = arith.select %and3A_1921, %broadcast_in_dim3A_1924, %broadcast_in_dim3A_1925 : vector<16xi1>, vector<16xi32>
      %add3A_1927 = arith.addi %broadcast_in_dim3A_1904, %select_n3A_1926 : vector<16xi32>
      %get3A_1928 = arith.constant 1 : i32
      %get3A_1929 = arith.index_cast %get3A_1928 : i32 to index
      %get3A_1930 = arith.constant 96 : index
      %get3A_1931 = tpu.vector_load %arg4[%get3A_1929, %get3A_1930] {strides = array<i32>} : memref<8x128xf32, #tpu.memory_space<vmem>>, vector<1x16xf32>,
      %get3A_1932 = vector.shape_cast %get3A_1931 : vector<1x16xf32> to vector<16xf32>
      %get3A_1933 = arith.constant 5 : i32
      %get3A_1934 = arith.index_cast %get3A_1933 : i32 to index
      %get3A_1935 = arith.constant 96 : index
      %get3A_1936 = tpu.vector_load %arg4[%get3A_1934, %get3A_1935] {strides = array<i32>} : memref<8x128xf32, #tpu.memory_space<vmem>>, vector<1x16xf32>,
      %get3A_1937 = vector.shape_cast %get3A_1936 : vector<1x16xf32> to vector<16xf32>
      %gt3A_1938 = arith.constant 0.000000e+00 : f32
      %gt3A_1939 = vector.broadcast %gt3A_1938 : f32 to vector<16xf32>
      %gt3A_1940 = arith.cmpf ogt, %get3A_1932, %gt3A_1939 : vector<16xf32>
      %gt3A_1941 = arith.constant 0.000000e+00 : f32
      %gt3A_1942 = vector.broadcast %gt3A_1941 : f32 to vector<16xf32>
      %gt3A_1943 = arith.cmpf ogt, %get3A_1937, %gt3A_1942 : vector<16xf32>
      %and3A_1944 = arith.andi %gt3A_1940, %gt3A_1943 : vector<16xi1>
      %jit3A_1945 = arith.constant 2 : i32
      %jit3A_1946 = arith.constant 0 : i32
      %broadcast_in_dim3A_1947 = vector.broadcast %jit3A_1945 : i32 to vector<16xi32>
      %broadcast_in_dim3A_1948 = vector.broadcast %jit3A_1946 : i32 to vector<16xi32>
      %select_n3A_1949 = arith.select %and3A_1944, %broadcast_in_dim3A_1947, %broadcast_in_dim3A_1948 : vector<16xi1>, vector<16xi32>
      %add3A_1950 = arith.addi %add3A_1927, %select_n3A_1949 : vector<16xi32>
      %get3A_1951 = arith.constant 2 : i32
      %get3A_1952 = arith.index_cast %get3A_1951 : i32 to index
      %get3A_1953 = arith.constant 96 : index
      %get3A_1954 = tpu.vector_load %arg4[%get3A_1952, %get3A_1953] {strides = array<i32>} : memref<8x128xf32, #tpu.memory_space<vmem>>, vector<1x16xf32>,
      %get3A_1955 = vector.shape_cast %get3A_1954 : vector<1x16xf32> to vector<16xf32>
      %get3A_1956 = arith.constant 6 : i32
      %get3A_1957 = arith.index_cast %get3A_1956 : i32 to index
      %get3A_1958 = arith.constant 96 : index
      %get3A_1959 = tpu.vector_load %arg4[%get3A_1957, %get3A_1958] {strides = array<i32>} : memref<8x128xf32, #tpu.memory_space<vmem>>, vector<1x16xf32>,
      %get3A_1960 = vector.shape_cast %get3A_1959 : vector<1x16xf32> to vector<16xf32>
      %gt3A_1961 = arith.constant 0.000000e+00 : f32
      %gt3A_1962 = vector.broadcast %gt3A_1961 : f32 to vector<16xf32>
      %gt3A_1963 = arith.cmpf ogt, %get3A_1955, %gt3A_1962 : vector<16xf32>
      %gt3A_1964 = arith.constant 0.000000e+00 : f32
      %gt3A_1965 = vector.broadcast %gt3A_1964 : f32 to vector<16xf32>
      %gt3A_1966 = arith.cmpf ogt, %get3A_1960, %gt3A_1965 : vector<16xf32>
      %and3A_1967 = arith.andi %gt3A_1963, %gt3A_1966 : vector<16xi1>
      %jit3A_1968 = arith.constant 4 : i32
      %jit3A_1969 = arith.constant 0 : i32
      %broadcast_in_dim3A_1970 = vector.broadcast %jit3A_1968 : i32 to vector<16xi32>
      %broadcast_in_dim3A_1971 = vector.broadcast %jit3A_1969 : i32 to vector<16xi32>
      %select_n3A_1972 = arith.select %and3A_1967, %broadcast_in_dim3A_1970, %broadcast_in_dim3A_1971 : vector<16xi1>, vector<16xi32>
      %add3A_1973 = arith.addi %add3A_1950, %select_n3A_1972 : vector<16xi32>
      %get3A_1974 = arith.constant 3 : i32
      %get3A_1975 = arith.index_cast %get3A_1974 : i32 to index
      %get3A_1976 = arith.constant 96 : index
      %get3A_1977 = tpu.vector_load %arg4[%get3A_1975, %get3A_1976] {strides = array<i32>} : memref<8x128xf32, #tpu.memory_space<vmem>>, vector<1x16xf32>,
      %get3A_1978 = vector.shape_cast %get3A_1977 : vector<1x16xf32> to vector<16xf32>
      %get3A_1979 = arith.constant 7 : i32
      %get3A_1980 = arith.index_cast %get3A_1979 : i32 to index
      %get3A_1981 = arith.constant 96 : index
      %get3A_1982 = tpu.vector_load %arg4[%get3A_1980, %get3A_1981] {strides = array<i32>} : memref<8x128xf32, #tpu.memory_space<vmem>>, vector<1x16xf32>,
      %get3A_1983 = vector.shape_cast %get3A_1982 : vector<1x16xf32> to vector<16xf32>
      %gt3A_1984 = arith.constant 0.000000e+00 : f32
      %gt3A_1985 = vector.broadcast %gt3A_1984 : f32 to vector<16xf32>
      %gt3A_1986 = arith.cmpf ogt, %get3A_1978, %gt3A_1985 : vector<16xf32>
      %gt3A_1987 = arith.constant 0.000000e+00 : f32
      %gt3A_1988 = vector.broadcast %gt3A_1987 : f32 to vector<16xf32>
      %gt3A_1989 = arith.cmpf ogt, %get3A_1983, %gt3A_1988 : vector<16xf32>
      %and3A_1990 = arith.andi %gt3A_1986, %gt3A_1989 : vector<16xi1>
      %jit3A_1991 = arith.constant 8 : i32
      %jit3A_1992 = arith.constant 0 : i32
      %broadcast_in_dim3A_1993 = vector.broadcast %jit3A_1991 : i32 to vector<16xi32>
      %broadcast_in_dim3A_1994 = vector.broadcast %jit3A_1992 : i32 to vector<16xi32>
      %select_n3A_1995 = arith.select %and3A_1990, %broadcast_in_dim3A_1993, %broadcast_in_dim3A_1994 : vector<16xi1>, vector<16xi32>
      %add3A_1996 = arith.addi %add3A_1973, %select_n3A_1995 : vector<16xi32>
      %eq3A_1997 = arith.constant 0 : i32
      %eq3A_1998 = vector.broadcast %eq3A_1997 : i32 to vector<16xi32>
      %eq3A_1999 = arith.cmpi eq, %add3A_1996, %eq3A_1998 : vector<16xi32>
      %jit3A_2000 = arith.constant 1.000000e+00 : f32
      %jit3A_2001 = arith.constant 0.000000e+00 : f32
      %broadcast_in_dim3A_2002 = vector.broadcast %jit3A_2000 : f32 to vector<16xf32>
      %broadcast_in_dim3A_2003 = vector.broadcast %jit3A_2001 : f32 to vector<16xf32>
      %select_n3A_2004 = arith.select %eq3A_1999, %broadcast_in_dim3A_2002, %broadcast_in_dim3A_2003 : vector<16xi1>, vector<16xf32>
      %swap3A_2005 = arith.constant 0 : i32
      %swap3A_2006 = arith.index_cast %swap3A_2005 : i32 to index
      %swap3A_2007 = arith.constant 96 : index
      %swap3A_2008 = tpu.vector_load %arg5[%swap3A_2006, %swap3A_2007] {strides = array<i32>} : memref<16x128xf32, #tpu.memory_space<vmem>>, vector<1x16xf32>,
      %swap3A_2009 = vector.shape_cast %swap3A_2008 : vector<1x16xf32> to vector<16xf32>
      %swap3A_2010 = vector.shape_cast %select_n3A_2004 : vector<16xf32> to vector<1x16xf32>
      tpu.vector_store %arg5[%swap3A_2006, %swap3A_2007], %swap3A_2010 {strides = array<i32>} : memref<16x128xf32, #tpu.memory_space<vmem>>, vector<1x16xf32>,
      %eq3A_2011 = arith.constant 1 : i32
      %eq3A_2012 = vector.broadcast %eq3A_2011 : i32 to vector<16xi32>
      %eq3A_2013 = arith.cmpi eq, %add3A_1996, %eq3A_2012 : vector<16xi32>
      %jit3A_2014 = arith.constant 1.000000e+00 : f32
      %jit3A_2015 = arith.constant 0.000000e+00 : f32
      %broadcast_in_dim3A_2016 = vector.broadcast %jit3A_2014 : f32 to vector<16xf32>
      %broadcast_in_dim3A_2017 = vector.broadcast %jit3A_2015 : f32 to vector<16xf32>
      %select_n3A_2018 = arith.select %eq3A_2013, %broadcast_in_dim3A_2016, %broadcast_in_dim3A_2017 : vector<16xi1>, vector<16xf32>
      %swap3A_2019 = arith.constant 1 : i32
      %swap3A_2020 = arith.index_cast %swap3A_2019 : i32 to index
      %swap3A_2021 = arith.constant 96 : index
      %swap3A_2022 = tpu.vector_load %arg5[%swap3A_2020, %swap3A_2021] {strides = array<i32>} : memref<16x128xf32, #tpu.memory_space<vmem>>, vector<1x16xf32>,
      %swap3A_2023 = vector.shape_cast %swap3A_2022 : vector<1x16xf32> to vector<16xf32>
      %swap3A_2024 = vector.shape_cast %select_n3A_2018 : vector<16xf32> to vector<1x16xf32>
      tpu.vector_store %arg5[%swap3A_2020, %swap3A_2021], %swap3A_2024 {strides = array<i32>} : memref<16x128xf32, #tpu.memory_space<vmem>>, vector<1x16xf32>,
      %eq3A_2025 = arith.constant 2 : i32
      %eq3A_2026 = vector.broadcast %eq3A_2025 : i32 to vector<16xi32>
      %eq3A_2027 = arith.cmpi eq, %add3A_1996, %eq3A_2026 : vector<16xi32>
      %jit3A_2028 = arith.constant 1.000000e+00 : f32
      %jit3A_2029 = arith.constant 0.000000e+00 : f32
      %broadcast_in_dim3A_2030 = vector.broadcast %jit3A_2028 : f32 to vector<16xf32>
      %broadcast_in_dim3A_2031 = vector.broadcast %jit3A_2029 : f32 to vector<16xf32>
      %select_n3A_2032 = arith.select %eq3A_2027, %broadcast_in_dim3A_2030, %broadcast_in_dim3A_2031 : vector<16xi1>, vector<16xf32>
      %swap3A_2033 = arith.constant 2 : i32
      %swap3A_2034 = arith.index_cast %swap3A_2033 : i32 to index
      %swap3A_2035 = arith.constant 96 : index
      %swap3A_2036 = tpu.vector_load %arg5[%swap3A_2034, %swap3A_2035] {strides = array<i32>} : memref<16x128xf32, #tpu.memory_space<vmem>>, vector<1x16xf32>,
      %swap3A_2037 = vector.shape_cast %swap3A_2036 : vector<1x16xf32> to vector<16xf32>
      %swap3A_2038 = vector.shape_cast %select_n3A_2032 : vector<16xf32> to vector<1x16xf32>
      tpu.vector_store %arg5[%swap3A_2034, %swap3A_2035], %swap3A_2038 {strides = array<i32>} : memref<16x128xf32, #tpu.memory_space<vmem>>, vector<1x16xf32>,
      %eq3A_2039 = arith.constant 3 : i32
      %eq3A_2040 = vector.broadcast %eq3A_2039 : i32 to vector<16xi32>
      %eq3A_2041 = arith.cmpi eq, %add3A_1996, %eq3A_2040 : vector<16xi32>
      %jit3A_2042 = arith.constant 1.000000e+00 : f32
      %jit3A_2043 = arith.constant 0.000000e+00 : f32
      %broadcast_in_dim3A_2044 = vector.broadcast %jit3A_2042 : f32 to vector<16xf32>
      %broadcast_in_dim3A_2045 = vector.broadcast %jit3A_2043 : f32 to vector<16xf32>
      %select_n3A_2046 = arith.select %eq3A_2041, %broadcast_in_dim3A_2044, %broadcast_in_dim3A_2045 : vector<16xi1>, vector<16xf32>
      %swap3A_2047 = arith.constant 3 : i32
      %swap3A_2048 = arith.index_cast %swap3A_2047 : i32 to index
      %swap3A_2049 = arith.constant 96 : index
      %swap3A_2050 = tpu.vector_load %arg5[%swap3A_2048, %swap3A_2049] {strides = array<i32>} : memref<16x128xf32, #tpu.memory_space<vmem>>, vector<1x16xf32>,
      %swap3A_2051 = vector.shape_cast %swap3A_2050 : vector<1x16xf32> to vector<16xf32>
      %swap3A_2052 = vector.shape_cast %select_n3A_2046 : vector<16xf32> to vector<1x16xf32>
      tpu.vector_store %arg5[%swap3A_2048, %swap3A_2049], %swap3A_2052 {strides = array<i32>} : memref<16x128xf32, #tpu.memory_space<vmem>>, vector<1x16xf32>,
      %eq3A_2053 = arith.constant 4 : i32
      %eq3A_2054 = vector.broadcast %eq3A_2053 : i32 to vector<16xi32>
      %eq3A_2055 = arith.cmpi eq, %add3A_1996, %eq3A_2054 : vector<16xi32>
      %jit3A_2056 = arith.constant 1.000000e+00 : f32
      %jit3A_2057 = arith.constant 0.000000e+00 : f32
      %broadcast_in_dim3A_2058 = vector.broadcast %jit3A_2056 : f32 to vector<16xf32>
      %broadcast_in_dim3A_2059 = vector.broadcast %jit3A_2057 : f32 to vector<16xf32>
      %select_n3A_2060 = arith.select %eq3A_2055, %broadcast_in_dim3A_2058, %broadcast_in_dim3A_2059 : vector<16xi1>, vector<16xf32>
      %swap3A_2061 = arith.constant 4 : i32
      %swap3A_2062 = arith.index_cast %swap3A_2061 : i32 to index
      %swap3A_2063 = arith.constant 96 : index
      %swap3A_2064 = tpu.vector_load %arg5[%swap3A_2062, %swap3A_2063] {strides = array<i32>} : memref<16x128xf32, #tpu.memory_space<vmem>>, vector<1x16xf32>,
      %swap3A_2065 = vector.shape_cast %swap3A_2064 : vector<1x16xf32> to vector<16xf32>
      %swap3A_2066 = vector.shape_cast %select_n3A_2060 : vector<16xf32> to vector<1x16xf32>
      tpu.vector_store %arg5[%swap3A_2062, %swap3A_2063], %swap3A_2066 {strides = array<i32>} : memref<16x128xf32, #tpu.memory_space<vmem>>, vector<1x16xf32>,
      %eq3A_2067 = arith.constant 5 : i32
      %eq3A_2068 = vector.broadcast %eq3A_2067 : i32 to vector<16xi32>
      %eq3A_2069 = arith.cmpi eq, %add3A_1996, %eq3A_2068 : vector<16xi32>
      %jit3A_2070 = arith.constant 1.000000e+00 : f32
      %jit3A_2071 = arith.constant 0.000000e+00 : f32
      %broadcast_in_dim3A_2072 = vector.broadcast %jit3A_2070 : f32 to vector<16xf32>
      %broadcast_in_dim3A_2073 = vector.broadcast %jit3A_2071 : f32 to vector<16xf32>
      %select_n3A_2074 = arith.select %eq3A_2069, %broadcast_in_dim3A_2072, %broadcast_in_dim3A_2073 : vector<16xi1>, vector<16xf32>
      %swap3A_2075 = arith.constant 5 : i32
      %swap3A_2076 = arith.index_cast %swap3A_2075 : i32 to index
      %swap3A_2077 = arith.constant 96 : index
      %swap3A_2078 = tpu.vector_load %arg5[%swap3A_2076, %swap3A_2077] {strides = array<i32>} : memref<16x128xf32, #tpu.memory_space<vmem>>, vector<1x16xf32>,
      %swap3A_2079 = vector.shape_cast %swap3A_2078 : vector<1x16xf32> to vector<16xf32>
      %swap3A_2080 = vector.shape_cast %select_n3A_2074 : vector<16xf32> to vector<1x16xf32>
      tpu.vector_store %arg5[%swap3A_2076, %swap3A_2077], %swap3A_2080 {strides = array<i32>} : memref<16x128xf32, #tpu.memory_space<vmem>>, vector<1x16xf32>,
      %eq3A_2081 = arith.constant 6 : i32
      %eq3A_2082 = vector.broadcast %eq3A_2081 : i32 to vector<16xi32>
      %eq3A_2083 = arith.cmpi eq, %add3A_1996, %eq3A_2082 : vector<16xi32>
      %jit3A_2084 = arith.constant 1.000000e+00 : f32
      %jit3A_2085 = arith.constant 0.000000e+00 : f32
      %broadcast_in_dim3A_2086 = vector.broadcast %jit3A_2084 : f32 to vector<16xf32>
      %broadcast_in_dim3A_2087 = vector.broadcast %jit3A_2085 : f32 to vector<16xf32>
      %select_n3A_2088 = arith.select %eq3A_2083, %broadcast_in_dim3A_2086, %broadcast_in_dim3A_2087 : vector<16xi1>, vector<16xf32>
      %swap3A_2089 = arith.constant 6 : i32
      %swap3A_2090 = arith.index_cast %swap3A_2089 : i32 to index
      %swap3A_2091 = arith.constant 96 : index
      %swap3A_2092 = tpu.vector_load %arg5[%swap3A_2090, %swap3A_2091] {strides = array<i32>} : memref<16x128xf32, #tpu.memory_space<vmem>>, vector<1x16xf32>,
      %swap3A_2093 = vector.shape_cast %swap3A_2092 : vector<1x16xf32> to vector<16xf32>
      %swap3A_2094 = vector.shape_cast %select_n3A_2088 : vector<16xf32> to vector<1x16xf32>
      tpu.vector_store %arg5[%swap3A_2090, %swap3A_2091], %swap3A_2094 {strides = array<i32>} : memref<16x128xf32, #tpu.memory_space<vmem>>, vector<1x16xf32>,
      %eq3A_2095 = arith.constant 7 : i32
      %eq3A_2096 = vector.broadcast %eq3A_2095 : i32 to vector<16xi32>
      %eq3A_2097 = arith.cmpi eq, %add3A_1996, %eq3A_2096 : vector<16xi32>
      %jit3A_2098 = arith.constant 1.000000e+00 : f32
      %jit3A_2099 = arith.constant 0.000000e+00 : f32
      %broadcast_in_dim3A_2100 = vector.broadcast %jit3A_2098 : f32 to vector<16xf32>
      %broadcast_in_dim3A_2101 = vector.broadcast %jit3A_2099 : f32 to vector<16xf32>
      %select_n3A_2102 = arith.select %eq3A_2097, %broadcast_in_dim3A_2100, %broadcast_in_dim3A_2101 : vector<16xi1>, vector<16xf32>
      %swap3A_2103 = arith.constant 7 : i32
      %swap3A_2104 = arith.index_cast %swap3A_2103 : i32 to index
      %swap3A_2105 = arith.constant 96 : index
      %swap3A_2106 = tpu.vector_load %arg5[%swap3A_2104, %swap3A_2105] {strides = array<i32>} : memref<16x128xf32, #tpu.memory_space<vmem>>, vector<1x16xf32>,
      %swap3A_2107 = vector.shape_cast %swap3A_2106 : vector<1x16xf32> to vector<16xf32>
      %swap3A_2108 = vector.shape_cast %select_n3A_2102 : vector<16xf32> to vector<1x16xf32>
      tpu.vector_store %arg5[%swap3A_2104, %swap3A_2105], %swap3A_2108 {strides = array<i32>} : memref<16x128xf32, #tpu.memory_space<vmem>>, vector<1x16xf32>,
      %eq3A_2109 = arith.constant 8 : i32
      %eq3A_2110 = vector.broadcast %eq3A_2109 : i32 to vector<16xi32>
      %eq3A_2111 = arith.cmpi eq, %add3A_1996, %eq3A_2110 : vector<16xi32>
      %jit3A_2112 = arith.constant 1.000000e+00 : f32
      %jit3A_2113 = arith.constant 0.000000e+00 : f32
      %broadcast_in_dim3A_2114 = vector.broadcast %jit3A_2112 : f32 to vector<16xf32>
      %broadcast_in_dim3A_2115 = vector.broadcast %jit3A_2113 : f32 to vector<16xf32>
      %select_n3A_2116 = arith.select %eq3A_2111, %broadcast_in_dim3A_2114, %broadcast_in_dim3A_2115 : vector<16xi1>, vector<16xf32>
      %swap3A_2117 = arith.constant 8 : i32
      %swap3A_2118 = arith.index_cast %swap3A_2117 : i32 to index
      %swap3A_2119 = arith.constant 96 : index
      %swap3A_2120 = tpu.vector_load %arg5[%swap3A_2118, %swap3A_2119] {strides = array<i32>} : memref<16x128xf32, #tpu.memory_space<vmem>>, vector<1x16xf32>,
      %swap3A_2121 = vector.shape_cast %swap3A_2120 : vector<1x16xf32> to vector<16xf32>
      %swap3A_2122 = vector.shape_cast %select_n3A_2116 : vector<16xf32> to vector<1x16xf32>
      tpu.vector_store %arg5[%swap3A_2118, %swap3A_2119], %swap3A_2122 {strides = array<i32>} : memref<16x128xf32, #tpu.memory_space<vmem>>, vector<1x16xf32>,
      %eq3A_2123 = arith.constant 9 : i32
      %eq3A_2124 = vector.broadcast %eq3A_2123 : i32 to vector<16xi32>
      %eq3A_2125 = arith.cmpi eq, %add3A_1996, %eq3A_2124 : vector<16xi32>
      %jit3A_2126 = arith.constant 1.000000e+00 : f32
      %jit3A_2127 = arith.constant 0.000000e+00 : f32
      %broadcast_in_dim3A_2128 = vector.broadcast %jit3A_2126 : f32 to vector<16xf32>
      %broadcast_in_dim3A_2129 = vector.broadcast %jit3A_2127 : f32 to vector<16xf32>
      %select_n3A_2130 = arith.select %eq3A_2125, %broadcast_in_dim3A_2128, %broadcast_in_dim3A_2129 : vector<16xi1>, vector<16xf32>
      %swap3A_2131 = arith.constant 9 : i32
      %swap3A_2132 = arith.index_cast %swap3A_2131 : i32 to index
      %swap3A_2133 = arith.constant 96 : index
      %swap3A_2134 = tpu.vector_load %arg5[%swap3A_2132, %swap3A_2133] {strides = array<i32>} : memref<16x128xf32, #tpu.memory_space<vmem>>, vector<1x16xf32>,
      %swap3A_2135 = vector.shape_cast %swap3A_2134 : vector<1x16xf32> to vector<16xf32>
      %swap3A_2136 = vector.shape_cast %select_n3A_2130 : vector<16xf32> to vector<1x16xf32>
      tpu.vector_store %arg5[%swap3A_2132, %swap3A_2133], %swap3A_2136 {strides = array<i32>} : memref<16x128xf32, #tpu.memory_space<vmem>>, vector<1x16xf32>,
      %eq3A_2137 = arith.constant 10 : i32
      %eq3A_2138 = vector.broadcast %eq3A_2137 : i32 to vector<16xi32>
      %eq3A_2139 = arith.cmpi eq, %add3A_1996, %eq3A_2138 : vector<16xi32>
      %jit3A_2140 = arith.constant 1.000000e+00 : f32
      %jit3A_2141 = arith.constant 0.000000e+00 : f32
      %broadcast_in_dim3A_2142 = vector.broadcast %jit3A_2140 : f32 to vector<16xf32>
      %broadcast_in_dim3A_2143 = vector.broadcast %jit3A_2141 : f32 to vector<16xf32>
      %select_n3A_2144 = arith.select %eq3A_2139, %broadcast_in_dim3A_2142, %broadcast_in_dim3A_2143 : vector<16xi1>, vector<16xf32>
      %swap3A_2145 = arith.constant 10 : i32
      %swap3A_2146 = arith.index_cast %swap3A_2145 : i32 to index
      %swap3A_2147 = arith.constant 96 : index
      %swap3A_2148 = tpu.vector_load %arg5[%swap3A_2146, %swap3A_2147] {strides = array<i32>} : memref<16x128xf32, #tpu.memory_space<vmem>>, vector<1x16xf32>,
      %swap3A_2149 = vector.shape_cast %swap3A_2148 : vector<1x16xf32> to vector<16xf32>
      %swap3A_2150 = vector.shape_cast %select_n3A_2144 : vector<16xf32> to vector<1x16xf32>
      tpu.vector_store %arg5[%swap3A_2146, %swap3A_2147], %swap3A_2150 {strides = array<i32>} : memref<16x128xf32, #tpu.memory_space<vmem>>, vector<1x16xf32>,
      %eq3A_2151 = arith.constant 11 : i32
      %eq3A_2152 = vector.broadcast %eq3A_2151 : i32 to vector<16xi32>
      %eq3A_2153 = arith.cmpi eq, %add3A_1996, %eq3A_2152 : vector<16xi32>
      %jit3A_2154 = arith.constant 1.000000e+00 : f32
      %jit3A_2155 = arith.constant 0.000000e+00 : f32
      %broadcast_in_dim3A_2156 = vector.broadcast %jit3A_2154 : f32 to vector<16xf32>
      %broadcast_in_dim3A_2157 = vector.broadcast %jit3A_2155 : f32 to vector<16xf32>
      %select_n3A_2158 = arith.select %eq3A_2153, %broadcast_in_dim3A_2156, %broadcast_in_dim3A_2157 : vector<16xi1>, vector<16xf32>
      %swap3A_2159 = arith.constant 11 : i32
      %swap3A_2160 = arith.index_cast %swap3A_2159 : i32 to index
      %swap3A_2161 = arith.constant 96 : index
      %swap3A_2162 = tpu.vector_load %arg5[%swap3A_2160, %swap3A_2161] {strides = array<i32>} : memref<16x128xf32, #tpu.memory_space<vmem>>, vector<1x16xf32>,
      %swap3A_2163 = vector.shape_cast %swap3A_2162 : vector<1x16xf32> to vector<16xf32>
      %swap3A_2164 = vector.shape_cast %select_n3A_2158 : vector<16xf32> to vector<1x16xf32>
      tpu.vector_store %arg5[%swap3A_2160, %swap3A_2161], %swap3A_2164 {strides = array<i32>} : memref<16x128xf32, #tpu.memory_space<vmem>>, vector<1x16xf32>,
      %eq3A_2165 = arith.constant 12 : i32
      %eq3A_2166 = vector.broadcast %eq3A_2165 : i32 to vector<16xi32>
      %eq3A_2167 = arith.cmpi eq, %add3A_1996, %eq3A_2166 : vector<16xi32>
      %jit3A_2168 = arith.constant 1.000000e+00 : f32
      %jit3A_2169 = arith.constant 0.000000e+00 : f32
      %broadcast_in_dim3A_2170 = vector.broadcast %jit3A_2168 : f32 to vector<16xf32>
      %broadcast_in_dim3A_2171 = vector.broadcast %jit3A_2169 : f32 to vector<16xf32>
      %select_n3A_2172 = arith.select %eq3A_2167, %broadcast_in_dim3A_2170, %broadcast_in_dim3A_2171 : vector<16xi1>, vector<16xf32>
      %swap3A_2173 = arith.constant 12 : i32
      %swap3A_2174 = arith.index_cast %swap3A_2173 : i32 to index
      %swap3A_2175 = arith.constant 96 : index
      %swap3A_2176 = tpu.vector_load %arg5[%swap3A_2174, %swap3A_2175] {strides = array<i32>} : memref<16x128xf32, #tpu.memory_space<vmem>>, vector<1x16xf32>,
      %swap3A_2177 = vector.shape_cast %swap3A_2176 : vector<1x16xf32> to vector<16xf32>
      %swap3A_2178 = vector.shape_cast %select_n3A_2172 : vector<16xf32> to vector<1x16xf32>
      tpu.vector_store %arg5[%swap3A_2174, %swap3A_2175], %swap3A_2178 {strides = array<i32>} : memref<16x128xf32, #tpu.memory_space<vmem>>, vector<1x16xf32>,
      %eq3A_2179 = arith.constant 13 : i32
      %eq3A_2180 = vector.broadcast %eq3A_2179 : i32 to vector<16xi32>
      %eq3A_2181 = arith.cmpi eq, %add3A_1996, %eq3A_2180 : vector<16xi32>
      %jit3A_2182 = arith.constant 1.000000e+00 : f32
      %jit3A_2183 = arith.constant 0.000000e+00 : f32
      %broadcast_in_dim3A_2184 = vector.broadcast %jit3A_2182 : f32 to vector<16xf32>
      %broadcast_in_dim3A_2185 = vector.broadcast %jit3A_2183 : f32 to vector<16xf32>
      %select_n3A_2186 = arith.select %eq3A_2181, %broadcast_in_dim3A_2184, %broadcast_in_dim3A_2185 : vector<16xi1>, vector<16xf32>
      %swap3A_2187 = arith.constant 13 : i32
      %swap3A_2188 = arith.index_cast %swap3A_2187 : i32 to index
      %swap3A_2189 = arith.constant 96 : index
      %swap3A_2190 = tpu.vector_load %arg5[%swap3A_2188, %swap3A_2189] {strides = array<i32>} : memref<16x128xf32, #tpu.memory_space<vmem>>, vector<1x16xf32>,
      %swap3A_2191 = vector.shape_cast %swap3A_2190 : vector<1x16xf32> to vector<16xf32>
      %swap3A_2192 = vector.shape_cast %select_n3A_2186 : vector<16xf32> to vector<1x16xf32>
      tpu.vector_store %arg5[%swap3A_2188, %swap3A_2189], %swap3A_2192 {strides = array<i32>} : memref<16x128xf32, #tpu.memory_space<vmem>>, vector<1x16xf32>,
      %eq3A_2193 = arith.constant 14 : i32
      %eq3A_2194 = vector.broadcast %eq3A_2193 : i32 to vector<16xi32>
      %eq3A_2195 = arith.cmpi eq, %add3A_1996, %eq3A_2194 : vector<16xi32>
      %jit3A_2196 = arith.constant 1.000000e+00 : f32
      %jit3A_2197 = arith.constant 0.000000e+00 : f32
      %broadcast_in_dim3A_2198 = vector.broadcast %jit3A_2196 : f32 to vector<16xf32>
      %broadcast_in_dim3A_2199 = vector.broadcast %jit3A_2197 : f32 to vector<16xf32>
      %select_n3A_2200 = arith.select %eq3A_2195, %broadcast_in_dim3A_2198, %broadcast_in_dim3A_2199 : vector<16xi1>, vector<16xf32>
      %swap3A_2201 = arith.constant 14 : i32
      %swap3A_2202 = arith.index_cast %swap3A_2201 : i32 to index
      %swap3A_2203 = arith.constant 96 : index
      %swap3A_2204 = tpu.vector_load %arg5[%swap3A_2202, %swap3A_2203] {strides = array<i32>} : memref<16x128xf32, #tpu.memory_space<vmem>>, vector<1x16xf32>,
      %swap3A_2205 = vector.shape_cast %swap3A_2204 : vector<1x16xf32> to vector<16xf32>
      %swap3A_2206 = vector.shape_cast %select_n3A_2200 : vector<16xf32> to vector<1x16xf32>
      tpu.vector_store %arg5[%swap3A_2202, %swap3A_2203], %swap3A_2206 {strides = array<i32>} : memref<16x128xf32, #tpu.memory_space<vmem>>, vector<1x16xf32>,
      %eq3A_2207 = arith.constant 15 : i32
      %eq3A_2208 = vector.broadcast %eq3A_2207 : i32 to vector<16xi32>
      %eq3A_2209 = arith.cmpi eq, %add3A_1996, %eq3A_2208 : vector<16xi32>
      %jit3A_2210 = arith.constant 1.000000e+00 : f32
      %jit3A_2211 = arith.constant 0.000000e+00 : f32
      %broadcast_in_dim3A_2212 = vector.broadcast %jit3A_2210 : f32 to vector<16xf32>
      %broadcast_in_dim3A_2213 = vector.broadcast %jit3A_2211 : f32 to vector<16xf32>
      %select_n3A_2214 = arith.select %eq3A_2209, %broadcast_in_dim3A_2212, %broadcast_in_dim3A_2213 : vector<16xi1>, vector<16xf32>
      %swap3A_2215 = arith.constant 15 : i32
      %swap3A_2216 = arith.index_cast %swap3A_2215 : i32 to index
      %swap3A_2217 = arith.constant 96 : index
      %swap3A_2218 = tpu.vector_load %arg5[%swap3A_2216, %swap3A_2217] {strides = array<i32>} : memref<16x128xf32, #tpu.memory_space<vmem>>, vector<1x16xf32>,
      %swap3A_2219 = vector.shape_cast %swap3A_2218 : vector<1x16xf32> to vector<16xf32>
      %swap3A_2220 = vector.shape_cast %select_n3A_2214 : vector<16xf32> to vector<1x16xf32>
      tpu.vector_store %arg5[%swap3A_2216, %swap3A_2217], %swap3A_2220 {strides = array<i32>} : memref<16x128xf32, #tpu.memory_space<vmem>>, vector<1x16xf32>,
      %broadcast_in_dim3A_2221 = arith.constant 0 : i32
      %broadcast_in_dim3A_2222 = vector.broadcast %broadcast_in_dim3A_2221 : i32 to vector<16xi32>
      %get3A_2223 = arith.constant 0 : i32
      %get3A_2224 = arith.index_cast %get3A_2223 : i32 to index
      %get3A_2225 = arith.constant 112 : index
      %get3A_2226 = tpu.vector_load %arg4[%get3A_2224, %get3A_2225] {strides = array<i32>} : memref<8x128xf32, #tpu.memory_space<vmem>>, vector<1x16xf32>,
      %get3A_2227 = vector.shape_cast %get3A_2226 : vector<1x16xf32> to vector<16xf32>
      %get3A_2228 = arith.constant 4 : i32
      %get3A_2229 = arith.index_cast %get3A_2228 : i32 to index
      %get3A_2230 = arith.constant 112 : index
      %get3A_2231 = tpu.vector_load %arg4[%get3A_2229, %get3A_2230] {strides = array<i32>} : memref<8x128xf32, #tpu.memory_space<vmem>>, vector<1x16xf32>,
      %get3A_2232 = vector.shape_cast %get3A_2231 : vector<1x16xf32> to vector<16xf32>
      %gt3A_2233 = arith.constant 0.000000e+00 : f32
      %gt3A_2234 = vector.broadcast %gt3A_2233 : f32 to vector<16xf32>
      %gt3A_2235 = arith.cmpf ogt, %get3A_2227, %gt3A_2234 : vector<16xf32>
      %gt3A_2236 = arith.constant 0.000000e+00 : f32
      %gt3A_2237 = vector.broadcast %gt3A_2236 : f32 to vector<16xf32>
      %gt3A_2238 = arith.cmpf ogt, %get3A_2232, %gt3A_2237 : vector<16xf32>
      %and3A_2239 = arith.andi %gt3A_2235, %gt3A_2238 : vector<16xi1>
      %jit3A_2240 = arith.constant 1 : i32
      %jit3A_2241 = arith.constant 0 : i32
      %broadcast_in_dim3A_2242 = vector.broadcast %jit3A_2240 : i32 to vector<16xi32>
      %broadcast_in_dim3A_2243 = vector.broadcast %jit3A_2241 : i32 to vector<16xi32>
      %select_n3A_2244 = arith.select %and3A_2239, %broadcast_in_dim3A_2242, %broadcast_in_dim3A_2243 : vector<16xi1>, vector<16xi32>
      %add3A_2245 = arith.addi %broadcast_in_dim3A_2222, %select_n3A_2244 : vector<16xi32>
      %get3A_2246 = arith.constant 1 : i32
      %get3A_2247 = arith.index_cast %get3A_2246 : i32 to index
      %get3A_2248 = arith.constant 112 : index
      %get3A_2249 = tpu.vector_load %arg4[%get3A_2247, %get3A_2248] {strides = array<i32>} : memref<8x128xf32, #tpu.memory_space<vmem>>, vector<1x16xf32>,
      %get3A_2250 = vector.shape_cast %get3A_2249 : vector<1x16xf32> to vector<16xf32>
      %get3A_2251 = arith.constant 5 : i32
      %get3A_2252 = arith.index_cast %get3A_2251 : i32 to index
      %get3A_2253 = arith.constant 112 : index
      %get3A_2254 = tpu.vector_load %arg4[%get3A_2252, %get3A_2253] {strides = array<i32>} : memref<8x128xf32, #tpu.memory_space<vmem>>, vector<1x16xf32>,
      %get3A_2255 = vector.shape_cast %get3A_2254 : vector<1x16xf32> to vector<16xf32>
      %gt3A_2256 = arith.constant 0.000000e+00 : f32
      %gt3A_2257 = vector.broadcast %gt3A_2256 : f32 to vector<16xf32>
      %gt3A_2258 = arith.cmpf ogt, %get3A_2250, %gt3A_2257 : vector<16xf32>
      %gt3A_2259 = arith.constant 0.000000e+00 : f32
      %gt3A_2260 = vector.broadcast %gt3A_2259 : f32 to vector<16xf32>
      %gt3A_2261 = arith.cmpf ogt, %get3A_2255, %gt3A_2260 : vector<16xf32>
      %and3A_2262 = arith.andi %gt3A_2258, %gt3A_2261 : vector<16xi1>
      %jit3A_2263 = arith.constant 2 : i32
      %jit3A_2264 = arith.constant 0 : i32
      %broadcast_in_dim3A_2265 = vector.broadcast %jit3A_2263 : i32 to vector<16xi32>
      %broadcast_in_dim3A_2266 = vector.broadcast %jit3A_2264 : i32 to vector<16xi32>
      %select_n3A_2267 = arith.select %and3A_2262, %broadcast_in_dim3A_2265, %broadcast_in_dim3A_2266 : vector<16xi1>, vector<16xi32>
      %add3A_2268 = arith.addi %add3A_2245, %select_n3A_2267 : vector<16xi32>
      %get3A_2269 = arith.constant 2 : i32
      %get3A_2270 = arith.index_cast %get3A_2269 : i32 to index
      %get3A_2271 = arith.constant 112 : index
      %get3A_2272 = tpu.vector_load %arg4[%get3A_2270, %get3A_2271] {strides = array<i32>} : memref<8x128xf32, #tpu.memory_space<vmem>>, vector<1x16xf32>,
      %get3A_2273 = vector.shape_cast %get3A_2272 : vector<1x16xf32> to vector<16xf32>
      %get3A_2274 = arith.constant 6 : i32
      %get3A_2275 = arith.index_cast %get3A_2274 : i32 to index
      %get3A_2276 = arith.constant 112 : index
      %get3A_2277 = tpu.vector_load %arg4[%get3A_2275, %get3A_2276] {strides = array<i32>} : memref<8x128xf32, #tpu.memory_space<vmem>>, vector<1x16xf32>,
      %get3A_2278 = vector.shape_cast %get3A_2277 : vector<1x16xf32> to vector<16xf32>
      %gt3A_2279 = arith.constant 0.000000e+00 : f32
      %gt3A_2280 = vector.broadcast %gt3A_2279 : f32 to vector<16xf32>
      %gt3A_2281 = arith.cmpf ogt, %get3A_2273, %gt3A_2280 : vector<16xf32>
      %gt3A_2282 = arith.constant 0.000000e+00 : f32
      %gt3A_2283 = vector.broadcast %gt3A_2282 : f32 to vector<16xf32>
      %gt3A_2284 = arith.cmpf ogt, %get3A_2278, %gt3A_2283 : vector<16xf32>
      %and3A_2285 = arith.andi %gt3A_2281, %gt3A_2284 : vector<16xi1>
      %jit3A_2286 = arith.constant 4 : i32
      %jit3A_2287 = arith.constant 0 : i32
      %broadcast_in_dim3A_2288 = vector.broadcast %jit3A_2286 : i32 to vector<16xi32>
      %broadcast_in_dim3A_2289 = vector.broadcast %jit3A_2287 : i32 to vector<16xi32>
      %select_n3A_2290 = arith.select %and3A_2285, %broadcast_in_dim3A_2288, %broadcast_in_dim3A_2289 : vector<16xi1>, vector<16xi32>
      %add3A_2291 = arith.addi %add3A_2268, %select_n3A_2290 : vector<16xi32>
      %get3A_2292 = arith.constant 3 : i32
      %get3A_2293 = arith.index_cast %get3A_2292 : i32 to index
      %get3A_2294 = arith.constant 112 : index
      %get3A_2295 = tpu.vector_load %arg4[%get3A_2293, %get3A_2294] {strides = array<i32>} : memref<8x128xf32, #tpu.memory_space<vmem>>, vector<1x16xf32>,
      %get3A_2296 = vector.shape_cast %get3A_2295 : vector<1x16xf32> to vector<16xf32>
      %get3A_2297 = arith.constant 7 : i32
      %get3A_2298 = arith.index_cast %get3A_2297 : i32 to index
      %get3A_2299 = arith.constant 112 : index
      %get3A_2300 = tpu.vector_load %arg4[%get3A_2298, %get3A_2299] {strides = array<i32>} : memref<8x128xf32, #tpu.memory_space<vmem>>, vector<1x16xf32>,
      %get3A_2301 = vector.shape_cast %get3A_2300 : vector<1x16xf32> to vector<16xf32>
      %gt3A_2302 = arith.constant 0.000000e+00 : f32
      %gt3A_2303 = vector.broadcast %gt3A_2302 : f32 to vector<16xf32>
      %gt3A_2304 = arith.cmpf ogt, %get3A_2296, %gt3A_2303 : vector<16xf32>
      %gt3A_2305 = arith.constant 0.000000e+00 : f32
      %gt3A_2306 = vector.broadcast %gt3A_2305 : f32 to vector<16xf32>
      %gt3A_2307 = arith.cmpf ogt, %get3A_2301, %gt3A_2306 : vector<16xf32>
      %and3A_2308 = arith.andi %gt3A_2304, %gt3A_2307 : vector<16xi1>
      %jit3A_2309 = arith.constant 8 : i32
      %jit3A_2310 = arith.constant 0 : i32
      %broadcast_in_dim3A_2311 = vector.broadcast %jit3A_2309 : i32 to vector<16xi32>
      %broadcast_in_dim3A_2312 = vector.broadcast %jit3A_2310 : i32 to vector<16xi32>
      %select_n3A_2313 = arith.select %and3A_2308, %broadcast_in_dim3A_2311, %broadcast_in_dim3A_2312 : vector<16xi1>, vector<16xi32>
      %add3A_2314 = arith.addi %add3A_2291, %select_n3A_2313 : vector<16xi32>
      %eq3A_2315 = arith.constant 0 : i32
      %eq3A_2316 = vector.broadcast %eq3A_2315 : i32 to vector<16xi32>
      %eq3A_2317 = arith.cmpi eq, %add3A_2314, %eq3A_2316 : vector<16xi32>
      %jit3A_2318 = arith.constant 1.000000e+00 : f32
      %jit3A_2319 = arith.constant 0.000000e+00 : f32
      %broadcast_in_dim3A_2320 = vector.broadcast %jit3A_2318 : f32 to vector<16xf32>
      %broadcast_in_dim3A_2321 = vector.broadcast %jit3A_2319 : f32 to vector<16xf32>
      %select_n3A_2322 = arith.select %eq3A_2317, %broadcast_in_dim3A_2320, %broadcast_in_dim3A_2321 : vector<16xi1>, vector<16xf32>
      %swap3A_2323 = arith.constant 0 : i32
      %swap3A_2324 = arith.index_cast %swap3A_2323 : i32 to index
      %swap3A_2325 = arith.constant 112 : index
      %swap3A_2326 = tpu.vector_load %arg5[%swap3A_2324, %swap3A_2325] {strides = array<i32>} : memref<16x128xf32, #tpu.memory_space<vmem>>, vector<1x16xf32>,
      %swap3A_2327 = vector.shape_cast %swap3A_2326 : vector<1x16xf32> to vector<16xf32>
      %swap3A_2328 = vector.shape_cast %select_n3A_2322 : vector<16xf32> to vector<1x16xf32>
      tpu.vector_store %arg5[%swap3A_2324, %swap3A_2325], %swap3A_2328 {strides = array<i32>} : memref<16x128xf32, #tpu.memory_space<vmem>>, vector<1x16xf32>,
      %eq3A_2329 = arith.constant 1 : i32
      %eq3A_2330 = vector.broadcast %eq3A_2329 : i32 to vector<16xi32>
      %eq3A_2331 = arith.cmpi eq, %add3A_2314, %eq3A_2330 : vector<16xi32>
      %jit3A_2332 = arith.constant 1.000000e+00 : f32
      %jit3A_2333 = arith.constant 0.000000e+00 : f32
      %broadcast_in_dim3A_2334 = vector.broadcast %jit3A_2332 : f32 to vector<16xf32>
      %broadcast_in_dim3A_2335 = vector.broadcast %jit3A_2333 : f32 to vector<16xf32>
      %select_n3A_2336 = arith.select %eq3A_2331, %broadcast_in_dim3A_2334, %broadcast_in_dim3A_2335 : vector<16xi1>, vector<16xf32>
      %swap3A_2337 = arith.constant 1 : i32
      %swap3A_2338 = arith.index_cast %swap3A_2337 : i32 to index
      %swap3A_2339 = arith.constant 112 : index
      %swap3A_2340 = tpu.vector_load %arg5[%swap3A_2338, %swap3A_2339] {strides = array<i32>} : memref<16x128xf32, #tpu.memory_space<vmem>>, vector<1x16xf32>,
      %swap3A_2341 = vector.shape_cast %swap3A_2340 : vector<1x16xf32> to vector<16xf32>
      %swap3A_2342 = vector.shape_cast %select_n3A_2336 : vector<16xf32> to vector<1x16xf32>
      tpu.vector_store %arg5[%swap3A_2338, %swap3A_2339], %swap3A_2342 {strides = array<i32>} : memref<16x128xf32, #tpu.memory_space<vmem>>, vector<1x16xf32>,
      %eq3A_2343 = arith.constant 2 : i32
      %eq3A_2344 = vector.broadcast %eq3A_2343 : i32 to vector<16xi32>
      %eq3A_2345 = arith.cmpi eq, %add3A_2314, %eq3A_2344 : vector<16xi32>
      %jit3A_2346 = arith.constant 1.000000e+00 : f32
      %jit3A_2347 = arith.constant 0.000000e+00 : f32
      %broadcast_in_dim3A_2348 = vector.broadcast %jit3A_2346 : f32 to vector<16xf32>
      %broadcast_in_dim3A_2349 = vector.broadcast %jit3A_2347 : f32 to vector<16xf32>
      %select_n3A_2350 = arith.select %eq3A_2345, %broadcast_in_dim3A_2348, %broadcast_in_dim3A_2349 : vector<16xi1>, vector<16xf32>
      %swap3A_2351 = arith.constant 2 : i32
      %swap3A_2352 = arith.index_cast %swap3A_2351 : i32 to index
      %swap3A_2353 = arith.constant 112 : index
      %swap3A_2354 = tpu.vector_load %arg5[%swap3A_2352, %swap3A_2353] {strides = array<i32>} : memref<16x128xf32, #tpu.memory_space<vmem>>, vector<1x16xf32>,
      %swap3A_2355 = vector.shape_cast %swap3A_2354 : vector<1x16xf32> to vector<16xf32>
      %swap3A_2356 = vector.shape_cast %select_n3A_2350 : vector<16xf32> to vector<1x16xf32>
      tpu.vector_store %arg5[%swap3A_2352, %swap3A_2353], %swap3A_2356 {strides = array<i32>} : memref<16x128xf32, #tpu.memory_space<vmem>>, vector<1x16xf32>,
      %eq3A_2357 = arith.constant 3 : i32
      %eq3A_2358 = vector.broadcast %eq3A_2357 : i32 to vector<16xi32>
      %eq3A_2359 = arith.cmpi eq, %add3A_2314, %eq3A_2358 : vector<16xi32>
      %jit3A_2360 = arith.constant 1.000000e+00 : f32
      %jit3A_2361 = arith.constant 0.000000e+00 : f32
      %broadcast_in_dim3A_2362 = vector.broadcast %jit3A_2360 : f32 to vector<16xf32>
      %broadcast_in_dim3A_2363 = vector.broadcast %jit3A_2361 : f32 to vector<16xf32>
      %select_n3A_2364 = arith.select %eq3A_2359, %broadcast_in_dim3A_2362, %broadcast_in_dim3A_2363 : vector<16xi1>, vector<16xf32>
      %swap3A_2365 = arith.constant 3 : i32
      %swap3A_2366 = arith.index_cast %swap3A_2365 : i32 to index
      %swap3A_2367 = arith.constant 112 : index
      %swap3A_2368 = tpu.vector_load %arg5[%swap3A_2366, %swap3A_2367] {strides = array<i32>} : memref<16x128xf32, #tpu.memory_space<vmem>>, vector<1x16xf32>,
      %swap3A_2369 = vector.shape_cast %swap3A_2368 : vector<1x16xf32> to vector<16xf32>
      %swap3A_2370 = vector.shape_cast %select_n3A_2364 : vector<16xf32> to vector<1x16xf32>
      tpu.vector_store %arg5[%swap3A_2366, %swap3A_2367], %swap3A_2370 {strides = array<i32>} : memref<16x128xf32, #tpu.memory_space<vmem>>, vector<1x16xf32>,
      %eq3A_2371 = arith.constant 4 : i32
      %eq3A_2372 = vector.broadcast %eq3A_2371 : i32 to vector<16xi32>
      %eq3A_2373 = arith.cmpi eq, %add3A_2314, %eq3A_2372 : vector<16xi32>
      %jit3A_2374 = arith.constant 1.000000e+00 : f32
      %jit3A_2375 = arith.constant 0.000000e+00 : f32
      %broadcast_in_dim3A_2376 = vector.broadcast %jit3A_2374 : f32 to vector<16xf32>
      %broadcast_in_dim3A_2377 = vector.broadcast %jit3A_2375 : f32 to vector<16xf32>
      %select_n3A_2378 = arith.select %eq3A_2373, %broadcast_in_dim3A_2376, %broadcast_in_dim3A_2377 : vector<16xi1>, vector<16xf32>
      %swap3A_2379 = arith.constant 4 : i32
      %swap3A_2380 = arith.index_cast %swap3A_2379 : i32 to index
      %swap3A_2381 = arith.constant 112 : index
      %swap3A_2382 = tpu.vector_load %arg5[%swap3A_2380, %swap3A_2381] {strides = array<i32>} : memref<16x128xf32, #tpu.memory_space<vmem>>, vector<1x16xf32>,
      %swap3A_2383 = vector.shape_cast %swap3A_2382 : vector<1x16xf32> to vector<16xf32>
      %swap3A_2384 = vector.shape_cast %select_n3A_2378 : vector<16xf32> to vector<1x16xf32>
      tpu.vector_store %arg5[%swap3A_2380, %swap3A_2381], %swap3A_2384 {strides = array<i32>} : memref<16x128xf32, #tpu.memory_space<vmem>>, vector<1x16xf32>,
      %eq3A_2385 = arith.constant 5 : i32
      %eq3A_2386 = vector.broadcast %eq3A_2385 : i32 to vector<16xi32>
      %eq3A_2387 = arith.cmpi eq, %add3A_2314, %eq3A_2386 : vector<16xi32>
      %jit3A_2388 = arith.constant 1.000000e+00 : f32
      %jit3A_2389 = arith.constant 0.000000e+00 : f32
      %broadcast_in_dim3A_2390 = vector.broadcast %jit3A_2388 : f32 to vector<16xf32>
      %broadcast_in_dim3A_2391 = vector.broadcast %jit3A_2389 : f32 to vector<16xf32>
      %select_n3A_2392 = arith.select %eq3A_2387, %broadcast_in_dim3A_2390, %broadcast_in_dim3A_2391 : vector<16xi1>, vector<16xf32>
      %swap3A_2393 = arith.constant 5 : i32
      %swap3A_2394 = arith.index_cast %swap3A_2393 : i32 to index
      %swap3A_2395 = arith.constant 112 : index
      %swap3A_2396 = tpu.vector_load %arg5[%swap3A_2394, %swap3A_2395] {strides = array<i32>} : memref<16x128xf32, #tpu.memory_space<vmem>>, vector<1x16xf32>,
      %swap3A_2397 = vector.shape_cast %swap3A_2396 : vector<1x16xf32> to vector<16xf32>
      %swap3A_2398 = vector.shape_cast %select_n3A_2392 : vector<16xf32> to vector<1x16xf32>
      tpu.vector_store %arg5[%swap3A_2394, %swap3A_2395], %swap3A_2398 {strides = array<i32>} : memref<16x128xf32, #tpu.memory_space<vmem>>, vector<1x16xf32>,
      %eq3A_2399 = arith.constant 6 : i32
      %eq3A_2400 = vector.broadcast %eq3A_2399 : i32 to vector<16xi32>
      %eq3A_2401 = arith.cmpi eq, %add3A_2314, %eq3A_2400 : vector<16xi32>
      %jit3A_2402 = arith.constant 1.000000e+00 : f32
      %jit3A_2403 = arith.constant 0.000000e+00 : f32
      %broadcast_in_dim3A_2404 = vector.broadcast %jit3A_2402 : f32 to vector<16xf32>
      %broadcast_in_dim3A_2405 = vector.broadcast %jit3A_2403 : f32 to vector<16xf32>
      %select_n3A_2406 = arith.select %eq3A_2401, %broadcast_in_dim3A_2404, %broadcast_in_dim3A_2405 : vector<16xi1>, vector<16xf32>
      %swap3A_2407 = arith.constant 6 : i32
      %swap3A_2408 = arith.index_cast %swap3A_2407 : i32 to index
      %swap3A_2409 = arith.constant 112 : index
      %swap3A_2410 = tpu.vector_load %arg5[%swap3A_2408, %swap3A_2409] {strides = array<i32>} : memref<16x128xf32, #tpu.memory_space<vmem>>, vector<1x16xf32>,
      %swap3A_2411 = vector.shape_cast %swap3A_2410 : vector<1x16xf32> to vector<16xf32>
      %swap3A_2412 = vector.shape_cast %select_n3A_2406 : vector<16xf32> to vector<1x16xf32>
      tpu.vector_store %arg5[%swap3A_2408, %swap3A_2409], %swap3A_2412 {strides = array<i32>} : memref<16x128xf32, #tpu.memory_space<vmem>>, vector<1x16xf32>,
      %eq3A_2413 = arith.constant 7 : i32
      %eq3A_2414 = vector.broadcast %eq3A_2413 : i32 to vector<16xi32>
      %eq3A_2415 = arith.cmpi eq, %add3A_2314, %eq3A_2414 : vector<16xi32>
      %jit3A_2416 = arith.constant 1.000000e+00 : f32
      %jit3A_2417 = arith.constant 0.000000e+00 : f32
      %broadcast_in_dim3A_2418 = vector.broadcast %jit3A_2416 : f32 to vector<16xf32>
      %broadcast_in_dim3A_2419 = vector.broadcast %jit3A_2417 : f32 to vector<16xf32>
      %select_n3A_2420 = arith.select %eq3A_2415, %broadcast_in_dim3A_2418, %broadcast_in_dim3A_2419 : vector<16xi1>, vector<16xf32>
      %swap3A_2421 = arith.constant 7 : i32
      %swap3A_2422 = arith.index_cast %swap3A_2421 : i32 to index
      %swap3A_2423 = arith.constant 112 : index
      %swap3A_2424 = tpu.vector_load %arg5[%swap3A_2422, %swap3A_2423] {strides = array<i32>} : memref<16x128xf32, #tpu.memory_space<vmem>>, vector<1x16xf32>,
      %swap3A_2425 = vector.shape_cast %swap3A_2424 : vector<1x16xf32> to vector<16xf32>
      %swap3A_2426 = vector.shape_cast %select_n3A_2420 : vector<16xf32> to vector<1x16xf32>
      tpu.vector_store %arg5[%swap3A_2422, %swap3A_2423], %swap3A_2426 {strides = array<i32>} : memref<16x128xf32, #tpu.memory_space<vmem>>, vector<1x16xf32>,
      %eq3A_2427 = arith.constant 8 : i32
      %eq3A_2428 = vector.broadcast %eq3A_2427 : i32 to vector<16xi32>
      %eq3A_2429 = arith.cmpi eq, %add3A_2314, %eq3A_2428 : vector<16xi32>
      %jit3A_2430 = arith.constant 1.000000e+00 : f32
      %jit3A_2431 = arith.constant 0.000000e+00 : f32
      %broadcast_in_dim3A_2432 = vector.broadcast %jit3A_2430 : f32 to vector<16xf32>
      %broadcast_in_dim3A_2433 = vector.broadcast %jit3A_2431 : f32 to vector<16xf32>
      %select_n3A_2434 = arith.select %eq3A_2429, %broadcast_in_dim3A_2432, %broadcast_in_dim3A_2433 : vector<16xi1>, vector<16xf32>
      %swap3A_2435 = arith.constant 8 : i32
      %swap3A_2436 = arith.index_cast %swap3A_2435 : i32 to index
      %swap3A_2437 = arith.constant 112 : index
      %swap3A_2438 = tpu.vector_load %arg5[%swap3A_2436, %swap3A_2437] {strides = array<i32>} : memref<16x128xf32, #tpu.memory_space<vmem>>, vector<1x16xf32>,
      %swap3A_2439 = vector.shape_cast %swap3A_2438 : vector<1x16xf32> to vector<16xf32>
      %swap3A_2440 = vector.shape_cast %select_n3A_2434 : vector<16xf32> to vector<1x16xf32>
      tpu.vector_store %arg5[%swap3A_2436, %swap3A_2437], %swap3A_2440 {strides = array<i32>} : memref<16x128xf32, #tpu.memory_space<vmem>>, vector<1x16xf32>,
      %eq3A_2441 = arith.constant 9 : i32
      %eq3A_2442 = vector.broadcast %eq3A_2441 : i32 to vector<16xi32>
      %eq3A_2443 = arith.cmpi eq, %add3A_2314, %eq3A_2442 : vector<16xi32>
      %jit3A_2444 = arith.constant 1.000000e+00 : f32
      %jit3A_2445 = arith.constant 0.000000e+00 : f32
      %broadcast_in_dim3A_2446 = vector.broadcast %jit3A_2444 : f32 to vector<16xf32>
      %broadcast_in_dim3A_2447 = vector.broadcast %jit3A_2445 : f32 to vector<16xf32>
      %select_n3A_2448 = arith.select %eq3A_2443, %broadcast_in_dim3A_2446, %broadcast_in_dim3A_2447 : vector<16xi1>, vector<16xf32>
      %swap3A_2449 = arith.constant 9 : i32
      %swap3A_2450 = arith.index_cast %swap3A_2449 : i32 to index
      %swap3A_2451 = arith.constant 112 : index
      %swap3A_2452 = tpu.vector_load %arg5[%swap3A_2450, %swap3A_2451] {strides = array<i32>} : memref<16x128xf32, #tpu.memory_space<vmem>>, vector<1x16xf32>,
      %swap3A_2453 = vector.shape_cast %swap3A_2452 : vector<1x16xf32> to vector<16xf32>
      %swap3A_2454 = vector.shape_cast %select_n3A_2448 : vector<16xf32> to vector<1x16xf32>
      tpu.vector_store %arg5[%swap3A_2450, %swap3A_2451], %swap3A_2454 {strides = array<i32>} : memref<16x128xf32, #tpu.memory_space<vmem>>, vector<1x16xf32>,
      %eq3A_2455 = arith.constant 10 : i32
      %eq3A_2456 = vector.broadcast %eq3A_2455 : i32 to vector<16xi32>
      %eq3A_2457 = arith.cmpi eq, %add3A_2314, %eq3A_2456 : vector<16xi32>
      %jit3A_2458 = arith.constant 1.000000e+00 : f32
      %jit3A_2459 = arith.constant 0.000000e+00 : f32
      %broadcast_in_dim3A_2460 = vector.broadcast %jit3A_2458 : f32 to vector<16xf32>
      %broadcast_in_dim3A_2461 = vector.broadcast %jit3A_2459 : f32 to vector<16xf32>
      %select_n3A_2462 = arith.select %eq3A_2457, %broadcast_in_dim3A_2460, %broadcast_in_dim3A_2461 : vector<16xi1>, vector<16xf32>
      %swap3A_2463 = arith.constant 10 : i32
      %swap3A_2464 = arith.index_cast %swap3A_2463 : i32 to index
      %swap3A_2465 = arith.constant 112 : index
      %swap3A_2466 = tpu.vector_load %arg5[%swap3A_2464, %swap3A_2465] {strides = array<i32>} : memref<16x128xf32, #tpu.memory_space<vmem>>, vector<1x16xf32>,
      %swap3A_2467 = vector.shape_cast %swap3A_2466 : vector<1x16xf32> to vector<16xf32>
      %swap3A_2468 = vector.shape_cast %select_n3A_2462 : vector<16xf32> to vector<1x16xf32>
      tpu.vector_store %arg5[%swap3A_2464, %swap3A_2465], %swap3A_2468 {strides = array<i32>} : memref<16x128xf32, #tpu.memory_space<vmem>>, vector<1x16xf32>,
      %eq3A_2469 = arith.constant 11 : i32
      %eq3A_2470 = vector.broadcast %eq3A_2469 : i32 to vector<16xi32>
      %eq3A_2471 = arith.cmpi eq, %add3A_2314, %eq3A_2470 : vector<16xi32>
      %jit3A_2472 = arith.constant 1.000000e+00 : f32
      %jit3A_2473 = arith.constant 0.000000e+00 : f32
      %broadcast_in_dim3A_2474 = vector.broadcast %jit3A_2472 : f32 to vector<16xf32>
      %broadcast_in_dim3A_2475 = vector.broadcast %jit3A_2473 : f32 to vector<16xf32>
      %select_n3A_2476 = arith.select %eq3A_2471, %broadcast_in_dim3A_2474, %broadcast_in_dim3A_2475 : vector<16xi1>, vector<16xf32>
      %swap3A_2477 = arith.constant 11 : i32
      %swap3A_2478 = arith.index_cast %swap3A_2477 : i32 to index
      %swap3A_2479 = arith.constant 112 : index
      %swap3A_2480 = tpu.vector_load %arg5[%swap3A_2478, %swap3A_2479] {strides = array<i32>} : memref<16x128xf32, #tpu.memory_space<vmem>>, vector<1x16xf32>,
      %swap3A_2481 = vector.shape_cast %swap3A_2480 : vector<1x16xf32> to vector<16xf32>
      %swap3A_2482 = vector.shape_cast %select_n3A_2476 : vector<16xf32> to vector<1x16xf32>
      tpu.vector_store %arg5[%swap3A_2478, %swap3A_2479], %swap3A_2482 {strides = array<i32>} : memref<16x128xf32, #tpu.memory_space<vmem>>, vector<1x16xf32>,
      %eq3A_2483 = arith.constant 12 : i32
      %eq3A_2484 = vector.broadcast %eq3A_2483 : i32 to vector<16xi32>
      %eq3A_2485 = arith.cmpi eq, %add3A_2314, %eq3A_2484 : vector<16xi32>
      %jit3A_2486 = arith.constant 1.000000e+00 : f32
      %jit3A_2487 = arith.constant 0.000000e+00 : f32
      %broadcast_in_dim3A_2488 = vector.broadcast %jit3A_2486 : f32 to vector<16xf32>
      %broadcast_in_dim3A_2489 = vector.broadcast %jit3A_2487 : f32 to vector<16xf32>
      %select_n3A_2490 = arith.select %eq3A_2485, %broadcast_in_dim3A_2488, %broadcast_in_dim3A_2489 : vector<16xi1>, vector<16xf32>
      %swap3A_2491 = arith.constant 12 : i32
      %swap3A_2492 = arith.index_cast %swap3A_2491 : i32 to index
      %swap3A_2493 = arith.constant 112 : index
      %swap3A_2494 = tpu.vector_load %arg5[%swap3A_2492, %swap3A_2493] {strides = array<i32>} : memref<16x128xf32, #tpu.memory_space<vmem>>, vector<1x16xf32>,
      %swap3A_2495 = vector.shape_cast %swap3A_2494 : vector<1x16xf32> to vector<16xf32>
      %swap3A_2496 = vector.shape_cast %select_n3A_2490 : vector<16xf32> to vector<1x16xf32>
      tpu.vector_store %arg5[%swap3A_2492, %swap3A_2493], %swap3A_2496 {strides = array<i32>} : memref<16x128xf32, #tpu.memory_space<vmem>>, vector<1x16xf32>,
      %eq3A_2497 = arith.constant 13 : i32
      %eq3A_2498 = vector.broadcast %eq3A_2497 : i32 to vector<16xi32>
      %eq3A_2499 = arith.cmpi eq, %add3A_2314, %eq3A_2498 : vector<16xi32>
      %jit3A_2500 = arith.constant 1.000000e+00 : f32
      %jit3A_2501 = arith.constant 0.000000e+00 : f32
      %broadcast_in_dim3A_2502 = vector.broadcast %jit3A_2500 : f32 to vector<16xf32>
      %broadcast_in_dim3A_2503 = vector.broadcast %jit3A_2501 : f32 to vector<16xf32>
      %select_n3A_2504 = arith.select %eq3A_2499, %broadcast_in_dim3A_2502, %broadcast_in_dim3A_2503 : vector<16xi1>, vector<16xf32>
      %swap3A_2505 = arith.constant 13 : i32
      %swap3A_2506 = arith.index_cast %swap3A_2505 : i32 to index
      %swap3A_2507 = arith.constant 112 : index
      %swap3A_2508 = tpu.vector_load %arg5[%swap3A_2506, %swap3A_2507] {strides = array<i32>} : memref<16x128xf32, #tpu.memory_space<vmem>>, vector<1x16xf32>,
      %swap3A_2509 = vector.shape_cast %swap3A_2508 : vector<1x16xf32> to vector<16xf32>
      %swap3A_2510 = vector.shape_cast %select_n3A_2504 : vector<16xf32> to vector<1x16xf32>
      tpu.vector_store %arg5[%swap3A_2506, %swap3A_2507], %swap3A_2510 {strides = array<i32>} : memref<16x128xf32, #tpu.memory_space<vmem>>, vector<1x16xf32>,
      %eq3A_2511 = arith.constant 14 : i32
      %eq3A_2512 = vector.broadcast %eq3A_2511 : i32 to vector<16xi32>
      %eq3A_2513 = arith.cmpi eq, %add3A_2314, %eq3A_2512 : vector<16xi32>
      %jit3A_2514 = arith.constant 1.000000e+00 : f32
      %jit3A_2515 = arith.constant 0.000000e+00 : f32
      %broadcast_in_dim3A_2516 = vector.broadcast %jit3A_2514 : f32 to vector<16xf32>
      %broadcast_in_dim3A_2517 = vector.broadcast %jit3A_2515 : f32 to vector<16xf32>
      %select_n3A_2518 = arith.select %eq3A_2513, %broadcast_in_dim3A_2516, %broadcast_in_dim3A_2517 : vector<16xi1>, vector<16xf32>
      %swap3A_2519 = arith.constant 14 : i32
      %swap3A_2520 = arith.index_cast %swap3A_2519 : i32 to index
      %swap3A_2521 = arith.constant 112 : index
      %swap3A_2522 = tpu.vector_load %arg5[%swap3A_2520, %swap3A_2521] {strides = array<i32>} : memref<16x128xf32, #tpu.memory_space<vmem>>, vector<1x16xf32>,
      %swap3A_2523 = vector.shape_cast %swap3A_2522 : vector<1x16xf32> to vector<16xf32>
      %swap3A_2524 = vector.shape_cast %select_n3A_2518 : vector<16xf32> to vector<1x16xf32>
      tpu.vector_store %arg5[%swap3A_2520, %swap3A_2521], %swap3A_2524 {strides = array<i32>} : memref<16x128xf32, #tpu.memory_space<vmem>>, vector<1x16xf32>,
      %eq3A_2525 = arith.constant 15 : i32
      %eq3A_2526 = vector.broadcast %eq3A_2525 : i32 to vector<16xi32>
      %eq3A_2527 = arith.cmpi eq, %add3A_2314, %eq3A_2526 : vector<16xi32>
      %jit3A_2528 = arith.constant 1.000000e+00 : f32
      %jit3A_2529 = arith.constant 0.000000e+00 : f32
      %broadcast_in_dim3A_2530 = vector.broadcast %jit3A_2528 : f32 to vector<16xf32>
      %broadcast_in_dim3A_2531 = vector.broadcast %jit3A_2529 : f32 to vector<16xf32>
      %select_n3A_2532 = arith.select %eq3A_2527, %broadcast_in_dim3A_2530, %broadcast_in_dim3A_2531 : vector<16xi1>, vector<16xf32>
      %swap3A_2533 = arith.constant 15 : i32
      %swap3A_2534 = arith.index_cast %swap3A_2533 : i32 to index
      %swap3A_2535 = arith.constant 112 : index
      %swap3A_2536 = tpu.vector_load %arg5[%swap3A_2534, %swap3A_2535] {strides = array<i32>} : memref<16x128xf32, #tpu.memory_space<vmem>>, vector<1x16xf32>,
      %swap3A_2537 = vector.shape_cast %swap3A_2536 : vector<1x16xf32> to vector<16xf32>
      %swap3A_2538 = vector.shape_cast %select_n3A_2532 : vector<16xf32> to vector<1x16xf32>
      tpu.vector_store %arg5[%swap3A_2534, %swap3A_2535], %swap3A_2538 {strides = array<i32>} : memref<16x128xf32, #tpu.memory_space<vmem>>, vector<1x16xf32>,
      %mul3A_2539 = arith.constant 128 : i32
      %mul3A_2540 = arith.muli %arg1, %mul3A_2539 : i32
      "tpu.region"() ({
        %run_scoped3A = tpu.sem_alloc : memref<!tpu.dma_semaphore, #tpu.memory_space<semaphore_mem>>
        %dma_start3A = arith.constant 0 : i32
        %dma_start3A_2541 = tpu.memref_slice %arg3[%dma_start3A, %mul3A_2540] : memref<16x2048xf32, #tpu.memory_space<hbm>> -> memref<16x128xf32, #tpu.memory_space<hbm>>
        %dma_start3A_2542 = arith.constant 0 : i32
        %dma_start3A_2543 = tpu.memref_slice %arg3[%dma_start3A_2542, %mul3A_2540] : memref<16x2048xf32, #tpu.memory_space<hbm>> -> memref<16x128xf32, #tpu.memory_space<hbm>>
        tpu.enqueue_dma source(%arg5 : memref<16x128xf32, #tpu.memory_space<vmem>>) target(%dma_start3A_2543 : memref<16x128xf32, #tpu.memory_space<hbm>>) target_semaphore(%run_scoped3A : memref<!tpu.dma_semaphore, #tpu.memory_space<semaphore_mem>>)
        %dma_wait3A = arith.constant 0 : i32
        %dma_wait3A_2544 = tpu.memref_slice %arg3[%dma_wait3A, %mul3A_2540] : memref<16x2048xf32, #tpu.memory_space<hbm>> -> memref<16x128xf32, #tpu.memory_space<hbm>>
        %dma_wait3A_2545 = arith.constant 0 : i32
        %dma_wait3A_2546 = tpu.memref_slice %arg3[%dma_wait3A_2545, %mul3A_2540] : memref<16x2048xf32, #tpu.memory_space<hbm>> -> memref<16x128xf32, #tpu.memory_space<hbm>>
        tpu.wait_dma2 semaphore(%run_scoped3A : memref<!tpu.dma_semaphore, #tpu.memory_space<semaphore_mem>>) src(%arg5 : memref<16x128xf32, #tpu.memory_space<vmem>>) dst(%dma_wait3A_2546 : memref<16x128xf32, #tpu.memory_space<hbm>>)
        tpu.yield
      }) : () -> ()
    } else {
    }
    return
  }
}

module attributes {stable_mosaic.version = 14 : i64} {
  func.func @_lv_kernel(%arg0: memref<64x2xf32, #tpu.memory_space<vmem>>, %arg1: memref<1x64xf32, #tpu.memory_space<vmem>>, %arg2: memref<64x64xf32, #tpu.memory_space<vmem>>, %arg3: memref<1x64xf32, #tpu.memory_space<vmem>>, %arg4: memref<32x64xf32, #tpu.memory_space<vmem>>, %arg5: memref<1x32xf32, #tpu.memory_space<vmem>>, %arg6: memref<1x32xf32, #tpu.memory_space<vmem>>, %arg7: memref<1x1xf32, #tpu.memory_space<vmem>>, %arg8: memref<1x128xf32, #tpu.memory_space<vmem>>, %arg9: memref<1x128xf32, #tpu.memory_space<vmem>>, %arg10: memref<1x128xf32, #tpu.memory_space<vmem>>, %arg11: memref<128x128xf32, #tpu.memory_space<vmem>>, %arg12: memref<1x128xf32, #tpu.memory_space<vmem>>, %arg13: memref<128x128xf32, #tpu.memory_space<vmem>>, %arg14: memref<1x1xf32, #tpu.memory_space<vmem>>, %arg15: memref<16x128xf32, #tpu.memory_space<vmem>>, %arg16: memref<1x128xf32, #tpu.memory_space<vmem>>) attributes {dimension_semantics = [], scalar_prefetch = 0 : i64, scratch_operands = 0 : i64, tpu.core_type = #tpu.core_type<tc>} {
    %iota3A = tpu.iota {dimensions = array<i32: 0>} : vector<64x1xi32>
    %jit3A = arith.constant 4 : i32
    %div3A = vector.broadcast %jit3A : i32 to vector<64x1xi32>
    %div3A_0 = arith.divsi %iota3A, %div3A : vector<64x1xi32>
    %sign3A = arith.constant 0 : i32
    %sign3A_1 = vector.broadcast %sign3A : i32 to vector<64x1xi32>
    %sign3A_2 = arith.cmpi sgt, %iota3A, %sign3A_1 : vector<64x1xi32>
    %sign3A_3 = arith.extui %sign3A_2 : vector<64x1xi1> to vector<64x1xi32>
    %sign3A_4 = arith.constant 0 : i32
    %sign3A_5 = vector.broadcast %sign3A_4 : i32 to vector<64x1xi32>
    %sign3A_6 = arith.cmpi slt, %iota3A, %sign3A_5 : vector<64x1xi32>
    %sign3A_7 = arith.extui %sign3A_6 : vector<64x1xi1> to vector<64x1xi32>
    %sign3A_8 = arith.subi %sign3A_3, %sign3A_7 : vector<64x1xi32>
    %sign3A_9 = arith.constant 0 : i32
    %sign3A_10 = arith.cmpi sgt, %jit3A, %sign3A_9 : i32
    %sign3A_11 = arith.extui %sign3A_10 : i1 to i32
    %sign3A_12 = arith.constant 0 : i32
    %sign3A_13 = arith.cmpi slt, %jit3A, %sign3A_12 : i32
    %sign3A_14 = arith.extui %sign3A_13 : i1 to i32
    %sign3A_15 = arith.subi %sign3A_11, %sign3A_14 : i32
    %ne3A = vector.broadcast %sign3A_15 : i32 to vector<64x1xi32>
    %ne3A_16 = arith.cmpi ne, %sign3A_8, %ne3A : vector<64x1xi32>
    %rem3A = vector.broadcast %jit3A : i32 to vector<64x1xi32>
    %rem3A_17 = arith.remsi %iota3A, %rem3A : vector<64x1xi32>
    %ne3A_18 = arith.constant 0 : i32
    %ne3A_19 = vector.broadcast %ne3A_18 : i32 to vector<64x1xi32>
    %ne3A_20 = arith.cmpi ne, %rem3A_17, %ne3A_19 : vector<64x1xi32>
    %and3A = arith.andi %ne3A_16, %ne3A_20 : vector<64x1xi1>
    %sub3A = arith.constant 1 : i32
    %sub3A_21 = vector.broadcast %sub3A : i32 to vector<64x1xi32>
    %sub3A_22 = arith.subi %div3A_0, %sub3A_21 : vector<64x1xi32>
    %select_n3A = arith.select %and3A, %sub3A_22, %div3A_0 : vector<64x1xi1>, vector<64x1xi32>
    %jit3A_23 = arith.constant 4 : i32
    %eq3A = arith.constant 0 : i32
    %eq3A_24 = arith.cmpi eq, %jit3A_23, %eq3A : i32
    %jit3A_25 = arith.constant 1 : i32
    %select_n3A_26 = arith.select %eq3A_24, %jit3A_25, %jit3A_23 : i32
    %rem3A_27 = vector.broadcast %select_n3A_26 : i32 to vector<64x1xi32>
    %rem3A_28 = arith.remsi %iota3A, %rem3A_27 : vector<64x1xi32>
    %ne3A_29 = arith.constant 0 : i32
    %ne3A_30 = vector.broadcast %ne3A_29 : i32 to vector<64x1xi32>
    %ne3A_31 = arith.cmpi ne, %rem3A_28, %ne3A_30 : vector<64x1xi32>
    %lt3A = arith.constant 0 : i32
    %lt3A_32 = vector.broadcast %lt3A : i32 to vector<64x1xi32>
    %lt3A_33 = arith.cmpi slt, %rem3A_28, %lt3A_32 : vector<64x1xi32>
    %lt3A_34 = arith.constant 0 : i32
    %lt3A_35 = arith.cmpi slt, %select_n3A_26, %lt3A_34 : i32
    %ne3A_36 = vector.broadcast %lt3A_35 : i1 to vector<64x1xi1>
    %ne3A_37 = vector.broadcast %ne3A_36 : vector<64x1xi1> to vector<64x1xi1>
    %ne3A_38 = arith.xori %lt3A_33, %ne3A_37 : vector<64x1xi1>
    %and3A_39 = arith.andi %ne3A_38, %ne3A_31 : vector<64x1xi1>
    %add3A = vector.broadcast %select_n3A_26 : i32 to vector<64x1xi32>
    %add3A_40 = arith.addi %rem3A_28, %add3A : vector<64x1xi32>
    %select_n3A_41 = arith.select %and3A_39, %add3A_40, %rem3A_28 : vector<64x1xi1>, vector<64x1xi32>
    %shift_right_logical3A = arith.shrui %select_n3A, %select_n3A_41 : vector<64x1xi32>
    %and3A_42 = arith.constant 1 : i32
    %and3A_43 = vector.broadcast %and3A_42 : i32 to vector<64x1xi32>
    %and3A_44 = arith.andi %shift_right_logical3A, %and3A_43 : vector<64x1xi32>
    %convert_element_type3A = arith.sitofp %and3A_44 : vector<64x1xi32> to vector<64x1xf32>
    %jit3A_45 = arith.constant 4 : i32
    %eq3A_46 = arith.constant 0 : i32
    %eq3A_47 = arith.cmpi eq, %jit3A_45, %eq3A_46 : i32
    %jit3A_48 = arith.constant 1 : i32
    %select_n3A_49 = arith.select %eq3A_47, %jit3A_48, %jit3A_45 : i32
    %rem3A_50 = vector.broadcast %select_n3A_49 : i32 to vector<64x1xi32>
    %rem3A_51 = arith.remsi %iota3A, %rem3A_50 : vector<64x1xi32>
    %ne3A_52 = arith.constant 0 : i32
    %ne3A_53 = vector.broadcast %ne3A_52 : i32 to vector<64x1xi32>
    %ne3A_54 = arith.cmpi ne, %rem3A_51, %ne3A_53 : vector<64x1xi32>
    %lt3A_55 = arith.constant 0 : i32
    %lt3A_56 = vector.broadcast %lt3A_55 : i32 to vector<64x1xi32>
    %lt3A_57 = arith.cmpi slt, %rem3A_51, %lt3A_56 : vector<64x1xi32>
    %lt3A_58 = arith.constant 0 : i32
    %lt3A_59 = arith.cmpi slt, %select_n3A_49, %lt3A_58 : i32
    %ne3A_60 = vector.broadcast %lt3A_59 : i1 to vector<64x1xi1>
    %ne3A_61 = vector.broadcast %ne3A_60 : vector<64x1xi1> to vector<64x1xi1>
    %ne3A_62 = arith.xori %lt3A_57, %ne3A_61 : vector<64x1xi1>
    %and3A_63 = arith.andi %ne3A_62, %ne3A_54 : vector<64x1xi1>
    %add3A_64 = vector.broadcast %select_n3A_49 : i32 to vector<64x1xi32>
    %add3A_65 = arith.addi %rem3A_51, %add3A_64 : vector<64x1xi32>
    %select_n3A_66 = arith.select %and3A_63, %add3A_65, %rem3A_51 : vector<64x1xi1>, vector<64x1xi32>
    %convert_element_type3A_67 = arith.sitofp %select_n3A_66 : vector<64x1xi32> to vector<64x1xf32>
    %div3A_68 = arith.constant 4.000000e+00 : f32
    %div3A_69 = vector.broadcast %div3A_68 : f32 to vector<64x1xf32>
    %div3A_70 = arith.divf %convert_element_type3A_67, %div3A_69 : vector<64x1xf32>
    %concatenate3A = tpu.concatenate %convert_element_type3A, %div3A_70 in 1 : vector<64x1xf32>, vector<64x1xf32> -> vector<64x2xf32>
    %get3A = arith.constant 0 : index
    %get3A_71 = arith.constant 0 : index
    %get3A_72 = vector.load %arg0[%get3A, %get3A_71] : memref<64x2xf32, #tpu.memory_space<vmem>>, vector<64x2xf32>
    %dot_general3A = arith.constant dense<0.000000e+00> : vector<64x64xf32>
    %dot_general3A_73 = tpu.matmul %concatenate3A, %get3A_72, %dot_general3A {dimension_numbers = #tpu.dot_dimension_numbers<[1], [1], [0], [0], [0, 0, 1, 0], [], []>, transpose_lhs_hint = false} : vector<64x2xf32>, vector<64x2xf32>, vector<64x64xf32> -> vector<64x64xf32>
    %get3A_74 = arith.constant 0 : index
    %get3A_75 = arith.constant 0 : index
    %get3A_76 = vector.load %arg1[%get3A_74, %get3A_75] : memref<1x64xf32, #tpu.memory_space<vmem>>, vector<1x64xf32>
    %add3A_77 = vector.broadcast %get3A_76 : vector<1x64xf32> to vector<64x64xf32>
    %add3A_78 = arith.addf %dot_general3A_73, %add3A_77 : vector<64x64xf32>
    %max3A = arith.constant 0.000000e+00 : f32
    %max3A_79 = vector.broadcast %max3A : f32 to vector<64x64xf32>
    %max3A_80 = arith.maximumf %add3A_78, %max3A_79 : vector<64x64xf32>
    %get3A_81 = arith.constant 0 : index
    %get3A_82 = arith.constant 0 : index
    %get3A_83 = vector.load %arg2[%get3A_81, %get3A_82] : memref<64x64xf32, #tpu.memory_space<vmem>>, vector<64x64xf32>
    %dot_general3A_84 = arith.constant dense<0.000000e+00> : vector<64x64xf32>
    %dot_general3A_85 = tpu.matmul %max3A_80, %get3A_83, %dot_general3A_84 {dimension_numbers = #tpu.dot_dimension_numbers<[1], [1], [0], [0], [0, 0, 1, 0], [], []>, transpose_lhs_hint = false} : vector<64x64xf32>, vector<64x64xf32>, vector<64x64xf32> -> vector<64x64xf32>
    %get3A_86 = arith.constant 0 : index
    %get3A_87 = arith.constant 0 : index
    %get3A_88 = vector.load %arg3[%get3A_86, %get3A_87] : memref<1x64xf32, #tpu.memory_space<vmem>>, vector<1x64xf32>
    %add3A_89 = vector.broadcast %get3A_88 : vector<1x64xf32> to vector<64x64xf32>
    %add3A_90 = arith.addf %dot_general3A_85, %add3A_89 : vector<64x64xf32>
    %max3A_91 = arith.constant 0.000000e+00 : f32
    %max3A_92 = vector.broadcast %max3A_91 : f32 to vector<64x64xf32>
    %max3A_93 = arith.maximumf %add3A_90, %max3A_92 : vector<64x64xf32>
    %iota3A_94 = tpu.iota {dimensions = array<i32: 0>} : vector<16x64xi32>
    %iota3A_95 = tpu.iota {dimensions = array<i32: 1>} : vector<16x64xi32>
    %jit3A_96 = arith.constant 4 : i32
    %div3A_97 = vector.broadcast %jit3A_96 : i32 to vector<16x64xi32>
    %div3A_98 = arith.divsi %iota3A_95, %div3A_97 : vector<16x64xi32>
    %sign3A_99 = arith.constant 0 : i32
    %sign3A_100 = vector.broadcast %sign3A_99 : i32 to vector<16x64xi32>
    %sign3A_101 = arith.cmpi sgt, %iota3A_95, %sign3A_100 : vector<16x64xi32>
    %sign3A_102 = arith.extui %sign3A_101 : vector<16x64xi1> to vector<16x64xi32>
    %sign3A_103 = arith.constant 0 : i32
    %sign3A_104 = vector.broadcast %sign3A_103 : i32 to vector<16x64xi32>
    %sign3A_105 = arith.cmpi slt, %iota3A_95, %sign3A_104 : vector<16x64xi32>
    %sign3A_106 = arith.extui %sign3A_105 : vector<16x64xi1> to vector<16x64xi32>
    %sign3A_107 = arith.subi %sign3A_102, %sign3A_106 : vector<16x64xi32>
    %sign3A_108 = arith.constant 0 : i32
    %sign3A_109 = arith.cmpi sgt, %jit3A_96, %sign3A_108 : i32
    %sign3A_110 = arith.extui %sign3A_109 : i1 to i32
    %sign3A_111 = arith.constant 0 : i32
    %sign3A_112 = arith.cmpi slt, %jit3A_96, %sign3A_111 : i32
    %sign3A_113 = arith.extui %sign3A_112 : i1 to i32
    %sign3A_114 = arith.subi %sign3A_110, %sign3A_113 : i32
    %ne3A_115 = vector.broadcast %sign3A_114 : i32 to vector<16x64xi32>
    %ne3A_116 = arith.cmpi ne, %sign3A_107, %ne3A_115 : vector<16x64xi32>
    %rem3A_117 = vector.broadcast %jit3A_96 : i32 to vector<16x64xi32>
    %rem3A_118 = arith.remsi %iota3A_95, %rem3A_117 : vector<16x64xi32>
    %ne3A_119 = arith.constant 0 : i32
    %ne3A_120 = vector.broadcast %ne3A_119 : i32 to vector<16x64xi32>
    %ne3A_121 = arith.cmpi ne, %rem3A_118, %ne3A_120 : vector<16x64xi32>
    %and3A_122 = arith.andi %ne3A_116, %ne3A_121 : vector<16x64xi1>
    %sub3A_123 = arith.constant 1 : i32
    %sub3A_124 = vector.broadcast %sub3A_123 : i32 to vector<16x64xi32>
    %sub3A_125 = arith.subi %div3A_98, %sub3A_124 : vector<16x64xi32>
    %select_n3A_126 = arith.select %and3A_122, %sub3A_125, %div3A_98 : vector<16x64xi1>, vector<16x64xi32>
    %eq3A_127 = arith.cmpi eq, %select_n3A_126, %iota3A_94 : vector<16x64xi32>
    %jit3A_128 = arith.constant 2.500000e-01 : f32
    %jit3A_129 = arith.constant 0.000000e+00 : f32
    %broadcast_in_dim3A = vector.broadcast %jit3A_128 : f32 to vector<16x64xf32>
    %broadcast_in_dim3A_130 = vector.broadcast %jit3A_129 : f32 to vector<16x64xf32>
    %select_n3A_131 = arith.select %eq3A_127, %broadcast_in_dim3A, %broadcast_in_dim3A_130 : vector<16x64xi1>, vector<16x64xf32>
    %dot_general3A_132 = arith.constant dense<0.000000e+00> : vector<16x64xf32>
    %dot_general3A_133 = tpu.matmul %select_n3A_131, %max3A_93, %dot_general3A_132 {dimension_numbers = #tpu.dot_dimension_numbers<[1], [0], [0], [1], [0, 0, 1, 1], [], []>, transpose_lhs_hint = false} : vector<16x64xf32>, vector<64x64xf32>, vector<16x64xf32> -> vector<16x64xf32>
    %get3A_134 = arith.constant 0 : index
    %get3A_135 = arith.constant 0 : index
    %get3A_136 = vector.load %arg4[%get3A_134, %get3A_135] : memref<32x64xf32, #tpu.memory_space<vmem>>, vector<32x64xf32>
    %dot_general3A_137 = arith.constant dense<0.000000e+00> : vector<16x32xf32>
    %dot_general3A_138 = tpu.matmul %dot_general3A_133, %get3A_136, %dot_general3A_137 {dimension_numbers = #tpu.dot_dimension_numbers<[1], [1], [0], [0], [0, 0, 1, 0], [], []>, transpose_lhs_hint = false} : vector<16x64xf32>, vector<32x64xf32>, vector<16x32xf32> -> vector<16x32xf32>
    %get3A_139 = arith.constant 0 : index
    %get3A_140 = arith.constant 0 : index
    %get3A_141 = vector.load %arg5[%get3A_139, %get3A_140] : memref<1x32xf32, #tpu.memory_space<vmem>>, vector<1x32xf32>
    %add3A_142 = vector.broadcast %get3A_141 : vector<1x32xf32> to vector<16x32xf32>
    %add3A_143 = arith.addf %dot_general3A_138, %add3A_142 : vector<16x32xf32>
    %max3A_144 = arith.constant 0.000000e+00 : f32
    %max3A_145 = vector.broadcast %max3A_144 : f32 to vector<16x32xf32>
    %max3A_146 = arith.maximumf %add3A_143, %max3A_145 : vector<16x32xf32>
    %get3A_147 = arith.constant 0 : index
    %get3A_148 = arith.constant 0 : index
    %get3A_149 = vector.load %arg6[%get3A_147, %get3A_148] : memref<1x32xf32, #tpu.memory_space<vmem>>, vector<1x32xf32>
    %mul3A = vector.broadcast %get3A_149 : vector<1x32xf32> to vector<16x32xf32>
    %mul3A_150 = arith.mulf %max3A_146, %mul3A : vector<16x32xf32>
    %reduce_sum3A = arith.constant dense<0.000000e+00> : vector<16xf32>
    %reduce_sum3A_151 = vector.multi_reduction <add>, %mul3A_150, %reduce_sum3A [1] : vector<16x32xf32> to vector<16xf32>
    %broadcast_in_dim3A_152 = vector.shape_cast %reduce_sum3A_151 : vector<16xf32> to vector<16x1xf32>
    %get3A_153 = arith.constant 0 : index
    %get3A_154 = arith.constant 0 : index
    %get3A_155 = vector.load %arg7[%get3A_153, %get3A_154] : memref<1x1xf32, #tpu.memory_space<vmem>>, vector<1x1xf32>
    %get3A_156 = vector.extract %get3A_155[0, 0] : f32 from vector<1x1xf32>
    %add3A_157 = vector.broadcast %get3A_156 : f32 to vector<16x1xf32>
    %add3A_158 = arith.addf %broadcast_in_dim3A_152, %add3A_157 : vector<16x1xf32>
    %max3A_159 = arith.constant 0.000000e+00 : f32
    %max3A_160 = vector.broadcast %max3A_159 : f32 to vector<16x1xf32>
    %max3A_161 = arith.maximumf %add3A_158, %max3A_160 : vector<16x1xf32>
    %round3A = math.roundeven %max3A_161 : vector<16x1xf32>
    %get3A_162 = arith.constant 0 : index
    %get3A_163 = arith.constant 0 : index
    %get3A_164 = vector.load %arg8[%get3A_162, %get3A_163] : memref<1x128xf32, #tpu.memory_space<vmem>>, vector<1x128xf32>
    %dot_general3A_165 = arith.constant dense<0.000000e+00> : vector<16x128xf32>
    %dot_general3A_166 = tpu.matmul %round3A, %get3A_164, %dot_general3A_165 {dimension_numbers = #tpu.dot_dimension_numbers<[1], [0], [0], [1], [0, 0, 1, 1], [], []>, transpose_lhs_hint = false} : vector<16x1xf32>, vector<1x128xf32>, vector<16x128xf32> -> vector<16x128xf32>
    %get3A_167 = arith.constant 0 : index
    %get3A_168 = arith.constant 0 : index
    %get3A_169 = vector.load %arg9[%get3A_167, %get3A_168] : memref<1x128xf32, #tpu.memory_space<vmem>>, vector<1x128xf32>
    %add3A_170 = vector.broadcast %get3A_169 : vector<1x128xf32> to vector<16x128xf32>
    %add3A_171 = arith.addf %dot_general3A_166, %add3A_170 : vector<16x128xf32>
    %swap3A = arith.constant 0 : index
    %swap3A_172 = arith.constant 0 : index
    %swap3A_173 = vector.load %arg15[%swap3A, %swap3A_172] : memref<16x128xf32, #tpu.memory_space<vmem>>, vector<16x128xf32>
    tpu.vector_store %arg15[%swap3A, %swap3A_172], %add3A_171 {strides = array<i32>} : memref<16x128xf32, #tpu.memory_space<vmem>>, vector<16x128xf32>,
    %get3A_174 = arith.constant 0 : index
    %get3A_175 = arith.constant 0 : index
    %get3A_176 = vector.load %arg10[%get3A_174, %get3A_175] : memref<1x128xf32, #tpu.memory_space<vmem>>, vector<1x128xf32>
    %get3A_177 = arith.constant 0 : index
    %get3A_178 = arith.constant 0 : index
    %get3A_179 = vector.load %arg11[%get3A_177, %get3A_178] : memref<128x128xf32, #tpu.memory_space<vmem>>, vector<128x128xf32>
    %get3A_180 = arith.constant 0 : index
    %get3A_181 = arith.constant 0 : index
    %get3A_182 = vector.load %arg12[%get3A_180, %get3A_181] : memref<1x128xf32, #tpu.memory_space<vmem>>, vector<1x128xf32>
    %get3A_183 = arith.constant 0 : index
    %get3A_184 = arith.constant 0 : index
    %get3A_185 = vector.load %arg13[%get3A_183, %get3A_184] : memref<128x128xf32, #tpu.memory_space<vmem>>, vector<128x128xf32>
    %get3A_186 = arith.constant 0 : index
    %get3A_187 = arith.constant 0 : index
    %get3A_188 = vector.load %arg14[%get3A_186, %get3A_187] : memref<1x1xf32, #tpu.memory_space<vmem>>, vector<1x1xf32>
    %get3A_189 = vector.extract %get3A_188[0, 0] : f32 from vector<1x1xf32>
    %slice3A = vector.extract_strided_slice %add3A_171 {offsets = [0, 0], sizes = [1, 128], strides = [1, 1]} : vector<16x128xf32> to vector<1x128xf32>
    %broadcast_in_dim3A_190 = arith.constant 0.000000e+00 : f32
    %broadcast_in_dim3A_191 = vector.broadcast %broadcast_in_dim3A_190 : f32 to vector<1x128xf32>
    %while3A = arith.constant 0 : i32
    %while3A_192 = arith.constant true
    %while3A_193:3 = scf.while (%while3A_197 = %while3A, %while3A_198 = %broadcast_in_dim3A_191, %while3A_199 = %while3A_192) : (i32, vector<1x128xf32>, i1) -> (i32, vector<1x128xf32>, i1) {
      %lt3A_200 = arith.constant 48 : i32
      %lt3A_201 = arith.cmpi slt, %while3A_197, %lt3A_200 : i32
      %and3A_202 = arith.andi %lt3A_201, %while3A_199 : i1
      scf.condition(%and3A_202) %while3A_197, %while3A_198, %while3A_199 : i32, vector<1x128xf32>, i1
    } do {
    ^bb0(%while3A_197: i32, %while3A_198: vector<1x128xf32>, %while3A_199: i1):
      %mul3A_200 = arith.mulf %while3A_198, %get3A_176 : vector<1x128xf32>
      %add3A_201 = arith.addf %mul3A_200, %slice3A : vector<1x128xf32>
      %max3A_202 = arith.constant 0.000000e+00 : f32
      %max3A_203 = vector.broadcast %max3A_202 : f32 to vector<1x128xf32>
      %max3A_204 = arith.maximumf %add3A_201, %max3A_203 : vector<1x128xf32>
      %dot_general3A_205 = arith.constant dense<0.000000e+00> : vector<1x128xf32>
      %dot_general3A_206 = tpu.matmul %max3A_204, %get3A_179, %dot_general3A_205 {dimension_numbers = #tpu.dot_dimension_numbers<[1], [0], [0], [1], [0, 0, 1, 1], [], []>, transpose_lhs_hint = false} : vector<1x128xf32>, vector<128x128xf32>, vector<1x128xf32> -> vector<1x128xf32>
      %add3A_207 = arith.addf %dot_general3A_206, %get3A_182 : vector<1x128xf32>
      %max3A_208 = arith.constant 0.000000e+00 : f32
      %max3A_209 = vector.broadcast %max3A_208 : f32 to vector<1x128xf32>
      %max3A_210 = arith.maximumf %add3A_207, %max3A_209 : vector<1x128xf32>
      %dot_general3A_211 = arith.constant dense<0.000000e+00> : vector<1x128xf32>
      %dot_general3A_212 = tpu.matmul %max3A_210, %get3A_185, %dot_general3A_211 {dimension_numbers = #tpu.dot_dimension_numbers<[1], [0], [0], [1], [0, 0, 1, 1], [], []>, transpose_lhs_hint = false} : vector<1x128xf32>, vector<128x128xf32>, vector<1x128xf32> -> vector<1x128xf32>
      %add3A_213 = vector.broadcast %get3A_189 : f32 to vector<1x128xf32>
      %add3A_214 = arith.addf %dot_general3A_212, %add3A_213 : vector<1x128xf32>
      %mul3A_215 = arith.constant 5.000000e+01 : f32
      %mul3A_216 = vector.broadcast %mul3A_215 : f32 to vector<1x128xf32>
      %mul3A_217 = arith.mulf %add3A_214, %mul3A_216 : vector<1x128xf32>
      %round3A_218 = math.roundeven %mul3A_217 : vector<1x128xf32>
      %add3A_219 = arith.constant 1 : i32
      %add3A_220 = arith.addi %while3A_197, %add3A_219 : i32
      %ne3A_221 = arith.cmpf one, %round3A_218, %while3A_198 : vector<1x128xf32>
      %reduce_or3A = arith.constant 1.000000e+00 : f32
      %reduce_or3A_222 = arith.constant 0.000000e+00 : f32
      %reduce_or3A_223 = vector.broadcast %reduce_or3A : f32 to vector<1x128xf32>
      %reduce_or3A_224 = vector.broadcast %reduce_or3A_222 : f32 to vector<1x128xf32>
      %reduce_or3A_225 = arith.select %ne3A_221, %reduce_or3A_223, %reduce_or3A_224 : vector<1x128xi1>, vector<1x128xf32>
      %reduce_or3A_226 = vector.shape_cast %reduce_or3A_225 : vector<1x128xf32> to vector<1x1x128xf32>
      %reduce_or3A_227 = arith.constant dense<0xFF800000> : vector<1xf32>
      %reduce_or3A_228 = vector.multi_reduction <maximumf>, %reduce_or3A_226, %reduce_or3A_227 [1, 2] : vector<1x1x128xf32> to vector<1xf32>
      %reduce_or3A_229 = vector.shape_cast %reduce_or3A_228 : vector<1xf32> to vector<1x1x1xf32>
      %reduce_or3A_230 = vector.extract %reduce_or3A_229[0, 0, 0] : f32 from vector<1x1x1xf32>
      %reduce_or3A_231 = arith.constant 0.000000e+00 : f32
      %reduce_or3A_232 = arith.cmpf ogt, %reduce_or3A_230, %reduce_or3A_231 : f32
      scf.yield %add3A_220, %round3A_218, %reduce_or3A_232 : i32, vector<1x128xf32>, i1
    }
    %swap3A_194 = arith.constant 0 : index
    %swap3A_195 = arith.constant 0 : index
    %swap3A_196 = vector.load %arg16[%swap3A_194, %swap3A_195] : memref<1x128xf32, #tpu.memory_space<vmem>>, vector<1x128xf32>
    tpu.vector_store %arg16[%swap3A_194, %swap3A_195], %while3A_193#1 {strides = array<i32>} : memref<1x128xf32, #tpu.memory_space<vmem>>, vector<1x128xf32>,
    return
  }
}

module attributes {stable_mosaic.version = 14 : i64} {
  func.func @_scan_kernel(%arg0: memref<16x2048xf32, #tpu.memory_space<vmem>>, %arg1: memref<16x128xf32, #tpu.memory_space<vmem>>, %arg2: memref<1x128xf32, #tpu.memory_space<vmem>>, %arg3: memref<1x128xf32, #tpu.memory_space<vmem>>, %arg4: memref<128x128xf32, #tpu.memory_space<vmem>>, %arg5: memref<1x128xf32, #tpu.memory_space<vmem>>, %arg6: memref<128x128xf32, #tpu.memory_space<vmem>>, %arg7: memref<1x1xf32, #tpu.memory_space<vmem>>, %arg8: memref<4x1xf32, #tpu.memory_space<vmem>>, %arg9: memref<2048x128xf32, #tpu.memory_space<vmem>>, %arg10: memref<128x128xf32, #tpu.memory_space<vmem>>) attributes {dimension_semantics = [], scalar_prefetch = 0 : i64, scratch_operands = 2 : i64, tpu.core_type = #tpu.core_type<tc>} {
    %get3A = arith.constant 0 : index
    %get3A_0 = arith.constant 0 : index
    %get3A_1 = vector.load %arg3[%get3A, %get3A_0] : memref<1x128xf32, #tpu.memory_space<vmem>>, vector<1x128xf32>
    %get3A_2 = arith.constant 0 : index
    %get3A_3 = arith.constant 0 : index
    %get3A_4 = vector.load %arg4[%get3A_2, %get3A_3] : memref<128x128xf32, #tpu.memory_space<vmem>>, vector<128x128xf32>
    %get3A_5 = arith.constant 0 : index
    %get3A_6 = arith.constant 0 : index
    %get3A_7 = vector.load %arg5[%get3A_5, %get3A_6] : memref<1x128xf32, #tpu.memory_space<vmem>>, vector<1x128xf32>
    %get3A_8 = arith.constant 0 : index
    %get3A_9 = arith.constant 0 : index
    %get3A_10 = vector.load %arg6[%get3A_8, %get3A_9] : memref<128x128xf32, #tpu.memory_space<vmem>>, vector<128x128xf32>
    %get3A_11 = arith.constant 0 : index
    %get3A_12 = arith.constant 0 : index
    %get3A_13 = vector.load %arg7[%get3A_11, %get3A_12] : memref<1x1xf32, #tpu.memory_space<vmem>>, vector<1x1xf32>
    %get3A_14 = vector.extract %get3A_13[0, 0] : f32 from vector<1x1xf32>
    %get3A_15 = arith.constant 0 : index
    %get3A_16 = arith.constant 0 : index
    %get3A_17 = vector.load %arg0[%get3A_15, %get3A_16] : memref<16x2048xf32, #tpu.memory_space<vmem>>, vector<16x2048xf32>
    %get3A_18 = arith.constant 0 : index
    %get3A_19 = arith.constant 0 : index
    %get3A_20 = vector.load %arg1[%get3A_18, %get3A_19] : memref<16x128xf32, #tpu.memory_space<vmem>>, vector<16x128xf32>
    %dot_general3A = arith.constant dense<0.000000e+00> : vector<2048x128xf32>
    %dot_general3A_21 = tpu.matmul %get3A_17, %get3A_20, %dot_general3A {dimension_numbers = #tpu.dot_dimension_numbers<[0], [0], [1], [1], [0, 1, 1, 1], [], []>, transpose_lhs_hint = false} : vector<16x2048xf32>, vector<16x128xf32>, vector<2048x128xf32> -> vector<2048x128xf32>
    %swap3A = arith.constant 0 : index
    %swap3A_22 = arith.constant 0 : index
    %swap3A_23 = vector.load %arg9[%swap3A, %swap3A_22] : memref<2048x128xf32, #tpu.memory_space<vmem>>, vector<2048x128xf32>
    tpu.vector_store %arg9[%swap3A, %swap3A_22], %dot_general3A_21 {strides = array<i32>} : memref<2048x128xf32, #tpu.memory_space<vmem>>, vector<2048x128xf32>,
    %get3A_24 = arith.constant 0 : index
    %get3A_25 = arith.constant 0 : index
    %get3A_26 = vector.load %arg1[%get3A_24, %get3A_25] : memref<16x128xf32, #tpu.memory_space<vmem>>, vector<1x128xf32>
    %get3A_27 = arith.constant 0 : index
    %get3A_28 = arith.constant 0 : index
    %get3A_29 = vector.load %arg2[%get3A_27, %get3A_28] : memref<1x128xf32, #tpu.memory_space<vmem>>, vector<1x128xf32>
    %iota3A = tpu.iota {dimensions = array<i32: 0>} : vector<128x128xi32>
    %lt3A = arith.constant 4 : i32
    %lt3A_30 = vector.broadcast %lt3A : i32 to vector<128x128xi32>
    %lt3A_31 = arith.cmpi slt, %iota3A, %lt3A_30 : vector<128x128xi32>
    %jit3A = arith.constant 0.000000e+00 : f32
    %broadcast_in_dim3A = vector.broadcast %jit3A : f32 to vector<128x128xf32>
    %broadcast_in_dim3A_32 = vector.shape_cast %get3A_29 : vector<1x128xf32> to vector<1x128xf32>
    %broadcast_in_dim3A_33 = vector.broadcast %broadcast_in_dim3A_32 : vector<1x128xf32> to vector<128x128xf32>
    %select_n3A = arith.select %lt3A_31, %broadcast_in_dim3A, %broadcast_in_dim3A_33 : vector<128x128xi1>, vector<128x128xf32>
    %get3A_34 = arith.constant 0 : index
    %get3A_35 = arith.constant 0 : index
    %get3A_36 = vector.load %arg9[%get3A_34, %get3A_35] : memref<2048x128xf32, #tpu.memory_space<vmem>>, vector<128x128xf32>
    %mul3A = vector.broadcast %get3A_1 : vector<1x128xf32> to vector<128x128xf32>
    %mul3A_37 = arith.mulf %select_n3A, %mul3A : vector<128x128xf32>
    %add3A = arith.addf %mul3A_37, %get3A_36 : vector<128x128xf32>
    %max3A = arith.constant 0.000000e+00 : f32
    %max3A_38 = vector.broadcast %max3A : f32 to vector<128x128xf32>
    %max3A_39 = arith.maximumf %add3A, %max3A_38 : vector<128x128xf32>
    %dot_general3A_40 = arith.constant dense<0.000000e+00> : vector<128x128xf32>
    %dot_general3A_41 = tpu.matmul %max3A_39, %get3A_4, %dot_general3A_40 {dimension_numbers = #tpu.dot_dimension_numbers<[1], [0], [0], [1], [0, 0, 1, 1], [], []>, transpose_lhs_hint = false} : vector<128x128xf32>, vector<128x128xf32>, vector<128x128xf32> -> vector<128x128xf32>
    %add3A_42 = vector.broadcast %get3A_7 : vector<1x128xf32> to vector<128x128xf32>
    %add3A_43 = arith.addf %dot_general3A_41, %add3A_42 : vector<128x128xf32>
    %max3A_44 = arith.constant 0.000000e+00 : f32
    %max3A_45 = vector.broadcast %max3A_44 : f32 to vector<128x128xf32>
    %max3A_46 = arith.maximumf %add3A_43, %max3A_45 : vector<128x128xf32>
    %dot_general3A_47 = arith.constant dense<0.000000e+00> : vector<128x128xf32>
    %dot_general3A_48 = tpu.matmul %max3A_46, %get3A_10, %dot_general3A_47 {dimension_numbers = #tpu.dot_dimension_numbers<[1], [0], [0], [1], [0, 0, 1, 1], [], []>, transpose_lhs_hint = false} : vector<128x128xf32>, vector<128x128xf32>, vector<128x128xf32> -> vector<128x128xf32>
    %add3A_49 = vector.broadcast %get3A_14 : f32 to vector<128x128xf32>
    %add3A_50 = arith.addf %dot_general3A_48, %add3A_49 : vector<128x128xf32>
    %mul3A_51 = arith.constant 5.000000e+01 : f32
    %mul3A_52 = vector.broadcast %mul3A_51 : f32 to vector<128x128xf32>
    %mul3A_53 = arith.mulf %add3A_50, %mul3A_52 : vector<128x128xf32>
    %round3A = math.roundeven %mul3A_53 : vector<128x128xf32>
    %get3A_54 = arith.constant 128 : index
    %get3A_55 = arith.constant 0 : index
    %get3A_56 = vector.load %arg9[%get3A_54, %get3A_55] : memref<2048x128xf32, #tpu.memory_space<vmem>>, vector<128x128xf32>
    %mul3A_57 = vector.broadcast %get3A_1 : vector<1x128xf32> to vector<128x128xf32>
    %mul3A_58 = arith.mulf %round3A, %mul3A_57 : vector<128x128xf32>
    %add3A_59 = arith.addf %mul3A_58, %get3A_56 : vector<128x128xf32>
    %max3A_60 = arith.constant 0.000000e+00 : f32
    %max3A_61 = vector.broadcast %max3A_60 : f32 to vector<128x128xf32>
    %max3A_62 = arith.maximumf %add3A_59, %max3A_61 : vector<128x128xf32>
    %dot_general3A_63 = arith.constant dense<0.000000e+00> : vector<128x128xf32>
    %dot_general3A_64 = tpu.matmul %max3A_62, %get3A_4, %dot_general3A_63 {dimension_numbers = #tpu.dot_dimension_numbers<[1], [0], [0], [1], [0, 0, 1, 1], [], []>, transpose_lhs_hint = false} : vector<128x128xf32>, vector<128x128xf32>, vector<128x128xf32> -> vector<128x128xf32>
    %add3A_65 = vector.broadcast %get3A_7 : vector<1x128xf32> to vector<128x128xf32>
    %add3A_66 = arith.addf %dot_general3A_64, %add3A_65 : vector<128x128xf32>
    %max3A_67 = arith.constant 0.000000e+00 : f32
    %max3A_68 = vector.broadcast %max3A_67 : f32 to vector<128x128xf32>
    %max3A_69 = arith.maximumf %add3A_66, %max3A_68 : vector<128x128xf32>
    %dot_general3A_70 = arith.constant dense<0.000000e+00> : vector<128x128xf32>
    %dot_general3A_71 = tpu.matmul %max3A_69, %get3A_10, %dot_general3A_70 {dimension_numbers = #tpu.dot_dimension_numbers<[1], [0], [0], [1], [0, 0, 1, 1], [], []>, transpose_lhs_hint = false} : vector<128x128xf32>, vector<128x128xf32>, vector<128x128xf32> -> vector<128x128xf32>
    %add3A_72 = vector.broadcast %get3A_14 : f32 to vector<128x128xf32>
    %add3A_73 = arith.addf %dot_general3A_71, %add3A_72 : vector<128x128xf32>
    %mul3A_74 = arith.constant 5.000000e+01 : f32
    %mul3A_75 = vector.broadcast %mul3A_74 : f32 to vector<128x128xf32>
    %mul3A_76 = arith.mulf %add3A_73, %mul3A_75 : vector<128x128xf32>
    %round3A_77 = math.roundeven %mul3A_76 : vector<128x128xf32>
    %get3A_78 = arith.constant 256 : index
    %get3A_79 = arith.constant 0 : index
    %get3A_80 = vector.load %arg9[%get3A_78, %get3A_79] : memref<2048x128xf32, #tpu.memory_space<vmem>>, vector<128x128xf32>
    %mul3A_81 = vector.broadcast %get3A_1 : vector<1x128xf32> to vector<128x128xf32>
    %mul3A_82 = arith.mulf %round3A_77, %mul3A_81 : vector<128x128xf32>
    %add3A_83 = arith.addf %mul3A_82, %get3A_80 : vector<128x128xf32>
    %max3A_84 = arith.constant 0.000000e+00 : f32
    %max3A_85 = vector.broadcast %max3A_84 : f32 to vector<128x128xf32>
    %max3A_86 = arith.maximumf %add3A_83, %max3A_85 : vector<128x128xf32>
    %dot_general3A_87 = arith.constant dense<0.000000e+00> : vector<128x128xf32>
    %dot_general3A_88 = tpu.matmul %max3A_86, %get3A_4, %dot_general3A_87 {dimension_numbers = #tpu.dot_dimension_numbers<[1], [0], [0], [1], [0, 0, 1, 1], [], []>, transpose_lhs_hint = false} : vector<128x128xf32>, vector<128x128xf32>, vector<128x128xf32> -> vector<128x128xf32>
    %add3A_89 = vector.broadcast %get3A_7 : vector<1x128xf32> to vector<128x128xf32>
    %add3A_90 = arith.addf %dot_general3A_88, %add3A_89 : vector<128x128xf32>
    %max3A_91 = arith.constant 0.000000e+00 : f32
    %max3A_92 = vector.broadcast %max3A_91 : f32 to vector<128x128xf32>
    %max3A_93 = arith.maximumf %add3A_90, %max3A_92 : vector<128x128xf32>
    %dot_general3A_94 = arith.constant dense<0.000000e+00> : vector<128x128xf32>
    %dot_general3A_95 = tpu.matmul %max3A_93, %get3A_10, %dot_general3A_94 {dimension_numbers = #tpu.dot_dimension_numbers<[1], [0], [0], [1], [0, 0, 1, 1], [], []>, transpose_lhs_hint = false} : vector<128x128xf32>, vector<128x128xf32>, vector<128x128xf32> -> vector<128x128xf32>
    %add3A_96 = vector.broadcast %get3A_14 : f32 to vector<128x128xf32>
    %add3A_97 = arith.addf %dot_general3A_95, %add3A_96 : vector<128x128xf32>
    %mul3A_98 = arith.constant 5.000000e+01 : f32
    %mul3A_99 = vector.broadcast %mul3A_98 : f32 to vector<128x128xf32>
    %mul3A_100 = arith.mulf %add3A_97, %mul3A_99 : vector<128x128xf32>
    %round3A_101 = math.roundeven %mul3A_100 : vector<128x128xf32>
    %get3A_102 = arith.constant 384 : index
    %get3A_103 = arith.constant 0 : index
    %get3A_104 = vector.load %arg9[%get3A_102, %get3A_103] : memref<2048x128xf32, #tpu.memory_space<vmem>>, vector<128x128xf32>
    %mul3A_105 = vector.broadcast %get3A_1 : vector<1x128xf32> to vector<128x128xf32>
    %mul3A_106 = arith.mulf %round3A_101, %mul3A_105 : vector<128x128xf32>
    %add3A_107 = arith.addf %mul3A_106, %get3A_104 : vector<128x128xf32>
    %max3A_108 = arith.constant 0.000000e+00 : f32
    %max3A_109 = vector.broadcast %max3A_108 : f32 to vector<128x128xf32>
    %max3A_110 = arith.maximumf %add3A_107, %max3A_109 : vector<128x128xf32>
    %dot_general3A_111 = arith.constant dense<0.000000e+00> : vector<128x128xf32>
    %dot_general3A_112 = tpu.matmul %max3A_110, %get3A_4, %dot_general3A_111 {dimension_numbers = #tpu.dot_dimension_numbers<[1], [0], [0], [1], [0, 0, 1, 1], [], []>, transpose_lhs_hint = false} : vector<128x128xf32>, vector<128x128xf32>, vector<128x128xf32> -> vector<128x128xf32>
    %add3A_113 = vector.broadcast %get3A_7 : vector<1x128xf32> to vector<128x128xf32>
    %add3A_114 = arith.addf %dot_general3A_112, %add3A_113 : vector<128x128xf32>
    %max3A_115 = arith.constant 0.000000e+00 : f32
    %max3A_116 = vector.broadcast %max3A_115 : f32 to vector<128x128xf32>
    %max3A_117 = arith.maximumf %add3A_114, %max3A_116 : vector<128x128xf32>
    %dot_general3A_118 = arith.constant dense<0.000000e+00> : vector<128x128xf32>
    %dot_general3A_119 = tpu.matmul %max3A_117, %get3A_10, %dot_general3A_118 {dimension_numbers = #tpu.dot_dimension_numbers<[1], [0], [0], [1], [0, 0, 1, 1], [], []>, transpose_lhs_hint = false} : vector<128x128xf32>, vector<128x128xf32>, vector<128x128xf32> -> vector<128x128xf32>
    %add3A_120 = vector.broadcast %get3A_14 : f32 to vector<128x128xf32>
    %add3A_121 = arith.addf %dot_general3A_119, %add3A_120 : vector<128x128xf32>
    %mul3A_122 = arith.constant 5.000000e+01 : f32
    %mul3A_123 = vector.broadcast %mul3A_122 : f32 to vector<128x128xf32>
    %mul3A_124 = arith.mulf %add3A_121, %mul3A_123 : vector<128x128xf32>
    %round3A_125 = math.roundeven %mul3A_124 : vector<128x128xf32>
    %get3A_126 = arith.constant 512 : index
    %get3A_127 = arith.constant 0 : index
    %get3A_128 = vector.load %arg9[%get3A_126, %get3A_127] : memref<2048x128xf32, #tpu.memory_space<vmem>>, vector<128x128xf32>
    %mul3A_129 = vector.broadcast %get3A_1 : vector<1x128xf32> to vector<128x128xf32>
    %mul3A_130 = arith.mulf %round3A_125, %mul3A_129 : vector<128x128xf32>
    %add3A_131 = arith.addf %mul3A_130, %get3A_128 : vector<128x128xf32>
    %max3A_132 = arith.constant 0.000000e+00 : f32
    %max3A_133 = vector.broadcast %max3A_132 : f32 to vector<128x128xf32>
    %max3A_134 = arith.maximumf %add3A_131, %max3A_133 : vector<128x128xf32>
    %dot_general3A_135 = arith.constant dense<0.000000e+00> : vector<128x128xf32>
    %dot_general3A_136 = tpu.matmul %max3A_134, %get3A_4, %dot_general3A_135 {dimension_numbers = #tpu.dot_dimension_numbers<[1], [0], [0], [1], [0, 0, 1, 1], [], []>, transpose_lhs_hint = false} : vector<128x128xf32>, vector<128x128xf32>, vector<128x128xf32> -> vector<128x128xf32>
    %add3A_137 = vector.broadcast %get3A_7 : vector<1x128xf32> to vector<128x128xf32>
    %add3A_138 = arith.addf %dot_general3A_136, %add3A_137 : vector<128x128xf32>
    %max3A_139 = arith.constant 0.000000e+00 : f32
    %max3A_140 = vector.broadcast %max3A_139 : f32 to vector<128x128xf32>
    %max3A_141 = arith.maximumf %add3A_138, %max3A_140 : vector<128x128xf32>
    %dot_general3A_142 = arith.constant dense<0.000000e+00> : vector<128x128xf32>
    %dot_general3A_143 = tpu.matmul %max3A_141, %get3A_10, %dot_general3A_142 {dimension_numbers = #tpu.dot_dimension_numbers<[1], [0], [0], [1], [0, 0, 1, 1], [], []>, transpose_lhs_hint = false} : vector<128x128xf32>, vector<128x128xf32>, vector<128x128xf32> -> vector<128x128xf32>
    %add3A_144 = vector.broadcast %get3A_14 : f32 to vector<128x128xf32>
    %add3A_145 = arith.addf %dot_general3A_143, %add3A_144 : vector<128x128xf32>
    %mul3A_146 = arith.constant 5.000000e+01 : f32
    %mul3A_147 = vector.broadcast %mul3A_146 : f32 to vector<128x128xf32>
    %mul3A_148 = arith.mulf %add3A_145, %mul3A_147 : vector<128x128xf32>
    %round3A_149 = math.roundeven %mul3A_148 : vector<128x128xf32>
    %get3A_150 = arith.constant 640 : index
    %get3A_151 = arith.constant 0 : index
    %get3A_152 = vector.load %arg9[%get3A_150, %get3A_151] : memref<2048x128xf32, #tpu.memory_space<vmem>>, vector<128x128xf32>
    %mul3A_153 = vector.broadcast %get3A_1 : vector<1x128xf32> to vector<128x128xf32>
    %mul3A_154 = arith.mulf %round3A_149, %mul3A_153 : vector<128x128xf32>
    %add3A_155 = arith.addf %mul3A_154, %get3A_152 : vector<128x128xf32>
    %max3A_156 = arith.constant 0.000000e+00 : f32
    %max3A_157 = vector.broadcast %max3A_156 : f32 to vector<128x128xf32>
    %max3A_158 = arith.maximumf %add3A_155, %max3A_157 : vector<128x128xf32>
    %dot_general3A_159 = arith.constant dense<0.000000e+00> : vector<128x128xf32>
    %dot_general3A_160 = tpu.matmul %max3A_158, %get3A_4, %dot_general3A_159 {dimension_numbers = #tpu.dot_dimension_numbers<[1], [0], [0], [1], [0, 0, 1, 1], [], []>, transpose_lhs_hint = false} : vector<128x128xf32>, vector<128x128xf32>, vector<128x128xf32> -> vector<128x128xf32>
    %add3A_161 = vector.broadcast %get3A_7 : vector<1x128xf32> to vector<128x128xf32>
    %add3A_162 = arith.addf %dot_general3A_160, %add3A_161 : vector<128x128xf32>
    %max3A_163 = arith.constant 0.000000e+00 : f32
    %max3A_164 = vector.broadcast %max3A_163 : f32 to vector<128x128xf32>
    %max3A_165 = arith.maximumf %add3A_162, %max3A_164 : vector<128x128xf32>
    %dot_general3A_166 = arith.constant dense<0.000000e+00> : vector<128x128xf32>
    %dot_general3A_167 = tpu.matmul %max3A_165, %get3A_10, %dot_general3A_166 {dimension_numbers = #tpu.dot_dimension_numbers<[1], [0], [0], [1], [0, 0, 1, 1], [], []>, transpose_lhs_hint = false} : vector<128x128xf32>, vector<128x128xf32>, vector<128x128xf32> -> vector<128x128xf32>
    %add3A_168 = vector.broadcast %get3A_14 : f32 to vector<128x128xf32>
    %add3A_169 = arith.addf %dot_general3A_167, %add3A_168 : vector<128x128xf32>
    %mul3A_170 = arith.constant 5.000000e+01 : f32
    %mul3A_171 = vector.broadcast %mul3A_170 : f32 to vector<128x128xf32>
    %mul3A_172 = arith.mulf %add3A_169, %mul3A_171 : vector<128x128xf32>
    %round3A_173 = math.roundeven %mul3A_172 : vector<128x128xf32>
    %get3A_174 = arith.constant 768 : index
    %get3A_175 = arith.constant 0 : index
    %get3A_176 = vector.load %arg9[%get3A_174, %get3A_175] : memref<2048x128xf32, #tpu.memory_space<vmem>>, vector<128x128xf32>
    %mul3A_177 = vector.broadcast %get3A_1 : vector<1x128xf32> to vector<128x128xf32>
    %mul3A_178 = arith.mulf %round3A_173, %mul3A_177 : vector<128x128xf32>
    %add3A_179 = arith.addf %mul3A_178, %get3A_176 : vector<128x128xf32>
    %max3A_180 = arith.constant 0.000000e+00 : f32
    %max3A_181 = vector.broadcast %max3A_180 : f32 to vector<128x128xf32>
    %max3A_182 = arith.maximumf %add3A_179, %max3A_181 : vector<128x128xf32>
    %dot_general3A_183 = arith.constant dense<0.000000e+00> : vector<128x128xf32>
    %dot_general3A_184 = tpu.matmul %max3A_182, %get3A_4, %dot_general3A_183 {dimension_numbers = #tpu.dot_dimension_numbers<[1], [0], [0], [1], [0, 0, 1, 1], [], []>, transpose_lhs_hint = false} : vector<128x128xf32>, vector<128x128xf32>, vector<128x128xf32> -> vector<128x128xf32>
    %add3A_185 = vector.broadcast %get3A_7 : vector<1x128xf32> to vector<128x128xf32>
    %add3A_186 = arith.addf %dot_general3A_184, %add3A_185 : vector<128x128xf32>
    %max3A_187 = arith.constant 0.000000e+00 : f32
    %max3A_188 = vector.broadcast %max3A_187 : f32 to vector<128x128xf32>
    %max3A_189 = arith.maximumf %add3A_186, %max3A_188 : vector<128x128xf32>
    %dot_general3A_190 = arith.constant dense<0.000000e+00> : vector<128x128xf32>
    %dot_general3A_191 = tpu.matmul %max3A_189, %get3A_10, %dot_general3A_190 {dimension_numbers = #tpu.dot_dimension_numbers<[1], [0], [0], [1], [0, 0, 1, 1], [], []>, transpose_lhs_hint = false} : vector<128x128xf32>, vector<128x128xf32>, vector<128x128xf32> -> vector<128x128xf32>
    %add3A_192 = vector.broadcast %get3A_14 : f32 to vector<128x128xf32>
    %add3A_193 = arith.addf %dot_general3A_191, %add3A_192 : vector<128x128xf32>
    %mul3A_194 = arith.constant 5.000000e+01 : f32
    %mul3A_195 = vector.broadcast %mul3A_194 : f32 to vector<128x128xf32>
    %mul3A_196 = arith.mulf %add3A_193, %mul3A_195 : vector<128x128xf32>
    %round3A_197 = math.roundeven %mul3A_196 : vector<128x128xf32>
    %get3A_198 = arith.constant 896 : index
    %get3A_199 = arith.constant 0 : index
    %get3A_200 = vector.load %arg9[%get3A_198, %get3A_199] : memref<2048x128xf32, #tpu.memory_space<vmem>>, vector<128x128xf32>
    %mul3A_201 = vector.broadcast %get3A_1 : vector<1x128xf32> to vector<128x128xf32>
    %mul3A_202 = arith.mulf %round3A_197, %mul3A_201 : vector<128x128xf32>
    %add3A_203 = arith.addf %mul3A_202, %get3A_200 : vector<128x128xf32>
    %max3A_204 = arith.constant 0.000000e+00 : f32
    %max3A_205 = vector.broadcast %max3A_204 : f32 to vector<128x128xf32>
    %max3A_206 = arith.maximumf %add3A_203, %max3A_205 : vector<128x128xf32>
    %dot_general3A_207 = arith.constant dense<0.000000e+00> : vector<128x128xf32>
    %dot_general3A_208 = tpu.matmul %max3A_206, %get3A_4, %dot_general3A_207 {dimension_numbers = #tpu.dot_dimension_numbers<[1], [0], [0], [1], [0, 0, 1, 1], [], []>, transpose_lhs_hint = false} : vector<128x128xf32>, vector<128x128xf32>, vector<128x128xf32> -> vector<128x128xf32>
    %add3A_209 = vector.broadcast %get3A_7 : vector<1x128xf32> to vector<128x128xf32>
    %add3A_210 = arith.addf %dot_general3A_208, %add3A_209 : vector<128x128xf32>
    %max3A_211 = arith.constant 0.000000e+00 : f32
    %max3A_212 = vector.broadcast %max3A_211 : f32 to vector<128x128xf32>
    %max3A_213 = arith.maximumf %add3A_210, %max3A_212 : vector<128x128xf32>
    %dot_general3A_214 = arith.constant dense<0.000000e+00> : vector<128x128xf32>
    %dot_general3A_215 = tpu.matmul %max3A_213, %get3A_10, %dot_general3A_214 {dimension_numbers = #tpu.dot_dimension_numbers<[1], [0], [0], [1], [0, 0, 1, 1], [], []>, transpose_lhs_hint = false} : vector<128x128xf32>, vector<128x128xf32>, vector<128x128xf32> -> vector<128x128xf32>
    %add3A_216 = vector.broadcast %get3A_14 : f32 to vector<128x128xf32>
    %add3A_217 = arith.addf %dot_general3A_215, %add3A_216 : vector<128x128xf32>
    %mul3A_218 = arith.constant 5.000000e+01 : f32
    %mul3A_219 = vector.broadcast %mul3A_218 : f32 to vector<128x128xf32>
    %mul3A_220 = arith.mulf %add3A_217, %mul3A_219 : vector<128x128xf32>
    %round3A_221 = math.roundeven %mul3A_220 : vector<128x128xf32>
    %get3A_222 = arith.constant 1024 : index
    %get3A_223 = arith.constant 0 : index
    %get3A_224 = vector.load %arg9[%get3A_222, %get3A_223] : memref<2048x128xf32, #tpu.memory_space<vmem>>, vector<128x128xf32>
    %mul3A_225 = vector.broadcast %get3A_1 : vector<1x128xf32> to vector<128x128xf32>
    %mul3A_226 = arith.mulf %round3A_221, %mul3A_225 : vector<128x128xf32>
    %add3A_227 = arith.addf %mul3A_226, %get3A_224 : vector<128x128xf32>
    %max3A_228 = arith.constant 0.000000e+00 : f32
    %max3A_229 = vector.broadcast %max3A_228 : f32 to vector<128x128xf32>
    %max3A_230 = arith.maximumf %add3A_227, %max3A_229 : vector<128x128xf32>
    %dot_general3A_231 = arith.constant dense<0.000000e+00> : vector<128x128xf32>
    %dot_general3A_232 = tpu.matmul %max3A_230, %get3A_4, %dot_general3A_231 {dimension_numbers = #tpu.dot_dimension_numbers<[1], [0], [0], [1], [0, 0, 1, 1], [], []>, transpose_lhs_hint = false} : vector<128x128xf32>, vector<128x128xf32>, vector<128x128xf32> -> vector<128x128xf32>
    %add3A_233 = vector.broadcast %get3A_7 : vector<1x128xf32> to vector<128x128xf32>
    %add3A_234 = arith.addf %dot_general3A_232, %add3A_233 : vector<128x128xf32>
    %max3A_235 = arith.constant 0.000000e+00 : f32
    %max3A_236 = vector.broadcast %max3A_235 : f32 to vector<128x128xf32>
    %max3A_237 = arith.maximumf %add3A_234, %max3A_236 : vector<128x128xf32>
    %dot_general3A_238 = arith.constant dense<0.000000e+00> : vector<128x128xf32>
    %dot_general3A_239 = tpu.matmul %max3A_237, %get3A_10, %dot_general3A_238 {dimension_numbers = #tpu.dot_dimension_numbers<[1], [0], [0], [1], [0, 0, 1, 1], [], []>, transpose_lhs_hint = false} : vector<128x128xf32>, vector<128x128xf32>, vector<128x128xf32> -> vector<128x128xf32>
    %add3A_240 = vector.broadcast %get3A_14 : f32 to vector<128x128xf32>
    %add3A_241 = arith.addf %dot_general3A_239, %add3A_240 : vector<128x128xf32>
    %mul3A_242 = arith.constant 5.000000e+01 : f32
    %mul3A_243 = vector.broadcast %mul3A_242 : f32 to vector<128x128xf32>
    %mul3A_244 = arith.mulf %add3A_241, %mul3A_243 : vector<128x128xf32>
    %round3A_245 = math.roundeven %mul3A_244 : vector<128x128xf32>
    %get3A_246 = arith.constant 1152 : index
    %get3A_247 = arith.constant 0 : index
    %get3A_248 = vector.load %arg9[%get3A_246, %get3A_247] : memref<2048x128xf32, #tpu.memory_space<vmem>>, vector<128x128xf32>
    %mul3A_249 = vector.broadcast %get3A_1 : vector<1x128xf32> to vector<128x128xf32>
    %mul3A_250 = arith.mulf %round3A_245, %mul3A_249 : vector<128x128xf32>
    %add3A_251 = arith.addf %mul3A_250, %get3A_248 : vector<128x128xf32>
    %max3A_252 = arith.constant 0.000000e+00 : f32
    %max3A_253 = vector.broadcast %max3A_252 : f32 to vector<128x128xf32>
    %max3A_254 = arith.maximumf %add3A_251, %max3A_253 : vector<128x128xf32>
    %dot_general3A_255 = arith.constant dense<0.000000e+00> : vector<128x128xf32>
    %dot_general3A_256 = tpu.matmul %max3A_254, %get3A_4, %dot_general3A_255 {dimension_numbers = #tpu.dot_dimension_numbers<[1], [0], [0], [1], [0, 0, 1, 1], [], []>, transpose_lhs_hint = false} : vector<128x128xf32>, vector<128x128xf32>, vector<128x128xf32> -> vector<128x128xf32>
    %add3A_257 = vector.broadcast %get3A_7 : vector<1x128xf32> to vector<128x128xf32>
    %add3A_258 = arith.addf %dot_general3A_256, %add3A_257 : vector<128x128xf32>
    %max3A_259 = arith.constant 0.000000e+00 : f32
    %max3A_260 = vector.broadcast %max3A_259 : f32 to vector<128x128xf32>
    %max3A_261 = arith.maximumf %add3A_258, %max3A_260 : vector<128x128xf32>
    %dot_general3A_262 = arith.constant dense<0.000000e+00> : vector<128x128xf32>
    %dot_general3A_263 = tpu.matmul %max3A_261, %get3A_10, %dot_general3A_262 {dimension_numbers = #tpu.dot_dimension_numbers<[1], [0], [0], [1], [0, 0, 1, 1], [], []>, transpose_lhs_hint = false} : vector<128x128xf32>, vector<128x128xf32>, vector<128x128xf32> -> vector<128x128xf32>
    %add3A_264 = vector.broadcast %get3A_14 : f32 to vector<128x128xf32>
    %add3A_265 = arith.addf %dot_general3A_263, %add3A_264 : vector<128x128xf32>
    %mul3A_266 = arith.constant 5.000000e+01 : f32
    %mul3A_267 = vector.broadcast %mul3A_266 : f32 to vector<128x128xf32>
    %mul3A_268 = arith.mulf %add3A_265, %mul3A_267 : vector<128x128xf32>
    %round3A_269 = math.roundeven %mul3A_268 : vector<128x128xf32>
    %get3A_270 = arith.constant 1280 : index
    %get3A_271 = arith.constant 0 : index
    %get3A_272 = vector.load %arg9[%get3A_270, %get3A_271] : memref<2048x128xf32, #tpu.memory_space<vmem>>, vector<128x128xf32>
    %mul3A_273 = vector.broadcast %get3A_1 : vector<1x128xf32> to vector<128x128xf32>
    %mul3A_274 = arith.mulf %round3A_269, %mul3A_273 : vector<128x128xf32>
    %add3A_275 = arith.addf %mul3A_274, %get3A_272 : vector<128x128xf32>
    %max3A_276 = arith.constant 0.000000e+00 : f32
    %max3A_277 = vector.broadcast %max3A_276 : f32 to vector<128x128xf32>
    %max3A_278 = arith.maximumf %add3A_275, %max3A_277 : vector<128x128xf32>
    %dot_general3A_279 = arith.constant dense<0.000000e+00> : vector<128x128xf32>
    %dot_general3A_280 = tpu.matmul %max3A_278, %get3A_4, %dot_general3A_279 {dimension_numbers = #tpu.dot_dimension_numbers<[1], [0], [0], [1], [0, 0, 1, 1], [], []>, transpose_lhs_hint = false} : vector<128x128xf32>, vector<128x128xf32>, vector<128x128xf32> -> vector<128x128xf32>
    %add3A_281 = vector.broadcast %get3A_7 : vector<1x128xf32> to vector<128x128xf32>
    %add3A_282 = arith.addf %dot_general3A_280, %add3A_281 : vector<128x128xf32>
    %max3A_283 = arith.constant 0.000000e+00 : f32
    %max3A_284 = vector.broadcast %max3A_283 : f32 to vector<128x128xf32>
    %max3A_285 = arith.maximumf %add3A_282, %max3A_284 : vector<128x128xf32>
    %dot_general3A_286 = arith.constant dense<0.000000e+00> : vector<128x128xf32>
    %dot_general3A_287 = tpu.matmul %max3A_285, %get3A_10, %dot_general3A_286 {dimension_numbers = #tpu.dot_dimension_numbers<[1], [0], [0], [1], [0, 0, 1, 1], [], []>, transpose_lhs_hint = false} : vector<128x128xf32>, vector<128x128xf32>, vector<128x128xf32> -> vector<128x128xf32>
    %add3A_288 = vector.broadcast %get3A_14 : f32 to vector<128x128xf32>
    %add3A_289 = arith.addf %dot_general3A_287, %add3A_288 : vector<128x128xf32>
    %mul3A_290 = arith.constant 5.000000e+01 : f32
    %mul3A_291 = vector.broadcast %mul3A_290 : f32 to vector<128x128xf32>
    %mul3A_292 = arith.mulf %add3A_289, %mul3A_291 : vector<128x128xf32>
    %round3A_293 = math.roundeven %mul3A_292 : vector<128x128xf32>
    %get3A_294 = arith.constant 1408 : index
    %get3A_295 = arith.constant 0 : index
    %get3A_296 = vector.load %arg9[%get3A_294, %get3A_295] : memref<2048x128xf32, #tpu.memory_space<vmem>>, vector<128x128xf32>
    %mul3A_297 = vector.broadcast %get3A_1 : vector<1x128xf32> to vector<128x128xf32>
    %mul3A_298 = arith.mulf %round3A_293, %mul3A_297 : vector<128x128xf32>
    %add3A_299 = arith.addf %mul3A_298, %get3A_296 : vector<128x128xf32>
    %max3A_300 = arith.constant 0.000000e+00 : f32
    %max3A_301 = vector.broadcast %max3A_300 : f32 to vector<128x128xf32>
    %max3A_302 = arith.maximumf %add3A_299, %max3A_301 : vector<128x128xf32>
    %dot_general3A_303 = arith.constant dense<0.000000e+00> : vector<128x128xf32>
    %dot_general3A_304 = tpu.matmul %max3A_302, %get3A_4, %dot_general3A_303 {dimension_numbers = #tpu.dot_dimension_numbers<[1], [0], [0], [1], [0, 0, 1, 1], [], []>, transpose_lhs_hint = false} : vector<128x128xf32>, vector<128x128xf32>, vector<128x128xf32> -> vector<128x128xf32>
    %add3A_305 = vector.broadcast %get3A_7 : vector<1x128xf32> to vector<128x128xf32>
    %add3A_306 = arith.addf %dot_general3A_304, %add3A_305 : vector<128x128xf32>
    %max3A_307 = arith.constant 0.000000e+00 : f32
    %max3A_308 = vector.broadcast %max3A_307 : f32 to vector<128x128xf32>
    %max3A_309 = arith.maximumf %add3A_306, %max3A_308 : vector<128x128xf32>
    %dot_general3A_310 = arith.constant dense<0.000000e+00> : vector<128x128xf32>
    %dot_general3A_311 = tpu.matmul %max3A_309, %get3A_10, %dot_general3A_310 {dimension_numbers = #tpu.dot_dimension_numbers<[1], [0], [0], [1], [0, 0, 1, 1], [], []>, transpose_lhs_hint = false} : vector<128x128xf32>, vector<128x128xf32>, vector<128x128xf32> -> vector<128x128xf32>
    %add3A_312 = vector.broadcast %get3A_14 : f32 to vector<128x128xf32>
    %add3A_313 = arith.addf %dot_general3A_311, %add3A_312 : vector<128x128xf32>
    %mul3A_314 = arith.constant 5.000000e+01 : f32
    %mul3A_315 = vector.broadcast %mul3A_314 : f32 to vector<128x128xf32>
    %mul3A_316 = arith.mulf %add3A_313, %mul3A_315 : vector<128x128xf32>
    %round3A_317 = math.roundeven %mul3A_316 : vector<128x128xf32>
    %get3A_318 = arith.constant 1536 : index
    %get3A_319 = arith.constant 0 : index
    %get3A_320 = vector.load %arg9[%get3A_318, %get3A_319] : memref<2048x128xf32, #tpu.memory_space<vmem>>, vector<128x128xf32>
    %mul3A_321 = vector.broadcast %get3A_1 : vector<1x128xf32> to vector<128x128xf32>
    %mul3A_322 = arith.mulf %round3A_317, %mul3A_321 : vector<128x128xf32>
    %add3A_323 = arith.addf %mul3A_322, %get3A_320 : vector<128x128xf32>
    %max3A_324 = arith.constant 0.000000e+00 : f32
    %max3A_325 = vector.broadcast %max3A_324 : f32 to vector<128x128xf32>
    %max3A_326 = arith.maximumf %add3A_323, %max3A_325 : vector<128x128xf32>
    %dot_general3A_327 = arith.constant dense<0.000000e+00> : vector<128x128xf32>
    %dot_general3A_328 = tpu.matmul %max3A_326, %get3A_4, %dot_general3A_327 {dimension_numbers = #tpu.dot_dimension_numbers<[1], [0], [0], [1], [0, 0, 1, 1], [], []>, transpose_lhs_hint = false} : vector<128x128xf32>, vector<128x128xf32>, vector<128x128xf32> -> vector<128x128xf32>
    %add3A_329 = vector.broadcast %get3A_7 : vector<1x128xf32> to vector<128x128xf32>
    %add3A_330 = arith.addf %dot_general3A_328, %add3A_329 : vector<128x128xf32>
    %max3A_331 = arith.constant 0.000000e+00 : f32
    %max3A_332 = vector.broadcast %max3A_331 : f32 to vector<128x128xf32>
    %max3A_333 = arith.maximumf %add3A_330, %max3A_332 : vector<128x128xf32>
    %dot_general3A_334 = arith.constant dense<0.000000e+00> : vector<128x128xf32>
    %dot_general3A_335 = tpu.matmul %max3A_333, %get3A_10, %dot_general3A_334 {dimension_numbers = #tpu.dot_dimension_numbers<[1], [0], [0], [1], [0, 0, 1, 1], [], []>, transpose_lhs_hint = false} : vector<128x128xf32>, vector<128x128xf32>, vector<128x128xf32> -> vector<128x128xf32>
    %add3A_336 = vector.broadcast %get3A_14 : f32 to vector<128x128xf32>
    %add3A_337 = arith.addf %dot_general3A_335, %add3A_336 : vector<128x128xf32>
    %mul3A_338 = arith.constant 5.000000e+01 : f32
    %mul3A_339 = vector.broadcast %mul3A_338 : f32 to vector<128x128xf32>
    %mul3A_340 = arith.mulf %add3A_337, %mul3A_339 : vector<128x128xf32>
    %round3A_341 = math.roundeven %mul3A_340 : vector<128x128xf32>
    %get3A_342 = arith.constant 1664 : index
    %get3A_343 = arith.constant 0 : index
    %get3A_344 = vector.load %arg9[%get3A_342, %get3A_343] : memref<2048x128xf32, #tpu.memory_space<vmem>>, vector<128x128xf32>
    %mul3A_345 = vector.broadcast %get3A_1 : vector<1x128xf32> to vector<128x128xf32>
    %mul3A_346 = arith.mulf %round3A_341, %mul3A_345 : vector<128x128xf32>
    %add3A_347 = arith.addf %mul3A_346, %get3A_344 : vector<128x128xf32>
    %max3A_348 = arith.constant 0.000000e+00 : f32
    %max3A_349 = vector.broadcast %max3A_348 : f32 to vector<128x128xf32>
    %max3A_350 = arith.maximumf %add3A_347, %max3A_349 : vector<128x128xf32>
    %dot_general3A_351 = arith.constant dense<0.000000e+00> : vector<128x128xf32>
    %dot_general3A_352 = tpu.matmul %max3A_350, %get3A_4, %dot_general3A_351 {dimension_numbers = #tpu.dot_dimension_numbers<[1], [0], [0], [1], [0, 0, 1, 1], [], []>, transpose_lhs_hint = false} : vector<128x128xf32>, vector<128x128xf32>, vector<128x128xf32> -> vector<128x128xf32>
    %add3A_353 = vector.broadcast %get3A_7 : vector<1x128xf32> to vector<128x128xf32>
    %add3A_354 = arith.addf %dot_general3A_352, %add3A_353 : vector<128x128xf32>
    %max3A_355 = arith.constant 0.000000e+00 : f32
    %max3A_356 = vector.broadcast %max3A_355 : f32 to vector<128x128xf32>
    %max3A_357 = arith.maximumf %add3A_354, %max3A_356 : vector<128x128xf32>
    %dot_general3A_358 = arith.constant dense<0.000000e+00> : vector<128x128xf32>
    %dot_general3A_359 = tpu.matmul %max3A_357, %get3A_10, %dot_general3A_358 {dimension_numbers = #tpu.dot_dimension_numbers<[1], [0], [0], [1], [0, 0, 1, 1], [], []>, transpose_lhs_hint = false} : vector<128x128xf32>, vector<128x128xf32>, vector<128x128xf32> -> vector<128x128xf32>
    %add3A_360 = vector.broadcast %get3A_14 : f32 to vector<128x128xf32>
    %add3A_361 = arith.addf %dot_general3A_359, %add3A_360 : vector<128x128xf32>
    %mul3A_362 = arith.constant 5.000000e+01 : f32
    %mul3A_363 = vector.broadcast %mul3A_362 : f32 to vector<128x128xf32>
    %mul3A_364 = arith.mulf %add3A_361, %mul3A_363 : vector<128x128xf32>
    %round3A_365 = math.roundeven %mul3A_364 : vector<128x128xf32>
    %get3A_366 = arith.constant 1792 : index
    %get3A_367 = arith.constant 0 : index
    %get3A_368 = vector.load %arg9[%get3A_366, %get3A_367] : memref<2048x128xf32, #tpu.memory_space<vmem>>, vector<128x128xf32>
    %mul3A_369 = vector.broadcast %get3A_1 : vector<1x128xf32> to vector<128x128xf32>
    %mul3A_370 = arith.mulf %round3A_365, %mul3A_369 : vector<128x128xf32>
    %add3A_371 = arith.addf %mul3A_370, %get3A_368 : vector<128x128xf32>
    %max3A_372 = arith.constant 0.000000e+00 : f32
    %max3A_373 = vector.broadcast %max3A_372 : f32 to vector<128x128xf32>
    %max3A_374 = arith.maximumf %add3A_371, %max3A_373 : vector<128x128xf32>
    %dot_general3A_375 = arith.constant dense<0.000000e+00> : vector<128x128xf32>
    %dot_general3A_376 = tpu.matmul %max3A_374, %get3A_4, %dot_general3A_375 {dimension_numbers = #tpu.dot_dimension_numbers<[1], [0], [0], [1], [0, 0, 1, 1], [], []>, transpose_lhs_hint = false} : vector<128x128xf32>, vector<128x128xf32>, vector<128x128xf32> -> vector<128x128xf32>
    %add3A_377 = vector.broadcast %get3A_7 : vector<1x128xf32> to vector<128x128xf32>
    %add3A_378 = arith.addf %dot_general3A_376, %add3A_377 : vector<128x128xf32>
    %max3A_379 = arith.constant 0.000000e+00 : f32
    %max3A_380 = vector.broadcast %max3A_379 : f32 to vector<128x128xf32>
    %max3A_381 = arith.maximumf %add3A_378, %max3A_380 : vector<128x128xf32>
    %dot_general3A_382 = arith.constant dense<0.000000e+00> : vector<128x128xf32>
    %dot_general3A_383 = tpu.matmul %max3A_381, %get3A_10, %dot_general3A_382 {dimension_numbers = #tpu.dot_dimension_numbers<[1], [0], [0], [1], [0, 0, 1, 1], [], []>, transpose_lhs_hint = false} : vector<128x128xf32>, vector<128x128xf32>, vector<128x128xf32> -> vector<128x128xf32>
    %add3A_384 = vector.broadcast %get3A_14 : f32 to vector<128x128xf32>
    %add3A_385 = arith.addf %dot_general3A_383, %add3A_384 : vector<128x128xf32>
    %mul3A_386 = arith.constant 5.000000e+01 : f32
    %mul3A_387 = vector.broadcast %mul3A_386 : f32 to vector<128x128xf32>
    %mul3A_388 = arith.mulf %add3A_385, %mul3A_387 : vector<128x128xf32>
    %round3A_389 = math.roundeven %mul3A_388 : vector<128x128xf32>
    %get3A_390 = arith.constant 1920 : index
    %get3A_391 = arith.constant 0 : index
    %get3A_392 = vector.load %arg9[%get3A_390, %get3A_391] : memref<2048x128xf32, #tpu.memory_space<vmem>>, vector<128x128xf32>
    %mul3A_393 = vector.broadcast %get3A_1 : vector<1x128xf32> to vector<128x128xf32>
    %mul3A_394 = arith.mulf %round3A_389, %mul3A_393 : vector<128x128xf32>
    %add3A_395 = arith.addf %mul3A_394, %get3A_392 : vector<128x128xf32>
    %max3A_396 = arith.constant 0.000000e+00 : f32
    %max3A_397 = vector.broadcast %max3A_396 : f32 to vector<128x128xf32>
    %max3A_398 = arith.maximumf %add3A_395, %max3A_397 : vector<128x128xf32>
    %dot_general3A_399 = arith.constant dense<0.000000e+00> : vector<128x128xf32>
    %dot_general3A_400 = tpu.matmul %max3A_398, %get3A_4, %dot_general3A_399 {dimension_numbers = #tpu.dot_dimension_numbers<[1], [0], [0], [1], [0, 0, 1, 1], [], []>, transpose_lhs_hint = false} : vector<128x128xf32>, vector<128x128xf32>, vector<128x128xf32> -> vector<128x128xf32>
    %add3A_401 = vector.broadcast %get3A_7 : vector<1x128xf32> to vector<128x128xf32>
    %add3A_402 = arith.addf %dot_general3A_400, %add3A_401 : vector<128x128xf32>
    %max3A_403 = arith.constant 0.000000e+00 : f32
    %max3A_404 = vector.broadcast %max3A_403 : f32 to vector<128x128xf32>
    %max3A_405 = arith.maximumf %add3A_402, %max3A_404 : vector<128x128xf32>
    %dot_general3A_406 = arith.constant dense<0.000000e+00> : vector<128x128xf32>
    %dot_general3A_407 = tpu.matmul %max3A_405, %get3A_10, %dot_general3A_406 {dimension_numbers = #tpu.dot_dimension_numbers<[1], [0], [0], [1], [0, 0, 1, 1], [], []>, transpose_lhs_hint = false} : vector<128x128xf32>, vector<128x128xf32>, vector<128x128xf32> -> vector<128x128xf32>
    %add3A_408 = vector.broadcast %get3A_14 : f32 to vector<128x128xf32>
    %add3A_409 = arith.addf %dot_general3A_407, %add3A_408 : vector<128x128xf32>
    %mul3A_410 = arith.constant 5.000000e+01 : f32
    %mul3A_411 = vector.broadcast %mul3A_410 : f32 to vector<128x128xf32>
    %mul3A_412 = arith.mulf %add3A_409, %mul3A_411 : vector<128x128xf32>
    %round3A_413 = math.roundeven %mul3A_412 : vector<128x128xf32>
    %while3A = arith.constant 0 : i32
    %while3A_414 = arith.constant true
    %while3A_415:3 = scf.while (%while3A_430 = %while3A, %while3A_431 = %round3A_413, %while3A_432 = %while3A_414) : (i32, vector<128x128xf32>, i1) -> (i32, vector<128x128xf32>, i1) {
      %lt3A_433 = arith.constant 48 : i32
      %lt3A_434 = arith.cmpi slt, %while3A_430, %lt3A_433 : i32
      %and3A = arith.andi %lt3A_434, %while3A_432 : i1
      scf.condition(%and3A) %while3A_430, %while3A_431, %while3A_432 : i32, vector<128x128xf32>, i1
    } do {
    ^bb0(%while3A_430: i32, %while3A_431: vector<128x128xf32>, %while3A_432: i1):
      %mul3A_433 = vector.broadcast %get3A_1 : vector<1x128xf32> to vector<128x128xf32>
      %mul3A_434 = arith.mulf %while3A_431, %mul3A_433 : vector<128x128xf32>
      %add3A_435 = vector.broadcast %get3A_26 : vector<1x128xf32> to vector<128x128xf32>
      %add3A_436 = arith.addf %mul3A_434, %add3A_435 : vector<128x128xf32>
      %max3A_437 = arith.constant 0.000000e+00 : f32
      %max3A_438 = vector.broadcast %max3A_437 : f32 to vector<128x128xf32>
      %max3A_439 = arith.maximumf %add3A_436, %max3A_438 : vector<128x128xf32>
      %dot_general3A_440 = arith.constant dense<0.000000e+00> : vector<128x128xf32>
      %dot_general3A_441 = tpu.matmul %max3A_439, %get3A_4, %dot_general3A_440 {dimension_numbers = #tpu.dot_dimension_numbers<[1], [0], [0], [1], [0, 0, 1, 1], [], []>, transpose_lhs_hint = false} : vector<128x128xf32>, vector<128x128xf32>, vector<128x128xf32> -> vector<128x128xf32>
      %add3A_442 = vector.broadcast %get3A_7 : vector<1x128xf32> to vector<128x128xf32>
      %add3A_443 = arith.addf %dot_general3A_441, %add3A_442 : vector<128x128xf32>
      %max3A_444 = arith.constant 0.000000e+00 : f32
      %max3A_445 = vector.broadcast %max3A_444 : f32 to vector<128x128xf32>
      %max3A_446 = arith.maximumf %add3A_443, %max3A_445 : vector<128x128xf32>
      %dot_general3A_447 = arith.constant dense<0.000000e+00> : vector<128x128xf32>
      %dot_general3A_448 = tpu.matmul %max3A_446, %get3A_10, %dot_general3A_447 {dimension_numbers = #tpu.dot_dimension_numbers<[1], [0], [0], [1], [0, 0, 1, 1], [], []>, transpose_lhs_hint = false} : vector<128x128xf32>, vector<128x128xf32>, vector<128x128xf32> -> vector<128x128xf32>
      %add3A_449 = vector.broadcast %get3A_14 : f32 to vector<128x128xf32>
      %add3A_450 = arith.addf %dot_general3A_448, %add3A_449 : vector<128x128xf32>
      %mul3A_451 = arith.constant 5.000000e+01 : f32
      %mul3A_452 = vector.broadcast %mul3A_451 : f32 to vector<128x128xf32>
      %mul3A_453 = arith.mulf %add3A_450, %mul3A_452 : vector<128x128xf32>
      %round3A_454 = math.roundeven %mul3A_453 : vector<128x128xf32>
      %add3A_455 = arith.constant 1 : i32
      %add3A_456 = arith.addi %while3A_430, %add3A_455 : i32
      %ne3A = arith.cmpf one, %round3A_454, %while3A_431 : vector<128x128xf32>
      %reduce_or3A = arith.constant 1.000000e+00 : f32
      %reduce_or3A_457 = arith.constant 0.000000e+00 : f32
      %reduce_or3A_458 = vector.broadcast %reduce_or3A : f32 to vector<128x128xf32>
      %reduce_or3A_459 = vector.broadcast %reduce_or3A_457 : f32 to vector<128x128xf32>
      %reduce_or3A_460 = arith.select %ne3A, %reduce_or3A_458, %reduce_or3A_459 : vector<128x128xi1>, vector<128x128xf32>
      %reduce_or3A_461 = vector.shape_cast %reduce_or3A_460 : vector<128x128xf32> to vector<1x128x128xf32>
      %reduce_or3A_462 = arith.constant dense<0xFF800000> : vector<1xf32>
      %reduce_or3A_463 = vector.multi_reduction <maximumf>, %reduce_or3A_461, %reduce_or3A_462 [1, 2] : vector<1x128x128xf32> to vector<1xf32>
      %reduce_or3A_464 = vector.shape_cast %reduce_or3A_463 : vector<1xf32> to vector<1x1x1xf32>
      %reduce_or3A_465 = vector.extract %reduce_or3A_464[0, 0, 0] : f32 from vector<1x1x1xf32>
      %reduce_or3A_466 = arith.constant 0.000000e+00 : f32
      %reduce_or3A_467 = arith.cmpf ogt, %reduce_or3A_465, %reduce_or3A_466 : f32
      scf.yield %add3A_456, %round3A_454, %reduce_or3A_467 : i32, vector<128x128xf32>, i1
    }
    %swap3A_416 = arith.constant 0 : index
    %swap3A_417 = arith.constant 0 : index
    %swap3A_418 = vector.load %arg10[%swap3A_416, %swap3A_417] : memref<128x128xf32, #tpu.memory_space<vmem>>, vector<128x128xf32>
    tpu.vector_store %arg10[%swap3A_416, %swap3A_417], %while3A_415#1 {strides = array<i32>} : memref<128x128xf32, #tpu.memory_space<vmem>>, vector<128x128xf32>,
    %get3A_419 = arith.constant 0 : index
    %get3A_420 = arith.constant 0 : index
    %get3A_421 = vector.load %arg10[%get3A_419, %get3A_420] : memref<128x128xf32, #tpu.memory_space<vmem>>, vector<4x128xf32>
    %scan3A = arith.constant 1 : i32
    %scan3A_422 = arith.constant 31 : i32
    %scan3A_423 = arith.addi %scan3A, %scan3A_422 : i32
    %scan3A_424 = arith.constant 1 : i32
    %scan3A_425 = scf.for %scan3A_430 = %scan3A to %scan3A_423 step %scan3A_424 iter_args(%scan3A_431 = %get3A_421) -> (vector<4x128xf32>)  : i32 {
      %mul3A_432 = arith.constant 4 : i32
      %mul3A_433 = arith.muli %scan3A_430, %mul3A_432 : i32
      %get3A_434 = arith.index_cast %mul3A_433 : i32 to index
      %get3A_435 = arith.constant 0 : index
      %get3A_436 = vector.load %arg10[%get3A_434, %get3A_435] : memref<128x128xf32, #tpu.memory_space<vmem>>, vector<4x128xf32>
      %eq3A = vector.broadcast %get3A_29 : vector<1x128xf32> to vector<4x128xf32>
      %eq3A_437 = arith.cmpf oeq, %scan3A_431, %eq3A : vector<4x128xf32>
      %reduce_and3A = arith.constant 1.000000e+00 : f32
      %reduce_and3A_438 = arith.constant 0.000000e+00 : f32
      %reduce_and3A_439 = vector.broadcast %reduce_and3A : f32 to vector<4x128xf32>
      %reduce_and3A_440 = vector.broadcast %reduce_and3A_438 : f32 to vector<4x128xf32>
      %reduce_and3A_441 = arith.select %eq3A_437, %reduce_and3A_439, %reduce_and3A_440 : vector<4x128xi1>, vector<4x128xf32>
      %reduce_and3A_442 = vector.shape_cast %reduce_and3A_441 : vector<4x128xf32> to vector<1x4x128xf32>
      %reduce_and3A_443 = arith.constant dense<0x7F800000> : vector<1xf32>
      %reduce_and3A_444 = vector.multi_reduction <minimumf>, %reduce_and3A_442, %reduce_and3A_443 [1, 2] : vector<1x4x128xf32> to vector<1xf32>
      %reduce_and3A_445 = vector.shape_cast %reduce_and3A_444 : vector<1xf32> to vector<1x1x1xf32>
      %reduce_and3A_446 = vector.extract %reduce_and3A_445[0, 0, 0] : f32 from vector<1x1x1xf32>
      %reduce_and3A_447 = arith.constant 0.000000e+00 : f32
      %reduce_and3A_448 = arith.cmpf ogt, %reduce_and3A_446, %reduce_and3A_447 : f32
      %convert_element_type3A = arith.extui %reduce_and3A_448 : i1 to i32
      %cond3A = arith.constant 0 : i32
      %cond3A_449 = arith.cmpi ne, %convert_element_type3A, %cond3A : i32
      %cond3A_450 = scf.if %cond3A_449 -> (vector<4x128xf32>) {
        scf.yield %get3A_436 : vector<4x128xf32>
      } else {
        %mul3A_451 = arith.constant 4 : i32
        %mul3A_452 = arith.muli %scan3A_430, %mul3A_451 : i32
        %add3A_453 = arith.constant 0 : i32
        %add3A_454 = arith.addi %add3A_453, %mul3A_452 : i32
        %get3A_455 = arith.index_cast %add3A_454 : i32 to index
        %get3A_456 = arith.constant 0 : index
        %get3A_457 = vector.load %arg9[%get3A_455, %get3A_456] : memref<2048x128xf32, #tpu.memory_space<vmem>>, vector<4x128xf32>
        %mul3A_458 = vector.broadcast %get3A_1 : vector<1x128xf32> to vector<4x128xf32>
        %mul3A_459 = arith.mulf %scan3A_431, %mul3A_458 : vector<4x128xf32>
        %add3A_460 = arith.addf %mul3A_459, %get3A_457 : vector<4x128xf32>
        %max3A_461 = arith.constant 0.000000e+00 : f32
        %max3A_462 = vector.broadcast %max3A_461 : f32 to vector<4x128xf32>
        %max3A_463 = arith.maximumf %add3A_460, %max3A_462 : vector<4x128xf32>
        %dot_general3A_464 = arith.constant dense<0.000000e+00> : vector<4x128xf32>
        %dot_general3A_465 = tpu.matmul %max3A_463, %get3A_4, %dot_general3A_464 {dimension_numbers = #tpu.dot_dimension_numbers<[1], [0], [0], [1], [0, 0, 1, 1], [], []>, transpose_lhs_hint = false} : vector<4x128xf32>, vector<128x128xf32>, vector<4x128xf32> -> vector<4x128xf32>
        %add3A_466 = vector.broadcast %get3A_7 : vector<1x128xf32> to vector<4x128xf32>
        %add3A_467 = arith.addf %dot_general3A_465, %add3A_466 : vector<4x128xf32>
        %max3A_468 = arith.constant 0.000000e+00 : f32
        %max3A_469 = vector.broadcast %max3A_468 : f32 to vector<4x128xf32>
        %max3A_470 = arith.maximumf %add3A_467, %max3A_469 : vector<4x128xf32>
        %dot_general3A_471 = arith.constant dense<0.000000e+00> : vector<4x128xf32>
        %dot_general3A_472 = tpu.matmul %max3A_470, %get3A_10, %dot_general3A_471 {dimension_numbers = #tpu.dot_dimension_numbers<[1], [0], [0], [1], [0, 0, 1, 1], [], []>, transpose_lhs_hint = false} : vector<4x128xf32>, vector<128x128xf32>, vector<4x128xf32> -> vector<4x128xf32>
        %add3A_473 = vector.broadcast %get3A_14 : f32 to vector<4x128xf32>
        %add3A_474 = arith.addf %dot_general3A_472, %add3A_473 : vector<4x128xf32>
        %mul3A_475 = arith.constant 5.000000e+01 : f32
        %mul3A_476 = vector.broadcast %mul3A_475 : f32 to vector<4x128xf32>
        %mul3A_477 = arith.mulf %add3A_474, %mul3A_476 : vector<4x128xf32>
        %round3A_478 = math.roundeven %mul3A_477 : vector<4x128xf32>
        %mul3A_479 = arith.constant 4 : i32
        %mul3A_480 = arith.muli %scan3A_430, %mul3A_479 : i32
        %add3A_481 = arith.constant 128 : i32
        %add3A_482 = arith.addi %add3A_481, %mul3A_480 : i32
        %get3A_483 = arith.index_cast %add3A_482 : i32 to index
        %get3A_484 = arith.constant 0 : index
        %get3A_485 = vector.load %arg9[%get3A_483, %get3A_484] : memref<2048x128xf32, #tpu.memory_space<vmem>>, vector<4x128xf32>
        %mul3A_486 = vector.broadcast %get3A_1 : vector<1x128xf32> to vector<4x128xf32>
        %mul3A_487 = arith.mulf %round3A_478, %mul3A_486 : vector<4x128xf32>
        %add3A_488 = arith.addf %mul3A_487, %get3A_485 : vector<4x128xf32>
        %max3A_489 = arith.constant 0.000000e+00 : f32
        %max3A_490 = vector.broadcast %max3A_489 : f32 to vector<4x128xf32>
        %max3A_491 = arith.maximumf %add3A_488, %max3A_490 : vector<4x128xf32>
        %dot_general3A_492 = arith.constant dense<0.000000e+00> : vector<4x128xf32>
        %dot_general3A_493 = tpu.matmul %max3A_491, %get3A_4, %dot_general3A_492 {dimension_numbers = #tpu.dot_dimension_numbers<[1], [0], [0], [1], [0, 0, 1, 1], [], []>, transpose_lhs_hint = false} : vector<4x128xf32>, vector<128x128xf32>, vector<4x128xf32> -> vector<4x128xf32>
        %add3A_494 = vector.broadcast %get3A_7 : vector<1x128xf32> to vector<4x128xf32>
        %add3A_495 = arith.addf %dot_general3A_493, %add3A_494 : vector<4x128xf32>
        %max3A_496 = arith.constant 0.000000e+00 : f32
        %max3A_497 = vector.broadcast %max3A_496 : f32 to vector<4x128xf32>
        %max3A_498 = arith.maximumf %add3A_495, %max3A_497 : vector<4x128xf32>
        %dot_general3A_499 = arith.constant dense<0.000000e+00> : vector<4x128xf32>
        %dot_general3A_500 = tpu.matmul %max3A_498, %get3A_10, %dot_general3A_499 {dimension_numbers = #tpu.dot_dimension_numbers<[1], [0], [0], [1], [0, 0, 1, 1], [], []>, transpose_lhs_hint = false} : vector<4x128xf32>, vector<128x128xf32>, vector<4x128xf32> -> vector<4x128xf32>
        %add3A_501 = vector.broadcast %get3A_14 : f32 to vector<4x128xf32>
        %add3A_502 = arith.addf %dot_general3A_500, %add3A_501 : vector<4x128xf32>
        %mul3A_503 = arith.constant 5.000000e+01 : f32
        %mul3A_504 = vector.broadcast %mul3A_503 : f32 to vector<4x128xf32>
        %mul3A_505 = arith.mulf %add3A_502, %mul3A_504 : vector<4x128xf32>
        %round3A_506 = math.roundeven %mul3A_505 : vector<4x128xf32>
        %mul3A_507 = arith.constant 4 : i32
        %mul3A_508 = arith.muli %scan3A_430, %mul3A_507 : i32
        %add3A_509 = arith.constant 256 : i32
        %add3A_510 = arith.addi %add3A_509, %mul3A_508 : i32
        %get3A_511 = arith.index_cast %add3A_510 : i32 to index
        %get3A_512 = arith.constant 0 : index
        %get3A_513 = vector.load %arg9[%get3A_511, %get3A_512] : memref<2048x128xf32, #tpu.memory_space<vmem>>, vector<4x128xf32>
        %mul3A_514 = vector.broadcast %get3A_1 : vector<1x128xf32> to vector<4x128xf32>
        %mul3A_515 = arith.mulf %round3A_506, %mul3A_514 : vector<4x128xf32>
        %add3A_516 = arith.addf %mul3A_515, %get3A_513 : vector<4x128xf32>
        %max3A_517 = arith.constant 0.000000e+00 : f32
        %max3A_518 = vector.broadcast %max3A_517 : f32 to vector<4x128xf32>
        %max3A_519 = arith.maximumf %add3A_516, %max3A_518 : vector<4x128xf32>
        %dot_general3A_520 = arith.constant dense<0.000000e+00> : vector<4x128xf32>
        %dot_general3A_521 = tpu.matmul %max3A_519, %get3A_4, %dot_general3A_520 {dimension_numbers = #tpu.dot_dimension_numbers<[1], [0], [0], [1], [0, 0, 1, 1], [], []>, transpose_lhs_hint = false} : vector<4x128xf32>, vector<128x128xf32>, vector<4x128xf32> -> vector<4x128xf32>
        %add3A_522 = vector.broadcast %get3A_7 : vector<1x128xf32> to vector<4x128xf32>
        %add3A_523 = arith.addf %dot_general3A_521, %add3A_522 : vector<4x128xf32>
        %max3A_524 = arith.constant 0.000000e+00 : f32
        %max3A_525 = vector.broadcast %max3A_524 : f32 to vector<4x128xf32>
        %max3A_526 = arith.maximumf %add3A_523, %max3A_525 : vector<4x128xf32>
        %dot_general3A_527 = arith.constant dense<0.000000e+00> : vector<4x128xf32>
        %dot_general3A_528 = tpu.matmul %max3A_526, %get3A_10, %dot_general3A_527 {dimension_numbers = #tpu.dot_dimension_numbers<[1], [0], [0], [1], [0, 0, 1, 1], [], []>, transpose_lhs_hint = false} : vector<4x128xf32>, vector<128x128xf32>, vector<4x128xf32> -> vector<4x128xf32>
        %add3A_529 = vector.broadcast %get3A_14 : f32 to vector<4x128xf32>
        %add3A_530 = arith.addf %dot_general3A_528, %add3A_529 : vector<4x128xf32>
        %mul3A_531 = arith.constant 5.000000e+01 : f32
        %mul3A_532 = vector.broadcast %mul3A_531 : f32 to vector<4x128xf32>
        %mul3A_533 = arith.mulf %add3A_530, %mul3A_532 : vector<4x128xf32>
        %round3A_534 = math.roundeven %mul3A_533 : vector<4x128xf32>
        %mul3A_535 = arith.constant 4 : i32
        %mul3A_536 = arith.muli %scan3A_430, %mul3A_535 : i32
        %add3A_537 = arith.constant 384 : i32
        %add3A_538 = arith.addi %add3A_537, %mul3A_536 : i32
        %get3A_539 = arith.index_cast %add3A_538 : i32 to index
        %get3A_540 = arith.constant 0 : index
        %get3A_541 = vector.load %arg9[%get3A_539, %get3A_540] : memref<2048x128xf32, #tpu.memory_space<vmem>>, vector<4x128xf32>
        %mul3A_542 = vector.broadcast %get3A_1 : vector<1x128xf32> to vector<4x128xf32>
        %mul3A_543 = arith.mulf %round3A_534, %mul3A_542 : vector<4x128xf32>
        %add3A_544 = arith.addf %mul3A_543, %get3A_541 : vector<4x128xf32>
        %max3A_545 = arith.constant 0.000000e+00 : f32
        %max3A_546 = vector.broadcast %max3A_545 : f32 to vector<4x128xf32>
        %max3A_547 = arith.maximumf %add3A_544, %max3A_546 : vector<4x128xf32>
        %dot_general3A_548 = arith.constant dense<0.000000e+00> : vector<4x128xf32>
        %dot_general3A_549 = tpu.matmul %max3A_547, %get3A_4, %dot_general3A_548 {dimension_numbers = #tpu.dot_dimension_numbers<[1], [0], [0], [1], [0, 0, 1, 1], [], []>, transpose_lhs_hint = false} : vector<4x128xf32>, vector<128x128xf32>, vector<4x128xf32> -> vector<4x128xf32>
        %add3A_550 = vector.broadcast %get3A_7 : vector<1x128xf32> to vector<4x128xf32>
        %add3A_551 = arith.addf %dot_general3A_549, %add3A_550 : vector<4x128xf32>
        %max3A_552 = arith.constant 0.000000e+00 : f32
        %max3A_553 = vector.broadcast %max3A_552 : f32 to vector<4x128xf32>
        %max3A_554 = arith.maximumf %add3A_551, %max3A_553 : vector<4x128xf32>
        %dot_general3A_555 = arith.constant dense<0.000000e+00> : vector<4x128xf32>
        %dot_general3A_556 = tpu.matmul %max3A_554, %get3A_10, %dot_general3A_555 {dimension_numbers = #tpu.dot_dimension_numbers<[1], [0], [0], [1], [0, 0, 1, 1], [], []>, transpose_lhs_hint = false} : vector<4x128xf32>, vector<128x128xf32>, vector<4x128xf32> -> vector<4x128xf32>
        %add3A_557 = vector.broadcast %get3A_14 : f32 to vector<4x128xf32>
        %add3A_558 = arith.addf %dot_general3A_556, %add3A_557 : vector<4x128xf32>
        %mul3A_559 = arith.constant 5.000000e+01 : f32
        %mul3A_560 = vector.broadcast %mul3A_559 : f32 to vector<4x128xf32>
        %mul3A_561 = arith.mulf %add3A_558, %mul3A_560 : vector<4x128xf32>
        %round3A_562 = math.roundeven %mul3A_561 : vector<4x128xf32>
        %mul3A_563 = arith.constant 4 : i32
        %mul3A_564 = arith.muli %scan3A_430, %mul3A_563 : i32
        %add3A_565 = arith.constant 512 : i32
        %add3A_566 = arith.addi %add3A_565, %mul3A_564 : i32
        %get3A_567 = arith.index_cast %add3A_566 : i32 to index
        %get3A_568 = arith.constant 0 : index
        %get3A_569 = vector.load %arg9[%get3A_567, %get3A_568] : memref<2048x128xf32, #tpu.memory_space<vmem>>, vector<4x128xf32>
        %mul3A_570 = vector.broadcast %get3A_1 : vector<1x128xf32> to vector<4x128xf32>
        %mul3A_571 = arith.mulf %round3A_562, %mul3A_570 : vector<4x128xf32>
        %add3A_572 = arith.addf %mul3A_571, %get3A_569 : vector<4x128xf32>
        %max3A_573 = arith.constant 0.000000e+00 : f32
        %max3A_574 = vector.broadcast %max3A_573 : f32 to vector<4x128xf32>
        %max3A_575 = arith.maximumf %add3A_572, %max3A_574 : vector<4x128xf32>
        %dot_general3A_576 = arith.constant dense<0.000000e+00> : vector<4x128xf32>
        %dot_general3A_577 = tpu.matmul %max3A_575, %get3A_4, %dot_general3A_576 {dimension_numbers = #tpu.dot_dimension_numbers<[1], [0], [0], [1], [0, 0, 1, 1], [], []>, transpose_lhs_hint = false} : vector<4x128xf32>, vector<128x128xf32>, vector<4x128xf32> -> vector<4x128xf32>
        %add3A_578 = vector.broadcast %get3A_7 : vector<1x128xf32> to vector<4x128xf32>
        %add3A_579 = arith.addf %dot_general3A_577, %add3A_578 : vector<4x128xf32>
        %max3A_580 = arith.constant 0.000000e+00 : f32
        %max3A_581 = vector.broadcast %max3A_580 : f32 to vector<4x128xf32>
        %max3A_582 = arith.maximumf %add3A_579, %max3A_581 : vector<4x128xf32>
        %dot_general3A_583 = arith.constant dense<0.000000e+00> : vector<4x128xf32>
        %dot_general3A_584 = tpu.matmul %max3A_582, %get3A_10, %dot_general3A_583 {dimension_numbers = #tpu.dot_dimension_numbers<[1], [0], [0], [1], [0, 0, 1, 1], [], []>, transpose_lhs_hint = false} : vector<4x128xf32>, vector<128x128xf32>, vector<4x128xf32> -> vector<4x128xf32>
        %add3A_585 = vector.broadcast %get3A_14 : f32 to vector<4x128xf32>
        %add3A_586 = arith.addf %dot_general3A_584, %add3A_585 : vector<4x128xf32>
        %mul3A_587 = arith.constant 5.000000e+01 : f32
        %mul3A_588 = vector.broadcast %mul3A_587 : f32 to vector<4x128xf32>
        %mul3A_589 = arith.mulf %add3A_586, %mul3A_588 : vector<4x128xf32>
        %round3A_590 = math.roundeven %mul3A_589 : vector<4x128xf32>
        %mul3A_591 = arith.constant 4 : i32
        %mul3A_592 = arith.muli %scan3A_430, %mul3A_591 : i32
        %add3A_593 = arith.constant 640 : i32
        %add3A_594 = arith.addi %add3A_593, %mul3A_592 : i32
        %get3A_595 = arith.index_cast %add3A_594 : i32 to index
        %get3A_596 = arith.constant 0 : index
        %get3A_597 = vector.load %arg9[%get3A_595, %get3A_596] : memref<2048x128xf32, #tpu.memory_space<vmem>>, vector<4x128xf32>
        %mul3A_598 = vector.broadcast %get3A_1 : vector<1x128xf32> to vector<4x128xf32>
        %mul3A_599 = arith.mulf %round3A_590, %mul3A_598 : vector<4x128xf32>
        %add3A_600 = arith.addf %mul3A_599, %get3A_597 : vector<4x128xf32>
        %max3A_601 = arith.constant 0.000000e+00 : f32
        %max3A_602 = vector.broadcast %max3A_601 : f32 to vector<4x128xf32>
        %max3A_603 = arith.maximumf %add3A_600, %max3A_602 : vector<4x128xf32>
        %dot_general3A_604 = arith.constant dense<0.000000e+00> : vector<4x128xf32>
        %dot_general3A_605 = tpu.matmul %max3A_603, %get3A_4, %dot_general3A_604 {dimension_numbers = #tpu.dot_dimension_numbers<[1], [0], [0], [1], [0, 0, 1, 1], [], []>, transpose_lhs_hint = false} : vector<4x128xf32>, vector<128x128xf32>, vector<4x128xf32> -> vector<4x128xf32>
        %add3A_606 = vector.broadcast %get3A_7 : vector<1x128xf32> to vector<4x128xf32>
        %add3A_607 = arith.addf %dot_general3A_605, %add3A_606 : vector<4x128xf32>
        %max3A_608 = arith.constant 0.000000e+00 : f32
        %max3A_609 = vector.broadcast %max3A_608 : f32 to vector<4x128xf32>
        %max3A_610 = arith.maximumf %add3A_607, %max3A_609 : vector<4x128xf32>
        %dot_general3A_611 = arith.constant dense<0.000000e+00> : vector<4x128xf32>
        %dot_general3A_612 = tpu.matmul %max3A_610, %get3A_10, %dot_general3A_611 {dimension_numbers = #tpu.dot_dimension_numbers<[1], [0], [0], [1], [0, 0, 1, 1], [], []>, transpose_lhs_hint = false} : vector<4x128xf32>, vector<128x128xf32>, vector<4x128xf32> -> vector<4x128xf32>
        %add3A_613 = vector.broadcast %get3A_14 : f32 to vector<4x128xf32>
        %add3A_614 = arith.addf %dot_general3A_612, %add3A_613 : vector<4x128xf32>
        %mul3A_615 = arith.constant 5.000000e+01 : f32
        %mul3A_616 = vector.broadcast %mul3A_615 : f32 to vector<4x128xf32>
        %mul3A_617 = arith.mulf %add3A_614, %mul3A_616 : vector<4x128xf32>
        %round3A_618 = math.roundeven %mul3A_617 : vector<4x128xf32>
        %mul3A_619 = arith.constant 4 : i32
        %mul3A_620 = arith.muli %scan3A_430, %mul3A_619 : i32
        %add3A_621 = arith.constant 768 : i32
        %add3A_622 = arith.addi %add3A_621, %mul3A_620 : i32
        %get3A_623 = arith.index_cast %add3A_622 : i32 to index
        %get3A_624 = arith.constant 0 : index
        %get3A_625 = vector.load %arg9[%get3A_623, %get3A_624] : memref<2048x128xf32, #tpu.memory_space<vmem>>, vector<4x128xf32>
        %mul3A_626 = vector.broadcast %get3A_1 : vector<1x128xf32> to vector<4x128xf32>
        %mul3A_627 = arith.mulf %round3A_618, %mul3A_626 : vector<4x128xf32>
        %add3A_628 = arith.addf %mul3A_627, %get3A_625 : vector<4x128xf32>
        %max3A_629 = arith.constant 0.000000e+00 : f32
        %max3A_630 = vector.broadcast %max3A_629 : f32 to vector<4x128xf32>
        %max3A_631 = arith.maximumf %add3A_628, %max3A_630 : vector<4x128xf32>
        %dot_general3A_632 = arith.constant dense<0.000000e+00> : vector<4x128xf32>
        %dot_general3A_633 = tpu.matmul %max3A_631, %get3A_4, %dot_general3A_632 {dimension_numbers = #tpu.dot_dimension_numbers<[1], [0], [0], [1], [0, 0, 1, 1], [], []>, transpose_lhs_hint = false} : vector<4x128xf32>, vector<128x128xf32>, vector<4x128xf32> -> vector<4x128xf32>
        %add3A_634 = vector.broadcast %get3A_7 : vector<1x128xf32> to vector<4x128xf32>
        %add3A_635 = arith.addf %dot_general3A_633, %add3A_634 : vector<4x128xf32>
        %max3A_636 = arith.constant 0.000000e+00 : f32
        %max3A_637 = vector.broadcast %max3A_636 : f32 to vector<4x128xf32>
        %max3A_638 = arith.maximumf %add3A_635, %max3A_637 : vector<4x128xf32>
        %dot_general3A_639 = arith.constant dense<0.000000e+00> : vector<4x128xf32>
        %dot_general3A_640 = tpu.matmul %max3A_638, %get3A_10, %dot_general3A_639 {dimension_numbers = #tpu.dot_dimension_numbers<[1], [0], [0], [1], [0, 0, 1, 1], [], []>, transpose_lhs_hint = false} : vector<4x128xf32>, vector<128x128xf32>, vector<4x128xf32> -> vector<4x128xf32>
        %add3A_641 = vector.broadcast %get3A_14 : f32 to vector<4x128xf32>
        %add3A_642 = arith.addf %dot_general3A_640, %add3A_641 : vector<4x128xf32>
        %mul3A_643 = arith.constant 5.000000e+01 : f32
        %mul3A_644 = vector.broadcast %mul3A_643 : f32 to vector<4x128xf32>
        %mul3A_645 = arith.mulf %add3A_642, %mul3A_644 : vector<4x128xf32>
        %round3A_646 = math.roundeven %mul3A_645 : vector<4x128xf32>
        %mul3A_647 = arith.constant 4 : i32
        %mul3A_648 = arith.muli %scan3A_430, %mul3A_647 : i32
        %add3A_649 = arith.constant 896 : i32
        %add3A_650 = arith.addi %add3A_649, %mul3A_648 : i32
        %get3A_651 = arith.index_cast %add3A_650 : i32 to index
        %get3A_652 = arith.constant 0 : index
        %get3A_653 = vector.load %arg9[%get3A_651, %get3A_652] : memref<2048x128xf32, #tpu.memory_space<vmem>>, vector<4x128xf32>
        %mul3A_654 = vector.broadcast %get3A_1 : vector<1x128xf32> to vector<4x128xf32>
        %mul3A_655 = arith.mulf %round3A_646, %mul3A_654 : vector<4x128xf32>
        %add3A_656 = arith.addf %mul3A_655, %get3A_653 : vector<4x128xf32>
        %max3A_657 = arith.constant 0.000000e+00 : f32
        %max3A_658 = vector.broadcast %max3A_657 : f32 to vector<4x128xf32>
        %max3A_659 = arith.maximumf %add3A_656, %max3A_658 : vector<4x128xf32>
        %dot_general3A_660 = arith.constant dense<0.000000e+00> : vector<4x128xf32>
        %dot_general3A_661 = tpu.matmul %max3A_659, %get3A_4, %dot_general3A_660 {dimension_numbers = #tpu.dot_dimension_numbers<[1], [0], [0], [1], [0, 0, 1, 1], [], []>, transpose_lhs_hint = false} : vector<4x128xf32>, vector<128x128xf32>, vector<4x128xf32> -> vector<4x128xf32>
        %add3A_662 = vector.broadcast %get3A_7 : vector<1x128xf32> to vector<4x128xf32>
        %add3A_663 = arith.addf %dot_general3A_661, %add3A_662 : vector<4x128xf32>
        %max3A_664 = arith.constant 0.000000e+00 : f32
        %max3A_665 = vector.broadcast %max3A_664 : f32 to vector<4x128xf32>
        %max3A_666 = arith.maximumf %add3A_663, %max3A_665 : vector<4x128xf32>
        %dot_general3A_667 = arith.constant dense<0.000000e+00> : vector<4x128xf32>
        %dot_general3A_668 = tpu.matmul %max3A_666, %get3A_10, %dot_general3A_667 {dimension_numbers = #tpu.dot_dimension_numbers<[1], [0], [0], [1], [0, 0, 1, 1], [], []>, transpose_lhs_hint = false} : vector<4x128xf32>, vector<128x128xf32>, vector<4x128xf32> -> vector<4x128xf32>
        %add3A_669 = vector.broadcast %get3A_14 : f32 to vector<4x128xf32>
        %add3A_670 = arith.addf %dot_general3A_668, %add3A_669 : vector<4x128xf32>
        %mul3A_671 = arith.constant 5.000000e+01 : f32
        %mul3A_672 = vector.broadcast %mul3A_671 : f32 to vector<4x128xf32>
        %mul3A_673 = arith.mulf %add3A_670, %mul3A_672 : vector<4x128xf32>
        %round3A_674 = math.roundeven %mul3A_673 : vector<4x128xf32>
        %mul3A_675 = arith.constant 4 : i32
        %mul3A_676 = arith.muli %scan3A_430, %mul3A_675 : i32
        %add3A_677 = arith.constant 1024 : i32
        %add3A_678 = arith.addi %add3A_677, %mul3A_676 : i32
        %get3A_679 = arith.index_cast %add3A_678 : i32 to index
        %get3A_680 = arith.constant 0 : index
        %get3A_681 = vector.load %arg9[%get3A_679, %get3A_680] : memref<2048x128xf32, #tpu.memory_space<vmem>>, vector<4x128xf32>
        %mul3A_682 = vector.broadcast %get3A_1 : vector<1x128xf32> to vector<4x128xf32>
        %mul3A_683 = arith.mulf %round3A_674, %mul3A_682 : vector<4x128xf32>
        %add3A_684 = arith.addf %mul3A_683, %get3A_681 : vector<4x128xf32>
        %max3A_685 = arith.constant 0.000000e+00 : f32
        %max3A_686 = vector.broadcast %max3A_685 : f32 to vector<4x128xf32>
        %max3A_687 = arith.maximumf %add3A_684, %max3A_686 : vector<4x128xf32>
        %dot_general3A_688 = arith.constant dense<0.000000e+00> : vector<4x128xf32>
        %dot_general3A_689 = tpu.matmul %max3A_687, %get3A_4, %dot_general3A_688 {dimension_numbers = #tpu.dot_dimension_numbers<[1], [0], [0], [1], [0, 0, 1, 1], [], []>, transpose_lhs_hint = false} : vector<4x128xf32>, vector<128x128xf32>, vector<4x128xf32> -> vector<4x128xf32>
        %add3A_690 = vector.broadcast %get3A_7 : vector<1x128xf32> to vector<4x128xf32>
        %add3A_691 = arith.addf %dot_general3A_689, %add3A_690 : vector<4x128xf32>
        %max3A_692 = arith.constant 0.000000e+00 : f32
        %max3A_693 = vector.broadcast %max3A_692 : f32 to vector<4x128xf32>
        %max3A_694 = arith.maximumf %add3A_691, %max3A_693 : vector<4x128xf32>
        %dot_general3A_695 = arith.constant dense<0.000000e+00> : vector<4x128xf32>
        %dot_general3A_696 = tpu.matmul %max3A_694, %get3A_10, %dot_general3A_695 {dimension_numbers = #tpu.dot_dimension_numbers<[1], [0], [0], [1], [0, 0, 1, 1], [], []>, transpose_lhs_hint = false} : vector<4x128xf32>, vector<128x128xf32>, vector<4x128xf32> -> vector<4x128xf32>
        %add3A_697 = vector.broadcast %get3A_14 : f32 to vector<4x128xf32>
        %add3A_698 = arith.addf %dot_general3A_696, %add3A_697 : vector<4x128xf32>
        %mul3A_699 = arith.constant 5.000000e+01 : f32
        %mul3A_700 = vector.broadcast %mul3A_699 : f32 to vector<4x128xf32>
        %mul3A_701 = arith.mulf %add3A_698, %mul3A_700 : vector<4x128xf32>
        %round3A_702 = math.roundeven %mul3A_701 : vector<4x128xf32>
        %mul3A_703 = arith.constant 4 : i32
        %mul3A_704 = arith.muli %scan3A_430, %mul3A_703 : i32
        %add3A_705 = arith.constant 1152 : i32
        %add3A_706 = arith.addi %add3A_705, %mul3A_704 : i32
        %get3A_707 = arith.index_cast %add3A_706 : i32 to index
        %get3A_708 = arith.constant 0 : index
        %get3A_709 = vector.load %arg9[%get3A_707, %get3A_708] : memref<2048x128xf32, #tpu.memory_space<vmem>>, vector<4x128xf32>
        %mul3A_710 = vector.broadcast %get3A_1 : vector<1x128xf32> to vector<4x128xf32>
        %mul3A_711 = arith.mulf %round3A_702, %mul3A_710 : vector<4x128xf32>
        %add3A_712 = arith.addf %mul3A_711, %get3A_709 : vector<4x128xf32>
        %max3A_713 = arith.constant 0.000000e+00 : f32
        %max3A_714 = vector.broadcast %max3A_713 : f32 to vector<4x128xf32>
        %max3A_715 = arith.maximumf %add3A_712, %max3A_714 : vector<4x128xf32>
        %dot_general3A_716 = arith.constant dense<0.000000e+00> : vector<4x128xf32>
        %dot_general3A_717 = tpu.matmul %max3A_715, %get3A_4, %dot_general3A_716 {dimension_numbers = #tpu.dot_dimension_numbers<[1], [0], [0], [1], [0, 0, 1, 1], [], []>, transpose_lhs_hint = false} : vector<4x128xf32>, vector<128x128xf32>, vector<4x128xf32> -> vector<4x128xf32>
        %add3A_718 = vector.broadcast %get3A_7 : vector<1x128xf32> to vector<4x128xf32>
        %add3A_719 = arith.addf %dot_general3A_717, %add3A_718 : vector<4x128xf32>
        %max3A_720 = arith.constant 0.000000e+00 : f32
        %max3A_721 = vector.broadcast %max3A_720 : f32 to vector<4x128xf32>
        %max3A_722 = arith.maximumf %add3A_719, %max3A_721 : vector<4x128xf32>
        %dot_general3A_723 = arith.constant dense<0.000000e+00> : vector<4x128xf32>
        %dot_general3A_724 = tpu.matmul %max3A_722, %get3A_10, %dot_general3A_723 {dimension_numbers = #tpu.dot_dimension_numbers<[1], [0], [0], [1], [0, 0, 1, 1], [], []>, transpose_lhs_hint = false} : vector<4x128xf32>, vector<128x128xf32>, vector<4x128xf32> -> vector<4x128xf32>
        %add3A_725 = vector.broadcast %get3A_14 : f32 to vector<4x128xf32>
        %add3A_726 = arith.addf %dot_general3A_724, %add3A_725 : vector<4x128xf32>
        %mul3A_727 = arith.constant 5.000000e+01 : f32
        %mul3A_728 = vector.broadcast %mul3A_727 : f32 to vector<4x128xf32>
        %mul3A_729 = arith.mulf %add3A_726, %mul3A_728 : vector<4x128xf32>
        %round3A_730 = math.roundeven %mul3A_729 : vector<4x128xf32>
        %mul3A_731 = arith.constant 4 : i32
        %mul3A_732 = arith.muli %scan3A_430, %mul3A_731 : i32
        %add3A_733 = arith.constant 1280 : i32
        %add3A_734 = arith.addi %add3A_733, %mul3A_732 : i32
        %get3A_735 = arith.index_cast %add3A_734 : i32 to index
        %get3A_736 = arith.constant 0 : index
        %get3A_737 = vector.load %arg9[%get3A_735, %get3A_736] : memref<2048x128xf32, #tpu.memory_space<vmem>>, vector<4x128xf32>
        %mul3A_738 = vector.broadcast %get3A_1 : vector<1x128xf32> to vector<4x128xf32>
        %mul3A_739 = arith.mulf %round3A_730, %mul3A_738 : vector<4x128xf32>
        %add3A_740 = arith.addf %mul3A_739, %get3A_737 : vector<4x128xf32>
        %max3A_741 = arith.constant 0.000000e+00 : f32
        %max3A_742 = vector.broadcast %max3A_741 : f32 to vector<4x128xf32>
        %max3A_743 = arith.maximumf %add3A_740, %max3A_742 : vector<4x128xf32>
        %dot_general3A_744 = arith.constant dense<0.000000e+00> : vector<4x128xf32>
        %dot_general3A_745 = tpu.matmul %max3A_743, %get3A_4, %dot_general3A_744 {dimension_numbers = #tpu.dot_dimension_numbers<[1], [0], [0], [1], [0, 0, 1, 1], [], []>, transpose_lhs_hint = false} : vector<4x128xf32>, vector<128x128xf32>, vector<4x128xf32> -> vector<4x128xf32>
        %add3A_746 = vector.broadcast %get3A_7 : vector<1x128xf32> to vector<4x128xf32>
        %add3A_747 = arith.addf %dot_general3A_745, %add3A_746 : vector<4x128xf32>
        %max3A_748 = arith.constant 0.000000e+00 : f32
        %max3A_749 = vector.broadcast %max3A_748 : f32 to vector<4x128xf32>
        %max3A_750 = arith.maximumf %add3A_747, %max3A_749 : vector<4x128xf32>
        %dot_general3A_751 = arith.constant dense<0.000000e+00> : vector<4x128xf32>
        %dot_general3A_752 = tpu.matmul %max3A_750, %get3A_10, %dot_general3A_751 {dimension_numbers = #tpu.dot_dimension_numbers<[1], [0], [0], [1], [0, 0, 1, 1], [], []>, transpose_lhs_hint = false} : vector<4x128xf32>, vector<128x128xf32>, vector<4x128xf32> -> vector<4x128xf32>
        %add3A_753 = vector.broadcast %get3A_14 : f32 to vector<4x128xf32>
        %add3A_754 = arith.addf %dot_general3A_752, %add3A_753 : vector<4x128xf32>
        %mul3A_755 = arith.constant 5.000000e+01 : f32
        %mul3A_756 = vector.broadcast %mul3A_755 : f32 to vector<4x128xf32>
        %mul3A_757 = arith.mulf %add3A_754, %mul3A_756 : vector<4x128xf32>
        %round3A_758 = math.roundeven %mul3A_757 : vector<4x128xf32>
        %mul3A_759 = arith.constant 4 : i32
        %mul3A_760 = arith.muli %scan3A_430, %mul3A_759 : i32
        %add3A_761 = arith.constant 1408 : i32
        %add3A_762 = arith.addi %add3A_761, %mul3A_760 : i32
        %get3A_763 = arith.index_cast %add3A_762 : i32 to index
        %get3A_764 = arith.constant 0 : index
        %get3A_765 = vector.load %arg9[%get3A_763, %get3A_764] : memref<2048x128xf32, #tpu.memory_space<vmem>>, vector<4x128xf32>
        %mul3A_766 = vector.broadcast %get3A_1 : vector<1x128xf32> to vector<4x128xf32>
        %mul3A_767 = arith.mulf %round3A_758, %mul3A_766 : vector<4x128xf32>
        %add3A_768 = arith.addf %mul3A_767, %get3A_765 : vector<4x128xf32>
        %max3A_769 = arith.constant 0.000000e+00 : f32
        %max3A_770 = vector.broadcast %max3A_769 : f32 to vector<4x128xf32>
        %max3A_771 = arith.maximumf %add3A_768, %max3A_770 : vector<4x128xf32>
        %dot_general3A_772 = arith.constant dense<0.000000e+00> : vector<4x128xf32>
        %dot_general3A_773 = tpu.matmul %max3A_771, %get3A_4, %dot_general3A_772 {dimension_numbers = #tpu.dot_dimension_numbers<[1], [0], [0], [1], [0, 0, 1, 1], [], []>, transpose_lhs_hint = false} : vector<4x128xf32>, vector<128x128xf32>, vector<4x128xf32> -> vector<4x128xf32>
        %add3A_774 = vector.broadcast %get3A_7 : vector<1x128xf32> to vector<4x128xf32>
        %add3A_775 = arith.addf %dot_general3A_773, %add3A_774 : vector<4x128xf32>
        %max3A_776 = arith.constant 0.000000e+00 : f32
        %max3A_777 = vector.broadcast %max3A_776 : f32 to vector<4x128xf32>
        %max3A_778 = arith.maximumf %add3A_775, %max3A_777 : vector<4x128xf32>
        %dot_general3A_779 = arith.constant dense<0.000000e+00> : vector<4x128xf32>
        %dot_general3A_780 = tpu.matmul %max3A_778, %get3A_10, %dot_general3A_779 {dimension_numbers = #tpu.dot_dimension_numbers<[1], [0], [0], [1], [0, 0, 1, 1], [], []>, transpose_lhs_hint = false} : vector<4x128xf32>, vector<128x128xf32>, vector<4x128xf32> -> vector<4x128xf32>
        %add3A_781 = vector.broadcast %get3A_14 : f32 to vector<4x128xf32>
        %add3A_782 = arith.addf %dot_general3A_780, %add3A_781 : vector<4x128xf32>
        %mul3A_783 = arith.constant 5.000000e+01 : f32
        %mul3A_784 = vector.broadcast %mul3A_783 : f32 to vector<4x128xf32>
        %mul3A_785 = arith.mulf %add3A_782, %mul3A_784 : vector<4x128xf32>
        %round3A_786 = math.roundeven %mul3A_785 : vector<4x128xf32>
        %mul3A_787 = arith.constant 4 : i32
        %mul3A_788 = arith.muli %scan3A_430, %mul3A_787 : i32
        %add3A_789 = arith.constant 1536 : i32
        %add3A_790 = arith.addi %add3A_789, %mul3A_788 : i32
        %get3A_791 = arith.index_cast %add3A_790 : i32 to index
        %get3A_792 = arith.constant 0 : index
        %get3A_793 = vector.load %arg9[%get3A_791, %get3A_792] : memref<2048x128xf32, #tpu.memory_space<vmem>>, vector<4x128xf32>
        %mul3A_794 = vector.broadcast %get3A_1 : vector<1x128xf32> to vector<4x128xf32>
        %mul3A_795 = arith.mulf %round3A_786, %mul3A_794 : vector<4x128xf32>
        %add3A_796 = arith.addf %mul3A_795, %get3A_793 : vector<4x128xf32>
        %max3A_797 = arith.constant 0.000000e+00 : f32
        %max3A_798 = vector.broadcast %max3A_797 : f32 to vector<4x128xf32>
        %max3A_799 = arith.maximumf %add3A_796, %max3A_798 : vector<4x128xf32>
        %dot_general3A_800 = arith.constant dense<0.000000e+00> : vector<4x128xf32>
        %dot_general3A_801 = tpu.matmul %max3A_799, %get3A_4, %dot_general3A_800 {dimension_numbers = #tpu.dot_dimension_numbers<[1], [0], [0], [1], [0, 0, 1, 1], [], []>, transpose_lhs_hint = false} : vector<4x128xf32>, vector<128x128xf32>, vector<4x128xf32> -> vector<4x128xf32>
        %add3A_802 = vector.broadcast %get3A_7 : vector<1x128xf32> to vector<4x128xf32>
        %add3A_803 = arith.addf %dot_general3A_801, %add3A_802 : vector<4x128xf32>
        %max3A_804 = arith.constant 0.000000e+00 : f32
        %max3A_805 = vector.broadcast %max3A_804 : f32 to vector<4x128xf32>
        %max3A_806 = arith.maximumf %add3A_803, %max3A_805 : vector<4x128xf32>
        %dot_general3A_807 = arith.constant dense<0.000000e+00> : vector<4x128xf32>
        %dot_general3A_808 = tpu.matmul %max3A_806, %get3A_10, %dot_general3A_807 {dimension_numbers = #tpu.dot_dimension_numbers<[1], [0], [0], [1], [0, 0, 1, 1], [], []>, transpose_lhs_hint = false} : vector<4x128xf32>, vector<128x128xf32>, vector<4x128xf32> -> vector<4x128xf32>
        %add3A_809 = vector.broadcast %get3A_14 : f32 to vector<4x128xf32>
        %add3A_810 = arith.addf %dot_general3A_808, %add3A_809 : vector<4x128xf32>
        %mul3A_811 = arith.constant 5.000000e+01 : f32
        %mul3A_812 = vector.broadcast %mul3A_811 : f32 to vector<4x128xf32>
        %mul3A_813 = arith.mulf %add3A_810, %mul3A_812 : vector<4x128xf32>
        %round3A_814 = math.roundeven %mul3A_813 : vector<4x128xf32>
        %mul3A_815 = arith.constant 4 : i32
        %mul3A_816 = arith.muli %scan3A_430, %mul3A_815 : i32
        %add3A_817 = arith.constant 1664 : i32
        %add3A_818 = arith.addi %add3A_817, %mul3A_816 : i32
        %get3A_819 = arith.index_cast %add3A_818 : i32 to index
        %get3A_820 = arith.constant 0 : index
        %get3A_821 = vector.load %arg9[%get3A_819, %get3A_820] : memref<2048x128xf32, #tpu.memory_space<vmem>>, vector<4x128xf32>
        %mul3A_822 = vector.broadcast %get3A_1 : vector<1x128xf32> to vector<4x128xf32>
        %mul3A_823 = arith.mulf %round3A_814, %mul3A_822 : vector<4x128xf32>
        %add3A_824 = arith.addf %mul3A_823, %get3A_821 : vector<4x128xf32>
        %max3A_825 = arith.constant 0.000000e+00 : f32
        %max3A_826 = vector.broadcast %max3A_825 : f32 to vector<4x128xf32>
        %max3A_827 = arith.maximumf %add3A_824, %max3A_826 : vector<4x128xf32>
        %dot_general3A_828 = arith.constant dense<0.000000e+00> : vector<4x128xf32>
        %dot_general3A_829 = tpu.matmul %max3A_827, %get3A_4, %dot_general3A_828 {dimension_numbers = #tpu.dot_dimension_numbers<[1], [0], [0], [1], [0, 0, 1, 1], [], []>, transpose_lhs_hint = false} : vector<4x128xf32>, vector<128x128xf32>, vector<4x128xf32> -> vector<4x128xf32>
        %add3A_830 = vector.broadcast %get3A_7 : vector<1x128xf32> to vector<4x128xf32>
        %add3A_831 = arith.addf %dot_general3A_829, %add3A_830 : vector<4x128xf32>
        %max3A_832 = arith.constant 0.000000e+00 : f32
        %max3A_833 = vector.broadcast %max3A_832 : f32 to vector<4x128xf32>
        %max3A_834 = arith.maximumf %add3A_831, %max3A_833 : vector<4x128xf32>
        %dot_general3A_835 = arith.constant dense<0.000000e+00> : vector<4x128xf32>
        %dot_general3A_836 = tpu.matmul %max3A_834, %get3A_10, %dot_general3A_835 {dimension_numbers = #tpu.dot_dimension_numbers<[1], [0], [0], [1], [0, 0, 1, 1], [], []>, transpose_lhs_hint = false} : vector<4x128xf32>, vector<128x128xf32>, vector<4x128xf32> -> vector<4x128xf32>
        %add3A_837 = vector.broadcast %get3A_14 : f32 to vector<4x128xf32>
        %add3A_838 = arith.addf %dot_general3A_836, %add3A_837 : vector<4x128xf32>
        %mul3A_839 = arith.constant 5.000000e+01 : f32
        %mul3A_840 = vector.broadcast %mul3A_839 : f32 to vector<4x128xf32>
        %mul3A_841 = arith.mulf %add3A_838, %mul3A_840 : vector<4x128xf32>
        %round3A_842 = math.roundeven %mul3A_841 : vector<4x128xf32>
        %mul3A_843 = arith.constant 4 : i32
        %mul3A_844 = arith.muli %scan3A_430, %mul3A_843 : i32
        %add3A_845 = arith.constant 1792 : i32
        %add3A_846 = arith.addi %add3A_845, %mul3A_844 : i32
        %get3A_847 = arith.index_cast %add3A_846 : i32 to index
        %get3A_848 = arith.constant 0 : index
        %get3A_849 = vector.load %arg9[%get3A_847, %get3A_848] : memref<2048x128xf32, #tpu.memory_space<vmem>>, vector<4x128xf32>
        %mul3A_850 = vector.broadcast %get3A_1 : vector<1x128xf32> to vector<4x128xf32>
        %mul3A_851 = arith.mulf %round3A_842, %mul3A_850 : vector<4x128xf32>
        %add3A_852 = arith.addf %mul3A_851, %get3A_849 : vector<4x128xf32>
        %max3A_853 = arith.constant 0.000000e+00 : f32
        %max3A_854 = vector.broadcast %max3A_853 : f32 to vector<4x128xf32>
        %max3A_855 = arith.maximumf %add3A_852, %max3A_854 : vector<4x128xf32>
        %dot_general3A_856 = arith.constant dense<0.000000e+00> : vector<4x128xf32>
        %dot_general3A_857 = tpu.matmul %max3A_855, %get3A_4, %dot_general3A_856 {dimension_numbers = #tpu.dot_dimension_numbers<[1], [0], [0], [1], [0, 0, 1, 1], [], []>, transpose_lhs_hint = false} : vector<4x128xf32>, vector<128x128xf32>, vector<4x128xf32> -> vector<4x128xf32>
        %add3A_858 = vector.broadcast %get3A_7 : vector<1x128xf32> to vector<4x128xf32>
        %add3A_859 = arith.addf %dot_general3A_857, %add3A_858 : vector<4x128xf32>
        %max3A_860 = arith.constant 0.000000e+00 : f32
        %max3A_861 = vector.broadcast %max3A_860 : f32 to vector<4x128xf32>
        %max3A_862 = arith.maximumf %add3A_859, %max3A_861 : vector<4x128xf32>
        %dot_general3A_863 = arith.constant dense<0.000000e+00> : vector<4x128xf32>
        %dot_general3A_864 = tpu.matmul %max3A_862, %get3A_10, %dot_general3A_863 {dimension_numbers = #tpu.dot_dimension_numbers<[1], [0], [0], [1], [0, 0, 1, 1], [], []>, transpose_lhs_hint = false} : vector<4x128xf32>, vector<128x128xf32>, vector<4x128xf32> -> vector<4x128xf32>
        %add3A_865 = vector.broadcast %get3A_14 : f32 to vector<4x128xf32>
        %add3A_866 = arith.addf %dot_general3A_864, %add3A_865 : vector<4x128xf32>
        %mul3A_867 = arith.constant 5.000000e+01 : f32
        %mul3A_868 = vector.broadcast %mul3A_867 : f32 to vector<4x128xf32>
        %mul3A_869 = arith.mulf %add3A_866, %mul3A_868 : vector<4x128xf32>
        %round3A_870 = math.roundeven %mul3A_869 : vector<4x128xf32>
        %mul3A_871 = arith.constant 4 : i32
        %mul3A_872 = arith.muli %scan3A_430, %mul3A_871 : i32
        %add3A_873 = arith.constant 1920 : i32
        %add3A_874 = arith.addi %add3A_873, %mul3A_872 : i32
        %get3A_875 = arith.index_cast %add3A_874 : i32 to index
        %get3A_876 = arith.constant 0 : index
        %get3A_877 = vector.load %arg9[%get3A_875, %get3A_876] : memref<2048x128xf32, #tpu.memory_space<vmem>>, vector<4x128xf32>
        %mul3A_878 = vector.broadcast %get3A_1 : vector<1x128xf32> to vector<4x128xf32>
        %mul3A_879 = arith.mulf %round3A_870, %mul3A_878 : vector<4x128xf32>
        %add3A_880 = arith.addf %mul3A_879, %get3A_877 : vector<4x128xf32>
        %max3A_881 = arith.constant 0.000000e+00 : f32
        %max3A_882 = vector.broadcast %max3A_881 : f32 to vector<4x128xf32>
        %max3A_883 = arith.maximumf %add3A_880, %max3A_882 : vector<4x128xf32>
        %dot_general3A_884 = arith.constant dense<0.000000e+00> : vector<4x128xf32>
        %dot_general3A_885 = tpu.matmul %max3A_883, %get3A_4, %dot_general3A_884 {dimension_numbers = #tpu.dot_dimension_numbers<[1], [0], [0], [1], [0, 0, 1, 1], [], []>, transpose_lhs_hint = false} : vector<4x128xf32>, vector<128x128xf32>, vector<4x128xf32> -> vector<4x128xf32>
        %add3A_886 = vector.broadcast %get3A_7 : vector<1x128xf32> to vector<4x128xf32>
        %add3A_887 = arith.addf %dot_general3A_885, %add3A_886 : vector<4x128xf32>
        %max3A_888 = arith.constant 0.000000e+00 : f32
        %max3A_889 = vector.broadcast %max3A_888 : f32 to vector<4x128xf32>
        %max3A_890 = arith.maximumf %add3A_887, %max3A_889 : vector<4x128xf32>
        %dot_general3A_891 = arith.constant dense<0.000000e+00> : vector<4x128xf32>
        %dot_general3A_892 = tpu.matmul %max3A_890, %get3A_10, %dot_general3A_891 {dimension_numbers = #tpu.dot_dimension_numbers<[1], [0], [0], [1], [0, 0, 1, 1], [], []>, transpose_lhs_hint = false} : vector<4x128xf32>, vector<128x128xf32>, vector<4x128xf32> -> vector<4x128xf32>
        %add3A_893 = vector.broadcast %get3A_14 : f32 to vector<4x128xf32>
        %add3A_894 = arith.addf %dot_general3A_892, %add3A_893 : vector<4x128xf32>
        %mul3A_895 = arith.constant 5.000000e+01 : f32
        %mul3A_896 = vector.broadcast %mul3A_895 : f32 to vector<4x128xf32>
        %mul3A_897 = arith.mulf %add3A_894, %mul3A_896 : vector<4x128xf32>
        %round3A_898 = math.roundeven %mul3A_897 : vector<4x128xf32>
        %while3A_899 = arith.constant 0 : i32
        %while3A_900 = arith.constant true
        %while3A_901:3 = scf.while (%while3A_902 = %while3A_899, %while3A_903 = %round3A_898, %while3A_904 = %while3A_900) : (i32, vector<4x128xf32>, i1) -> (i32, vector<4x128xf32>, i1) {
          %lt3A_905 = arith.constant 48 : i32
          %lt3A_906 = arith.cmpi slt, %while3A_902, %lt3A_905 : i32
          %and3A = arith.andi %lt3A_906, %while3A_904 : i1
          scf.condition(%and3A) %while3A_902, %while3A_903, %while3A_904 : i32, vector<4x128xf32>, i1
        } do {
        ^bb0(%while3A_902: i32, %while3A_903: vector<4x128xf32>, %while3A_904: i1):
          %mul3A_905 = vector.broadcast %get3A_1 : vector<1x128xf32> to vector<4x128xf32>
          %mul3A_906 = arith.mulf %while3A_903, %mul3A_905 : vector<4x128xf32>
          %add3A_907 = vector.broadcast %get3A_26 : vector<1x128xf32> to vector<4x128xf32>
          %add3A_908 = arith.addf %mul3A_906, %add3A_907 : vector<4x128xf32>
          %max3A_909 = arith.constant 0.000000e+00 : f32
          %max3A_910 = vector.broadcast %max3A_909 : f32 to vector<4x128xf32>
          %max3A_911 = arith.maximumf %add3A_908, %max3A_910 : vector<4x128xf32>
          %dot_general3A_912 = arith.constant dense<0.000000e+00> : vector<4x128xf32>
          %dot_general3A_913 = tpu.matmul %max3A_911, %get3A_4, %dot_general3A_912 {dimension_numbers = #tpu.dot_dimension_numbers<[1], [0], [0], [1], [0, 0, 1, 1], [], []>, transpose_lhs_hint = false} : vector<4x128xf32>, vector<128x128xf32>, vector<4x128xf32> -> vector<4x128xf32>
          %add3A_914 = vector.broadcast %get3A_7 : vector<1x128xf32> to vector<4x128xf32>
          %add3A_915 = arith.addf %dot_general3A_913, %add3A_914 : vector<4x128xf32>
          %max3A_916 = arith.constant 0.000000e+00 : f32
          %max3A_917 = vector.broadcast %max3A_916 : f32 to vector<4x128xf32>
          %max3A_918 = arith.maximumf %add3A_915, %max3A_917 : vector<4x128xf32>
          %dot_general3A_919 = arith.constant dense<0.000000e+00> : vector<4x128xf32>
          %dot_general3A_920 = tpu.matmul %max3A_918, %get3A_10, %dot_general3A_919 {dimension_numbers = #tpu.dot_dimension_numbers<[1], [0], [0], [1], [0, 0, 1, 1], [], []>, transpose_lhs_hint = false} : vector<4x128xf32>, vector<128x128xf32>, vector<4x128xf32> -> vector<4x128xf32>
          %add3A_921 = vector.broadcast %get3A_14 : f32 to vector<4x128xf32>
          %add3A_922 = arith.addf %dot_general3A_920, %add3A_921 : vector<4x128xf32>
          %mul3A_923 = arith.constant 5.000000e+01 : f32
          %mul3A_924 = vector.broadcast %mul3A_923 : f32 to vector<4x128xf32>
          %mul3A_925 = arith.mulf %add3A_922, %mul3A_924 : vector<4x128xf32>
          %round3A_926 = math.roundeven %mul3A_925 : vector<4x128xf32>
          %add3A_927 = arith.constant 1 : i32
          %add3A_928 = arith.addi %while3A_902, %add3A_927 : i32
          %ne3A = arith.cmpf one, %round3A_926, %while3A_903 : vector<4x128xf32>
          %reduce_or3A = arith.constant 1.000000e+00 : f32
          %reduce_or3A_929 = arith.constant 0.000000e+00 : f32
          %reduce_or3A_930 = vector.broadcast %reduce_or3A : f32 to vector<4x128xf32>
          %reduce_or3A_931 = vector.broadcast %reduce_or3A_929 : f32 to vector<4x128xf32>
          %reduce_or3A_932 = arith.select %ne3A, %reduce_or3A_930, %reduce_or3A_931 : vector<4x128xi1>, vector<4x128xf32>
          %reduce_or3A_933 = vector.shape_cast %reduce_or3A_932 : vector<4x128xf32> to vector<1x4x128xf32>
          %reduce_or3A_934 = arith.constant dense<0xFF800000> : vector<1xf32>
          %reduce_or3A_935 = vector.multi_reduction <maximumf>, %reduce_or3A_933, %reduce_or3A_934 [1, 2] : vector<1x4x128xf32> to vector<1xf32>
          %reduce_or3A_936 = vector.shape_cast %reduce_or3A_935 : vector<1xf32> to vector<1x1x1xf32>
          %reduce_or3A_937 = vector.extract %reduce_or3A_936[0, 0, 0] : f32 from vector<1x1x1xf32>
          %reduce_or3A_938 = arith.constant 0.000000e+00 : f32
          %reduce_or3A_939 = arith.cmpf ogt, %reduce_or3A_937, %reduce_or3A_938 : f32
          scf.yield %add3A_928, %round3A_926, %reduce_or3A_939 : i32, vector<4x128xf32>, i1
        }
        scf.yield %while3A_901#1 : vector<4x128xf32>
      }
      scf.yield %cond3A_450 : vector<4x128xf32>
    }
    %scan3A_426 = arith.constant 31 : i32
    %slice3A = vector.extract_strided_slice %scan3A_425 {offsets = [0, 0], sizes = [4, 1], strides = [1, 1]} : vector<4x128xf32> to vector<4x1xf32>
    %swap3A_427 = arith.constant 0 : index
    %swap3A_428 = arith.constant 0 : index
    %swap3A_429 = vector.load %arg8[%swap3A_427, %swap3A_428] : memref<4x1xf32, #tpu.memory_space<vmem>>, vector<4x1xf32>
    tpu.vector_store %arg8[%swap3A_427, %swap3A_428], %slice3A {strides = array<i32>} : memref<4x1xf32, #tpu.memory_space<vmem>>, vector<4x1xf32>,
    return
  }
}

</mosaic_0001>

<sc_bundles>
// kernel: kernel.5.cloned.1.call-start
scs
__scs_entry_jumppad:
0x0: {  	(pc) =	sbr.rel $0x88, $3  }
0x1: {  	(tag) =	ssettag $0x0;
	lr =	simm.s32 $0x1  }
0x2: {  	[smem:$0x3F91] =	sst lr;
	_ =	strace $0xD0000000  }
0x3: {  	_ = 	snop  }
0x4: {  	_ = 	snop  }
0x5: {  	_ = 	snop  }
0x6: {  	_ = 	snop  }
0x7: {  	_ = 	snop  }
__scs_overlays_trampoline_lowered:
0x8: {  	[smem:$0x3FA0] =	sst s0  }
0x9: {  	[smem:$0x3FA1] =	sst s1  }
0xa: {  	[smem:$0x3FA2] =	sst s2  }
0xb: {  	[smem:$0x3FA3] =	sst s3  }
0xc: {  	[smem:$0x3FA4] =	sst s4  }
0xd: {  	[smem:$0x3FA5] =	sst s5  }
0xe: {  	[smem:$0x3FA6] =	sst s6  }
0xf: {  	[smem:$0x3FA7] =	sst s7  }
0x10: {  	[smem:$0x3FA8] =	sst s8  }
0x11: {  	[smem:$0x3FA9] =	sst s9;
	s0 =	simm.s32 @!p0 $0x0  }
0x12: {  	s1 =	sld [smem:$0x3F8F];
	s0 =	simm.s32 @p0 $0x1  }
0x13: {  	[smem:$0x3FAA] =	sst s0;
	s0 =	simm.s32 @!p1 $0x0  }
0x14: {  	s2 =	sld [smem:$0x3F8E];
	s0 =	simm.s32 @p1 $0x1  }
0x15: {  	[smem:$0x3FAB] =	sst s0;
	s0 =	simm.s32 @!p2 $0x0  }
0x16: {  	s3 =	sld [smem:$0x3FDB];
	s0 =	simm.s32 @p2 $0x1  }
0x17: {  	s4 =	simm.s32 $0x1BF5;
	[smem:$0x3FAD] =	sst s0  }
0x18: {  	s0 =	sld [smem:$0x3F90];
	_ =	swait.ge [sflag:s4], $0x0  }
0x19: {  	s7 =	sld [smem:$0x3F91]  }
0x1a: {  	s8 =	sadd.s32 $0xFFFFE003, lr  }
0x1b: {  	s9 =	sadd.s32 $0xFFFFFEF7, lr;
	s5 =	simm.s32 $0xFFFFFFFF;
	p2 =	slt.u32 s8, $0xFFFFF086  }
0x1c: {  	p1 =	slt.u32 s9, $0xF7A;
	s5 =	simm.s32 @!p2 $0x0  }
0x1d: {  	s5 =	simm.s32 @p1 $0x1;
	p0 =	seq.s32 s7, s2  }
0x1e: {  	s7 =	smul.u32 @!p0 $0xF7A, s2;
	p2 =	seq.s32 @!p0 s5, $0x0  }
0x1f: {  	s9 =	smul.u32 $0xF7A, s1;
	s8 =	simm.s32 @!p0 $0x1BF5;
	p2 =	por !p2, p0  }
0x20: {  	[sflag:s8] =	ssyncset.s32 @!p0 $0xFFFFF086;
	s6 =	sadd.s32 @!p0 s3, s7;
	s7 =	simm.s32 @!p0 $0x108  }
0x21: {  	s3 =	sadd.s32 s3, s9;
	s6 =	sadd.s32 @!p0 $0x88, s6;
	s7 =	simm.s32 @p2 $0x1082  }
0x22: {  	[simem:s7], [sflag:s8] =	dma.local @!p0 [hbm:s6], $0xF7A  }
0x23: {  	s9 =	sor.u32 $0xD0000000, s2;
	s6 =	simm.s32 $0x108;
	_ =	swait.ge @!p0 [sflag:s8], $0x0  }
0x24: {  	s3 =	sadd.s32 $0x88, s3;
	s6 =	simm.s32 @!p1 $0x1082;
	[sflag:s4] =	ssyncset.s32 $0xFFFFF086  }
0x25: {  	[simem:s6], [sflag:s4] =	dma.local [hbm:s3], $0xF7A  }
0x26: {  	[smem:$0x3F91] =	sst s1;
	(tag) =	ssettag s2;
	_ =	strace s9  }
0x27: {  	s1 =	sld [smem:$0x3FA1]  }
0x28: {  	s2 =	sld [smem:$0x3FA2]  }
0x29: {  	s4 =	sld [smem:$0x3FA4]  }
0x2a: {  	p0 =	seq.s32 s5, $0x0;
	s5 =	sld [smem:$0x3FA5]  }
0x2b: {  	s6 =	sld [smem:$0x3FA6]  }
0x2c: {  	s7 =	sld [smem:$0x3FA7]  }
0x2d: {  	s3 =	simm.s32 $0x108;
	s8 =	sld [smem:$0x3FA8]  }
0x2e: {  	s3 =	simm.s32 @!p0 $0x1082;
	s9 =	sld [smem:$0x3FA9]  }
0x2f: {  	lr =	sadd.s32 s0, s3;
	s0 =	sld [smem:$0x3FA0]  }
0x30: {  	s3 =	sld [smem:$0x3FA3]  }
0x31: {  	[smem:$0x3FAC] =	sst s10  }
0x32: {  	s10 =	sld [smem:$0x3FAA];
	_ =	sdelay $0x3  }
0x33: {  	p0 =	seq.s32 s10, $0x1;
	s10 =	sld [smem:$0x3FAC];
	_ =	sdelay $0x3  }
0x34: {  	[smem:$0x3FAC] =	sst s10  }
0x35: {  	s10 =	sld [smem:$0x3FAB];
	_ =	sdelay $0x3  }
0x36: {  	p1 =	seq.s32 s10, $0x1;
	s10 =	sld [smem:$0x3FAC];
	_ =	sdelay $0x3  }
0x37: {  	[smem:$0x3FAC] =	sst s10  }
0x38: {  	s10 =	sld [smem:$0x3FAD]  }
0x39: {  	_ = 	snop;
	(pc) =	sbr.ind lr, $3  }
0x3a: {  	_ = 	snop  }
0x3b: {  	_ = 	snop  }
0x3c: {  	p2 =	seq.s32 s10, $0x1;
	s10 =	sld [smem:$0x3FAC]  }
0x3d: {  	_ =	shalt  }
0x3e: {  	_ =	shalt  }
0x3f: {  	_ =	shalt  }
0x40: {  	_ =	shalt  }
0x41: {  	_ =	shalt  }
0x42: {  	_ =	shalt  }
0x43: {  	_ =	shalt  }
0x44: {  	_ =	shalt  }
0x45: {  	_ =	shalt  }
0x46: {  	_ =	shalt  }
0x47: {  	_ =	shalt  }
0x48: {  	_ =	shalt  }
0x49: {  	_ =	shalt  }
0x4a: {  	_ =	shalt  }
0x4b: {  	_ =	shalt  }
0x4c: {  	_ =	shalt  }
0x4d: {  	_ =	shalt  }
0x4e: {  	_ =	shalt  }
0x4f: {  	_ =	shalt  }
0x50: {  	_ =	shalt  }
0x51: {  	_ =	shalt  }
0x52: {  	_ =	shalt  }
0x53: {  	_ =	shalt  }
0x54: {  	_ =	shalt  }
0x55: {  	_ =	shalt  }
0x56: {  	_ =	shalt  }
0x57: {  	_ =	shalt  }
0x58: {  	_ =	shalt  }
0x59: {  	_ =	shalt  }
0x5a: {  	_ =	shalt  }
0x5b: {  	_ =	shalt  }
0x5c: {  	_ =	shalt  }
0x5d: {  	_ =	shalt  }
0x5e: {  	_ =	shalt  }
0x5f: {  	_ =	shalt  }
0x60: {  	_ =	shalt  }
0x61: {  	_ =	shalt  }
0x62: {  	_ =	shalt  }
0x63: {  	_ =	shalt  }
0x64: {  	_ =	shalt  }
0x65: {  	_ =	shalt  }
0x66: {  	_ =	shalt  }
0x67: {  	_ =	shalt  }
0x68: {  	_ =	shalt  }
0x69: {  	_ =	shalt  }
0x6a: {  	_ =	shalt  }
0x6b: {  	_ =	shalt  }
0x6c: {  	_ =	shalt  }
0x6d: {  	_ =	shalt  }
0x6e: {  	_ =	shalt  }
0x6f: {  	_ =	shalt  }
0x70: {  	_ =	shalt  }
0x71: {  	_ =	shalt  }
0x72: {  	_ =	shalt  }
0x73: {  	_ =	shalt  }
0x74: {  	_ =	shalt  }
0x75: {  	_ =	shalt  }
0x76: {  	_ =	shalt  }
0x77: {  	_ =	shalt  }
0x78: {  	_ =	shalt  }
0x79: {  	_ =	shalt  }
0x7a: {  	_ =	shalt  }
0x7b: {  	_ =	shalt  }
0x7c: {  	_ =	shalt  }
0x7d: {  	_ =	shalt  }
0x7e: {  	_ =	shalt  }
0x7f: {  	_ =	shalt  }
0x80: {  	_ =	shalt  }
0x81: {  	_ =	shalt  }
0x82: {  	_ =	shalt  }
0x83: {  	_ =	shalt  }
0x84: {  	_ =	shalt  }
0x85: {  	_ =	shalt  }
0x86: {  	_ =	shalt  }
0x87: {  	_ =	shalt  }
.Lfunc_end0:
.L_simem_size_0:
called_computation_lowered:
.L_overlay_start_0:
0x88: {  	s2 =	sld [smem:$0x3FD9]  }
0x89: {  	s3 =	sld [smem:$0x3FFE];
	_ =	sdelay $0x1  }
0x8a: {  	s1 =	srdreg.scid  }
0x8b: {  	s0 =	sand.u32 $0x1, s1  }
0x8c: {  	s16 =	sshll.u32 s0, $0xA;
	s2 =	sadd.s32 s3, s2  }
0x8d: {  	s2 =	sadd.s32 s2, s16  }
0x8e: {  	[smem:$0x3FB8] =	sst s2  }
0x8f: {  	_ = 	snop  }
0x90: {  	(tm) =	ssettm $0x1  }
0x91: {  	s17 =	sld [smem:$0x3FFB];
	_ =	sdelay $0x3  }
0x92: {  	_ =	strace s17  }
0x93: {  	s2 =	sld [smem:$0x3FFC];
	_ =	sdelay $0x3  }
0x94: {  	_ =	strace s2  }
0x95: {  	s2 =	sld [smem:$0x3FFD];
	_ =	sdelay $0x3  }
0x96: {  	_ =	strace s2  }
0x97: {  	_ =	strace $0x8FFFFFFF  }
0x98: {  	s18 =	sld [smem:$0x3FDB];
	_ =	sdelay $0x1  }
0x99: {  	s19 =	simm.s32 $_scs_section_size  }
0x9a: {  	s4 =	simm.s32 $_size__tile_overlayer_lowered;
	s5 =	simm.s32 $_tile_overlayer_lowered  }
0x9b: {  	s22 =	simm.s32 $0x1BFF;
	s21 =	sshll.u32 s5, $0x1;
	s2 =	sadd.s32 s19, s18  }
0x9c: {  	s6 =	simm.s32 $0x0;
	s20 =	sshll.u32 s4, $0x1;
	s4 =	sadd.s32 s21, s2  }
0x9d: {  	[timem:s6], [sflag:s22] =	dma.local [hbm:s4], s20  }
0x9e: {  	_ =	swait.ge [sflag:s22], s20  }
0x9f: {  	s3 =	ssub.s32 $0x0, s20;
	[sflag:s22] =	ssyncset.done $0x0  }
0xa0: {  	[sflag:s22] =	ssyncadd.s32 s3;
	_ =	sdelay $0x1  }
0xa1: {  	s23 =	simm.s32 $0x1B8B  }
0xa2: {  	_ =	swait.ge [sflag:s23], $0x1  }
0xa3: {  	[sflag:s23] =	ssyncset.done $0x0  }
0xa4: {  	s25 =	simm.s32 $0x1B8E;
	s24 =	sld [smem:$0x3FFE];
	[sflag:s23] =	ssyncadd.s32 $0xFFFFFFFF  }
0xa5: {  	s26 =	simm.s32 $execute0_lowered;
	[smem:$0x3FD2] =	sst s25  }
0xa6: {  	s4 =	sshll.u32 s26, $0x1;
	_ =	strace $0x80000046;
	[dreg:$0x1] =	wrdreg $0xFFFFFFFF  }
0xa7: {  	s28 =	simm.s32 $_size_execute0_lowered;
	s2 =	sadd.s32 s2, s4;
	[dreg:$0x0] =	wrdreg $0x0  }
0xa8: {  	s4 =	sshll.u32 s28, $0x1;
	[dreg:$0x2] =	wrdreg s2  }
0xa9: {  	[dreg:$0x3] =	wrdreg s4  }
0xaa: {  	[dreg:$0x4] =	wrdreg $0xC0  }
0xab: {  	_ =	task [dreg:s6], $0x5FFFF  }
0xac: {  	[dreg:$0x1] =	wrdreg $0xFFFFFFFF  }
0xad: {  	[dreg:$0x0] =	wrdreg $0x60  }
0xae: {  	[dreg:$0x2] =	wrdreg s24  }
0xaf: {  	[dreg:$0x3] =	wrdreg $0x9  }
0xb0: {  	_ =	task.clear_ibuf [dreg:s6], $0x4FFFF;
	_ =	strace $0x90000046  }
0xb1: {  	s29 =	simm.s32 $0x9;
	_ =	strace $0x80000048  }
0xb2: {  	_ =	swait.ge [sflag:s29], $0x1  }
0xb3: {  	[sflag:s29] =	ssyncadd.s32 $0xFFFFFFFF  }
0xb4: {  	_ =	strace $0x90000048  }
0xb5: {  	_ =	sfence  }
0xb6: {  	s30 =	sld [smem:$0x0];
	_ =	sdelay $0x2  }
0xb7: {  	s31 =	sshll.u32 s1, $0xD;
	s1 =	sshrl.u32 s1, $0x2  }
0xb8: {  	s3 =	sand.u32 $0x4000, s31;
	s1 =	sadd.s32 s1, s30  }
0xb9: {  	s0 =	sor.u32 s3, s0;
	s1 =	sshll.u32 s1, $0x11  }
0xba: {  	s0 =	sor.u32 s1, s0  }
0xbb: {  	s0 =	sadd.s32 $0x8F2B, s0  }
0xbc: {  	[sflag:s0] =	ssyncadd.remote.s32 $0x1  }
0xbd: {  	_ =	sfence.sel $0xFFFF  }
0xbe: {  	[dreg:$0x0] =	wrdreg $0xFFFFFFFF;
	(pc) =	sbr.abs _section_cstart, $3  }
0xbf: {  	[dreg:$0x1] =	wrdreg $0xFFFFFFFF  }
0xc0: {  	_ =	task.clear_ibuf [dreg:s6], $0x2FFFF;
	_ =	strace $0x9FFFFFFF  }
0xc1: {  	(tm) =	ssettm $0x7FFFFFFF  }
tec
execute0_lowered:
.L_overlay_start_1:
0x0: {  	(tag) =	ssettag $0x1  }
0x1: {  	s1 =	srdreg.scid  }
0x2: {  	s1 =	sand.u32 $0x1, s1  }
0x3: {  	p0 =	seq.s32 s1, $0x1  }
.Ltmp0:
0x4: {  	_ = 	snop;
	(pc) =	sbr.rel @p0 .LBB2_2-.Ltmp0, $4  }
0x5: {  	_ = 	snop  }
0x6: {  	s2 =	rddreg [dreg:$0x0];
	s3 =	simm.s32 $0x0  }
0x7: {  	[smem:$0x7FF] =	sst s3  }
0x8: {  	s0 =	rddreg [dreg:$0x1];
	_ =	strace $0x80000047;
	s1 =	stileid.u32  }
0x9: {  	s5 =	sadd.s32 $0x2000, s2;
	s4 =	sshll.u32 s1, $0x7  }
0xa: {  	s28 =	simm.s32 $0x1;
	s5 =	sadd.s32 s5, s4  }
0xb: {  	[tilespmem:s3], [sflag:$0x1] =	stream.linear.gather [hbm4b:s5+s3], $0x400, $0x38;
	[tilespmem:$0xC00] =	vst v63  }
0xc: {  	_ =	swait.ge [sflag:s28], $0x400  }
0xd: {  	[sflag:s28] =	ssyncset.done $0x0  }
0xe: {  	[sflag:s28] =	ssyncadd.s32 $0xFFFFFC00  }
0xf: {  	v0 =	vld [tilespmem:$0x0]  }
0x10: {  	v1 =	vld [tilespmem:$0x200]  }
0x11: {  	v2 =	vld [tilespmem:$0x80]  }
0x12: {  	v3 =	vld [tilespmem:$0x280]  }
0x13: {  	v4 =	vld [tilespmem:$0x100]  }
0x14: {  	v5 =	vld [tilespmem:$0x300]  }
0x15: {  	v6 =	vld [tilespmem:$0x180]  }
0x16: {  	v32 =	vld [tilespmem:$0x380];
	_ =	sdelay $0x1  }
0x17: {  	vm0 =	vgt.f32 v0, $0.0e+00;
	vm1 =	vgt.f32 v1, $0.0e+00  }
0x18: {  	v1 =	vimm.s32 $0x0;
	vm4 =	vgt.f32 v2, $0.0e+00;
	vm2 =	vgt.f32 v3, $0.0e+00  }
0x19: {  	vm6 =	vgt.f32 v4, $0.0e+00;
	vm7 =	vgt.f32 v5, $0.0e+00;
	vm8 =	vgt.f32 v6, $0.0e+00  }
0x1a: {  	v12 =	vld [tilespmem:$0x290];
	vm9 =	vgt.f32 v32, $0.0e+00;
	vm0 =	vmand vm0, vm1;
	vm5 =	vmand vm4, vm2  }
0x1b: {  	v33 =	vsel vm0, $0x1, v1;
	v34 =	vsel vm5, $0x2, v1;
	vm0 =	vmand vm6, vm7  }
0x1c: {  	vm10 =	vmand vm8, vm9;
	v35 =	vor.u32 v33, v34;
	v36 =	vsel vm0, $0x4, v1  }
0x1d: {  	v37 =	vsel vm10, $0x8, v1;
	v0 =	vor.u32 v36, v35  }
0x1e: {  	v2 =	vor.u32 v37, v0  }
0x1f: {  	v40 =	vld [tilespmem:$0x10];
	vm3 =	vgt.f32 v12, $0.0e+00;
	v0 =	vimm.f32 $0.0e+00;
	vm11 =	veq.s32 v2, $0x0  }
0x20: {  	v7 =	vld [tilespmem:$0x210];
	vm12 =	veq.s32 v2, $0x1;
	vm13 =	veq.s32 v2, $0x2;
	vm14 =	veq.s32 v2, $0x3  }
0x21: {  	v10 =	vld [tilespmem:$0x90];
	vm15 =	veq.s32 v2, $0x4;
	vm4 =	veq.s32 v2, $0x5;
	vm5 =	veq.s32 v2, $0x6  }
0x22: {  	v15 =	vld [tilespmem:$0x110];
	vm6 =	veq.s32 v2, $0x7;
	vm7 =	veq.s32 v2, $0x8;
	vm8 =	veq.s32 v2, $0x9  }
0x23: {  	v17 =	vld [tilespmem:$0x310];
	vm9 =	veq.s32 v2, $0xA;
	vm10 =	veq.s32 v2, $0xB;
	v38 =	vsel vm11, $0x3F800000, v0  }
0x24: {  	v20 =	vld [tilespmem:$0x190];
	v39 =	vsel vm12, $0x3F800000, v0;
	v41 =	vsel vm13, $0x3F800000, v0;
	v8 =	vsel vm14, $0x3F800000, v0  }
0x25: {  	v42 =	vld [tilespmem:$0x390];
	v9 =	vsel vm15, $0x3F800000, v0;
	v11 =	vsel vm4, $0x3F800000, v0;
	v13 =	vsel vm5, $0x3F800000, v0  }
0x26: {  	v14 =	vsel vm6, $0x3F800000, v0;
	v16 =	vsel vm7, $0x3F800000, v0;
	v18 =	vsel vm8, $0x3F800000, v0  }
0x27: {  	v19 =	vsel vm9, $0x3F800000, v0;
	v21 =	vsel vm10, $0x3F800000, v0;
	vm11 =	veq.s32 v2, $0xC  }
0x28: {  	vm12 =	vgt.f32 v40, $0.0e+00;
	vm13 =	vgt.f32 v7, $0.0e+00;
	vm14 =	veq.s32 v2, $0xD;
	[tilespmem:$0x400] =	vst v38  }
0x29: {  	vm15 =	vgt.f32 v10, $0.0e+00;
	vm5 =	vgt.f32 v15, $0.0e+00;
	vm6 =	vgt.f32 v17, $0.0e+00;
	[tilespmem:$0x480] =	vst v39  }
0x2a: {  	vm7 =	vgt.f32 v20, $0.0e+00;
	vm8 =	vgt.f32 v42, $0.0e+00;
	vm10 =	veq.s32 v2, $0xE;
	[tilespmem:$0x500] =	vst v41  }
0x2b: {  	v43 =	vsel vm11, $0x3F800000, v0;
	vm1 =	vmand vm12, vm13;
	vm4 =	vmand vm15, vm3;
	[tilespmem:$0x580] =	vst v8  }
0x2c: {  	[tilespmem:$0x600] =	vst v9;
	vm0 =	vmand vm5, vm6;
	v45 =	vsel vm1, $0x1, v1;
	v46 =	vsel vm4, $0x2, v1  }
0x2d: {  	[tilespmem:$0x680] =	vst v11;
	vm9 =	vmand vm7, vm8;
	v48 =	vsel vm0, $0x4, v1;
	v47 =	vor.u32 v45, v46  }
0x2e: {  	v44 =	vsel vm14, $0x3F800000, v0;
	[tilespmem:$0x700] =	vst v13;
	v49 =	vsel vm9, $0x8, v1;
	v5 =	vor.u32 v48, v47  }
0x2f: {  	[tilespmem:$0x780] =	vst v14;
	v50 =	vsel vm10, $0x3F800000, v0;
	vm11 =	veq.s32 v2, $0xF;
	v51 =	vor.u32 v49, v5  }
0x30: {  	v55 =	vld [tilespmem:$0x20];
	[tilespmem:$0x800] =	vst v16;
	v52 =	vsel vm11, $0x3F800000, v0;
	vm12 =	veq.s32 v51, $0x0;
	vm13 =	veq.s32 v51, $0x1  }
0x31: {  	v57 =	vld [tilespmem:$0x220];
	[tilespmem:$0x880] =	vst v18;
	vm14 =	veq.s32 v51, $0x2;
	vm15 =	veq.s32 v51, $0x3;
	vm4 =	veq.s32 v51, $0x4  }
0x32: {  	v60 =	vld [tilespmem:$0xA0];
	[tilespmem:$0x900] =	vst v19;
	vm5 =	veq.s32 v51, $0x5;
	vm6 =	veq.s32 v51, $0x6;
	vm7 =	veq.s32 v51, $0x7  }
0x33: {  	v62 =	vld [tilespmem:$0x2A0];
	[tilespmem:$0x980] =	vst v21;
	vm8 =	veq.s32 v51, $0x8;
	vm9 =	veq.s32 v51, $0x9;
	vm10 =	veq.s32 v51, $0xA  }
0x34: {  	v25 =	vld [tilespmem:$0x120];
	[tilespmem:$0xA00] =	vst v43;
	vm11 =	veq.s32 v51, $0xB;
	v53 =	vsel vm12, $0x3F800000, v0;
	v54 =	vsel vm13, $0x3F800000, v0  }
0x35: {  	v27 =	vld [tilespmem:$0x320];
	[tilespmem:$0xA80] =	vst v44;
	v56 =	vsel vm14, $0x3F800000, v0;
	v58 =	vsel vm15, $0x3F800000, v0;
	v59 =	vsel vm4, $0x3F800000, v0  }
0x36: {  	v30 =	vld [tilespmem:$0x1A0];
	[tilespmem:$0xB00] =	vst v50;
	v61 =	vsel vm5, $0x3F800000, v0;
	v63 =	vsel vm6, $0x3F800000, v0;
	v24 =	vsel vm7, $0x3F800000, v0  }
0x37: {  	[tilespmem:$0xB80] =	vst v52;
	v26 =	vsel vm8, $0x3F800000, v0;
	v28 =	vsel vm9, $0x3F800000, v0;
	v29 =	vsel vm10, $0x3F800000, v0  }
0x38: {  	v32 =	vld [tilespmem:$0x3A0];
	v31 =	vsel vm11, $0x3F800000, v0;
	vm12 =	veq.s32 v51, $0xC;
	vm13 =	vgt.f32 v55, $0.0e+00;
	[tilespmem:$0x410] =	vst v53  }
0x39: {  	vm14 =	vgt.f32 v57, $0.0e+00;
	vm15 =	veq.s32 v51, $0xD;
	vm6 =	vgt.f32 v60, $0.0e+00;
	[tilespmem:$0x490] =	vst v54  }
0x3a: {  	vm7 =	vgt.f32 v62, $0.0e+00;
	vm9 =	vgt.f32 v25, $0.0e+00;
	vm10 =	vgt.f32 v27, $0.0e+00;
	[tilespmem:$0x510] =	vst v56  }
0x3b: {  	vm11 =	vgt.f32 v30, $0.0e+00;
	v33 =	vsel vm12, $0x3F800000, v0;
	vm1 =	vmand vm13, vm14;
	[tilespmem:$0x590] =	vst v58  }
0x3c: {  	v34 =	vsel vm15, $0x3F800000, v0;
	vm8 =	vmand vm6, vm7;
	[tilespmem:$0x610] =	vst v59;
	vm0 =	vmand vm9, vm10  }
0x3d: {  	[tilespmem:$0x690] =	vst v61;
	vm12 =	vgt.f32 v32, $0.0e+00;
	v35 =	vsel vm1, $0x1, v1;
	v36 =	vsel vm8, $0x2, v1  }
0x3e: {  	[tilespmem:$0x710] =	vst v63;
	v38 =	vsel vm0, $0x4, v1;
	vm13 =	vmand vm11, vm12;
	v37 =	vor.u32 v35, v36  }
0x3f: {  	[tilespmem:$0x790] =	vst v24;
	vm14 =	veq.s32 v51, $0xE;
	v39 =	vsel vm13, $0x8, v1;
	v3 =	vor.u32 v38, v37  }
0x40: {  	v50 =	vld [tilespmem:$0xB0];
	[tilespmem:$0x810] =	vst v26;
	vm15 =	veq.s32 v51, $0xF;
	v40 =	vsel vm14, $0x3F800000, v0;
	v41 =	vor.u32 v39, v3  }
0x41: {  	v45 =	vld [tilespmem:$0x30];
	[tilespmem:$0x890] =	vst v28;
	v42 =	vsel vm15, $0x3F800000, v0;
	vm4 =	veq.s32 v41, $0x0;
	vm5 =	veq.s32 v41, $0x1  }
0x42: {  	v52 =	vld [tilespmem:$0x2B0];
	[tilespmem:$0x910] =	vst v29;
	vm6 =	veq.s32 v41, $0x2;
	vm7 =	veq.s32 v41, $0x3;
	vm8 =	veq.s32 v41, $0x4  }
0x43: {  	v47 =	vld [tilespmem:$0x230];
	[tilespmem:$0x990] =	vst v31;
	vm9 =	veq.s32 v41, $0x5;
	vm10 =	veq.s32 v41, $0x6;
	vm11 =	veq.s32 v41, $0x7  }
0x44: {  	v55 =	vld [tilespmem:$0x130];
	[tilespmem:$0xA10] =	vst v33;
	vm12 =	veq.s32 v41, $0x8;
	vm13 =	veq.s32 v41, $0x9;
	vm14 =	veq.s32 v41, $0xA  }
0x45: {  	v57 =	vld [tilespmem:$0x330];
	[tilespmem:$0xA90] =	vst v34;
	vm15 =	veq.s32 v41, $0xB;
	v43 =	vsel vm4, $0x3F800000, v0;
	v44 =	vsel vm5, $0x3F800000, v0  }
0x46: {  	v60 =	vld [tilespmem:$0x1B0];
	[tilespmem:$0xB10] =	vst v40;
	v46 =	vsel vm6, $0x3F800000, v0;
	v48 =	vsel vm7, $0x3F800000, v0;
	v49 =	vsel vm8, $0x3F800000, v0  }
0x47: {  	v62 =	vld [tilespmem:$0x3B0];
	[tilespmem:$0xB90] =	vst v42;
	v51 =	vsel vm9, $0x3F800000, v0;
	v53 =	vsel vm10, $0x3F800000, v0;
	v54 =	vsel vm11, $0x3F800000, v0  }
0x48: {  	v56 =	vsel vm12, $0x3F800000, v0;
	v58 =	vsel vm13, $0x3F800000, v0;
	v59 =	vsel vm14, $0x3F800000, v0;
	[tilespmem:$0x420] =	vst v43  }
0x49: {  	v61 =	vsel vm15, $0x3F800000, v0;
	vm4 =	veq.s32 v41, $0xC;
	vm5 =	vgt.f32 v45, $0.0e+00;
	[tilespmem:$0x4A0] =	vst v44  }
0x4a: {  	vm6 =	vgt.f32 v47, $0.0e+00;
	vm7 =	veq.s32 v41, $0xD;
	vm8 =	vgt.f32 v50, $0.0e+00;
	[tilespmem:$0x520] =	vst v46  }
0x4b: {  	vm9 =	vgt.f32 v52, $0.0e+00;
	vm11 =	vgt.f32 v55, $0.0e+00;
	vm12 =	vgt.f32 v57, $0.0e+00;
	[tilespmem:$0x5A0] =	vst v48  }
0x4c: {  	vm13 =	vgt.f32 v60, $0.0e+00;
	vm14 =	vgt.f32 v62, $0.0e+00;
	v63 =	vsel vm4, $0x3F800000, v0;
	[tilespmem:$0x620] =	vst v49  }
0x4d: {  	vm1 =	vmand vm5, vm6;
	v12 =	vsel vm7, $0x3F800000, v0;
	vm10 =	vmand vm8, vm9;
	[tilespmem:$0x6A0] =	vst v51  }
0x4e: {  	[tilespmem:$0x720] =	vst v53;
	vm0 =	vmand vm11, vm12;
	v13 =	vsel vm1, $0x1, v1;
	v14 =	vsel vm10, $0x2, v1  }
0x4f: {  	[tilespmem:$0x7A0] =	vst v54;
	vm15 =	vmand vm13, vm14;
	v21 =	vsel vm0, $0x4, v1;
	v20 =	vor.u32 v13, v14  }
0x50: {  	[tilespmem:$0x820] =	vst v56;
	vm4 =	veq.s32 v41, $0xE;
	v23 =	vsel vm15, $0x8, v1;
	v22 =	vor.u32 v21, v20  }
0x51: {  	v29 =	vld [tilespmem:$0x40];
	[tilespmem:$0x8A0] =	vst v58;
	vm5 =	veq.s32 v41, $0xF;
	v24 =	vsel vm4, $0x3F800000, v0;
	v25 =	vor.u32 v23, v22  }
0x52: {  	v31 =	vld [tilespmem:$0x240];
	[tilespmem:$0x920] =	vst v59;
	v26 =	vsel vm5, $0x3F800000, v0;
	vm6 =	veq.s32 v25, $0x0;
	vm7 =	veq.s32 v25, $0x1  }
0x53: {  	v34 =	vld [tilespmem:$0xC0];
	[tilespmem:$0x9A0] =	vst v61;
	vm8 =	veq.s32 v25, $0x2;
	vm9 =	veq.s32 v25, $0x3;
	vm10 =	veq.s32 v25, $0x4  }
0x54: {  	v36 =	vld [tilespmem:$0x2C0];
	[tilespmem:$0xA20] =	vst v63;
	vm11 =	veq.s32 v25, $0x5;
	vm12 =	veq.s32 v25, $0x6;
	vm13 =	veq.s32 v25, $0x7  }
0x55: {  	v39 =	vld [tilespmem:$0x140];
	[tilespmem:$0xAA0] =	vst v12;
	vm14 =	veq.s32 v25, $0x8;
	vm15 =	veq.s32 v25, $0x9;
	vm4 =	veq.s32 v25, $0xA  }
0x56: {  	v41 =	vld [tilespmem:$0x340];
	[tilespmem:$0xB20] =	vst v24;
	vm5 =	veq.s32 v25, $0xB;
	v27 =	vsel vm6, $0x3F800000, v0;
	v28 =	vsel vm7, $0x3F800000, v0  }
0x57: {  	v44 =	vld [tilespmem:$0x1C0];
	[tilespmem:$0xBA0] =	vst v26;
	v30 =	vsel vm8, $0x3F800000, v0;
	v32 =	vsel vm9, $0x3F800000, v0;
	v33 =	vsel vm10, $0x3F800000, v0  }
0x58: {  	v46 =	vld [tilespmem:$0x3C0];
	v35 =	vsel vm11, $0x3F800000, v0;
	v37 =	vsel vm12, $0x3F800000, v0;
	v38 =	vsel vm13, $0x3F800000, v0;
	[tilespmem:$0x430] =	vst v27  }
0x59: {  	v40 =	vsel vm14, $0x3F800000, v0;
	v42 =	vsel vm15, $0x3F800000, v0;
	v43 =	vsel vm4, $0x3F800000, v0;
	[tilespmem:$0x4B0] =	vst v28  }
0x5a: {  	v45 =	vsel vm5, $0x3F800000, v0;
	vm6 =	veq.s32 v25, $0xC;
	vm7 =	vgt.f32 v29, $0.0e+00;
	[tilespmem:$0x530] =	vst v30  }
0x5b: {  	vm8 =	vgt.f32 v31, $0.0e+00;
	vm9 =	veq.s32 v25, $0xD;
	vm10 =	vgt.f32 v34, $0.0e+00;
	[tilespmem:$0x5B0] =	vst v32  }
0x5c: {  	vm11 =	vgt.f32 v36, $0.0e+00;
	vm13 =	vgt.f32 v39, $0.0e+00;
	vm14 =	vgt.f32 v41, $0.0e+00;
	[tilespmem:$0x630] =	vst v33  }
0x5d: {  	vm15 =	vgt.f32 v44, $0.0e+00;
	vm4 =	vgt.f32 v46, $0.0e+00;
	v47 =	vsel vm6, $0x3F800000, v0;
	[tilespmem:$0x6B0] =	vst v35  }
0x5e: {  	vm1 =	vmand vm7, vm8;
	v48 =	vsel vm9, $0x3F800000, v0;
	vm12 =	vmand vm10, vm11;
	[tilespmem:$0x730] =	vst v37  }
0x5f: {  	[tilespmem:$0x7B0] =	vst v38;
	vm0 =	vmand vm13, vm14;
	v49 =	vsel vm1, $0x1, v1;
	v50 =	vsel vm12, $0x2, v1  }
0x60: {  	[tilespmem:$0x830] =	vst v40;
	vm5 =	vmand vm15, vm4;
	v51 =	vsel vm0, $0x4, v1;
	v3 =	vor.u32 v49, v50  }
0x61: {  	[tilespmem:$0x8B0] =	vst v42;
	vm6 =	veq.s32 v25, $0xE;
	v52 =	vsel vm5, $0x8, v1;
	v3 =	vor.u32 v51, v3  }
0x62: {  	v60 =	vld [tilespmem:$0x250];
	[tilespmem:$0x930] =	vst v43;
	vm7 =	veq.s32 v25, $0xF;
	v53 =	vsel vm6, $0x3F800000, v0;
	v54 =	vor.u32 v52, v3  }
0x63: {  	v58 =	vld [tilespmem:$0x50];
	[tilespmem:$0x9B0] =	vst v45;
	v55 =	vsel vm7, $0x3F800000, v0;
	vm8 =	veq.s32 v54, $0x0;
	vm9 =	veq.s32 v54, $0x1  }
0x64: {  	v63 =	vld [tilespmem:$0xD0];
	[tilespmem:$0xA30] =	vst v47;
	vm10 =	veq.s32 v54, $0x2;
	vm11 =	veq.s32 v54, $0x3;
	vm12 =	veq.s32 v54, $0x4  }
0x65: {  	v24 =	vld [tilespmem:$0x150];
	[tilespmem:$0xAB0] =	vst v48;
	vm13 =	veq.s32 v54, $0x5;
	vm14 =	veq.s32 v54, $0x6;
	vm15 =	veq.s32 v54, $0x7  }
0x66: {  	v26 =	vld [tilespmem:$0x350];
	[tilespmem:$0xB30] =	vst v53;
	vm4 =	veq.s32 v54, $0x8;
	vm5 =	veq.s32 v54, $0x9;
	vm6 =	veq.s32 v54, $0xA  }
0x67: {  	v21 =	vld [tilespmem:$0x2D0];
	[tilespmem:$0xBB0] =	vst v55;
	vm7 =	veq.s32 v54, $0xB;
	v56 =	vsel vm8, $0x3F800000, v0;
	v57 =	vsel vm9, $0x3F800000, v0  }
0x68: {  	v29 =	vld [tilespmem:$0x1D0];
	v59 =	vsel vm10, $0x3F800000, v0;
	v61 =	vsel vm11, $0x3F800000, v0;
	v62 =	vsel vm12, $0x3F800000, v0;
	[tilespmem:$0x440] =	vst v56  }
0x69: {  	v31 =	vld [tilespmem:$0x3D0];
	v20 =	vsel vm13, $0x3F800000, v0;
	v22 =	vsel vm14, $0x3F800000, v0;
	v23 =	vsel vm15, $0x3F800000, v0;
	[tilespmem:$0x4C0] =	vst v57  }
0x6a: {  	v25 =	vsel vm4, $0x3F800000, v0;
	v27 =	vsel vm5, $0x3F800000, v0;
	v28 =	vsel vm6, $0x3F800000, v0;
	[tilespmem:$0x540] =	vst v59  }
0x6b: {  	v30 =	vsel vm7, $0x3F800000, v0;
	vm8 =	veq.s32 v54, $0xC;
	vm9 =	vgt.f32 v58, $0.0e+00;
	[tilespmem:$0x5C0] =	vst v61  }
0x6c: {  	vm10 =	vgt.f32 v60, $0.0e+00;
	vm11 =	veq.s32 v54, $0xD;
	vm12 =	vgt.f32 v63, $0.0e+00;
	[tilespmem:$0x640] =	vst v62  }
0x6d: {  	vm13 =	vgt.f32 v21, $0.0e+00;
	vm15 =	vgt.f32 v24, $0.0e+00;
	vm4 =	vgt.f32 v26, $0.0e+00;
	[tilespmem:$0x6C0] =	vst v20  }
0x6e: {  	vm5 =	vgt.f32 v29, $0.0e+00;
	vm6 =	vgt.f32 v31, $0.0e+00;
	v32 =	vsel vm8, $0x3F800000, v0;
	[tilespmem:$0x740] =	vst v22  }
0x6f: {  	v44 =	vld [tilespmem:$0x60];
	vm1 =	vmand vm9, vm10;
	v33 =	vsel vm11, $0x3F800000, v0;
	vm14 =	vmand vm12, vm13;
	[tilespmem:$0x7C0] =	vst v23  }
0x70: {  	[tilespmem:$0x840] =	vst v25;
	vm0 =	vmand vm15, vm4;
	v34 =	vsel vm1, $0x1, v1;
	v35 =	vsel vm14, $0x2, v1  }
0x71: {  	[tilespmem:$0x8C0] =	vst v27;
	vm7 =	vmand vm5, vm6;
	v37 =	vsel vm0, $0x4, v1;
	v36 =	vor.u32 v34, v35  }
0x72: {  	[tilespmem:$0x940] =	vst v28;
	vm8 =	veq.s32 v54, $0xE;
	v38 =	vsel vm7, $0x8, v1;
	v4 =	vor.u32 v37, v36  }
0x73: {  	[tilespmem:$0x9C0] =	vst v30;
	vm9 =	veq.s32 v54, $0xF;
	v39 =	vsel vm8, $0x3F800000, v0;
	v40 =	vor.u32 v38, v4  }
0x74: {  	v46 =	vld [tilespmem:$0x260];
	[tilespmem:$0xA40] =	vst v32;
	v41 =	vsel vm9, $0x3F800000, v0;
	vm9 =	vgt.f32 v44, $0.0e+00;
	vm10 =	veq.s32 v40, $0x0  }
0x75: {  	v49 =	vld [tilespmem:$0xE0];
	[tilespmem:$0xAC0] =	vst v33;
	vm11 =	veq.s32 v40, $0x1;
	vm12 =	veq.s32 v40, $0x2;
	vm13 =	veq.s32 v40, $0x3  }
0x76: {  	v51 =	vld [tilespmem:$0x2E0];
	[tilespmem:$0xB40] =	vst v39;
	vm14 =	veq.s32 v40, $0x4;
	vm15 =	veq.s32 v40, $0x5;
	vm4 =	veq.s32 v40, $0x6  }
0x77: {  	v54 =	vld [tilespmem:$0x160];
	[tilespmem:$0xBC0] =	vst v41;
	vm5 =	veq.s32 v40, $0x7;
	vm6 =	veq.s32 v40, $0x8;
	v42 =	vsel vm10, $0x3F800000, v0  }
0x78: {  	v56 =	vld [tilespmem:$0x360];
	vm7 =	veq.s32 v40, $0x9;
	vm8 =	veq.s32 v40, $0xA;
	v43 =	vsel vm11, $0x3F800000, v0;
	[tilespmem:$0x450] =	vst v42  }
0x79: {  	v59 =	vld [tilespmem:$0x1E0];
	v45 =	vsel vm12, $0x3F800000, v0;
	v47 =	vsel vm13, $0x3F800000, v0;
	v48 =	vsel vm14, $0x3F800000, v0;
	[tilespmem:$0x4D0] =	vst v43  }
0x7a: {  	v60 =	vld [tilespmem:$0x3E0];
	v50 =	vsel vm15, $0x3F800000, v0;
	v52 =	vsel vm4, $0x3F800000, v0;
	v53 =	vsel vm5, $0x3F800000, v0;
	[tilespmem:$0x550] =	vst v45  }
0x7b: {  	v55 =	vsel vm6, $0x3F800000, v0;
	v57 =	vsel vm7, $0x3F800000, v0;
	v58 =	vsel vm8, $0x3F800000, v0;
	[tilespmem:$0x5D0] =	vst v47  }
0x7c: {  	vm10 =	veq.s32 v40, $0xB;
	vm11 =	veq.s32 v40, $0xC;
	vm12 =	vgt.f32 v46, $0.0e+00;
	[tilespmem:$0x650] =	vst v48  }
0x7d: {  	vm13 =	vgt.f32 v49, $0.0e+00;
	vm14 =	veq.s32 v40, $0xD;
	vm15 =	vgt.f32 v51, $0.0e+00;
	[tilespmem:$0x6D0] =	vst v50  }
0x7e: {  	vm5 =	vgt.f32 v54, $0.0e+00;
	vm6 =	vgt.f32 v56, $0.0e+00;
	vm7 =	vgt.f32 v59, $0.0e+00;
	[tilespmem:$0x750] =	vst v52  }
0x7f: {  	vm8 =	vgt.f32 v60, $0.0e+00;
	v61 =	vsel vm10, $0x3F800000, v0;
	v62 =	vsel vm11, $0x3F800000, v0;
	[tilespmem:$0x7D0] =	vst v53  }
0x80: {  	v22 =	vld [tilespmem:$0x70];
	vm0 =	vmand vm9, vm12;
	v63 =	vsel vm14, $0x3F800000, v0;
	vm4 =	vmand vm13, vm15;
	[tilespmem:$0x850] =	vst v55  }
0x81: {  	[tilespmem:$0x8D0] =	vst v57;
	v12 =	vsel vm0, $0x1, v1;
	v13 =	vsel vm4, $0x2, v1;
	vm0 =	vmand vm5, vm6  }
0x82: {  	[tilespmem:$0x950] =	vst v58;
	vm9 =	vmand vm7, vm8;
	v15 =	vor.u32 v12, v13;
	v16 =	vsel vm0, $0x4, v1  }
0x83: {  	vm10 =	veq.s32 v40, $0xE;
	[tilespmem:$0x9D0] =	vst v61;
	v18 =	vsel vm9, $0x8, v1;
	v17 =	vor.u32 v16, v15  }
0x84: {  	v25 =	vld [tilespmem:$0x270];
	vm11 =	veq.s32 v40, $0xF;
	[tilespmem:$0xA50] =	vst v62;
	v19 =	vsel vm10, $0x3F800000, v0;
	v20 =	vor.u32 v18, v17  }
0x85: {  	v27 =	vld [tilespmem:$0xF0];
	[tilespmem:$0xAD0] =	vst v63;
	v21 =	vsel vm11, $0x3F800000, v0;
	vm10 =	vgt.f32 v22, $0.0e+00;
	vm12 =	veq.s32 v20, $0x0  }
0x86: {  	v30 =	vld [tilespmem:$0x2F0];
	[tilespmem:$0xB50] =	vst v19;
	vm13 =	veq.s32 v20, $0x1;
	vm14 =	veq.s32 v20, $0x2;
	vm15 =	veq.s32 v20, $0x3  }
0x87: {  	v34 =	vld [tilespmem:$0x170];
	[tilespmem:$0xBD0] =	vst v21;
	vm4 =	veq.s32 v20, $0x4;
	vm5 =	veq.s32 v20, $0x5;
	v23 =	vsel vm12, $0x3F800000, v0  }
0x88: {  	v36 =	vld [tilespmem:$0x370];
	vm6 =	veq.s32 v20, $0x6;
	vm7 =	veq.s32 v20, $0x7;
	v24 =	vsel vm13, $0x3F800000, v0;
	[tilespmem:$0x460] =	vst v23  }
0x89: {  	v38 =	vld [tilespmem:$0x1F0];
	vm8 =	veq.s32 v20, $0x8;
	vm9 =	veq.s32 v20, $0x9;
	v26 =	vsel vm14, $0x3F800000, v0;
	[tilespmem:$0x4E0] =	vst v24  }
0x8a: {  	v40 =	vld [tilespmem:$0x3F0];
	vm11 =	veq.s32 v20, $0xA;
	v28 =	vsel vm15, $0x3F800000, v0;
	v29 =	vsel vm4, $0x3F800000, v0;
	[tilespmem:$0x560] =	vst v26  }
0x8b: {  	v31 =	vsel vm5, $0x3F800000, v0;
	v32 =	vsel vm6, $0x3F800000, v0;
	v33 =	vsel vm7, $0x3F800000, v0;
	[tilespmem:$0x5E0] =	vst v28  }
0x8c: {  	v35 =	vsel vm8, $0x3F800000, v0;
	v37 =	vsel vm9, $0x3F800000, v0;
	vm12 =	vgt.f32 v25, $0.0e+00;
	[tilespmem:$0x660] =	vst v29  }
0x8d: {  	vm13 =	vgt.f32 v27, $0.0e+00;
	v39 =	vsel vm11, $0x3F800000, v0;
	vm14 =	vgt.f32 v30, $0.0e+00;
	[tilespmem:$0x6E0] =	vst v31  }
0x8e: {  	vm15 =	veq.s32 v20, $0xB;
	vm4 =	vgt.f32 v34, $0.0e+00;
	vm5 =	vgt.f32 v36, $0.0e+00;
	[tilespmem:$0x760] =	vst v32  }
0x8f: {  	vm6 =	veq.s32 v20, $0xC;
	vm7 =	vgt.f32 v38, $0.0e+00;
	vm8 =	vgt.f32 v40, $0.0e+00;
	[tilespmem:$0x7E0] =	vst v33  }
0x90: {  	vm9 =	veq.s32 v20, $0xD;
	vm11 =	veq.s32 v20, $0xF;
	vm1 =	vmand vm10, vm12;
	[tilespmem:$0x860] =	vst v35  }
0x91: {  	vm0 =	vmand vm13, vm14;
	v41 =	vsel vm15, $0x3F800000, v0;
	[tilespmem:$0x8E0] =	vst v37;
	v44 =	vsel vm6, $0x3F800000, v0  }
0x92: {  	[tilespmem:$0x960] =	vst v39;
	v42 =	vsel vm1, $0x1, v1;
	v43 =	vsel vm0, $0x2, v1;
	vm1 =	vmand vm4, vm5  }
0x93: {  	[tilespmem:$0x9E0] =	vst v41;
	vm0 =	vmand vm7, vm8;
	v4 =	vor.u32 v42, v43;
	v45 =	vsel vm1, $0x4, v1  }
0x94: {  	v47 =	vsel vm9, $0x3F800000, v0;
	[tilespmem:$0xA60] =	vst v44;
	v1 =	vsel vm0, $0x8, v1;
	v46 =	vor.u32 v45, v4  }
0x95: {  	vm10 =	veq.s32 v20, $0xE;
	v2 =	vsel vm11, $0x3F800000, v0;
	[tilespmem:$0xAE0] =	vst v47;
	v1 =	vor.u32 v1, v46  }
0x96: {  	v48 =	vsel vm10, $0x3F800000, v0;
	[tilespmem:$0xBE0] =	vst v2;
	vm12 =	veq.s32 v1, $0x0  }
0x97: {  	[tilespmem:$0xB60] =	vst v48;
	vm13 =	veq.s32 v1, $0x1;
	v49 =	vsel vm12, $0x3F800000, v0  }
0x98: {  	vm14 =	veq.s32 v1, $0x2;
	v50 =	vsel vm13, $0x3F800000, v0;
	[tilespmem:$0x470] =	vst v49  }
0x99: {  	vm15 =	veq.s32 v1, $0x3;
	v51 =	vsel vm14, $0x3F800000, v0;
	[tilespmem:$0x4F0] =	vst v50  }
0x9a: {  	vm4 =	veq.s32 v1, $0x4;
	v52 =	vsel vm15, $0x3F800000, v0;
	[tilespmem:$0x570] =	vst v51  }
0x9b: {  	vm5 =	veq.s32 v1, $0x5;
	v53 =	vsel vm4, $0x3F800000, v0;
	[tilespmem:$0x5F0] =	vst v52  }
0x9c: {  	vm6 =	veq.s32 v1, $0x6;
	v54 =	vsel vm5, $0x3F800000, v0;
	[tilespmem:$0x670] =	vst v53  }
0x9d: {  	vm7 =	veq.s32 v1, $0x7;
	v55 =	vsel vm6, $0x3F800000, v0;
	[tilespmem:$0x6F0] =	vst v54  }
0x9e: {  	vm8 =	veq.s32 v1, $0x8;
	v56 =	vsel vm7, $0x3F800000, v0;
	[tilespmem:$0x770] =	vst v55  }
0x9f: {  	vm9 =	veq.s32 v1, $0x9;
	v57 =	vsel vm8, $0x3F800000, v0;
	[tilespmem:$0x7F0] =	vst v56  }
0xa0: {  	vm10 =	veq.s32 v1, $0xA;
	v58 =	vsel vm9, $0x3F800000, v0;
	[tilespmem:$0x870] =	vst v57  }
0xa1: {  	vm11 =	veq.s32 v1, $0xB;
	v59 =	vsel vm10, $0x3F800000, v0;
	[tilespmem:$0x8F0] =	vst v58  }
0xa2: {  	v60 =	vsel vm11, $0x3F800000, v0;
	vm12 =	veq.s32 v1, $0xC;
	[tilespmem:$0x970] =	vst v59  }
0xa3: {  	vm13 =	veq.s32 v1, $0xD;
	[tilespmem:$0x9F0] =	vst v60;
	v61 =	vsel vm12, $0x3F800000, v0  }
0xa4: {  	vm14 =	veq.s32 v1, $0xE;
	v62 =	vsel vm13, $0x3F800000, v0;
	[tilespmem:$0xA70] =	vst v61  }
0xa5: {  	vm15 =	veq.s32 v1, $0xF;
	v63 =	vsel vm14, $0x3F800000, v0;
	[tilespmem:$0xAF0] =	vst v62  }
0xa6: {  	s29 =	sadd.s32 $0x2800, s2;
	v0 =	vsel vm15, $0x3F800000, v0;
	[tilespmem:$0xB70] =	vst v63  }
0xa7: {  	s30 =	simm.s32 $0x4000;
	s31 =	simm.s32 $0x400;
	s2 =	sadd.s32 s29, s4;
	[tilespmem:$0xBF0] =	vst v0  }
0xa8: {  	[hbm4b:s2+s31] =	stream.strided.scatter [tilespmem:s31], [sflag:$0x1], $0x800, s30, s31, $0x38;
	[tilespmem:$0xC00] =	vst v63  }
0xa9: {  	_ =	swait.ge [sflag:s28], $0x800  }
0xaa: {  	[sflag:s28] =	ssyncset.done $0x0  }
0xab: {  	[sflag:s28] =	ssyncadd.s32 $0xFFFFF800  }
.LBB2_2:
0xac: {  	_ =	sfence.sel $0x180000  }
0xad: {  	[bflag:$0x0] =	sbarrier.arrive $0xFFFF  }
0xae: {  	p0 =	sne.s32 s1, $0x0;
	_ =	strace $0x90000047  }
0xaf: {  	s0 =	sadd.s32 @!p0 $0x100000, s0;
	[bflag:$0x2] =	sbarrier.arrive $0xFFFF  }
0xb0: {  	[sflag:s0] =	ssyncadd.tile.s32 @!p0 $0x1;
	_ =	shalt  }
.Lfunc_end2:
_tile_overlayer_lowered:
.L_overlay_start_2:
0xb1: {  	(tag) =	ssettag $0x2  }
0xb2: {  	s0 =	rddreg [dreg:$0x0];
	s2 =	stileid.u32  }
0xb3: {  	s1 =	rddreg [dreg:$0x1];
	p0 =	sne.s32 s2, $0x0  }
0xb4: {  	s3 =	rddreg [dreg:$0x2];
	[bflag:$0x3] =	sbarrier.arrive $0xFFFF;
	s2 =	simm.s32 @!p0 $0x1C01  }
0xb5: {  	[timem:s3], [sflag:s2] =	dma.local @!p0 [hbm:s0], s1  }
0xb6: {  	s0 =	simm.s32 @!p0 $0x1  }
0xb7: {  	_ =	swait.ge @!p0 [sflag:s0], s1  }
0xb8: {  	s1 =	ssub.s32 @!p0 $0x0, s1;
	[sflag:s0] =	ssyncset.done @!p0 $0x0  }
0xb9: {  	[sflag:s0] =	ssyncadd.s32 @!p0 s1  }
0xba: {  	[bflag:$0x3] =	sbarrier.arrive $0xFFFF  }
0xbb: {  	_ =	shalt  }

</sc_bundles>
